<compile_context>
chip_gen: v7x
topology: tpu7x:2x2x1
jax: 0.10.2.dev20260603
libtpu: 0.0.44.dev20260713+nightly
codegen_flags: <defaults>
</compile_context>

<pallas_src>
import jax
import jax.numpy as jnp
from jax import lax
from jax.experimental import pallas as pl
from jax.experimental.pallas import tpu as pltpu
from jax.experimental.pallas import tpu_sc as plsc

B = 4
G = 32
NV = B * G * G * G
D = 64
NRES = 2048
KJ = 16384
KF = 32768
NW = 32
OWN = NV // NW
OWN_SHIFT = 12
FLUSH = 128
NBUF = 4
CHUNK = 4096
NR1 = NRES + 1
NL = 34


def _sc_body(protA, cj_hbm, rj_hbm, cf_hbm, rf_hbm, zsrc_hbm,
             gc_hbm,
             cb0, cb1, rb0, rb1, lastj, lastf,
             wr, wv, wab, wbb, wvb, rows,
             sem, sem_ms, sg0, sg1, sg2, sg3, ss0, ss1, ss2, ss3):
  wid = lax.axis_index("s") * 2 + lax.axis_index("c")
  base = wid * OWN
  iota = lax.iota(jnp.int32, 16)
  sgs = (sg0, sg1, sg2, sg3)
  sss = (ss0, ss1, ss2, ss3)

  pltpu.sync_copy(zsrc_hbm, rows.at[0])
  memset_descs = [
      pltpu.async_copy(rows.at[0], gc_hbm.at[pl.ds(base + i * FLUSH, FLUSH)],
                       sem_ms)
      for i in range(OWN // FLUSH)
  ]

  def _clr(i, _):
    z = jnp.zeros((16,), jnp.int32)
    for u in range(4):
      lastj[pl.ds(i * 64 + u * 16, 16)] = z
      lastf[pl.ds(i * 64 + u * 16, 16)] = z
    return 0
  lax.fori_loop(0, OWN // 64, _clr, 0)

  def _scan(c_hbm, r_hbm, k, tab):
    nch = k // CHUNK
    bufs = ((cb0, rb0), (cb1, rb1))

    def launch(ch):
      cb, rb = bufs[ch % 2]
      return (pltpu.async_copy(c_hbm.at[pl.ds(ch * CHUNK, CHUNK)], cb, sem),
              pltpu.async_copy(r_hbm.at[pl.ds(ch * CHUNK, CHUNK)], rb, sem))

    pend = launch(0)
    for ch in range(nch):
      for d in pend:
        d.wait()
      if ch + 1 < nch:
        pend = launch(ch + 1)
      cb, rb = bufs[ch % 2]

      def body(i, _):
        for u in range(4):
          s = pl.ds(i * 64 + u * 16, 16)
          v = cb[s]
          r = rb[s]
          own = lax.shift_right_logical(v, OWN_SHIFT) == wid
          loc = v & (OWN - 1)
          plsc.store_scatter(tab, [loc], r + 1, mask=own)
        return 0
      lax.fori_loop(0, CHUNK // 64, body, 0)

  with jax.named_scope("scan_j"):
    _scan(cj_hbm, rj_hbm, KJ, lastj)
  with jax.named_scope("scan_f"):
    _scan(cf_hbm, rf_hbm, KF, lastf)

  def _store2(ref, pos, val, m):
    plsc.store_scatter(ref, [lax.shift_right_logical(pos, 7), pos & 127],
                       val, mask=m)

  def compact(t, carry):
    (os_, vls, als), (ob, vlb, alb, blb) = carry
    lj = lastj[pl.ds(t * 16, 16)]
    lf = lastf[pl.ds(t * 16, 16)]
    vg = base + t * 16 + iota
    pj = lj > 0
    pf = lf > 0

    ms = pj ^ pf
    ra = jnp.where(pj, lj - 1, lf - 1 + NR1)
    mis = ms.astype(jnp.int32)
    pos = os_ + plsc.cumsum(mis) - 1
    _store2(wr, pos, ra, ms)
    _store2(wv, pos, vg, ms)
    vmax = jnp.max(jnp.where(ms, vg, -1))
    amax = jnp.max(jnp.where(ms & (vg == vmax), ra, -1))
    upd = vmax > vls
    os2 = os_ + jnp.sum(mis)
    vls2 = jnp.where(upd, vmax, vls)
    als2 = jnp.where(upd, amax, als)

    mb = pj & pf
    mib = mb.astype(jnp.int32)
    posb = ob + plsc.cumsum(mib) - 1
    _store2(wab, posb, lj - 1 + 2 * NR1, mb)
    _store2(wbb, posb, lf - 1 + NR1, mb)
    _store2(wvb, posb, vg, mb)
    vmaxb = jnp.max(jnp.where(mb, vg, -1))
    m2b = mb & (vg == vmaxb)
    amaxb = jnp.max(jnp.where(m2b, lj - 1 + 2 * NR1, -1))
    bmaxb = jnp.max(jnp.where(m2b, lf - 1 + NR1, -1))
    updb = vmaxb > vlb
    ob2 = ob + jnp.sum(mib)
    vlb2 = jnp.where(updb, vmaxb, vlb)
    alb2 = jnp.where(updb, amaxb, alb)
    blb2 = jnp.where(updb, bmaxb, blb)

    return ((os2, vls2, als2), (ob2, vlb2, alb2, blb2))

  with jax.named_scope("compact"):
    (ns, vls, als), (nb, vlb, alb, blb) = lax.fori_loop(
        0, OWN // 16, compact, ((0, -1, -1), (0, -1, -1, -1)))

  with jax.named_scope("memset_drain"):
    for d in memset_descs:
      d.wait()

  def _pad(n, npad, entries):
    def pad(c, _):
      p = c * 16 + iota
      pm = (p >= n) & (p < npad)
      for ref, val in entries:
        _store2(ref, p, jnp.full((16,), val, jnp.int32), pm)
      return 0
    lax.fori_loop(lax.shift_right_logical(n, 4),
                  lax.shift_right_logical(npad + 15, 4), pad, 0)

  with jax.named_scope("flush_s"):
    npad = ((ns + NBUF * FLUSH - 1) // (NBUF * FLUSH)) * (NBUF * FLUSH)
    _pad(ns, npad, ((wr, als), (wv, vls)))

    def flushN(f4, _):
      for k in range(NBUF):
        @pl.when(f4 > 0)
        def _(k=k):
          pltpu.make_async_copy(rows.at[k], gc_hbm.at[wv.at[0]],
                                sss[k]).wait()
        pltpu.async_copy(protA.at[wr.at[NBUF * f4 + k]], rows.at[k], sgs[k])
      for k in range(NBUF):
        pltpu.make_async_copy(protA.at[wr.at[0]], rows.at[k], sgs[k]).wait()
        pltpu.async_copy(rows.at[k], gc_hbm.at[wv.at[NBUF * f4 + k]], sss[k])
      return 0
    tripsN = npad // (NBUF * FLUSH)
    lax.fori_loop(0, tripsN, flushN, 0)

    @pl.when(tripsN > 0)
    def _():
      for k in range(NBUF):
        pltpu.make_async_copy(rows.at[k], gc_hbm.at[wv.at[0]], sss[k]).wait()

  with jax.named_scope("flush_b"):
    npadb = ((nb + FLUSH - 1) // FLUSH) * FLUSH
    _pad(nb, npadb, ((wab, alb), (wbb, blb), (wvb, vlb)))

    def flushb(f, _):
      ga = pltpu.async_copy(protA.at[wab.at[f]], rows.at[0], sg0)
      gb = pltpu.async_copy(protA.at[wbb.at[f]], rows.at[1], sg1)
      ga.wait()
      gb.wait()

      def addrow(i, _):
        r = i // (D * 2 // 16)
        c = (i % (D * 2 // 16)) * 16
        rows[0, r, pl.ds(c, 16)] = (rows[0, r, pl.ds(c, 16)] +
                                    rows[1, r, pl.ds(c, 16)])
        return 0
      lax.fori_loop(0, FLUSH * (D * 2 // 16), addrow, 0)
      pltpu.async_copy(rows.at[0], gc_hbm.at[wvb.at[f]], ss0).wait()
      return 0
    lax.fori_loop(0, npadb // FLUSH, flushb, 0)


@jax.jit
def _sc_scatter(protA, cj, rj, cf, rf):
  mesh = plsc.VectorSubcoreMesh(core_axis_name="c", subcore_axis_name="s",
                                num_cores=2, num_subcores=16)
  zsrc = jnp.zeros((FLUSH, 2 * D), jnp.float32)
  f = pl.kernel(
      _sc_body,
      out_type=jax.ShapeDtypeStruct((NV, 2 * D), jnp.float32),
      mesh=mesh,
      compiler_params=pltpu.CompilerParams(needs_layout_passes=False),
      scratch_types=[
          pltpu.VMEM((CHUNK,), jnp.int32),
          pltpu.VMEM((CHUNK,), jnp.int32),
          pltpu.VMEM((CHUNK,), jnp.int32),
          pltpu.VMEM((CHUNK,), jnp.int32),
          pltpu.VMEM((OWN,), jnp.int32),
          pltpu.VMEM((OWN,), jnp.int32),
          pltpu.VMEM((NL, FLUSH), jnp.int32),
          pltpu.VMEM((NL, FLUSH), jnp.int32),
          pltpu.VMEM((NL, FLUSH), jnp.int32),
          pltpu.VMEM((NL, FLUSH), jnp.int32),
          pltpu.VMEM((NL, FLUSH), jnp.int32),
          pltpu.VMEM((NBUF, FLUSH, 2 * D), jnp.float32),
          pltpu.SemaphoreType.DMA,
          pltpu.SemaphoreType.DMA,
          pltpu.SemaphoreType.DMA,
          pltpu.SemaphoreType.DMA,
          pltpu.SemaphoreType.DMA,
          pltpu.SemaphoreType.DMA,
          pltpu.SemaphoreType.DMA,
          pltpu.SemaphoreType.DMA,
          pltpu.SemaphoreType.DMA,
          pltpu.SemaphoreType.DMA,
      ],
  )
  return f(protA, cj, rj, cf, rf, zsrc)


TYZ = 512
XB = 8


def _tc_body(aj, pj, af, pf, gc, oj, of):
  z = jnp.zeros((XB, TYZ, 1), jnp.float32)
  o = jnp.ones((XB, TYZ, 1), jnp.float32)
  g = gc[0]

  def unz(a):
    return jnp.transpose(a, (0, 1, 3, 2)).reshape(XB, TYZ, 4)

  catj = jnp.concatenate([unz(aj[0]), pj[0], g[:, :, :D], z, o], axis=-1)
  catf = jnp.concatenate([unz(af[0]), pf[0], g[:, :, D:], o, z], axis=-1)
  oj[0] = jnp.transpose(catj, (1, 0, 2))
  of[0] = jnp.transpose(catf, (1, 0, 2))


@jax.jit
def _tc_fuse(aj, pj, af, pf, gc):
  YZ = G * G
  nc = 150

  def in_spec(c):
    return pl.BlockSpec((1, XB, TYZ, c), lambda b, x, t: (b, x, t, 0))

  a_spec = pl.BlockSpec((1, XB, TYZ // G, 4, G),
                        lambda b, x, t: (b, x, t, 0, 0))
  out_spec = pl.BlockSpec((1, TYZ, XB, nc), lambda b, x, t: (b, t, x, 0))
  return pl.pallas_call(
      _tc_body,
      grid=(B, G // XB, YZ // TYZ),
      in_specs=[a_spec, in_spec(80), a_spec, in_spec(80),
                in_spec(2 * D)],
      out_specs=[out_spec, out_spec],
      out_shape=[jax.ShapeDtypeStruct((B, YZ, G, nc), jnp.float32),
                 jax.ShapeDtypeStruct((B, YZ, G, nc), jnp.float32)],
  )(aj, pj, af, pf, gc)


def kernel(voxels_allAtom_jigsaw, voxels_perAA_jigsaw, voxels_allAtom_full,
           voxels_perAA_full, prot_feats, centerIdx_jigsaw, resIds_jigsaw,
           centerIdx_full, resIds_full):
  z = jnp.zeros((NR1, D), jnp.float32)
  pp = z.at[:NRES].set(prot_feats)
  protA = jnp.concatenate([
      jnp.concatenate([pp, pp], axis=1),
      jnp.concatenate([jnp.zeros_like(pp), pp], axis=1),
      jnp.concatenate([pp, jnp.zeros_like(pp)], axis=1),
  ], axis=0)
  gc = _sc_scatter(protA,
                   centerIdx_jigsaw.astype(jnp.int32),
                   resIds_jigsaw.astype(jnp.int32),
                   centerIdx_full.astype(jnp.int32),
                   resIds_full.astype(jnp.int32))
  gc4 = gc.reshape(B, G, G * G, 2 * D)
  aj = jnp.transpose(voxels_allAtom_jigsaw, (0, 1, 2, 4, 3))
  af = jnp.transpose(voxels_allAtom_full, (0, 1, 2, 4, 3))
  pj = voxels_perAA_jigsaw.reshape(B, G, G * G, 80)
  pf = voxels_perAA_full.reshape(B, G, G * G, 80)
  oj, of = _tc_fuse(aj, pj, af, pf, gc4)
  oj = jnp.transpose(oj.reshape(B, G, G, G, 150), (0, 4, 1, 2, 3))
  of = jnp.transpose(of.reshape(B, G, G, G, 150), (0, 4, 1, 2, 3))
  return (oj, of)

# --- scband reference (transcript-rebuilt; emitter-appended) ---
"""Pipeline reference for scband-voxellayer-58531814310356 (READ-ONLY COPY).

The authoritative reference and input builder live on the scoring server;
editing this copy changes nothing except your own understanding.
"""

import jax, jax.numpy as jnp
import numpy as np


def setup_inputs(seed: int = 0) -> dict:
    key = jax.random.key(seed)
    ks = jax.random.split(key, 9)
    B, G = 4, 32
    nRes, d = 2048, 64
    Kj, Kf = 16384, 32768
    nVox = B * G * G * G
    inp = {}
    inp['voxels_allAtom_jigsaw'] = jax.random.normal(ks[0], (B, G, G, G, 4), dtype=jnp.float32)
    inp['voxels_perAA_jigsaw'] = jax.random.normal(ks[1], (B, G, G, G, 80), dtype=jnp.float32)
    inp['voxels_allAtom_full'] = jax.random.normal(ks[2], (B, G, G, G, 4), dtype=jnp.float32)
    inp['voxels_perAA_full'] = jax.random.normal(ks[3], (B, G, G, G, 80), dtype=jnp.float32)
    inp['prot_feats'] = jax.random.normal(ks[4], (nRes, d), dtype=jnp.float32)
    inp['centerIdx_jigsaw'] = jax.random.randint(ks[5], (Kj,), 0, nVox, dtype=jnp.int64 if jax.config.jax_enable_x64 else jnp.int32)
    inp['resIds_jigsaw'] = jax.random.randint(ks[6], (Kj,), 0, nRes, dtype=jnp.int64 if jax.config.jax_enable_x64 else jnp.int32)
    inp['centerIdx_full'] = jax.random.randint(ks[7], (Kf,), 0, nVox, dtype=jnp.int64 if jax.config.jax_enable_x64 else jnp.int32)
    inp['resIds_full'] = jax.random.randint(ks[8], (Kf,), 0, nRes, dtype=jnp.int64 if jax.config.jax_enable_x64 else jnp.int32)
    return inp


def _featurize(grid_flat, centerIdx, resIds, prot_feats):
    # gather residue features, append 2 zero indicator channels, scatter-overwrite into voxel grid
    vals = prot_feats[resIds]
    vals = jnp.concatenate([vals, jnp.zeros((vals.shape[0], 2), dtype=vals.dtype)], axis=1)
    return grid_flat.at[centerIdx].set(vals)


def reference(voxels_allAtom_jigsaw, voxels_perAA_jigsaw, voxels_allAtom_full, voxels_perAA_full, prot_feats, centerIdx_jigsaw, resIds_jigsaw, centerIdx_full, resIds_full):
    B, G = voxels_allAtom_jigsaw.shape[0], voxels_allAtom_jigsaw.shape[1]
    d = prot_feats.shape[1]
    nFeats = d + 2
    nVox = B * G * G * G
    # getFeatsVoxelsGrid: zero-initialized feature grid
    grid_flat = jnp.zeros((nVox, nFeats), dtype=jnp.float32)
    # jigsaw featurization
    grid_j = _featurize(grid_flat, centerIdx_jigsaw, resIds_jigsaw, prot_feats)
    grid_j = grid_j.reshape(B, G, G, G, nFeats)
    grid_j = grid_j.at[:, :, :, :, -1].set(1.0)
    grid_j = grid_j.at[:, :, :, :, -2].set(0.0)
    # full featurization starts from a clone of the jigsaw grid
    grid_f = _featurize(grid_j.reshape(nVox, nFeats), centerIdx_full, resIds_full, prot_feats)
    grid_f = grid_f.reshape(B, G, G, G, nFeats)
    grid_f = grid_f.at[:, :, :, :, -1].set(0.0)
    grid_f = grid_f.at[:, :, :, :, -2].set(1.0)
    vox_j = jnp.concatenate([voxels_allAtom_jigsaw, voxels_perAA_jigsaw, grid_j], axis=-1)
    vox_f = jnp.concatenate([voxels_allAtom_full, voxels_perAA_full, grid_f], axis=-1)
    vox_j = jnp.swapaxes(vox_j, 1, -1)
    vox_f = jnp.swapaxes(vox_f, 1, -1)
    return (vox_j, vox_f)

if __name__ == "__main__":
    import jax
    _d = setup_inputs()
    print(jax.jit(kernel)(*tuple(_d.values())))

</pallas_src>

<mosaic_0001>
#map = affine_map<(d0, d1) -> (0, 0)>
#map1 = affine_map<(d0, d1) -> (0)>
module attributes {stable_mosaic.version = 14 : i64} {
  func.func @_sc_body(%arg0: i32, %arg1: i32, %arg2: memref<6147x128xf32, #tpu.memory_space<hbm>>, %arg3: memref<16384xi32, #tpu.memory_space<hbm>>, %arg4: memref<16384xi32, #tpu.memory_space<hbm>>, %arg5: memref<32768xi32, #tpu.memory_space<hbm>>, %arg6: memref<32768xi32, #tpu.memory_space<hbm>>, %arg7: memref<128x128xf32, #tpu.memory_space<hbm>>, %arg8: memref<131072x128xf32, #tpu.memory_space<hbm>>, %arg9: memref<4096xi32, #tpu.memory_space<vmem>>, %arg10: memref<4096xi32, #tpu.memory_space<vmem>>, %arg11: memref<4096xi32, #tpu.memory_space<vmem>>, %arg12: memref<4096xi32, #tpu.memory_space<vmem>>, %arg13: memref<4096xi32, #tpu.memory_space<vmem>>, %arg14: memref<4096xi32, #tpu.memory_space<vmem>>, %arg15: memref<34x128xi32, #tpu.memory_space<vmem>>, %arg16: memref<34x128xi32, #tpu.memory_space<vmem>>, %arg17: memref<34x128xi32, #tpu.memory_space<vmem>>, %arg18: memref<34x128xi32, #tpu.memory_space<vmem>>, %arg19: memref<34x128xi32, #tpu.memory_space<vmem>>, %arg20: memref<4x128x128xf32, #tpu.memory_space<vmem>>, %arg21: memref<!tpu.dma_semaphore, #tpu.memory_space<semaphore_mem>>, %arg22: memref<!tpu.dma_semaphore, #tpu.memory_space<semaphore_mem>>, %arg23: memref<!tpu.dma_semaphore, #tpu.memory_space<semaphore_mem>>, %arg24: memref<!tpu.dma_semaphore, #tpu.memory_space<semaphore_mem>>, %arg25: memref<!tpu.dma_semaphore, #tpu.memory_space<semaphore_mem>>, %arg26: memref<!tpu.dma_semaphore, #tpu.memory_space<semaphore_mem>>, %arg27: memref<!tpu.dma_semaphore, #tpu.memory_space<semaphore_mem>>, %arg28: memref<!tpu.dma_semaphore, #tpu.memory_space<semaphore_mem>>, %arg29: memref<!tpu.dma_semaphore, #tpu.memory_space<semaphore_mem>>, %arg30: memref<!tpu.dma_semaphore, #tpu.memory_space<semaphore_mem>>) attributes {dimension_semantics = [#tpu.dimension_semantics<core_parallel>, #tpu.dimension_semantics<subcore_parallel>], iteration_bounds = array<i64: 2, 16>, scalar_prefetch = 0 : i64, scratch_operands = 22 : i64, tpu.core_type = #tpu.core_type<sc_vector_subcore>, window_params = [{transform_indices = #map}, {transform_indices = #map1}, {transform_indices = #map1}, {transform_indices = #map1}, {transform_indices = #map1}, {transform_indices = #map}, {transform_indices = #map}]} {
    %mul3A = arith.constant 2 : i32
    %mul3A_0 = arith.muli %arg1, %mul3A : i32
    %add3A = arith.addi %mul3A_0, %arg0 : i32
    %mul3A_1 = arith.constant 4096 : i32
    %mul3A_2 = arith.muli %add3A, %mul3A_1 : i32
    %iota3A = tpu.iota {dimensions = array<i32: 0>} : vector<16xi32>
    %run_scoped3A = arith.constant 0 : i32
    "tpu.region"() ({
      %run_scoped3A_1350 = tpu.sem_alloc : memref<!tpu.dma_semaphore, #tpu.memory_space<semaphore_mem>>
      %dma_start3A_1351 = arith.constant 0 : i32
      %dma_start3A_1352 = arith.constant 0 : i32
      %dma_start3A_1353 = tpu.memref_slice %arg20[%run_scoped3A, %dma_start3A_1351, %dma_start3A_1352] : memref<4x128x128xf32, #tpu.memory_space<vmem>> -> memref<1x128x128xf32, #tpu.memory_space<vmem>>
      %dma_start3A_1354 = tpu.memref_squeeze %dma_start3A_1353 : memref<1x128x128xf32, #tpu.memory_space<vmem>> -> memref<128x128xf32, #tpu.memory_space<vmem>>
      %dma_start3A_1355 = arith.constant 0 : i32
      %dma_start3A_1356 = arith.constant 0 : i32
      %dma_start3A_1357 = tpu.memref_slice %arg20[%run_scoped3A, %dma_start3A_1355, %dma_start3A_1356] : memref<4x128x128xf32, #tpu.memory_space<vmem>> -> memref<1x128x128xf32, #tpu.memory_space<vmem>>
      %dma_start3A_1358 = tpu.memref_squeeze %dma_start3A_1357 : memref<1x128x128xf32, #tpu.memory_space<vmem>> -> memref<128x128xf32, #tpu.memory_space<vmem>>
      tpu.enqueue_dma source(%arg7 : memref<128x128xf32, #tpu.memory_space<hbm>>) target(%dma_start3A_1358 : memref<128x128xf32, #tpu.memory_space<vmem>>) target_semaphore(%run_scoped3A_1350 : memref<!tpu.dma_semaphore, #tpu.memory_space<semaphore_mem>>)
      %dma_wait3A_1359 = arith.constant 0 : i32
      %dma_wait3A_1360 = arith.constant 0 : i32
      %dma_wait3A_1361 = tpu.memref_slice %arg20[%run_scoped3A, %dma_wait3A_1359, %dma_wait3A_1360] : memref<4x128x128xf32, #tpu.memory_space<vmem>> -> memref<1x128x128xf32, #tpu.memory_space<vmem>>
      %dma_wait3A_1362 = tpu.memref_squeeze %dma_wait3A_1361 : memref<1x128x128xf32, #tpu.memory_space<vmem>> -> memref<128x128xf32, #tpu.memory_space<vmem>>
      %dma_wait3A_1363 = arith.constant 0 : i32
      %dma_wait3A_1364 = arith.constant 0 : i32
      %dma_wait3A_1365 = tpu.memref_slice %arg20[%run_scoped3A, %dma_wait3A_1363, %dma_wait3A_1364] : memref<4x128x128xf32, #tpu.memory_space<vmem>> -> memref<1x128x128xf32, #tpu.memory_space<vmem>>
      %dma_wait3A_1366 = tpu.memref_squeeze %dma_wait3A_1365 : memref<1x128x128xf32, #tpu.memory_space<vmem>> -> memref<128x128xf32, #tpu.memory_space<vmem>>
      tpu.wait_dma2 semaphore(%run_scoped3A_1350 : memref<!tpu.dma_semaphore, #tpu.memory_space<semaphore_mem>>) src(%arg7 : memref<128x128xf32, #tpu.memory_space<hbm>>) dst(%dma_wait3A_1366 : memref<128x128xf32, #tpu.memory_space<vmem>>)
      tpu.yield
    }) : () -> ()
    %add3A_3 = arith.constant 0 : i32
    %add3A_4 = arith.addi %mul3A_2, %add3A_3 : i32
    %dma_start3A = arith.constant 0 : i32
    %dma_start3A_5 = arith.constant 0 : i32
    %dma_start3A_6 = arith.constant 0 : i32
    %dma_start3A_7 = tpu.memref_slice %arg20[%dma_start3A, %dma_start3A_5, %dma_start3A_6] : memref<4x128x128xf32, #tpu.memory_space<vmem>> -> memref<1x128x128xf32, #tpu.memory_space<vmem>>
    %dma_start3A_8 = tpu.memref_squeeze %dma_start3A_7 : memref<1x128x128xf32, #tpu.memory_space<vmem>> -> memref<128x128xf32, #tpu.memory_space<vmem>>
    %dma_start3A_9 = arith.constant 0 : i32
    %dma_start3A_10 = tpu.memref_slice %arg8[%add3A_4, %dma_start3A_9] : memref<131072x128xf32, #tpu.memory_space<hbm>> -> memref<128x128xf32, #tpu.memory_space<hbm>>
    %dma_start3A_11 = arith.constant 0 : i32
    %dma_start3A_12 = tpu.memref_slice %arg8[%add3A_4, %dma_start3A_11] : memref<131072x128xf32, #tpu.memory_space<hbm>> -> memref<128x128xf32, #tpu.memory_space<hbm>>
    %dma_start3A_13 = arith.constant 0 : i32
    %dma_start3A_14 = arith.constant 0 : i32
    %dma_start3A_15 = tpu.memref_slice %arg20[%dma_start3A, %dma_start3A_13, %dma_start3A_14] : memref<4x128x128xf32, #tpu.memory_space<vmem>> -> memref<1x128x128xf32, #tpu.memory_space<vmem>>
    %dma_start3A_16 = tpu.memref_squeeze %dma_start3A_15 : memref<1x128x128xf32, #tpu.memory_space<vmem>> -> memref<128x128xf32, #tpu.memory_space<vmem>>
    tpu.enqueue_dma source(%dma_start3A_16 : memref<128x128xf32, #tpu.memory_space<vmem>>) target(%dma_start3A_12 : memref<128x128xf32, #tpu.memory_space<hbm>>) target_semaphore(%arg22 : memref<!tpu.dma_semaphore, #tpu.memory_space<semaphore_mem>>)
    %add3A_17 = arith.constant 128 : i32
    %add3A_18 = arith.addi %mul3A_2, %add3A_17 : i32
    %dma_start3A_19 = arith.constant 0 : i32
    %dma_start3A_20 = arith.constant 0 : i32
    %dma_start3A_21 = arith.constant 0 : i32
    %dma_start3A_22 = tpu.memref_slice %arg20[%dma_start3A_19, %dma_start3A_20, %dma_start3A_21] : memref<4x128x128xf32, #tpu.memory_space<vmem>> -> memref<1x128x128xf32, #tpu.memory_space<vmem>>
    %dma_start3A_23 = tpu.memref_squeeze %dma_start3A_22 : memref<1x128x128xf32, #tpu.memory_space<vmem>> -> memref<128x128xf32, #tpu.memory_space<vmem>>
    %dma_start3A_24 = arith.constant 0 : i32
    %dma_start3A_25 = tpu.memref_slice %arg8[%add3A_18, %dma_start3A_24] : memref<131072x128xf32, #tpu.memory_space<hbm>> -> memref<128x128xf32, #tpu.memory_space<hbm>>
    %dma_start3A_26 = arith.constant 0 : i32
    %dma_start3A_27 = tpu.memref_slice %arg8[%add3A_18, %dma_start3A_26] : memref<131072x128xf32, #tpu.memory_space<hbm>> -> memref<128x128xf32, #tpu.memory_space<hbm>>
    %dma_start3A_28 = arith.constant 0 : i32
    %dma_start3A_29 = arith.constant 0 : i32
    %dma_start3A_30 = tpu.memref_slice %arg20[%dma_start3A_19, %dma_start3A_28, %dma_start3A_29] : memref<4x128x128xf32, #tpu.memory_space<vmem>> -> memref<1x128x128xf32, #tpu.memory_space<vmem>>
    %dma_start3A_31 = tpu.memref_squeeze %dma_start3A_30 : memref<1x128x128xf32, #tpu.memory_space<vmem>> -> memref<128x128xf32, #tpu.memory_space<vmem>>
    tpu.enqueue_dma source(%dma_start3A_31 : memref<128x128xf32, #tpu.memory_space<vmem>>) target(%dma_start3A_27 : memref<128x128xf32, #tpu.memory_space<hbm>>) target_semaphore(%arg22 : memref<!tpu.dma_semaphore, #tpu.memory_space<semaphore_mem>>)
    %add3A_32 = arith.constant 256 : i32
    %add3A_33 = arith.addi %mul3A_2, %add3A_32 : i32
    %dma_start3A_34 = arith.constant 0 : i32
    %dma_start3A_35 = arith.constant 0 : i32
    %dma_start3A_36 = arith.constant 0 : i32
    %dma_start3A_37 = tpu.memref_slice %arg20[%dma_start3A_34, %dma_start3A_35, %dma_start3A_36] : memref<4x128x128xf32, #tpu.memory_space<vmem>> -> memref<1x128x128xf32, #tpu.memory_space<vmem>>
    %dma_start3A_38 = tpu.memref_squeeze %dma_start3A_37 : memref<1x128x128xf32, #tpu.memory_space<vmem>> -> memref<128x128xf32, #tpu.memory_space<vmem>>
    %dma_start3A_39 = arith.constant 0 : i32
    %dma_start3A_40 = tpu.memref_slice %arg8[%add3A_33, %dma_start3A_39] : memref<131072x128xf32, #tpu.memory_space<hbm>> -> memref<128x128xf32, #tpu.memory_space<hbm>>
    %dma_start3A_41 = arith.constant 0 : i32
    %dma_start3A_42 = tpu.memref_slice %arg8[%add3A_33, %dma_start3A_41] : memref<131072x128xf32, #tpu.memory_space<hbm>> -> memref<128x128xf32, #tpu.memory_space<hbm>>
    %dma_start3A_43 = arith.constant 0 : i32
    %dma_start3A_44 = arith.constant 0 : i32
    %dma_start3A_45 = tpu.memref_slice %arg20[%dma_start3A_34, %dma_start3A_43, %dma_start3A_44] : memref<4x128x128xf32, #tpu.memory_space<vmem>> -> memref<1x128x128xf32, #tpu.memory_space<vmem>>
    %dma_start3A_46 = tpu.memref_squeeze %dma_start3A_45 : memref<1x128x128xf32, #tpu.memory_space<vmem>> -> memref<128x128xf32, #tpu.memory_space<vmem>>
    tpu.enqueue_dma source(%dma_start3A_46 : memref<128x128xf32, #tpu.memory_space<vmem>>) target(%dma_start3A_42 : memref<128x128xf32, #tpu.memory_space<hbm>>) target_semaphore(%arg22 : memref<!tpu.dma_semaphore, #tpu.memory_space<semaphore_mem>>)
    %add3A_47 = arith.constant 384 : i32
    %add3A_48 = arith.addi %mul3A_2, %add3A_47 : i32
    %dma_start3A_49 = arith.constant 0 : i32
    %dma_start3A_50 = arith.constant 0 : i32
    %dma_start3A_51 = arith.constant 0 : i32
    %dma_start3A_52 = tpu.memref_slice %arg20[%dma_start3A_49, %dma_start3A_50, %dma_start3A_51] : memref<4x128x128xf32, #tpu.memory_space<vmem>> -> memref<1x128x128xf32, #tpu.memory_space<vmem>>
    %dma_start3A_53 = tpu.memref_squeeze %dma_start3A_52 : memref<1x128x128xf32, #tpu.memory_space<vmem>> -> memref<128x128xf32, #tpu.memory_space<vmem>>
    %dma_start3A_54 = arith.constant 0 : i32
    %dma_start3A_55 = tpu.memref_slice %arg8[%add3A_48, %dma_start3A_54] : memref<131072x128xf32, #tpu.memory_space<hbm>> -> memref<128x128xf32, #tpu.memory_space<hbm>>
    %dma_start3A_56 = arith.constant 0 : i32
    %dma_start3A_57 = tpu.memref_slice %arg8[%add3A_48, %dma_start3A_56] : memref<131072x128xf32, #tpu.memory_space<hbm>> -> memref<128x128xf32, #tpu.memory_space<hbm>>
    %dma_start3A_58 = arith.constant 0 : i32
    %dma_start3A_59 = arith.constant 0 : i32
    %dma_start3A_60 = tpu.memref_slice %arg20[%dma_start3A_49, %dma_start3A_58, %dma_start3A_59] : memref<4x128x128xf32, #tpu.memory_space<vmem>> -> memref<1x128x128xf32, #tpu.memory_space<vmem>>
    %dma_start3A_61 = tpu.memref_squeeze %dma_start3A_60 : memref<1x128x128xf32, #tpu.memory_space<vmem>> -> memref<128x128xf32, #tpu.memory_space<vmem>>
    tpu.enqueue_dma source(%dma_start3A_61 : memref<128x128xf32, #tpu.memory_space<vmem>>) target(%dma_start3A_57 : memref<128x128xf32, #tpu.memory_space<hbm>>) target_semaphore(%arg22 : memref<!tpu.dma_semaphore, #tpu.memory_space<semaphore_mem>>)
    %add3A_62 = arith.constant 512 : i32
    %add3A_63 = arith.addi %mul3A_2, %add3A_62 : i32
    %dma_start3A_64 = arith.constant 0 : i32
    %dma_start3A_65 = arith.constant 0 : i32
    %dma_start3A_66 = arith.constant 0 : i32
    %dma_start3A_67 = tpu.memref_slice %arg20[%dma_start3A_64, %dma_start3A_65, %dma_start3A_66] : memref<4x128x128xf32, #tpu.memory_space<vmem>> -> memref<1x128x128xf32, #tpu.memory_space<vmem>>
    %dma_start3A_68 = tpu.memref_squeeze %dma_start3A_67 : memref<1x128x128xf32, #tpu.memory_space<vmem>> -> memref<128x128xf32, #tpu.memory_space<vmem>>
    %dma_start3A_69 = arith.constant 0 : i32
    %dma_start3A_70 = tpu.memref_slice %arg8[%add3A_63, %dma_start3A_69] : memref<131072x128xf32, #tpu.memory_space<hbm>> -> memref<128x128xf32, #tpu.memory_space<hbm>>
    %dma_start3A_71 = arith.constant 0 : i32
    %dma_start3A_72 = tpu.memref_slice %arg8[%add3A_63, %dma_start3A_71] : memref<131072x128xf32, #tpu.memory_space<hbm>> -> memref<128x128xf32, #tpu.memory_space<hbm>>
    %dma_start3A_73 = arith.constant 0 : i32
    %dma_start3A_74 = arith.constant 0 : i32
    %dma_start3A_75 = tpu.memref_slice %arg20[%dma_start3A_64, %dma_start3A_73, %dma_start3A_74] : memref<4x128x128xf32, #tpu.memory_space<vmem>> -> memref<1x128x128xf32, #tpu.memory_space<vmem>>
    %dma_start3A_76 = tpu.memref_squeeze %dma_start3A_75 : memref<1x128x128xf32, #tpu.memory_space<vmem>> -> memref<128x128xf32, #tpu.memory_space<vmem>>
    tpu.enqueue_dma source(%dma_start3A_76 : memref<128x128xf32, #tpu.memory_space<vmem>>) target(%dma_start3A_72 : memref<128x128xf32, #tpu.memory_space<hbm>>) target_semaphore(%arg22 : memref<!tpu.dma_semaphore, #tpu.memory_space<semaphore_mem>>)
    %add3A_77 = arith.constant 640 : i32
    %add3A_78 = arith.addi %mul3A_2, %add3A_77 : i32
    %dma_start3A_79 = arith.constant 0 : i32
    %dma_start3A_80 = arith.constant 0 : i32
    %dma_start3A_81 = arith.constant 0 : i32
    %dma_start3A_82 = tpu.memref_slice %arg20[%dma_start3A_79, %dma_start3A_80, %dma_start3A_81] : memref<4x128x128xf32, #tpu.memory_space<vmem>> -> memref<1x128x128xf32, #tpu.memory_space<vmem>>
    %dma_start3A_83 = tpu.memref_squeeze %dma_start3A_82 : memref<1x128x128xf32, #tpu.memory_space<vmem>> -> memref<128x128xf32, #tpu.memory_space<vmem>>
    %dma_start3A_84 = arith.constant 0 : i32
    %dma_start3A_85 = tpu.memref_slice %arg8[%add3A_78, %dma_start3A_84] : memref<131072x128xf32, #tpu.memory_space<hbm>> -> memref<128x128xf32, #tpu.memory_space<hbm>>
    %dma_start3A_86 = arith.constant 0 : i32
    %dma_start3A_87 = tpu.memref_slice %arg8[%add3A_78, %dma_start3A_86] : memref<131072x128xf32, #tpu.memory_space<hbm>> -> memref<128x128xf32, #tpu.memory_space<hbm>>
    %dma_start3A_88 = arith.constant 0 : i32
    %dma_start3A_89 = arith.constant 0 : i32
    %dma_start3A_90 = tpu.memref_slice %arg20[%dma_start3A_79, %dma_start3A_88, %dma_start3A_89] : memref<4x128x128xf32, #tpu.memory_space<vmem>> -> memref<1x128x128xf32, #tpu.memory_space<vmem>>
    %dma_start3A_91 = tpu.memref_squeeze %dma_start3A_90 : memref<1x128x128xf32, #tpu.memory_space<vmem>> -> memref<128x128xf32, #tpu.memory_space<vmem>>
    tpu.enqueue_dma source(%dma_start3A_91 : memref<128x128xf32, #tpu.memory_space<vmem>>) target(%dma_start3A_87 : memref<128x128xf32, #tpu.memory_space<hbm>>) target_semaphore(%arg22 : memref<!tpu.dma_semaphore, #tpu.memory_space<semaphore_mem>>)
    %add3A_92 = arith.constant 768 : i32
    %add3A_93 = arith.addi %mul3A_2, %add3A_92 : i32
    %dma_start3A_94 = arith.constant 0 : i32
    %dma_start3A_95 = arith.constant 0 : i32
    %dma_start3A_96 = arith.constant 0 : i32
    %dma_start3A_97 = tpu.memref_slice %arg20[%dma_start3A_94, %dma_start3A_95, %dma_start3A_96] : memref<4x128x128xf32, #tpu.memory_space<vmem>> -> memref<1x128x128xf32, #tpu.memory_space<vmem>>
    %dma_start3A_98 = tpu.memref_squeeze %dma_start3A_97 : memref<1x128x128xf32, #tpu.memory_space<vmem>> -> memref<128x128xf32, #tpu.memory_space<vmem>>
    %dma_start3A_99 = arith.constant 0 : i32
    %dma_start3A_100 = tpu.memref_slice %arg8[%add3A_93, %dma_start3A_99] : memref<131072x128xf32, #tpu.memory_space<hbm>> -> memref<128x128xf32, #tpu.memory_space<hbm>>
    %dma_start3A_101 = arith.constant 0 : i32
    %dma_start3A_102 = tpu.memref_slice %arg8[%add3A_93, %dma_start3A_101] : memref<131072x128xf32, #tpu.memory_space<hbm>> -> memref<128x128xf32, #tpu.memory_space<hbm>>
    %dma_start3A_103 = arith.constant 0 : i32
    %dma_start3A_104 = arith.constant 0 : i32
    %dma_start3A_105 = tpu.memref_slice %arg20[%dma_start3A_94, %dma_start3A_103, %dma_start3A_104] : memref<4x128x128xf32, #tpu.memory_space<vmem>> -> memref<1x128x128xf32, #tpu.memory_space<vmem>>
    %dma_start3A_106 = tpu.memref_squeeze %dma_start3A_105 : memref<1x128x128xf32, #tpu.memory_space<vmem>> -> memref<128x128xf32, #tpu.memory_space<vmem>>
    tpu.enqueue_dma source(%dma_start3A_106 : memref<128x128xf32, #tpu.memory_space<vmem>>) target(%dma_start3A_102 : memref<128x128xf32, #tpu.memory_space<hbm>>) target_semaphore(%arg22 : memref<!tpu.dma_semaphore, #tpu.memory_space<semaphore_mem>>)
    %add3A_107 = arith.constant 896 : i32
    %add3A_108 = arith.addi %mul3A_2, %add3A_107 : i32
    %dma_start3A_109 = arith.constant 0 : i32
    %dma_start3A_110 = arith.constant 0 : i32
    %dma_start3A_111 = arith.constant 0 : i32
    %dma_start3A_112 = tpu.memref_slice %arg20[%dma_start3A_109, %dma_start3A_110, %dma_start3A_111] : memref<4x128x128xf32, #tpu.memory_space<vmem>> -> memref<1x128x128xf32, #tpu.memory_space<vmem>>
    %dma_start3A_113 = tpu.memref_squeeze %dma_start3A_112 : memref<1x128x128xf32, #tpu.memory_space<vmem>> -> memref<128x128xf32, #tpu.memory_space<vmem>>
    %dma_start3A_114 = arith.constant 0 : i32
    %dma_start3A_115 = tpu.memref_slice %arg8[%add3A_108, %dma_start3A_114] : memref<131072x128xf32, #tpu.memory_space<hbm>> -> memref<128x128xf32, #tpu.memory_space<hbm>>
    %dma_start3A_116 = arith.constant 0 : i32
    %dma_start3A_117 = tpu.memref_slice %arg8[%add3A_108, %dma_start3A_116] : memref<131072x128xf32, #tpu.memory_space<hbm>> -> memref<128x128xf32, #tpu.memory_space<hbm>>
    %dma_start3A_118 = arith.constant 0 : i32
    %dma_start3A_119 = arith.constant 0 : i32
    %dma_start3A_120 = tpu.memref_slice %arg20[%dma_start3A_109, %dma_start3A_118, %dma_start3A_119] : memref<4x128x128xf32, #tpu.memory_space<vmem>> -> memref<1x128x128xf32, #tpu.memory_space<vmem>>
    %dma_start3A_121 = tpu.memref_squeeze %dma_start3A_120 : memref<1x128x128xf32, #tpu.memory_space<vmem>> -> memref<128x128xf32, #tpu.memory_space<vmem>>
    tpu.enqueue_dma source(%dma_start3A_121 : memref<128x128xf32, #tpu.memory_space<vmem>>) target(%dma_start3A_117 : memref<128x128xf32, #tpu.memory_space<hbm>>) target_semaphore(%arg22 : memref<!tpu.dma_semaphore, #tpu.memory_space<semaphore_mem>>)
    %add3A_122 = arith.constant 1024 : i32
    %add3A_123 = arith.addi %mul3A_2, %add3A_122 : i32
    %dma_start3A_124 = arith.constant 0 : i32
    %dma_start3A_125 = arith.constant 0 : i32
    %dma_start3A_126 = arith.constant 0 : i32
    %dma_start3A_127 = tpu.memref_slice %arg20[%dma_start3A_124, %dma_start3A_125, %dma_start3A_126] : memref<4x128x128xf32, #tpu.memory_space<vmem>> -> memref<1x128x128xf32, #tpu.memory_space<vmem>>
    %dma_start3A_128 = tpu.memref_squeeze %dma_start3A_127 : memref<1x128x128xf32, #tpu.memory_space<vmem>> -> memref<128x128xf32, #tpu.memory_space<vmem>>
    %dma_start3A_129 = arith.constant 0 : i32
    %dma_start3A_130 = tpu.memref_slice %arg8[%add3A_123, %dma_start3A_129] : memref<131072x128xf32, #tpu.memory_space<hbm>> -> memref<128x128xf32, #tpu.memory_space<hbm>>
    %dma_start3A_131 = arith.constant 0 : i32
    %dma_start3A_132 = tpu.memref_slice %arg8[%add3A_123, %dma_start3A_131] : memref<131072x128xf32, #tpu.memory_space<hbm>> -> memref<128x128xf32, #tpu.memory_space<hbm>>
    %dma_start3A_133 = arith.constant 0 : i32
    %dma_start3A_134 = arith.constant 0 : i32
    %dma_start3A_135 = tpu.memref_slice %arg20[%dma_start3A_124, %dma_start3A_133, %dma_start3A_134] : memref<4x128x128xf32, #tpu.memory_space<vmem>> -> memref<1x128x128xf32, #tpu.memory_space<vmem>>
    %dma_start3A_136 = tpu.memref_squeeze %dma_start3A_135 : memref<1x128x128xf32, #tpu.memory_space<vmem>> -> memref<128x128xf32, #tpu.memory_space<vmem>>
    tpu.enqueue_dma source(%dma_start3A_136 : memref<128x128xf32, #tpu.memory_space<vmem>>) target(%dma_start3A_132 : memref<128x128xf32, #tpu.memory_space<hbm>>) target_semaphore(%arg22 : memref<!tpu.dma_semaphore, #tpu.memory_space<semaphore_mem>>)
    %add3A_137 = arith.constant 1152 : i32
    %add3A_138 = arith.addi %mul3A_2, %add3A_137 : i32
    %dma_start3A_139 = arith.constant 0 : i32
    %dma_start3A_140 = arith.constant 0 : i32
    %dma_start3A_141 = arith.constant 0 : i32
    %dma_start3A_142 = tpu.memref_slice %arg20[%dma_start3A_139, %dma_start3A_140, %dma_start3A_141] : memref<4x128x128xf32, #tpu.memory_space<vmem>> -> memref<1x128x128xf32, #tpu.memory_space<vmem>>
    %dma_start3A_143 = tpu.memref_squeeze %dma_start3A_142 : memref<1x128x128xf32, #tpu.memory_space<vmem>> -> memref<128x128xf32, #tpu.memory_space<vmem>>
    %dma_start3A_144 = arith.constant 0 : i32
    %dma_start3A_145 = tpu.memref_slice %arg8[%add3A_138, %dma_start3A_144] : memref<131072x128xf32, #tpu.memory_space<hbm>> -> memref<128x128xf32, #tpu.memory_space<hbm>>
    %dma_start3A_146 = arith.constant 0 : i32
    %dma_start3A_147 = tpu.memref_slice %arg8[%add3A_138, %dma_start3A_146] : memref<131072x128xf32, #tpu.memory_space<hbm>> -> memref<128x128xf32, #tpu.memory_space<hbm>>
    %dma_start3A_148 = arith.constant 0 : i32
    %dma_start3A_149 = arith.constant 0 : i32
    %dma_start3A_150 = tpu.memref_slice %arg20[%dma_start3A_139, %dma_start3A_148, %dma_start3A_149] : memref<4x128x128xf32, #tpu.memory_space<vmem>> -> memref<1x128x128xf32, #tpu.memory_space<vmem>>
    %dma_start3A_151 = tpu.memref_squeeze %dma_start3A_150 : memref<1x128x128xf32, #tpu.memory_space<vmem>> -> memref<128x128xf32, #tpu.memory_space<vmem>>
    tpu.enqueue_dma source(%dma_start3A_151 : memref<128x128xf32, #tpu.memory_space<vmem>>) target(%dma_start3A_147 : memref<128x128xf32, #tpu.memory_space<hbm>>) target_semaphore(%arg22 : memref<!tpu.dma_semaphore, #tpu.memory_space<semaphore_mem>>)
    %add3A_152 = arith.constant 1280 : i32
    %add3A_153 = arith.addi %mul3A_2, %add3A_152 : i32
    %dma_start3A_154 = arith.constant 0 : i32
    %dma_start3A_155 = arith.constant 0 : i32
    %dma_start3A_156 = arith.constant 0 : i32
    %dma_start3A_157 = tpu.memref_slice %arg20[%dma_start3A_154, %dma_start3A_155, %dma_start3A_156] : memref<4x128x128xf32, #tpu.memory_space<vmem>> -> memref<1x128x128xf32, #tpu.memory_space<vmem>>
    %dma_start3A_158 = tpu.memref_squeeze %dma_start3A_157 : memref<1x128x128xf32, #tpu.memory_space<vmem>> -> memref<128x128xf32, #tpu.memory_space<vmem>>
    %dma_start3A_159 = arith.constant 0 : i32
    %dma_start3A_160 = tpu.memref_slice %arg8[%add3A_153, %dma_start3A_159] : memref<131072x128xf32, #tpu.memory_space<hbm>> -> memref<128x128xf32, #tpu.memory_space<hbm>>
    %dma_start3A_161 = arith.constant 0 : i32
    %dma_start3A_162 = tpu.memref_slice %arg8[%add3A_153, %dma_start3A_161] : memref<131072x128xf32, #tpu.memory_space<hbm>> -> memref<128x128xf32, #tpu.memory_space<hbm>>
    %dma_start3A_163 = arith.constant 0 : i32
    %dma_start3A_164 = arith.constant 0 : i32
    %dma_start3A_165 = tpu.memref_slice %arg20[%dma_start3A_154, %dma_start3A_163, %dma_start3A_164] : memref<4x128x128xf32, #tpu.memory_space<vmem>> -> memref<1x128x128xf32, #tpu.memory_space<vmem>>
    %dma_start3A_166 = tpu.memref_squeeze %dma_start3A_165 : memref<1x128x128xf32, #tpu.memory_space<vmem>> -> memref<128x128xf32, #tpu.memory_space<vmem>>
    tpu.enqueue_dma source(%dma_start3A_166 : memref<128x128xf32, #tpu.memory_space<vmem>>) target(%dma_start3A_162 : memref<128x128xf32, #tpu.memory_space<hbm>>) target_semaphore(%arg22 : memref<!tpu.dma_semaphore, #tpu.memory_space<semaphore_mem>>)
    %add3A_167 = arith.constant 1408 : i32
    %add3A_168 = arith.addi %mul3A_2, %add3A_167 : i32
    %dma_start3A_169 = arith.constant 0 : i32
    %dma_start3A_170 = arith.constant 0 : i32
    %dma_start3A_171 = arith.constant 0 : i32
    %dma_start3A_172 = tpu.memref_slice %arg20[%dma_start3A_169, %dma_start3A_170, %dma_start3A_171] : memref<4x128x128xf32, #tpu.memory_space<vmem>> -> memref<1x128x128xf32, #tpu.memory_space<vmem>>
    %dma_start3A_173 = tpu.memref_squeeze %dma_start3A_172 : memref<1x128x128xf32, #tpu.memory_space<vmem>> -> memref<128x128xf32, #tpu.memory_space<vmem>>
    %dma_start3A_174 = arith.constant 0 : i32
    %dma_start3A_175 = tpu.memref_slice %arg8[%add3A_168, %dma_start3A_174] : memref<131072x128xf32, #tpu.memory_space<hbm>> -> memref<128x128xf32, #tpu.memory_space<hbm>>
    %dma_start3A_176 = arith.constant 0 : i32
    %dma_start3A_177 = tpu.memref_slice %arg8[%add3A_168, %dma_start3A_176] : memref<131072x128xf32, #tpu.memory_space<hbm>> -> memref<128x128xf32, #tpu.memory_space<hbm>>
    %dma_start3A_178 = arith.constant 0 : i32
    %dma_start3A_179 = arith.constant 0 : i32
    %dma_start3A_180 = tpu.memref_slice %arg20[%dma_start3A_169, %dma_start3A_178, %dma_start3A_179] : memref<4x128x128xf32, #tpu.memory_space<vmem>> -> memref<1x128x128xf32, #tpu.memory_space<vmem>>
    %dma_start3A_181 = tpu.memref_squeeze %dma_start3A_180 : memref<1x128x128xf32, #tpu.memory_space<vmem>> -> memref<128x128xf32, #tpu.memory_space<vmem>>
    tpu.enqueue_dma source(%dma_start3A_181 : memref<128x128xf32, #tpu.memory_space<vmem>>) target(%dma_start3A_177 : memref<128x128xf32, #tpu.memory_space<hbm>>) target_semaphore(%arg22 : memref<!tpu.dma_semaphore, #tpu.memory_space<semaphore_mem>>)
    %add3A_182 = arith.constant 1536 : i32
    %add3A_183 = arith.addi %mul3A_2, %add3A_182 : i32
    %dma_start3A_184 = arith.constant 0 : i32
    %dma_start3A_185 = arith.constant 0 : i32
    %dma_start3A_186 = arith.constant 0 : i32
    %dma_start3A_187 = tpu.memref_slice %arg20[%dma_start3A_184, %dma_start3A_185, %dma_start3A_186] : memref<4x128x128xf32, #tpu.memory_space<vmem>> -> memref<1x128x128xf32, #tpu.memory_space<vmem>>
    %dma_start3A_188 = tpu.memref_squeeze %dma_start3A_187 : memref<1x128x128xf32, #tpu.memory_space<vmem>> -> memref<128x128xf32, #tpu.memory_space<vmem>>
    %dma_start3A_189 = arith.constant 0 : i32
    %dma_start3A_190 = tpu.memref_slice %arg8[%add3A_183, %dma_start3A_189] : memref<131072x128xf32, #tpu.memory_space<hbm>> -> memref<128x128xf32, #tpu.memory_space<hbm>>
    %dma_start3A_191 = arith.constant 0 : i32
    %dma_start3A_192 = tpu.memref_slice %arg8[%add3A_183, %dma_start3A_191] : memref<131072x128xf32, #tpu.memory_space<hbm>> -> memref<128x128xf32, #tpu.memory_space<hbm>>
    %dma_start3A_193 = arith.constant 0 : i32
    %dma_start3A_194 = arith.constant 0 : i32
    %dma_start3A_195 = tpu.memref_slice %arg20[%dma_start3A_184, %dma_start3A_193, %dma_start3A_194] : memref<4x128x128xf32, #tpu.memory_space<vmem>> -> memref<1x128x128xf32, #tpu.memory_space<vmem>>
    %dma_start3A_196 = tpu.memref_squeeze %dma_start3A_195 : memref<1x128x128xf32, #tpu.memory_space<vmem>> -> memref<128x128xf32, #tpu.memory_space<vmem>>
    tpu.enqueue_dma source(%dma_start3A_196 : memref<128x128xf32, #tpu.memory_space<vmem>>) target(%dma_start3A_192 : memref<128x128xf32, #tpu.memory_space<hbm>>) target_semaphore(%arg22 : memref<!tpu.dma_semaphore, #tpu.memory_space<semaphore_mem>>)
    %add3A_197 = arith.constant 1664 : i32
    %add3A_198 = arith.addi %mul3A_2, %add3A_197 : i32
    %dma_start3A_199 = arith.constant 0 : i32
    %dma_start3A_200 = arith.constant 0 : i32
    %dma_start3A_201 = arith.constant 0 : i32
    %dma_start3A_202 = tpu.memref_slice %arg20[%dma_start3A_199, %dma_start3A_200, %dma_start3A_201] : memref<4x128x128xf32, #tpu.memory_space<vmem>> -> memref<1x128x128xf32, #tpu.memory_space<vmem>>
    %dma_start3A_203 = tpu.memref_squeeze %dma_start3A_202 : memref<1x128x128xf32, #tpu.memory_space<vmem>> -> memref<128x128xf32, #tpu.memory_space<vmem>>
    %dma_start3A_204 = arith.constant 0 : i32
    %dma_start3A_205 = tpu.memref_slice %arg8[%add3A_198, %dma_start3A_204] : memref<131072x128xf32, #tpu.memory_space<hbm>> -> memref<128x128xf32, #tpu.memory_space<hbm>>
    %dma_start3A_206 = arith.constant 0 : i32
    %dma_start3A_207 = tpu.memref_slice %arg8[%add3A_198, %dma_start3A_206] : memref<131072x128xf32, #tpu.memory_space<hbm>> -> memref<128x128xf32, #tpu.memory_space<hbm>>
    %dma_start3A_208 = arith.constant 0 : i32
    %dma_start3A_209 = arith.constant 0 : i32
    %dma_start3A_210 = tpu.memref_slice %arg20[%dma_start3A_199, %dma_start3A_208, %dma_start3A_209] : memref<4x128x128xf32, #tpu.memory_space<vmem>> -> memref<1x128x128xf32, #tpu.memory_space<vmem>>
    %dma_start3A_211 = tpu.memref_squeeze %dma_start3A_210 : memref<1x128x128xf32, #tpu.memory_space<vmem>> -> memref<128x128xf32, #tpu.memory_space<vmem>>
    tpu.enqueue_dma source(%dma_start3A_211 : memref<128x128xf32, #tpu.memory_space<vmem>>) target(%dma_start3A_207 : memref<128x128xf32, #tpu.memory_space<hbm>>) target_semaphore(%arg22 : memref<!tpu.dma_semaphore, #tpu.memory_space<semaphore_mem>>)
    %add3A_212 = arith.constant 1792 : i32
    %add3A_213 = arith.addi %mul3A_2, %add3A_212 : i32
    %dma_start3A_214 = arith.constant 0 : i32
    %dma_start3A_215 = arith.constant 0 : i32
    %dma_start3A_216 = arith.constant 0 : i32
    %dma_start3A_217 = tpu.memref_slice %arg20[%dma_start3A_214, %dma_start3A_215, %dma_start3A_216] : memref<4x128x128xf32, #tpu.memory_space<vmem>> -> memref<1x128x128xf32, #tpu.memory_space<vmem>>
    %dma_start3A_218 = tpu.memref_squeeze %dma_start3A_217 : memref<1x128x128xf32, #tpu.memory_space<vmem>> -> memref<128x128xf32, #tpu.memory_space<vmem>>
    %dma_start3A_219 = arith.constant 0 : i32
    %dma_start3A_220 = tpu.memref_slice %arg8[%add3A_213, %dma_start3A_219] : memref<131072x128xf32, #tpu.memory_space<hbm>> -> memref<128x128xf32, #tpu.memory_space<hbm>>
    %dma_start3A_221 = arith.constant 0 : i32
    %dma_start3A_222 = tpu.memref_slice %arg8[%add3A_213, %dma_start3A_221] : memref<131072x128xf32, #tpu.memory_space<hbm>> -> memref<128x128xf32, #tpu.memory_space<hbm>>
    %dma_start3A_223 = arith.constant 0 : i32
    %dma_start3A_224 = arith.constant 0 : i32
    %dma_start3A_225 = tpu.memref_slice %arg20[%dma_start3A_214, %dma_start3A_223, %dma_start3A_224] : memref<4x128x128xf32, #tpu.memory_space<vmem>> -> memref<1x128x128xf32, #tpu.memory_space<vmem>>
    %dma_start3A_226 = tpu.memref_squeeze %dma_start3A_225 : memref<1x128x128xf32, #tpu.memory_space<vmem>> -> memref<128x128xf32, #tpu.memory_space<vmem>>
    tpu.enqueue_dma source(%dma_start3A_226 : memref<128x128xf32, #tpu.memory_space<vmem>>) target(%dma_start3A_222 : memref<128x128xf32, #tpu.memory_space<hbm>>) target_semaphore(%arg22 : memref<!tpu.dma_semaphore, #tpu.memory_space<semaphore_mem>>)
    %add3A_227 = arith.constant 1920 : i32
    %add3A_228 = arith.addi %mul3A_2, %add3A_227 : i32
    %dma_start3A_229 = arith.constant 0 : i32
    %dma_start3A_230 = arith.constant 0 : i32
    %dma_start3A_231 = arith.constant 0 : i32
    %dma_start3A_232 = tpu.memref_slice %arg20[%dma_start3A_229, %dma_start3A_230, %dma_start3A_231] : memref<4x128x128xf32, #tpu.memory_space<vmem>> -> memref<1x128x128xf32, #tpu.memory_space<vmem>>
    %dma_start3A_233 = tpu.memref_squeeze %dma_start3A_232 : memref<1x128x128xf32, #tpu.memory_space<vmem>> -> memref<128x128xf32, #tpu.memory_space<vmem>>
    %dma_start3A_234 = arith.constant 0 : i32
    %dma_start3A_235 = tpu.memref_slice %arg8[%add3A_228, %dma_start3A_234] : memref<131072x128xf32, #tpu.memory_space<hbm>> -> memref<128x128xf32, #tpu.memory_space<hbm>>
    %dma_start3A_236 = arith.constant 0 : i32
    %dma_start3A_237 = tpu.memref_slice %arg8[%add3A_228, %dma_start3A_236] : memref<131072x128xf32, #tpu.memory_space<hbm>> -> memref<128x128xf32, #tpu.memory_space<hbm>>
    %dma_start3A_238 = arith.constant 0 : i32
    %dma_start3A_239 = arith.constant 0 : i32
    %dma_start3A_240 = tpu.memref_slice %arg20[%dma_start3A_229, %dma_start3A_238, %dma_start3A_239] : memref<4x128x128xf32, #tpu.memory_space<vmem>> -> memref<1x128x128xf32, #tpu.memory_space<vmem>>
    %dma_start3A_241 = tpu.memref_squeeze %dma_start3A_240 : memref<1x128x128xf32, #tpu.memory_space<vmem>> -> memref<128x128xf32, #tpu.memory_space<vmem>>
    tpu.enqueue_dma source(%dma_start3A_241 : memref<128x128xf32, #tpu.memory_space<vmem>>) target(%dma_start3A_237 : memref<128x128xf32, #tpu.memory_space<hbm>>) target_semaphore(%arg22 : memref<!tpu.dma_semaphore, #tpu.memory_space<semaphore_mem>>)
    %add3A_242 = arith.constant 2048 : i32
    %add3A_243 = arith.addi %mul3A_2, %add3A_242 : i32
    %dma_start3A_244 = arith.constant 0 : i32
    %dma_start3A_245 = arith.constant 0 : i32
    %dma_start3A_246 = arith.constant 0 : i32
    %dma_start3A_247 = tpu.memref_slice %arg20[%dma_start3A_244, %dma_start3A_245, %dma_start3A_246] : memref<4x128x128xf32, #tpu.memory_space<vmem>> -> memref<1x128x128xf32, #tpu.memory_space<vmem>>
    %dma_start3A_248 = tpu.memref_squeeze %dma_start3A_247 : memref<1x128x128xf32, #tpu.memory_space<vmem>> -> memref<128x128xf32, #tpu.memory_space<vmem>>
    %dma_start3A_249 = arith.constant 0 : i32
    %dma_start3A_250 = tpu.memref_slice %arg8[%add3A_243, %dma_start3A_249] : memref<131072x128xf32, #tpu.memory_space<hbm>> -> memref<128x128xf32, #tpu.memory_space<hbm>>
    %dma_start3A_251 = arith.constant 0 : i32
    %dma_start3A_252 = tpu.memref_slice %arg8[%add3A_243, %dma_start3A_251] : memref<131072x128xf32, #tpu.memory_space<hbm>> -> memref<128x128xf32, #tpu.memory_space<hbm>>
    %dma_start3A_253 = arith.constant 0 : i32
    %dma_start3A_254 = arith.constant 0 : i32
    %dma_start3A_255 = tpu.memref_slice %arg20[%dma_start3A_244, %dma_start3A_253, %dma_start3A_254] : memref<4x128x128xf32, #tpu.memory_space<vmem>> -> memref<1x128x128xf32, #tpu.memory_space<vmem>>
    %dma_start3A_256 = tpu.memref_squeeze %dma_start3A_255 : memref<1x128x128xf32, #tpu.memory_space<vmem>> -> memref<128x128xf32, #tpu.memory_space<vmem>>
    tpu.enqueue_dma source(%dma_start3A_256 : memref<128x128xf32, #tpu.memory_space<vmem>>) target(%dma_start3A_252 : memref<128x128xf32, #tpu.memory_space<hbm>>) target_semaphore(%arg22 : memref<!tpu.dma_semaphore, #tpu.memory_space<semaphore_mem>>)
    %add3A_257 = arith.constant 2176 : i32
    %add3A_258 = arith.addi %mul3A_2, %add3A_257 : i32
    %dma_start3A_259 = arith.constant 0 : i32
    %dma_start3A_260 = arith.constant 0 : i32
    %dma_start3A_261 = arith.constant 0 : i32
    %dma_start3A_262 = tpu.memref_slice %arg20[%dma_start3A_259, %dma_start3A_260, %dma_start3A_261] : memref<4x128x128xf32, #tpu.memory_space<vmem>> -> memref<1x128x128xf32, #tpu.memory_space<vmem>>
    %dma_start3A_263 = tpu.memref_squeeze %dma_start3A_262 : memref<1x128x128xf32, #tpu.memory_space<vmem>> -> memref<128x128xf32, #tpu.memory_space<vmem>>
    %dma_start3A_264 = arith.constant 0 : i32
    %dma_start3A_265 = tpu.memref_slice %arg8[%add3A_258, %dma_start3A_264] : memref<131072x128xf32, #tpu.memory_space<hbm>> -> memref<128x128xf32, #tpu.memory_space<hbm>>
    %dma_start3A_266 = arith.constant 0 : i32
    %dma_start3A_267 = tpu.memref_slice %arg8[%add3A_258, %dma_start3A_266] : memref<131072x128xf32, #tpu.memory_space<hbm>> -> memref<128x128xf32, #tpu.memory_space<hbm>>
    %dma_start3A_268 = arith.constant 0 : i32
    %dma_start3A_269 = arith.constant 0 : i32
    %dma_start3A_270 = tpu.memref_slice %arg20[%dma_start3A_259, %dma_start3A_268, %dma_start3A_269] : memref<4x128x128xf32, #tpu.memory_space<vmem>> -> memref<1x128x128xf32, #tpu.memory_space<vmem>>
    %dma_start3A_271 = tpu.memref_squeeze %dma_start3A_270 : memref<1x128x128xf32, #tpu.memory_space<vmem>> -> memref<128x128xf32, #tpu.memory_space<vmem>>
    tpu.enqueue_dma source(%dma_start3A_271 : memref<128x128xf32, #tpu.memory_space<vmem>>) target(%dma_start3A_267 : memref<128x128xf32, #tpu.memory_space<hbm>>) target_semaphore(%arg22 : memref<!tpu.dma_semaphore, #tpu.memory_space<semaphore_mem>>)
    %add3A_272 = arith.constant 2304 : i32
    %add3A_273 = arith.addi %mul3A_2, %add3A_272 : i32
    %dma_start3A_274 = arith.constant 0 : i32
    %dma_start3A_275 = arith.constant 0 : i32
    %dma_start3A_276 = arith.constant 0 : i32
    %dma_start3A_277 = tpu.memref_slice %arg20[%dma_start3A_274, %dma_start3A_275, %dma_start3A_276] : memref<4x128x128xf32, #tpu.memory_space<vmem>> -> memref<1x128x128xf32, #tpu.memory_space<vmem>>
    %dma_start3A_278 = tpu.memref_squeeze %dma_start3A_277 : memref<1x128x128xf32, #tpu.memory_space<vmem>> -> memref<128x128xf32, #tpu.memory_space<vmem>>
    %dma_start3A_279 = arith.constant 0 : i32
    %dma_start3A_280 = tpu.memref_slice %arg8[%add3A_273, %dma_start3A_279] : memref<131072x128xf32, #tpu.memory_space<hbm>> -> memref<128x128xf32, #tpu.memory_space<hbm>>
    %dma_start3A_281 = arith.constant 0 : i32
    %dma_start3A_282 = tpu.memref_slice %arg8[%add3A_273, %dma_start3A_281] : memref<131072x128xf32, #tpu.memory_space<hbm>> -> memref<128x128xf32, #tpu.memory_space<hbm>>
    %dma_start3A_283 = arith.constant 0 : i32
    %dma_start3A_284 = arith.constant 0 : i32
    %dma_start3A_285 = tpu.memref_slice %arg20[%dma_start3A_274, %dma_start3A_283, %dma_start3A_284] : memref<4x128x128xf32, #tpu.memory_space<vmem>> -> memref<1x128x128xf32, #tpu.memory_space<vmem>>
    %dma_start3A_286 = tpu.memref_squeeze %dma_start3A_285 : memref<1x128x128xf32, #tpu.memory_space<vmem>> -> memref<128x128xf32, #tpu.memory_space<vmem>>
    tpu.enqueue_dma source(%dma_start3A_286 : memref<128x128xf32, #tpu.memory_space<vmem>>) target(%dma_start3A_282 : memref<128x128xf32, #tpu.memory_space<hbm>>) target_semaphore(%arg22 : memref<!tpu.dma_semaphore, #tpu.memory_space<semaphore_mem>>)
    %add3A_287 = arith.constant 2432 : i32
    %add3A_288 = arith.addi %mul3A_2, %add3A_287 : i32
    %dma_start3A_289 = arith.constant 0 : i32
    %dma_start3A_290 = arith.constant 0 : i32
    %dma_start3A_291 = arith.constant 0 : i32
    %dma_start3A_292 = tpu.memref_slice %arg20[%dma_start3A_289, %dma_start3A_290, %dma_start3A_291] : memref<4x128x128xf32, #tpu.memory_space<vmem>> -> memref<1x128x128xf32, #tpu.memory_space<vmem>>
    %dma_start3A_293 = tpu.memref_squeeze %dma_start3A_292 : memref<1x128x128xf32, #tpu.memory_space<vmem>> -> memref<128x128xf32, #tpu.memory_space<vmem>>
    %dma_start3A_294 = arith.constant 0 : i32
    %dma_start3A_295 = tpu.memref_slice %arg8[%add3A_288, %dma_start3A_294] : memref<131072x128xf32, #tpu.memory_space<hbm>> -> memref<128x128xf32, #tpu.memory_space<hbm>>
    %dma_start3A_296 = arith.constant 0 : i32
    %dma_start3A_297 = tpu.memref_slice %arg8[%add3A_288, %dma_start3A_296] : memref<131072x128xf32, #tpu.memory_space<hbm>> -> memref<128x128xf32, #tpu.memory_space<hbm>>
    %dma_start3A_298 = arith.constant 0 : i32
    %dma_start3A_299 = arith.constant 0 : i32
    %dma_start3A_300 = tpu.memref_slice %arg20[%dma_start3A_289, %dma_start3A_298, %dma_start3A_299] : memref<4x128x128xf32, #tpu.memory_space<vmem>> -> memref<1x128x128xf32, #tpu.memory_space<vmem>>
    %dma_start3A_301 = tpu.memref_squeeze %dma_start3A_300 : memref<1x128x128xf32, #tpu.memory_space<vmem>> -> memref<128x128xf32, #tpu.memory_space<vmem>>
    tpu.enqueue_dma source(%dma_start3A_301 : memref<128x128xf32, #tpu.memory_space<vmem>>) target(%dma_start3A_297 : memref<128x128xf32, #tpu.memory_space<hbm>>) target_semaphore(%arg22 : memref<!tpu.dma_semaphore, #tpu.memory_space<semaphore_mem>>)
    %add3A_302 = arith.constant 2560 : i32
    %add3A_303 = arith.addi %mul3A_2, %add3A_302 : i32
    %dma_start3A_304 = arith.constant 0 : i32
    %dma_start3A_305 = arith.constant 0 : i32
    %dma_start3A_306 = arith.constant 0 : i32
    %dma_start3A_307 = tpu.memref_slice %arg20[%dma_start3A_304, %dma_start3A_305, %dma_start3A_306] : memref<4x128x128xf32, #tpu.memory_space<vmem>> -> memref<1x128x128xf32, #tpu.memory_space<vmem>>
    %dma_start3A_308 = tpu.memref_squeeze %dma_start3A_307 : memref<1x128x128xf32, #tpu.memory_space<vmem>> -> memref<128x128xf32, #tpu.memory_space<vmem>>
    %dma_start3A_309 = arith.constant 0 : i32
    %dma_start3A_310 = tpu.memref_slice %arg8[%add3A_303, %dma_start3A_309] : memref<131072x128xf32, #tpu.memory_space<hbm>> -> memref<128x128xf32, #tpu.memory_space<hbm>>
    %dma_start3A_311 = arith.constant 0 : i32
    %dma_start3A_312 = tpu.memref_slice %arg8[%add3A_303, %dma_start3A_311] : memref<131072x128xf32, #tpu.memory_space<hbm>> -> memref<128x128xf32, #tpu.memory_space<hbm>>
    %dma_start3A_313 = arith.constant 0 : i32
    %dma_start3A_314 = arith.constant 0 : i32
    %dma_start3A_315 = tpu.memref_slice %arg20[%dma_start3A_304, %dma_start3A_313, %dma_start3A_314] : memref<4x128x128xf32, #tpu.memory_space<vmem>> -> memref<1x128x128xf32, #tpu.memory_space<vmem>>
    %dma_start3A_316 = tpu.memref_squeeze %dma_start3A_315 : memref<1x128x128xf32, #tpu.memory_space<vmem>> -> memref<128x128xf32, #tpu.memory_space<vmem>>
    tpu.enqueue_dma source(%dma_start3A_316 : memref<128x128xf32, #tpu.memory_space<vmem>>) target(%dma_start3A_312 : memref<128x128xf32, #tpu.memory_space<hbm>>) target_semaphore(%arg22 : memref<!tpu.dma_semaphore, #tpu.memory_space<semaphore_mem>>)
    %add3A_317 = arith.constant 2688 : i32
    %add3A_318 = arith.addi %mul3A_2, %add3A_317 : i32
    %dma_start3A_319 = arith.constant 0 : i32
    %dma_start3A_320 = arith.constant 0 : i32
    %dma_start3A_321 = arith.constant 0 : i32
    %dma_start3A_322 = tpu.memref_slice %arg20[%dma_start3A_319, %dma_start3A_320, %dma_start3A_321] : memref<4x128x128xf32, #tpu.memory_space<vmem>> -> memref<1x128x128xf32, #tpu.memory_space<vmem>>
    %dma_start3A_323 = tpu.memref_squeeze %dma_start3A_322 : memref<1x128x128xf32, #tpu.memory_space<vmem>> -> memref<128x128xf32, #tpu.memory_space<vmem>>
    %dma_start3A_324 = arith.constant 0 : i32
    %dma_start3A_325 = tpu.memref_slice %arg8[%add3A_318, %dma_start3A_324] : memref<131072x128xf32, #tpu.memory_space<hbm>> -> memref<128x128xf32, #tpu.memory_space<hbm>>
    %dma_start3A_326 = arith.constant 0 : i32
    %dma_start3A_327 = tpu.memref_slice %arg8[%add3A_318, %dma_start3A_326] : memref<131072x128xf32, #tpu.memory_space<hbm>> -> memref<128x128xf32, #tpu.memory_space<hbm>>
    %dma_start3A_328 = arith.constant 0 : i32
    %dma_start3A_329 = arith.constant 0 : i32
    %dma_start3A_330 = tpu.memref_slice %arg20[%dma_start3A_319, %dma_start3A_328, %dma_start3A_329] : memref<4x128x128xf32, #tpu.memory_space<vmem>> -> memref<1x128x128xf32, #tpu.memory_space<vmem>>
    %dma_start3A_331 = tpu.memref_squeeze %dma_start3A_330 : memref<1x128x128xf32, #tpu.memory_space<vmem>> -> memref<128x128xf32, #tpu.memory_space<vmem>>
    tpu.enqueue_dma source(%dma_start3A_331 : memref<128x128xf32, #tpu.memory_space<vmem>>) target(%dma_start3A_327 : memref<128x128xf32, #tpu.memory_space<hbm>>) target_semaphore(%arg22 : memref<!tpu.dma_semaphore, #tpu.memory_space<semaphore_mem>>)
    %add3A_332 = arith.constant 2816 : i32
    %add3A_333 = arith.addi %mul3A_2, %add3A_332 : i32
    %dma_start3A_334 = arith.constant 0 : i32
    %dma_start3A_335 = arith.constant 0 : i32
    %dma_start3A_336 = arith.constant 0 : i32
    %dma_start3A_337 = tpu.memref_slice %arg20[%dma_start3A_334, %dma_start3A_335, %dma_start3A_336] : memref<4x128x128xf32, #tpu.memory_space<vmem>> -> memref<1x128x128xf32, #tpu.memory_space<vmem>>
    %dma_start3A_338 = tpu.memref_squeeze %dma_start3A_337 : memref<1x128x128xf32, #tpu.memory_space<vmem>> -> memref<128x128xf32, #tpu.memory_space<vmem>>
    %dma_start3A_339 = arith.constant 0 : i32
    %dma_start3A_340 = tpu.memref_slice %arg8[%add3A_333, %dma_start3A_339] : memref<131072x128xf32, #tpu.memory_space<hbm>> -> memref<128x128xf32, #tpu.memory_space<hbm>>
    %dma_start3A_341 = arith.constant 0 : i32
    %dma_start3A_342 = tpu.memref_slice %arg8[%add3A_333, %dma_start3A_341] : memref<131072x128xf32, #tpu.memory_space<hbm>> -> memref<128x128xf32, #tpu.memory_space<hbm>>
    %dma_start3A_343 = arith.constant 0 : i32
    %dma_start3A_344 = arith.constant 0 : i32
    %dma_start3A_345 = tpu.memref_slice %arg20[%dma_start3A_334, %dma_start3A_343, %dma_start3A_344] : memref<4x128x128xf32, #tpu.memory_space<vmem>> -> memref<1x128x128xf32, #tpu.memory_space<vmem>>
    %dma_start3A_346 = tpu.memref_squeeze %dma_start3A_345 : memref<1x128x128xf32, #tpu.memory_space<vmem>> -> memref<128x128xf32, #tpu.memory_space<vmem>>
    tpu.enqueue_dma source(%dma_start3A_346 : memref<128x128xf32, #tpu.memory_space<vmem>>) target(%dma_start3A_342 : memref<128x128xf32, #tpu.memory_space<hbm>>) target_semaphore(%arg22 : memref<!tpu.dma_semaphore, #tpu.memory_space<semaphore_mem>>)
    %add3A_347 = arith.constant 2944 : i32
    %add3A_348 = arith.addi %mul3A_2, %add3A_347 : i32
    %dma_start3A_349 = arith.constant 0 : i32
    %dma_start3A_350 = arith.constant 0 : i32
    %dma_start3A_351 = arith.constant 0 : i32
    %dma_start3A_352 = tpu.memref_slice %arg20[%dma_start3A_349, %dma_start3A_350, %dma_start3A_351] : memref<4x128x128xf32, #tpu.memory_space<vmem>> -> memref<1x128x128xf32, #tpu.memory_space<vmem>>
    %dma_start3A_353 = tpu.memref_squeeze %dma_start3A_352 : memref<1x128x128xf32, #tpu.memory_space<vmem>> -> memref<128x128xf32, #tpu.memory_space<vmem>>
    %dma_start3A_354 = arith.constant 0 : i32
    %dma_start3A_355 = tpu.memref_slice %arg8[%add3A_348, %dma_start3A_354] : memref<131072x128xf32, #tpu.memory_space<hbm>> -> memref<128x128xf32, #tpu.memory_space<hbm>>
    %dma_start3A_356 = arith.constant 0 : i32
    %dma_start3A_357 = tpu.memref_slice %arg8[%add3A_348, %dma_start3A_356] : memref<131072x128xf32, #tpu.memory_space<hbm>> -> memref<128x128xf32, #tpu.memory_space<hbm>>
    %dma_start3A_358 = arith.constant 0 : i32
    %dma_start3A_359 = arith.constant 0 : i32
    %dma_start3A_360 = tpu.memref_slice %arg20[%dma_start3A_349, %dma_start3A_358, %dma_start3A_359] : memref<4x128x128xf32, #tpu.memory_space<vmem>> -> memref<1x128x128xf32, #tpu.memory_space<vmem>>
    %dma_start3A_361 = tpu.memref_squeeze %dma_start3A_360 : memref<1x128x128xf32, #tpu.memory_space<vmem>> -> memref<128x128xf32, #tpu.memory_space<vmem>>
    tpu.enqueue_dma source(%dma_start3A_361 : memref<128x128xf32, #tpu.memory_space<vmem>>) target(%dma_start3A_357 : memref<128x128xf32, #tpu.memory_space<hbm>>) target_semaphore(%arg22 : memref<!tpu.dma_semaphore, #tpu.memory_space<semaphore_mem>>)
    %add3A_362 = arith.constant 3072 : i32
    %add3A_363 = arith.addi %mul3A_2, %add3A_362 : i32
    %dma_start3A_364 = arith.constant 0 : i32
    %dma_start3A_365 = arith.constant 0 : i32
    %dma_start3A_366 = arith.constant 0 : i32
    %dma_start3A_367 = tpu.memref_slice %arg20[%dma_start3A_364, %dma_start3A_365, %dma_start3A_366] : memref<4x128x128xf32, #tpu.memory_space<vmem>> -> memref<1x128x128xf32, #tpu.memory_space<vmem>>
    %dma_start3A_368 = tpu.memref_squeeze %dma_start3A_367 : memref<1x128x128xf32, #tpu.memory_space<vmem>> -> memref<128x128xf32, #tpu.memory_space<vmem>>
    %dma_start3A_369 = arith.constant 0 : i32
    %dma_start3A_370 = tpu.memref_slice %arg8[%add3A_363, %dma_start3A_369] : memref<131072x128xf32, #tpu.memory_space<hbm>> -> memref<128x128xf32, #tpu.memory_space<hbm>>
    %dma_start3A_371 = arith.constant 0 : i32
    %dma_start3A_372 = tpu.memref_slice %arg8[%add3A_363, %dma_start3A_371] : memref<131072x128xf32, #tpu.memory_space<hbm>> -> memref<128x128xf32, #tpu.memory_space<hbm>>
    %dma_start3A_373 = arith.constant 0 : i32
    %dma_start3A_374 = arith.constant 0 : i32
    %dma_start3A_375 = tpu.memref_slice %arg20[%dma_start3A_364, %dma_start3A_373, %dma_start3A_374] : memref<4x128x128xf32, #tpu.memory_space<vmem>> -> memref<1x128x128xf32, #tpu.memory_space<vmem>>
    %dma_start3A_376 = tpu.memref_squeeze %dma_start3A_375 : memref<1x128x128xf32, #tpu.memory_space<vmem>> -> memref<128x128xf32, #tpu.memory_space<vmem>>
    tpu.enqueue_dma source(%dma_start3A_376 : memref<128x128xf32, #tpu.memory_space<vmem>>) target(%dma_start3A_372 : memref<128x128xf32, #tpu.memory_space<hbm>>) target_semaphore(%arg22 : memref<!tpu.dma_semaphore, #tpu.memory_space<semaphore_mem>>)
    %add3A_377 = arith.constant 3200 : i32
    %add3A_378 = arith.addi %mul3A_2, %add3A_377 : i32
    %dma_start3A_379 = arith.constant 0 : i32
    %dma_start3A_380 = arith.constant 0 : i32
    %dma_start3A_381 = arith.constant 0 : i32
    %dma_start3A_382 = tpu.memref_slice %arg20[%dma_start3A_379, %dma_start3A_380, %dma_start3A_381] : memref<4x128x128xf32, #tpu.memory_space<vmem>> -> memref<1x128x128xf32, #tpu.memory_space<vmem>>
    %dma_start3A_383 = tpu.memref_squeeze %dma_start3A_382 : memref<1x128x128xf32, #tpu.memory_space<vmem>> -> memref<128x128xf32, #tpu.memory_space<vmem>>
    %dma_start3A_384 = arith.constant 0 : i32
    %dma_start3A_385 = tpu.memref_slice %arg8[%add3A_378, %dma_start3A_384] : memref<131072x128xf32, #tpu.memory_space<hbm>> -> memref<128x128xf32, #tpu.memory_space<hbm>>
    %dma_start3A_386 = arith.constant 0 : i32
    %dma_start3A_387 = tpu.memref_slice %arg8[%add3A_378, %dma_start3A_386] : memref<131072x128xf32, #tpu.memory_space<hbm>> -> memref<128x128xf32, #tpu.memory_space<hbm>>
    %dma_start3A_388 = arith.constant 0 : i32
    %dma_start3A_389 = arith.constant 0 : i32
    %dma_start3A_390 = tpu.memref_slice %arg20[%dma_start3A_379, %dma_start3A_388, %dma_start3A_389] : memref<4x128x128xf32, #tpu.memory_space<vmem>> -> memref<1x128x128xf32, #tpu.memory_space<vmem>>
    %dma_start3A_391 = tpu.memref_squeeze %dma_start3A_390 : memref<1x128x128xf32, #tpu.memory_space<vmem>> -> memref<128x128xf32, #tpu.memory_space<vmem>>
    tpu.enqueue_dma source(%dma_start3A_391 : memref<128x128xf32, #tpu.memory_space<vmem>>) target(%dma_start3A_387 : memref<128x128xf32, #tpu.memory_space<hbm>>) target_semaphore(%arg22 : memref<!tpu.dma_semaphore, #tpu.memory_space<semaphore_mem>>)
    %add3A_392 = arith.constant 3328 : i32
    %add3A_393 = arith.addi %mul3A_2, %add3A_392 : i32
    %dma_start3A_394 = arith.constant 0 : i32
    %dma_start3A_395 = arith.constant 0 : i32
    %dma_start3A_396 = arith.constant 0 : i32
    %dma_start3A_397 = tpu.memref_slice %arg20[%dma_start3A_394, %dma_start3A_395, %dma_start3A_396] : memref<4x128x128xf32, #tpu.memory_space<vmem>> -> memref<1x128x128xf32, #tpu.memory_space<vmem>>
    %dma_start3A_398 = tpu.memref_squeeze %dma_start3A_397 : memref<1x128x128xf32, #tpu.memory_space<vmem>> -> memref<128x128xf32, #tpu.memory_space<vmem>>
    %dma_start3A_399 = arith.constant 0 : i32
    %dma_start3A_400 = tpu.memref_slice %arg8[%add3A_393, %dma_start3A_399] : memref<131072x128xf32, #tpu.memory_space<hbm>> -> memref<128x128xf32, #tpu.memory_space<hbm>>
    %dma_start3A_401 = arith.constant 0 : i32
    %dma_start3A_402 = tpu.memref_slice %arg8[%add3A_393, %dma_start3A_401] : memref<131072x128xf32, #tpu.memory_space<hbm>> -> memref<128x128xf32, #tpu.memory_space<hbm>>
    %dma_start3A_403 = arith.constant 0 : i32
    %dma_start3A_404 = arith.constant 0 : i32
    %dma_start3A_405 = tpu.memref_slice %arg20[%dma_start3A_394, %dma_start3A_403, %dma_start3A_404] : memref<4x128x128xf32, #tpu.memory_space<vmem>> -> memref<1x128x128xf32, #tpu.memory_space<vmem>>
    %dma_start3A_406 = tpu.memref_squeeze %dma_start3A_405 : memref<1x128x128xf32, #tpu.memory_space<vmem>> -> memref<128x128xf32, #tpu.memory_space<vmem>>
    tpu.enqueue_dma source(%dma_start3A_406 : memref<128x128xf32, #tpu.memory_space<vmem>>) target(%dma_start3A_402 : memref<128x128xf32, #tpu.memory_space<hbm>>) target_semaphore(%arg22 : memref<!tpu.dma_semaphore, #tpu.memory_space<semaphore_mem>>)
    %add3A_407 = arith.constant 3456 : i32
    %add3A_408 = arith.addi %mul3A_2, %add3A_407 : i32
    %dma_start3A_409 = arith.constant 0 : i32
    %dma_start3A_410 = arith.constant 0 : i32
    %dma_start3A_411 = arith.constant 0 : i32
    %dma_start3A_412 = tpu.memref_slice %arg20[%dma_start3A_409, %dma_start3A_410, %dma_start3A_411] : memref<4x128x128xf32, #tpu.memory_space<vmem>> -> memref<1x128x128xf32, #tpu.memory_space<vmem>>
    %dma_start3A_413 = tpu.memref_squeeze %dma_start3A_412 : memref<1x128x128xf32, #tpu.memory_space<vmem>> -> memref<128x128xf32, #tpu.memory_space<vmem>>
    %dma_start3A_414 = arith.constant 0 : i32
    %dma_start3A_415 = tpu.memref_slice %arg8[%add3A_408, %dma_start3A_414] : memref<131072x128xf32, #tpu.memory_space<hbm>> -> memref<128x128xf32, #tpu.memory_space<hbm>>
    %dma_start3A_416 = arith.constant 0 : i32
    %dma_start3A_417 = tpu.memref_slice %arg8[%add3A_408, %dma_start3A_416] : memref<131072x128xf32, #tpu.memory_space<hbm>> -> memref<128x128xf32, #tpu.memory_space<hbm>>
    %dma_start3A_418 = arith.constant 0 : i32
    %dma_start3A_419 = arith.constant 0 : i32
    %dma_start3A_420 = tpu.memref_slice %arg20[%dma_start3A_409, %dma_start3A_418, %dma_start3A_419] : memref<4x128x128xf32, #tpu.memory_space<vmem>> -> memref<1x128x128xf32, #tpu.memory_space<vmem>>
    %dma_start3A_421 = tpu.memref_squeeze %dma_start3A_420 : memref<1x128x128xf32, #tpu.memory_space<vmem>> -> memref<128x128xf32, #tpu.memory_space<vmem>>
    tpu.enqueue_dma source(%dma_start3A_421 : memref<128x128xf32, #tpu.memory_space<vmem>>) target(%dma_start3A_417 : memref<128x128xf32, #tpu.memory_space<hbm>>) target_semaphore(%arg22 : memref<!tpu.dma_semaphore, #tpu.memory_space<semaphore_mem>>)
    %add3A_422 = arith.constant 3584 : i32
    %add3A_423 = arith.addi %mul3A_2, %add3A_422 : i32
    %dma_start3A_424 = arith.constant 0 : i32
    %dma_start3A_425 = arith.constant 0 : i32
    %dma_start3A_426 = arith.constant 0 : i32
    %dma_start3A_427 = tpu.memref_slice %arg20[%dma_start3A_424, %dma_start3A_425, %dma_start3A_426] : memref<4x128x128xf32, #tpu.memory_space<vmem>> -> memref<1x128x128xf32, #tpu.memory_space<vmem>>
    %dma_start3A_428 = tpu.memref_squeeze %dma_start3A_427 : memref<1x128x128xf32, #tpu.memory_space<vmem>> -> memref<128x128xf32, #tpu.memory_space<vmem>>
    %dma_start3A_429 = arith.constant 0 : i32
    %dma_start3A_430 = tpu.memref_slice %arg8[%add3A_423, %dma_start3A_429] : memref<131072x128xf32, #tpu.memory_space<hbm>> -> memref<128x128xf32, #tpu.memory_space<hbm>>
    %dma_start3A_431 = arith.constant 0 : i32
    %dma_start3A_432 = tpu.memref_slice %arg8[%add3A_423, %dma_start3A_431] : memref<131072x128xf32, #tpu.memory_space<hbm>> -> memref<128x128xf32, #tpu.memory_space<hbm>>
    %dma_start3A_433 = arith.constant 0 : i32
    %dma_start3A_434 = arith.constant 0 : i32
    %dma_start3A_435 = tpu.memref_slice %arg20[%dma_start3A_424, %dma_start3A_433, %dma_start3A_434] : memref<4x128x128xf32, #tpu.memory_space<vmem>> -> memref<1x128x128xf32, #tpu.memory_space<vmem>>
    %dma_start3A_436 = tpu.memref_squeeze %dma_start3A_435 : memref<1x128x128xf32, #tpu.memory_space<vmem>> -> memref<128x128xf32, #tpu.memory_space<vmem>>
    tpu.enqueue_dma source(%dma_start3A_436 : memref<128x128xf32, #tpu.memory_space<vmem>>) target(%dma_start3A_432 : memref<128x128xf32, #tpu.memory_space<hbm>>) target_semaphore(%arg22 : memref<!tpu.dma_semaphore, #tpu.memory_space<semaphore_mem>>)
    %add3A_437 = arith.constant 3712 : i32
    %add3A_438 = arith.addi %mul3A_2, %add3A_437 : i32
    %dma_start3A_439 = arith.constant 0 : i32
    %dma_start3A_440 = arith.constant 0 : i32
    %dma_start3A_441 = arith.constant 0 : i32
    %dma_start3A_442 = tpu.memref_slice %arg20[%dma_start3A_439, %dma_start3A_440, %dma_start3A_441] : memref<4x128x128xf32, #tpu.memory_space<vmem>> -> memref<1x128x128xf32, #tpu.memory_space<vmem>>
    %dma_start3A_443 = tpu.memref_squeeze %dma_start3A_442 : memref<1x128x128xf32, #tpu.memory_space<vmem>> -> memref<128x128xf32, #tpu.memory_space<vmem>>
    %dma_start3A_444 = arith.constant 0 : i32
    %dma_start3A_445 = tpu.memref_slice %arg8[%add3A_438, %dma_start3A_444] : memref<131072x128xf32, #tpu.memory_space<hbm>> -> memref<128x128xf32, #tpu.memory_space<hbm>>
    %dma_start3A_446 = arith.constant 0 : i32
    %dma_start3A_447 = tpu.memref_slice %arg8[%add3A_438, %dma_start3A_446] : memref<131072x128xf32, #tpu.memory_space<hbm>> -> memref<128x128xf32, #tpu.memory_space<hbm>>
    %dma_start3A_448 = arith.constant 0 : i32
    %dma_start3A_449 = arith.constant 0 : i32
    %dma_start3A_450 = tpu.memref_slice %arg20[%dma_start3A_439, %dma_start3A_448, %dma_start3A_449] : memref<4x128x128xf32, #tpu.memory_space<vmem>> -> memref<1x128x128xf32, #tpu.memory_space<vmem>>
    %dma_start3A_451 = tpu.memref_squeeze %dma_start3A_450 : memref<1x128x128xf32, #tpu.memory_space<vmem>> -> memref<128x128xf32, #tpu.memory_space<vmem>>
    tpu.enqueue_dma source(%dma_start3A_451 : memref<128x128xf32, #tpu.memory_space<vmem>>) target(%dma_start3A_447 : memref<128x128xf32, #tpu.memory_space<hbm>>) target_semaphore(%arg22 : memref<!tpu.dma_semaphore, #tpu.memory_space<semaphore_mem>>)
    %add3A_452 = arith.constant 3840 : i32
    %add3A_453 = arith.addi %mul3A_2, %add3A_452 : i32
    %dma_start3A_454 = arith.constant 0 : i32
    %dma_start3A_455 = arith.constant 0 : i32
    %dma_start3A_456 = arith.constant 0 : i32
    %dma_start3A_457 = tpu.memref_slice %arg20[%dma_start3A_454, %dma_start3A_455, %dma_start3A_456] : memref<4x128x128xf32, #tpu.memory_space<vmem>> -> memref<1x128x128xf32, #tpu.memory_space<vmem>>
    %dma_start3A_458 = tpu.memref_squeeze %dma_start3A_457 : memref<1x128x128xf32, #tpu.memory_space<vmem>> -> memref<128x128xf32, #tpu.memory_space<vmem>>
    %dma_start3A_459 = arith.constant 0 : i32
    %dma_start3A_460 = tpu.memref_slice %arg8[%add3A_453, %dma_start3A_459] : memref<131072x128xf32, #tpu.memory_space<hbm>> -> memref<128x128xf32, #tpu.memory_space<hbm>>
    %dma_start3A_461 = arith.constant 0 : i32
    %dma_start3A_462 = tpu.memref_slice %arg8[%add3A_453, %dma_start3A_461] : memref<131072x128xf32, #tpu.memory_space<hbm>> -> memref<128x128xf32, #tpu.memory_space<hbm>>
    %dma_start3A_463 = arith.constant 0 : i32
    %dma_start3A_464 = arith.constant 0 : i32
    %dma_start3A_465 = tpu.memref_slice %arg20[%dma_start3A_454, %dma_start3A_463, %dma_start3A_464] : memref<4x128x128xf32, #tpu.memory_space<vmem>> -> memref<1x128x128xf32, #tpu.memory_space<vmem>>
    %dma_start3A_466 = tpu.memref_squeeze %dma_start3A_465 : memref<1x128x128xf32, #tpu.memory_space<vmem>> -> memref<128x128xf32, #tpu.memory_space<vmem>>
    tpu.enqueue_dma source(%dma_start3A_466 : memref<128x128xf32, #tpu.memory_space<vmem>>) target(%dma_start3A_462 : memref<128x128xf32, #tpu.memory_space<hbm>>) target_semaphore(%arg22 : memref<!tpu.dma_semaphore, #tpu.memory_space<semaphore_mem>>)
    %add3A_467 = arith.constant 3968 : i32
    %add3A_468 = arith.addi %mul3A_2, %add3A_467 : i32
    %dma_start3A_469 = arith.constant 0 : i32
    %dma_start3A_470 = arith.constant 0 : i32
    %dma_start3A_471 = arith.constant 0 : i32
    %dma_start3A_472 = tpu.memref_slice %arg20[%dma_start3A_469, %dma_start3A_470, %dma_start3A_471] : memref<4x128x128xf32, #tpu.memory_space<vmem>> -> memref<1x128x128xf32, #tpu.memory_space<vmem>>
    %dma_start3A_473 = tpu.memref_squeeze %dma_start3A_472 : memref<1x128x128xf32, #tpu.memory_space<vmem>> -> memref<128x128xf32, #tpu.memory_space<vmem>>
    %dma_start3A_474 = arith.constant 0 : i32
    %dma_start3A_475 = tpu.memref_slice %arg8[%add3A_468, %dma_start3A_474] : memref<131072x128xf32, #tpu.memory_space<hbm>> -> memref<128x128xf32, #tpu.memory_space<hbm>>
    %dma_start3A_476 = arith.constant 0 : i32
    %dma_start3A_477 = tpu.memref_slice %arg8[%add3A_468, %dma_start3A_476] : memref<131072x128xf32, #tpu.memory_space<hbm>> -> memref<128x128xf32, #tpu.memory_space<hbm>>
    %dma_start3A_478 = arith.constant 0 : i32
    %dma_start3A_479 = arith.constant 0 : i32
    %dma_start3A_480 = tpu.memref_slice %arg20[%dma_start3A_469, %dma_start3A_478, %dma_start3A_479] : memref<4x128x128xf32, #tpu.memory_space<vmem>> -> memref<1x128x128xf32, #tpu.memory_space<vmem>>
    %dma_start3A_481 = tpu.memref_squeeze %dma_start3A_480 : memref<1x128x128xf32, #tpu.memory_space<vmem>> -> memref<128x128xf32, #tpu.memory_space<vmem>>
    tpu.enqueue_dma source(%dma_start3A_481 : memref<128x128xf32, #tpu.memory_space<vmem>>) target(%dma_start3A_477 : memref<128x128xf32, #tpu.memory_space<hbm>>) target_semaphore(%arg22 : memref<!tpu.dma_semaphore, #tpu.memory_space<semaphore_mem>>)
    %scan3A = arith.constant 0 : i32
    %scan3A_482 = arith.constant 0 : i32
    %scan3A_483 = arith.constant 64 : i32
    %scan3A_484 = arith.addi %scan3A_482, %scan3A_483 : i32
    %scan3A_485 = arith.constant 1 : i32
    %scan3A_486 = scf.for %scan3A_1350 = %scan3A_482 to %scan3A_484 step %scan3A_485 iter_args(%scan3A_1351 = %scan3A) -> (i32)  : i32 {
      %broadcast_in_dim3A = arith.constant 0 : i32
      %broadcast_in_dim3A_1352 = vector.broadcast %broadcast_in_dim3A : i32 to vector<16xi32>
      %mul3A_1353 = arith.constant 64 : i32
      %mul3A_1354 = arith.muli %scan3A_1350, %mul3A_1353 : i32
      %add3A_1355 = arith.constant 0 : i32
      %add3A_1356 = arith.addi %mul3A_1354, %add3A_1355 : i32
      %swap3A = arith.index_cast %add3A_1356 : i32 to index
      %swap3A_1357 = tpu.vector_load %arg13[%swap3A] {strides = array<i32>} : memref<4096xi32, #tpu.memory_space<vmem>>, vector<16xi32>,
      tpu.vector_store %arg13[%swap3A], %broadcast_in_dim3A_1352 {strides = array<i32>} : memref<4096xi32, #tpu.memory_space<vmem>>, vector<16xi32>,
      %mul3A_1358 = arith.constant 64 : i32
      %mul3A_1359 = arith.muli %scan3A_1350, %mul3A_1358 : i32
      %add3A_1360 = arith.constant 0 : i32
      %add3A_1361 = arith.addi %mul3A_1359, %add3A_1360 : i32
      %swap3A_1362 = arith.index_cast %add3A_1361 : i32 to index
      %swap3A_1363 = tpu.vector_load %arg14[%swap3A_1362] {strides = array<i32>} : memref<4096xi32, #tpu.memory_space<vmem>>, vector<16xi32>,
      tpu.vector_store %arg14[%swap3A_1362], %broadcast_in_dim3A_1352 {strides = array<i32>} : memref<4096xi32, #tpu.memory_space<vmem>>, vector<16xi32>,
      %mul3A_1364 = arith.constant 64 : i32
      %mul3A_1365 = arith.muli %scan3A_1350, %mul3A_1364 : i32
      %add3A_1366 = arith.constant 16 : i32
      %add3A_1367 = arith.addi %mul3A_1365, %add3A_1366 : i32
      %swap3A_1368 = arith.index_cast %add3A_1367 : i32 to index
      %swap3A_1369 = tpu.vector_load %arg13[%swap3A_1368] {strides = array<i32>} : memref<4096xi32, #tpu.memory_space<vmem>>, vector<16xi32>,
      tpu.vector_store %arg13[%swap3A_1368], %broadcast_in_dim3A_1352 {strides = array<i32>} : memref<4096xi32, #tpu.memory_space<vmem>>, vector<16xi32>,
      %mul3A_1370 = arith.constant 64 : i32
      %mul3A_1371 = arith.muli %scan3A_1350, %mul3A_1370 : i32
      %add3A_1372 = arith.constant 16 : i32
      %add3A_1373 = arith.addi %mul3A_1371, %add3A_1372 : i32
      %swap3A_1374 = arith.index_cast %add3A_1373 : i32 to index
      %swap3A_1375 = tpu.vector_load %arg14[%swap3A_1374] {strides = array<i32>} : memref<4096xi32, #tpu.memory_space<vmem>>, vector<16xi32>,
      tpu.vector_store %arg14[%swap3A_1374], %broadcast_in_dim3A_1352 {strides = array<i32>} : memref<4096xi32, #tpu.memory_space<vmem>>, vector<16xi32>,
      %mul3A_1376 = arith.constant 64 : i32
      %mul3A_1377 = arith.muli %scan3A_1350, %mul3A_1376 : i32
      %add3A_1378 = arith.constant 32 : i32
      %add3A_1379 = arith.addi %mul3A_1377, %add3A_1378 : i32
      %swap3A_1380 = arith.index_cast %add3A_1379 : i32 to index
      %swap3A_1381 = tpu.vector_load %arg13[%swap3A_1380] {strides = array<i32>} : memref<4096xi32, #tpu.memory_space<vmem>>, vector<16xi32>,
      tpu.vector_store %arg13[%swap3A_1380], %broadcast_in_dim3A_1352 {strides = array<i32>} : memref<4096xi32, #tpu.memory_space<vmem>>, vector<16xi32>,
      %mul3A_1382 = arith.constant 64 : i32
      %mul3A_1383 = arith.muli %scan3A_1350, %mul3A_1382 : i32
      %add3A_1384 = arith.constant 32 : i32
      %add3A_1385 = arith.addi %mul3A_1383, %add3A_1384 : i32
      %swap3A_1386 = arith.index_cast %add3A_1385 : i32 to index
      %swap3A_1387 = tpu.vector_load %arg14[%swap3A_1386] {strides = array<i32>} : memref<4096xi32, #tpu.memory_space<vmem>>, vector<16xi32>,
      tpu.vector_store %arg14[%swap3A_1386], %broadcast_in_dim3A_1352 {strides = array<i32>} : memref<4096xi32, #tpu.memory_space<vmem>>, vector<16xi32>,
      %mul3A_1388 = arith.constant 64 : i32
      %mul3A_1389 = arith.muli %scan3A_1350, %mul3A_1388 : i32
      %add3A_1390 = arith.constant 48 : i32
      %add3A_1391 = arith.addi %mul3A_1389, %add3A_1390 : i32
      %swap3A_1392 = arith.index_cast %add3A_1391 : i32 to index
      %swap3A_1393 = tpu.vector_load %arg13[%swap3A_1392] {strides = array<i32>} : memref<4096xi32, #tpu.memory_space<vmem>>, vector<16xi32>,
      tpu.vector_store %arg13[%swap3A_1392], %broadcast_in_dim3A_1352 {strides = array<i32>} : memref<4096xi32, #tpu.memory_space<vmem>>, vector<16xi32>,
      %mul3A_1394 = arith.constant 64 : i32
      %mul3A_1395 = arith.muli %scan3A_1350, %mul3A_1394 : i32
      %add3A_1396 = arith.constant 48 : i32
      %add3A_1397 = arith.addi %mul3A_1395, %add3A_1396 : i32
      %swap3A_1398 = arith.index_cast %add3A_1397 : i32 to index
      %swap3A_1399 = tpu.vector_load %arg14[%swap3A_1398] {strides = array<i32>} : memref<4096xi32, #tpu.memory_space<vmem>>, vector<16xi32>,
      tpu.vector_store %arg14[%swap3A_1398], %broadcast_in_dim3A_1352 {strides = array<i32>} : memref<4096xi32, #tpu.memory_space<vmem>>, vector<16xi32>,
      %scan3A_1400 = arith.constant 0 : i32
      scf.yield %scan3A_1400 : i32
    }
    %scan3A_487 = arith.constant 64 : i32
    "tpu.trace_start"() <{level = 10 : i32, message = "scan_j"}> : () -> ()
    %dma_start3A_488 = arith.constant 0 : i32
    %dma_start3A_489 = tpu.memref_slice %arg3[%dma_start3A_488] : memref<16384xi32, #tpu.memory_space<hbm>> -> memref<4096xi32, #tpu.memory_space<hbm>>
    %dma_start3A_490 = arith.constant 0 : i32
    %dma_start3A_491 = tpu.memref_slice %arg3[%dma_start3A_490] : memref<16384xi32, #tpu.memory_space<hbm>> -> memref<4096xi32, #tpu.memory_space<hbm>>
    tpu.enqueue_dma source(%dma_start3A_491 : memref<4096xi32, #tpu.memory_space<hbm>>) target(%arg9 : memref<4096xi32, #tpu.memory_space<vmem>>) target_semaphore(%arg21 : memref<!tpu.dma_semaphore, #tpu.memory_space<semaphore_mem>>)
    %dma_start3A_492 = arith.constant 0 : i32
    %dma_start3A_493 = tpu.memref_slice %arg4[%dma_start3A_492] : memref<16384xi32, #tpu.memory_space<hbm>> -> memref<4096xi32, #tpu.memory_space<hbm>>
    %dma_start3A_494 = arith.constant 0 : i32
    %dma_start3A_495 = tpu.memref_slice %arg4[%dma_start3A_494] : memref<16384xi32, #tpu.memory_space<hbm>> -> memref<4096xi32, #tpu.memory_space<hbm>>
    tpu.enqueue_dma source(%dma_start3A_495 : memref<4096xi32, #tpu.memory_space<hbm>>) target(%arg11 : memref<4096xi32, #tpu.memory_space<vmem>>) target_semaphore(%arg21 : memref<!tpu.dma_semaphore, #tpu.memory_space<semaphore_mem>>)
    %dma_wait3A = arith.constant 0 : i32
    %dma_wait3A_496 = tpu.memref_slice %arg3[%dma_wait3A] : memref<16384xi32, #tpu.memory_space<hbm>> -> memref<4096xi32, #tpu.memory_space<hbm>>
    %dma_wait3A_497 = arith.constant 0 : i32
    %dma_wait3A_498 = tpu.memref_slice %arg3[%dma_wait3A_497] : memref<16384xi32, #tpu.memory_space<hbm>> -> memref<4096xi32, #tpu.memory_space<hbm>>
    tpu.wait_dma2 semaphore(%arg21 : memref<!tpu.dma_semaphore, #tpu.memory_space<semaphore_mem>>) src(%dma_wait3A_498 : memref<4096xi32, #tpu.memory_space<hbm>>) dst(%arg9 : memref<4096xi32, #tpu.memory_space<vmem>>)
    %dma_wait3A_499 = arith.constant 0 : i32
    %dma_wait3A_500 = tpu.memref_slice %arg4[%dma_wait3A_499] : memref<16384xi32, #tpu.memory_space<hbm>> -> memref<4096xi32, #tpu.memory_space<hbm>>
    %dma_wait3A_501 = arith.constant 0 : i32
    %dma_wait3A_502 = tpu.memref_slice %arg4[%dma_wait3A_501] : memref<16384xi32, #tpu.memory_space<hbm>> -> memref<4096xi32, #tpu.memory_space<hbm>>
    tpu.wait_dma2 semaphore(%arg21 : memref<!tpu.dma_semaphore, #tpu.memory_space<semaphore_mem>>) src(%dma_wait3A_502 : memref<4096xi32, #tpu.memory_space<hbm>>) dst(%arg11 : memref<4096xi32, #tpu.memory_space<vmem>>)
    %dma_start3A_503 = arith.constant 4096 : i32
    %dma_start3A_504 = tpu.memref_slice %arg3[%dma_start3A_503] : memref<16384xi32, #tpu.memory_space<hbm>> -> memref<4096xi32, #tpu.memory_space<hbm>>
    %dma_start3A_505 = arith.constant 4096 : i32
    %dma_start3A_506 = tpu.memref_slice %arg3[%dma_start3A_505] : memref<16384xi32, #tpu.memory_space<hbm>> -> memref<4096xi32, #tpu.memory_space<hbm>>
    tpu.enqueue_dma source(%dma_start3A_506 : memref<4096xi32, #tpu.memory_space<hbm>>) target(%arg10 : memref<4096xi32, #tpu.memory_space<vmem>>) target_semaphore(%arg21 : memref<!tpu.dma_semaphore, #tpu.memory_space<semaphore_mem>>)
    %dma_start3A_507 = arith.constant 4096 : i32
    %dma_start3A_508 = tpu.memref_slice %arg4[%dma_start3A_507] : memref<16384xi32, #tpu.memory_space<hbm>> -> memref<4096xi32, #tpu.memory_space<hbm>>
    %dma_start3A_509 = arith.constant 4096 : i32
    %dma_start3A_510 = tpu.memref_slice %arg4[%dma_start3A_509] : memref<16384xi32, #tpu.memory_space<hbm>> -> memref<4096xi32, #tpu.memory_space<hbm>>
    tpu.enqueue_dma source(%dma_start3A_510 : memref<4096xi32, #tpu.memory_space<hbm>>) target(%arg12 : memref<4096xi32, #tpu.memory_space<vmem>>) target_semaphore(%arg21 : memref<!tpu.dma_semaphore, #tpu.memory_space<semaphore_mem>>)
    %scan3A_511 = arith.constant 0 : i32
    %scan3A_512 = arith.constant 0 : i32
    %scan3A_513 = arith.constant 64 : i32
    %scan3A_514 = arith.addi %scan3A_512, %scan3A_513 : i32
    %scan3A_515 = arith.constant 1 : i32
    %scan3A_516 = scf.for %scan3A_1350 = %scan3A_512 to %scan3A_514 step %scan3A_515 iter_args(%scan3A_1351 = %scan3A_511) -> (i32)  : i32 {
      %mul3A_1352 = arith.constant 64 : i32
      %mul3A_1353 = arith.muli %scan3A_1350, %mul3A_1352 : i32
      %add3A_1354 = arith.constant 0 : i32
      %add3A_1355 = arith.addi %mul3A_1353, %add3A_1354 : i32
      %get3A = arith.index_cast %add3A_1355 : i32 to index
      %get3A_1356 = tpu.vector_load %arg9[%get3A] {strides = array<i32>} : memref<4096xi32, #tpu.memory_space<vmem>>, vector<16xi32>,
      %get3A_1357 = arith.index_cast %add3A_1355 : i32 to index
      %get3A_1358 = tpu.vector_load %arg11[%get3A_1357] {strides = array<i32>} : memref<4096xi32, #tpu.memory_space<vmem>>, vector<16xi32>,
      %shift_right_logical3A_1359 = arith.constant 12 : i32
      %shift_right_logical3A_1360 = vector.broadcast %shift_right_logical3A_1359 : i32 to vector<16xi32>
      %shift_right_logical3A_1361 = arith.shrui %get3A_1356, %shift_right_logical3A_1360 : vector<16xi32>
      %eq3A = vector.broadcast %add3A : i32 to vector<16xi32>
      %eq3A_1362 = arith.cmpi eq, %shift_right_logical3A_1361, %eq3A : vector<16xi32>
      %and3A_1363 = arith.constant 4095 : i32
      %and3A_1364 = vector.broadcast %and3A_1363 : i32 to vector<16xi32>
      %and3A_1365 = arith.andi %get3A_1356, %and3A_1364 : vector<16xi32>
      %add3A_1366 = arith.constant 1 : i32
      %add3A_1367 = vector.broadcast %add3A_1366 : i32 to vector<16xi32>
      %add3A_1368 = arith.addi %get3A_1358, %add3A_1367 : vector<16xi32>
      tpu.vector_store_idx %arg13[%and3A_1365], %add3A_1368 masked %eq3A_1362 : memref<4096xi32, #tpu.memory_space<vmem>>[vector<16xi32>], vector<16xi32>, vector<16xi1>
      %mul3A_1369 = arith.constant 64 : i32
      %mul3A_1370 = arith.muli %scan3A_1350, %mul3A_1369 : i32
      %add3A_1371 = arith.constant 16 : i32
      %add3A_1372 = arith.addi %mul3A_1370, %add3A_1371 : i32
      %get3A_1373 = arith.index_cast %add3A_1372 : i32 to index
      %get3A_1374 = tpu.vector_load %arg9[%get3A_1373] {strides = array<i32>} : memref<4096xi32, #tpu.memory_space<vmem>>, vector<16xi32>,
      %get3A_1375 = arith.index_cast %add3A_1372 : i32 to index
      %get3A_1376 = tpu.vector_load %arg11[%get3A_1375] {strides = array<i32>} : memref<4096xi32, #tpu.memory_space<vmem>>, vector<16xi32>,
      %shift_right_logical3A_1377 = arith.constant 12 : i32
      %shift_right_logical3A_1378 = vector.broadcast %shift_right_logical3A_1377 : i32 to vector<16xi32>
      %shift_right_logical3A_1379 = arith.shrui %get3A_1374, %shift_right_logical3A_1378 : vector<16xi32>
      %eq3A_1380 = vector.broadcast %add3A : i32 to vector<16xi32>
      %eq3A_1381 = arith.cmpi eq, %shift_right_logical3A_1379, %eq3A_1380 : vector<16xi32>
      %and3A_1382 = arith.constant 4095 : i32
      %and3A_1383 = vector.broadcast %and3A_1382 : i32 to vector<16xi32>
      %and3A_1384 = arith.andi %get3A_1374, %and3A_1383 : vector<16xi32>
      %add3A_1385 = arith.constant 1 : i32
      %add3A_1386 = vector.broadcast %add3A_1385 : i32 to vector<16xi32>
      %add3A_1387 = arith.addi %get3A_1376, %add3A_1386 : vector<16xi32>
      tpu.vector_store_idx %arg13[%and3A_1384], %add3A_1387 masked %eq3A_1381 : memref<4096xi32, #tpu.memory_space<vmem>>[vector<16xi32>], vector<16xi32>, vector<16xi1>
      %mul3A_1388 = arith.constant 64 : i32
      %mul3A_1389 = arith.muli %scan3A_1350, %mul3A_1388 : i32
      %add3A_1390 = arith.constant 32 : i32
      %add3A_1391 = arith.addi %mul3A_1389, %add3A_1390 : i32
      %get3A_1392 = arith.index_cast %add3A_1391 : i32 to index
      %get3A_1393 = tpu.vector_load %arg9[%get3A_1392] {strides = array<i32>} : memref<4096xi32, #tpu.memory_space<vmem>>, vector<16xi32>,
      %get3A_1394 = arith.index_cast %add3A_1391 : i32 to index
      %get3A_1395 = tpu.vector_load %arg11[%get3A_1394] {strides = array<i32>} : memref<4096xi32, #tpu.memory_space<vmem>>, vector<16xi32>,
      %shift_right_logical3A_1396 = arith.constant 12 : i32
      %shift_right_logical3A_1397 = vector.broadcast %shift_right_logical3A_1396 : i32 to vector<16xi32>
      %shift_right_logical3A_1398 = arith.shrui %get3A_1393, %shift_right_logical3A_1397 : vector<16xi32>
      %eq3A_1399 = vector.broadcast %add3A : i32 to vector<16xi32>
      %eq3A_1400 = arith.cmpi eq, %shift_right_logical3A_1398, %eq3A_1399 : vector<16xi32>
      %and3A_1401 = arith.constant 4095 : i32
      %and3A_1402 = vector.broadcast %and3A_1401 : i32 to vector<16xi32>
      %and3A_1403 = arith.andi %get3A_1393, %and3A_1402 : vector<16xi32>
      %add3A_1404 = arith.constant 1 : i32
      %add3A_1405 = vector.broadcast %add3A_1404 : i32 to vector<16xi32>
      %add3A_1406 = arith.addi %get3A_1395, %add3A_1405 : vector<16xi32>
      tpu.vector_store_idx %arg13[%and3A_1403], %add3A_1406 masked %eq3A_1400 : memref<4096xi32, #tpu.memory_space<vmem>>[vector<16xi32>], vector<16xi32>, vector<16xi1>
      %mul3A_1407 = arith.constant 64 : i32
      %mul3A_1408 = arith.muli %scan3A_1350, %mul3A_1407 : i32
      %add3A_1409 = arith.constant 48 : i32
      %add3A_1410 = arith.addi %mul3A_1408, %add3A_1409 : i32
      %get3A_1411 = arith.index_cast %add3A_1410 : i32 to index
      %get3A_1412 = tpu.vector_load %arg9[%get3A_1411] {strides = array<i32>} : memref<4096xi32, #tpu.memory_space<vmem>>, vector<16xi32>,
      %get3A_1413 = arith.index_cast %add3A_1410 : i32 to index
      %get3A_1414 = tpu.vector_load %arg11[%get3A_1413] {strides = array<i32>} : memref<4096xi32, #tpu.memory_space<vmem>>, vector<16xi32>,
      %shift_right_logical3A_1415 = arith.constant 12 : i32
      %shift_right_logical3A_1416 = vector.broadcast %shift_right_logical3A_1415 : i32 to vector<16xi32>
      %shift_right_logical3A_1417 = arith.shrui %get3A_1412, %shift_right_logical3A_1416 : vector<16xi32>
      %eq3A_1418 = vector.broadcast %add3A : i32 to vector<16xi32>
      %eq3A_1419 = arith.cmpi eq, %shift_right_logical3A_1417, %eq3A_1418 : vector<16xi32>
      %and3A_1420 = arith.constant 4095 : i32
      %and3A_1421 = vector.broadcast %and3A_1420 : i32 to vector<16xi32>
      %and3A_1422 = arith.andi %get3A_1412, %and3A_1421 : vector<16xi32>
      %add3A_1423 = arith.constant 1 : i32
      %add3A_1424 = vector.broadcast %add3A_1423 : i32 to vector<16xi32>
      %add3A_1425 = arith.addi %get3A_1414, %add3A_1424 : vector<16xi32>
      tpu.vector_store_idx %arg13[%and3A_1422], %add3A_1425 masked %eq3A_1419 : memref<4096xi32, #tpu.memory_space<vmem>>[vector<16xi32>], vector<16xi32>, vector<16xi1>
      %scan3A_1426 = arith.constant 0 : i32
      scf.yield %scan3A_1426 : i32
    }
    %scan3A_517 = arith.constant 64 : i32
    %dma_wait3A_518 = arith.constant 4096 : i32
    %dma_wait3A_519 = tpu.memref_slice %arg3[%dma_wait3A_518] : memref<16384xi32, #tpu.memory_space<hbm>> -> memref<4096xi32, #tpu.memory_space<hbm>>
    %dma_wait3A_520 = arith.constant 4096 : i32
    %dma_wait3A_521 = tpu.memref_slice %arg3[%dma_wait3A_520] : memref<16384xi32, #tpu.memory_space<hbm>> -> memref<4096xi32, #tpu.memory_space<hbm>>
    tpu.wait_dma2 semaphore(%arg21 : memref<!tpu.dma_semaphore, #tpu.memory_space<semaphore_mem>>) src(%dma_wait3A_521 : memref<4096xi32, #tpu.memory_space<hbm>>) dst(%arg10 : memref<4096xi32, #tpu.memory_space<vmem>>)
    %dma_wait3A_522 = arith.constant 4096 : i32
    %dma_wait3A_523 = tpu.memref_slice %arg4[%dma_wait3A_522] : memref<16384xi32, #tpu.memory_space<hbm>> -> memref<4096xi32, #tpu.memory_space<hbm>>
    %dma_wait3A_524 = arith.constant 4096 : i32
    %dma_wait3A_525 = tpu.memref_slice %arg4[%dma_wait3A_524] : memref<16384xi32, #tpu.memory_space<hbm>> -> memref<4096xi32, #tpu.memory_space<hbm>>
    tpu.wait_dma2 semaphore(%arg21 : memref<!tpu.dma_semaphore, #tpu.memory_space<semaphore_mem>>) src(%dma_wait3A_525 : memref<4096xi32, #tpu.memory_space<hbm>>) dst(%arg12 : memref<4096xi32, #tpu.memory_space<vmem>>)
    %dma_start3A_526 = arith.constant 8192 : i32
    %dma_start3A_527 = tpu.memref_slice %arg3[%dma_start3A_526] : memref<16384xi32, #tpu.memory_space<hbm>> -> memref<4096xi32, #tpu.memory_space<hbm>>
    %dma_start3A_528 = arith.constant 8192 : i32
    %dma_start3A_529 = tpu.memref_slice %arg3[%dma_start3A_528] : memref<16384xi32, #tpu.memory_space<hbm>> -> memref<4096xi32, #tpu.memory_space<hbm>>
    tpu.enqueue_dma source(%dma_start3A_529 : memref<4096xi32, #tpu.memory_space<hbm>>) target(%arg9 : memref<4096xi32, #tpu.memory_space<vmem>>) target_semaphore(%arg21 : memref<!tpu.dma_semaphore, #tpu.memory_space<semaphore_mem>>)
    %dma_start3A_530 = arith.constant 8192 : i32
    %dma_start3A_531 = tpu.memref_slice %arg4[%dma_start3A_530] : memref<16384xi32, #tpu.memory_space<hbm>> -> memref<4096xi32, #tpu.memory_space<hbm>>
    %dma_start3A_532 = arith.constant 8192 : i32
    %dma_start3A_533 = tpu.memref_slice %arg4[%dma_start3A_532] : memref<16384xi32, #tpu.memory_space<hbm>> -> memref<4096xi32, #tpu.memory_space<hbm>>
    tpu.enqueue_dma source(%dma_start3A_533 : memref<4096xi32, #tpu.memory_space<hbm>>) target(%arg11 : memref<4096xi32, #tpu.memory_space<vmem>>) target_semaphore(%arg21 : memref<!tpu.dma_semaphore, #tpu.memory_space<semaphore_mem>>)
    %scan3A_534 = arith.constant 0 : i32
    %scan3A_535 = arith.constant 0 : i32
    %scan3A_536 = arith.constant 64 : i32
    %scan3A_537 = arith.addi %scan3A_535, %scan3A_536 : i32
    %scan3A_538 = arith.constant 1 : i32
    %scan3A_539 = scf.for %scan3A_1350 = %scan3A_535 to %scan3A_537 step %scan3A_538 iter_args(%scan3A_1351 = %scan3A_534) -> (i32)  : i32 {
      %mul3A_1352 = arith.constant 64 : i32
      %mul3A_1353 = arith.muli %scan3A_1350, %mul3A_1352 : i32
      %add3A_1354 = arith.constant 0 : i32
      %add3A_1355 = arith.addi %mul3A_1353, %add3A_1354 : i32
      %get3A = arith.index_cast %add3A_1355 : i32 to index
      %get3A_1356 = tpu.vector_load %arg10[%get3A] {strides = array<i32>} : memref<4096xi32, #tpu.memory_space<vmem>>, vector<16xi32>,
      %get3A_1357 = arith.index_cast %add3A_1355 : i32 to index
      %get3A_1358 = tpu.vector_load %arg12[%get3A_1357] {strides = array<i32>} : memref<4096xi32, #tpu.memory_space<vmem>>, vector<16xi32>,
      %shift_right_logical3A_1359 = arith.constant 12 : i32
      %shift_right_logical3A_1360 = vector.broadcast %shift_right_logical3A_1359 : i32 to vector<16xi32>
      %shift_right_logical3A_1361 = arith.shrui %get3A_1356, %shift_right_logical3A_1360 : vector<16xi32>
      %eq3A = vector.broadcast %add3A : i32 to vector<16xi32>
      %eq3A_1362 = arith.cmpi eq, %shift_right_logical3A_1361, %eq3A : vector<16xi32>
      %and3A_1363 = arith.constant 4095 : i32
      %and3A_1364 = vector.broadcast %and3A_1363 : i32 to vector<16xi32>
      %and3A_1365 = arith.andi %get3A_1356, %and3A_1364 : vector<16xi32>
      %add3A_1366 = arith.constant 1 : i32
      %add3A_1367 = vector.broadcast %add3A_1366 : i32 to vector<16xi32>
      %add3A_1368 = arith.addi %get3A_1358, %add3A_1367 : vector<16xi32>
      tpu.vector_store_idx %arg13[%and3A_1365], %add3A_1368 masked %eq3A_1362 : memref<4096xi32, #tpu.memory_space<vmem>>[vector<16xi32>], vector<16xi32>, vector<16xi1>
      %mul3A_1369 = arith.constant 64 : i32
      %mul3A_1370 = arith.muli %scan3A_1350, %mul3A_1369 : i32
      %add3A_1371 = arith.constant 16 : i32
      %add3A_1372 = arith.addi %mul3A_1370, %add3A_1371 : i32
      %get3A_1373 = arith.index_cast %add3A_1372 : i32 to index
      %get3A_1374 = tpu.vector_load %arg10[%get3A_1373] {strides = array<i32>} : memref<4096xi32, #tpu.memory_space<vmem>>, vector<16xi32>,
      %get3A_1375 = arith.index_cast %add3A_1372 : i32 to index
      %get3A_1376 = tpu.vector_load %arg12[%get3A_1375] {strides = array<i32>} : memref<4096xi32, #tpu.memory_space<vmem>>, vector<16xi32>,
      %shift_right_logical3A_1377 = arith.constant 12 : i32
      %shift_right_logical3A_1378 = vector.broadcast %shift_right_logical3A_1377 : i32 to vector<16xi32>
      %shift_right_logical3A_1379 = arith.shrui %get3A_1374, %shift_right_logical3A_1378 : vector<16xi32>
      %eq3A_1380 = vector.broadcast %add3A : i32 to vector<16xi32>
      %eq3A_1381 = arith.cmpi eq, %shift_right_logical3A_1379, %eq3A_1380 : vector<16xi32>
      %and3A_1382 = arith.constant 4095 : i32
      %and3A_1383 = vector.broadcast %and3A_1382 : i32 to vector<16xi32>
      %and3A_1384 = arith.andi %get3A_1374, %and3A_1383 : vector<16xi32>
      %add3A_1385 = arith.constant 1 : i32
      %add3A_1386 = vector.broadcast %add3A_1385 : i32 to vector<16xi32>
      %add3A_1387 = arith.addi %get3A_1376, %add3A_1386 : vector<16xi32>
      tpu.vector_store_idx %arg13[%and3A_1384], %add3A_1387 masked %eq3A_1381 : memref<4096xi32, #tpu.memory_space<vmem>>[vector<16xi32>], vector<16xi32>, vector<16xi1>
      %mul3A_1388 = arith.constant 64 : i32
      %mul3A_1389 = arith.muli %scan3A_1350, %mul3A_1388 : i32
      %add3A_1390 = arith.constant 32 : i32
      %add3A_1391 = arith.addi %mul3A_1389, %add3A_1390 : i32
      %get3A_1392 = arith.index_cast %add3A_1391 : i32 to index
      %get3A_1393 = tpu.vector_load %arg10[%get3A_1392] {strides = array<i32>} : memref<4096xi32, #tpu.memory_space<vmem>>, vector<16xi32>,
      %get3A_1394 = arith.index_cast %add3A_1391 : i32 to index
      %get3A_1395 = tpu.vector_load %arg12[%get3A_1394] {strides = array<i32>} : memref<4096xi32, #tpu.memory_space<vmem>>, vector<16xi32>,
      %shift_right_logical3A_1396 = arith.constant 12 : i32
      %shift_right_logical3A_1397 = vector.broadcast %shift_right_logical3A_1396 : i32 to vector<16xi32>
      %shift_right_logical3A_1398 = arith.shrui %get3A_1393, %shift_right_logical3A_1397 : vector<16xi32>
      %eq3A_1399 = vector.broadcast %add3A : i32 to vector<16xi32>
      %eq3A_1400 = arith.cmpi eq, %shift_right_logical3A_1398, %eq3A_1399 : vector<16xi32>
      %and3A_1401 = arith.constant 4095 : i32
      %and3A_1402 = vector.broadcast %and3A_1401 : i32 to vector<16xi32>
      %and3A_1403 = arith.andi %get3A_1393, %and3A_1402 : vector<16xi32>
      %add3A_1404 = arith.constant 1 : i32
      %add3A_1405 = vector.broadcast %add3A_1404 : i32 to vector<16xi32>
      %add3A_1406 = arith.addi %get3A_1395, %add3A_1405 : vector<16xi32>
      tpu.vector_store_idx %arg13[%and3A_1403], %add3A_1406 masked %eq3A_1400 : memref<4096xi32, #tpu.memory_space<vmem>>[vector<16xi32>], vector<16xi32>, vector<16xi1>
      %mul3A_1407 = arith.constant 64 : i32
      %mul3A_1408 = arith.muli %scan3A_1350, %mul3A_1407 : i32
      %add3A_1409 = arith.constant 48 : i32
      %add3A_1410 = arith.addi %mul3A_1408, %add3A_1409 : i32
      %get3A_1411 = arith.index_cast %add3A_1410 : i32 to index
      %get3A_1412 = tpu.vector_load %arg10[%get3A_1411] {strides = array<i32>} : memref<4096xi32, #tpu.memory_space<vmem>>, vector<16xi32>,
      %get3A_1413 = arith.index_cast %add3A_1410 : i32 to index
      %get3A_1414 = tpu.vector_load %arg12[%get3A_1413] {strides = array<i32>} : memref<4096xi32, #tpu.memory_space<vmem>>, vector<16xi32>,
      %shift_right_logical3A_1415 = arith.constant 12 : i32
      %shift_right_logical3A_1416 = vector.broadcast %shift_right_logical3A_1415 : i32 to vector<16xi32>
      %shift_right_logical3A_1417 = arith.shrui %get3A_1412, %shift_right_logical3A_1416 : vector<16xi32>
      %eq3A_1418 = vector.broadcast %add3A : i32 to vector<16xi32>
      %eq3A_1419 = arith.cmpi eq, %shift_right_logical3A_1417, %eq3A_1418 : vector<16xi32>
      %and3A_1420 = arith.constant 4095 : i32
      %and3A_1421 = vector.broadcast %and3A_1420 : i32 to vector<16xi32>
      %and3A_1422 = arith.andi %get3A_1412, %and3A_1421 : vector<16xi32>
      %add3A_1423 = arith.constant 1 : i32
      %add3A_1424 = vector.broadcast %add3A_1423 : i32 to vector<16xi32>
      %add3A_1425 = arith.addi %get3A_1414, %add3A_1424 : vector<16xi32>
      tpu.vector_store_idx %arg13[%and3A_1422], %add3A_1425 masked %eq3A_1419 : memref<4096xi32, #tpu.memory_space<vmem>>[vector<16xi32>], vector<16xi32>, vector<16xi1>
      %scan3A_1426 = arith.constant 0 : i32
      scf.yield %scan3A_1426 : i32
    }
    %scan3A_540 = arith.constant 64 : i32
    %dma_wait3A_541 = arith.constant 8192 : i32
    %dma_wait3A_542 = tpu.memref_slice %arg3[%dma_wait3A_541] : memref<16384xi32, #tpu.memory_space<hbm>> -> memref<4096xi32, #tpu.memory_space<hbm>>
    %dma_wait3A_543 = arith.constant 8192 : i32
    %dma_wait3A_544 = tpu.memref_slice %arg3[%dma_wait3A_543] : memref<16384xi32, #tpu.memory_space<hbm>> -> memref<4096xi32, #tpu.memory_space<hbm>>
    tpu.wait_dma2 semaphore(%arg21 : memref<!tpu.dma_semaphore, #tpu.memory_space<semaphore_mem>>) src(%dma_wait3A_544 : memref<4096xi32, #tpu.memory_space<hbm>>) dst(%arg9 : memref<4096xi32, #tpu.memory_space<vmem>>)
    %dma_wait3A_545 = arith.constant 8192 : i32
    %dma_wait3A_546 = tpu.memref_slice %arg4[%dma_wait3A_545] : memref<16384xi32, #tpu.memory_space<hbm>> -> memref<4096xi32, #tpu.memory_space<hbm>>
    %dma_wait3A_547 = arith.constant 8192 : i32
    %dma_wait3A_548 = tpu.memref_slice %arg4[%dma_wait3A_547] : memref<16384xi32, #tpu.memory_space<hbm>> -> memref<4096xi32, #tpu.memory_space<hbm>>
    tpu.wait_dma2 semaphore(%arg21 : memref<!tpu.dma_semaphore, #tpu.memory_space<semaphore_mem>>) src(%dma_wait3A_548 : memref<4096xi32, #tpu.memory_space<hbm>>) dst(%arg11 : memref<4096xi32, #tpu.memory_space<vmem>>)
    %dma_start3A_549 = arith.constant 12288 : i32
    %dma_start3A_550 = tpu.memref_slice %arg3[%dma_start3A_549] : memref<16384xi32, #tpu.memory_space<hbm>> -> memref<4096xi32, #tpu.memory_space<hbm>>
    %dma_start3A_551 = arith.constant 12288 : i32
    %dma_start3A_552 = tpu.memref_slice %arg3[%dma_start3A_551] : memref<16384xi32, #tpu.memory_space<hbm>> -> memref<4096xi32, #tpu.memory_space<hbm>>
    tpu.enqueue_dma source(%dma_start3A_552 : memref<4096xi32, #tpu.memory_space<hbm>>) target(%arg10 : memref<4096xi32, #tpu.memory_space<vmem>>) target_semaphore(%arg21 : memref<!tpu.dma_semaphore, #tpu.memory_space<semaphore_mem>>)
    %dma_start3A_553 = arith.constant 12288 : i32
    %dma_start3A_554 = tpu.memref_slice %arg4[%dma_start3A_553] : memref<16384xi32, #tpu.memory_space<hbm>> -> memref<4096xi32, #tpu.memory_space<hbm>>
    %dma_start3A_555 = arith.constant 12288 : i32
    %dma_start3A_556 = tpu.memref_slice %arg4[%dma_start3A_555] : memref<16384xi32, #tpu.memory_space<hbm>> -> memref<4096xi32, #tpu.memory_space<hbm>>
    tpu.enqueue_dma source(%dma_start3A_556 : memref<4096xi32, #tpu.memory_space<hbm>>) target(%arg12 : memref<4096xi32, #tpu.memory_space<vmem>>) target_semaphore(%arg21 : memref<!tpu.dma_semaphore, #tpu.memory_space<semaphore_mem>>)
    %scan3A_557 = arith.constant 0 : i32
    %scan3A_558 = arith.constant 0 : i32
    %scan3A_559 = arith.constant 64 : i32
    %scan3A_560 = arith.addi %scan3A_558, %scan3A_559 : i32
    %scan3A_561 = arith.constant 1 : i32
    %scan3A_562 = scf.for %scan3A_1350 = %scan3A_558 to %scan3A_560 step %scan3A_561 iter_args(%scan3A_1351 = %scan3A_557) -> (i32)  : i32 {
      %mul3A_1352 = arith.constant 64 : i32
      %mul3A_1353 = arith.muli %scan3A_1350, %mul3A_1352 : i32
      %add3A_1354 = arith.constant 0 : i32
      %add3A_1355 = arith.addi %mul3A_1353, %add3A_1354 : i32
      %get3A = arith.index_cast %add3A_1355 : i32 to index
      %get3A_1356 = tpu.vector_load %arg9[%get3A] {strides = array<i32>} : memref<4096xi32, #tpu.memory_space<vmem>>, vector<16xi32>,
      %get3A_1357 = arith.index_cast %add3A_1355 : i32 to index
      %get3A_1358 = tpu.vector_load %arg11[%get3A_1357] {strides = array<i32>} : memref<4096xi32, #tpu.memory_space<vmem>>, vector<16xi32>,
      %shift_right_logical3A_1359 = arith.constant 12 : i32
      %shift_right_logical3A_1360 = vector.broadcast %shift_right_logical3A_1359 : i32 to vector<16xi32>
      %shift_right_logical3A_1361 = arith.shrui %get3A_1356, %shift_right_logical3A_1360 : vector<16xi32>
      %eq3A = vector.broadcast %add3A : i32 to vector<16xi32>
      %eq3A_1362 = arith.cmpi eq, %shift_right_logical3A_1361, %eq3A : vector<16xi32>
      %and3A_1363 = arith.constant 4095 : i32
      %and3A_1364 = vector.broadcast %and3A_1363 : i32 to vector<16xi32>
      %and3A_1365 = arith.andi %get3A_1356, %and3A_1364 : vector<16xi32>
      %add3A_1366 = arith.constant 1 : i32
      %add3A_1367 = vector.broadcast %add3A_1366 : i32 to vector<16xi32>
      %add3A_1368 = arith.addi %get3A_1358, %add3A_1367 : vector<16xi32>
      tpu.vector_store_idx %arg13[%and3A_1365], %add3A_1368 masked %eq3A_1362 : memref<4096xi32, #tpu.memory_space<vmem>>[vector<16xi32>], vector<16xi32>, vector<16xi1>
      %mul3A_1369 = arith.constant 64 : i32
      %mul3A_1370 = arith.muli %scan3A_1350, %mul3A_1369 : i32
      %add3A_1371 = arith.constant 16 : i32
      %add3A_1372 = arith.addi %mul3A_1370, %add3A_1371 : i32
      %get3A_1373 = arith.index_cast %add3A_1372 : i32 to index
      %get3A_1374 = tpu.vector_load %arg9[%get3A_1373] {strides = array<i32>} : memref<4096xi32, #tpu.memory_space<vmem>>, vector<16xi32>,
      %get3A_1375 = arith.index_cast %add3A_1372 : i32 to index
      %get3A_1376 = tpu.vector_load %arg11[%get3A_1375] {strides = array<i32>} : memref<4096xi32, #tpu.memory_space<vmem>>, vector<16xi32>,
      %shift_right_logical3A_1377 = arith.constant 12 : i32
      %shift_right_logical3A_1378 = vector.broadcast %shift_right_logical3A_1377 : i32 to vector<16xi32>
      %shift_right_logical3A_1379 = arith.shrui %get3A_1374, %shift_right_logical3A_1378 : vector<16xi32>
      %eq3A_1380 = vector.broadcast %add3A : i32 to vector<16xi32>
      %eq3A_1381 = arith.cmpi eq, %shift_right_logical3A_1379, %eq3A_1380 : vector<16xi32>
      %and3A_1382 = arith.constant 4095 : i32
      %and3A_1383 = vector.broadcast %and3A_1382 : i32 to vector<16xi32>
      %and3A_1384 = arith.andi %get3A_1374, %and3A_1383 : vector<16xi32>
      %add3A_1385 = arith.constant 1 : i32
      %add3A_1386 = vector.broadcast %add3A_1385 : i32 to vector<16xi32>
      %add3A_1387 = arith.addi %get3A_1376, %add3A_1386 : vector<16xi32>
      tpu.vector_store_idx %arg13[%and3A_1384], %add3A_1387 masked %eq3A_1381 : memref<4096xi32, #tpu.memory_space<vmem>>[vector<16xi32>], vector<16xi32>, vector<16xi1>
      %mul3A_1388 = arith.constant 64 : i32
      %mul3A_1389 = arith.muli %scan3A_1350, %mul3A_1388 : i32
      %add3A_1390 = arith.constant 32 : i32
      %add3A_1391 = arith.addi %mul3A_1389, %add3A_1390 : i32
      %get3A_1392 = arith.index_cast %add3A_1391 : i32 to index
      %get3A_1393 = tpu.vector_load %arg9[%get3A_1392] {strides = array<i32>} : memref<4096xi32, #tpu.memory_space<vmem>>, vector<16xi32>,
      %get3A_1394 = arith.index_cast %add3A_1391 : i32 to index
      %get3A_1395 = tpu.vector_load %arg11[%get3A_1394] {strides = array<i32>} : memref<4096xi32, #tpu.memory_space<vmem>>, vector<16xi32>,
      %shift_right_logical3A_1396 = arith.constant 12 : i32
      %shift_right_logical3A_1397 = vector.broadcast %shift_right_logical3A_1396 : i32 to vector<16xi32>
      %shift_right_logical3A_1398 = arith.shrui %get3A_1393, %shift_right_logical3A_1397 : vector<16xi32>
      %eq3A_1399 = vector.broadcast %add3A : i32 to vector<16xi32>
      %eq3A_1400 = arith.cmpi eq, %shift_right_logical3A_1398, %eq3A_1399 : vector<16xi32>
      %and3A_1401 = arith.constant 4095 : i32
      %and3A_1402 = vector.broadcast %and3A_1401 : i32 to vector<16xi32>
      %and3A_1403 = arith.andi %get3A_1393, %and3A_1402 : vector<16xi32>
      %add3A_1404 = arith.constant 1 : i32
      %add3A_1405 = vector.broadcast %add3A_1404 : i32 to vector<16xi32>
      %add3A_1406 = arith.addi %get3A_1395, %add3A_1405 : vector<16xi32>
      tpu.vector_store_idx %arg13[%and3A_1403], %add3A_1406 masked %eq3A_1400 : memref<4096xi32, #tpu.memory_space<vmem>>[vector<16xi32>], vector<16xi32>, vector<16xi1>
      %mul3A_1407 = arith.constant 64 : i32
      %mul3A_1408 = arith.muli %scan3A_1350, %mul3A_1407 : i32
      %add3A_1409 = arith.constant 48 : i32
      %add3A_1410 = arith.addi %mul3A_1408, %add3A_1409 : i32
      %get3A_1411 = arith.index_cast %add3A_1410 : i32 to index
      %get3A_1412 = tpu.vector_load %arg9[%get3A_1411] {strides = array<i32>} : memref<4096xi32, #tpu.memory_space<vmem>>, vector<16xi32>,
      %get3A_1413 = arith.index_cast %add3A_1410 : i32 to index
      %get3A_1414 = tpu.vector_load %arg11[%get3A_1413] {strides = array<i32>} : memref<4096xi32, #tpu.memory_space<vmem>>, vector<16xi32>,
      %shift_right_logical3A_1415 = arith.constant 12 : i32
      %shift_right_logical3A_1416 = vector.broadcast %shift_right_logical3A_1415 : i32 to vector<16xi32>
      %shift_right_logical3A_1417 = arith.shrui %get3A_1412, %shift_right_logical3A_1416 : vector<16xi32>
      %eq3A_1418 = vector.broadcast %add3A : i32 to vector<16xi32>
      %eq3A_1419 = arith.cmpi eq, %shift_right_logical3A_1417, %eq3A_1418 : vector<16xi32>
      %and3A_1420 = arith.constant 4095 : i32
      %and3A_1421 = vector.broadcast %and3A_1420 : i32 to vector<16xi32>
      %and3A_1422 = arith.andi %get3A_1412, %and3A_1421 : vector<16xi32>
      %add3A_1423 = arith.constant 1 : i32
      %add3A_1424 = vector.broadcast %add3A_1423 : i32 to vector<16xi32>
      %add3A_1425 = arith.addi %get3A_1414, %add3A_1424 : vector<16xi32>
      tpu.vector_store_idx %arg13[%and3A_1422], %add3A_1425 masked %eq3A_1419 : memref<4096xi32, #tpu.memory_space<vmem>>[vector<16xi32>], vector<16xi32>, vector<16xi1>
      %scan3A_1426 = arith.constant 0 : i32
      scf.yield %scan3A_1426 : i32
    }
    %scan3A_563 = arith.constant 64 : i32
    %dma_wait3A_564 = arith.constant 12288 : i32
    %dma_wait3A_565 = tpu.memref_slice %arg3[%dma_wait3A_564] : memref<16384xi32, #tpu.memory_space<hbm>> -> memref<4096xi32, #tpu.memory_space<hbm>>
    %dma_wait3A_566 = arith.constant 12288 : i32
    %dma_wait3A_567 = tpu.memref_slice %arg3[%dma_wait3A_566] : memref<16384xi32, #tpu.memory_space<hbm>> -> memref<4096xi32, #tpu.memory_space<hbm>>
    tpu.wait_dma2 semaphore(%arg21 : memref<!tpu.dma_semaphore, #tpu.memory_space<semaphore_mem>>) src(%dma_wait3A_567 : memref<4096xi32, #tpu.memory_space<hbm>>) dst(%arg10 : memref<4096xi32, #tpu.memory_space<vmem>>)
    %dma_wait3A_568 = arith.constant 12288 : i32
    %dma_wait3A_569 = tpu.memref_slice %arg4[%dma_wait3A_568] : memref<16384xi32, #tpu.memory_space<hbm>> -> memref<4096xi32, #tpu.memory_space<hbm>>
    %dma_wait3A_570 = arith.constant 12288 : i32
    %dma_wait3A_571 = tpu.memref_slice %arg4[%dma_wait3A_570] : memref<16384xi32, #tpu.memory_space<hbm>> -> memref<4096xi32, #tpu.memory_space<hbm>>
    tpu.wait_dma2 semaphore(%arg21 : memref<!tpu.dma_semaphore, #tpu.memory_space<semaphore_mem>>) src(%dma_wait3A_571 : memref<4096xi32, #tpu.memory_space<hbm>>) dst(%arg12 : memref<4096xi32, #tpu.memory_space<vmem>>)
    %scan3A_572 = arith.constant 0 : i32
    %scan3A_573 = arith.constant 0 : i32
    %scan3A_574 = arith.constant 64 : i32
    %scan3A_575 = arith.addi %scan3A_573, %scan3A_574 : i32
    %scan3A_576 = arith.constant 1 : i32
    %scan3A_577 = scf.for %scan3A_1350 = %scan3A_573 to %scan3A_575 step %scan3A_576 iter_args(%scan3A_1351 = %scan3A_572) -> (i32)  : i32 {
      %mul3A_1352 = arith.constant 64 : i32
      %mul3A_1353 = arith.muli %scan3A_1350, %mul3A_1352 : i32
      %add3A_1354 = arith.constant 0 : i32
      %add3A_1355 = arith.addi %mul3A_1353, %add3A_1354 : i32
      %get3A = arith.index_cast %add3A_1355 : i32 to index
      %get3A_1356 = tpu.vector_load %arg10[%get3A] {strides = array<i32>} : memref<4096xi32, #tpu.memory_space<vmem>>, vector<16xi32>,
      %get3A_1357 = arith.index_cast %add3A_1355 : i32 to index
      %get3A_1358 = tpu.vector_load %arg12[%get3A_1357] {strides = array<i32>} : memref<4096xi32, #tpu.memory_space<vmem>>, vector<16xi32>,
      %shift_right_logical3A_1359 = arith.constant 12 : i32
      %shift_right_logical3A_1360 = vector.broadcast %shift_right_logical3A_1359 : i32 to vector<16xi32>
      %shift_right_logical3A_1361 = arith.shrui %get3A_1356, %shift_right_logical3A_1360 : vector<16xi32>
      %eq3A = vector.broadcast %add3A : i32 to vector<16xi32>
      %eq3A_1362 = arith.cmpi eq, %shift_right_logical3A_1361, %eq3A : vector<16xi32>
      %and3A_1363 = arith.constant 4095 : i32
      %and3A_1364 = vector.broadcast %and3A_1363 : i32 to vector<16xi32>
      %and3A_1365 = arith.andi %get3A_1356, %and3A_1364 : vector<16xi32>
      %add3A_1366 = arith.constant 1 : i32
      %add3A_1367 = vector.broadcast %add3A_1366 : i32 to vector<16xi32>
      %add3A_1368 = arith.addi %get3A_1358, %add3A_1367 : vector<16xi32>
      tpu.vector_store_idx %arg13[%and3A_1365], %add3A_1368 masked %eq3A_1362 : memref<4096xi32, #tpu.memory_space<vmem>>[vector<16xi32>], vector<16xi32>, vector<16xi1>
      %mul3A_1369 = arith.constant 64 : i32
      %mul3A_1370 = arith.muli %scan3A_1350, %mul3A_1369 : i32
      %add3A_1371 = arith.constant 16 : i32
      %add3A_1372 = arith.addi %mul3A_1370, %add3A_1371 : i32
      %get3A_1373 = arith.index_cast %add3A_1372 : i32 to index
      %get3A_1374 = tpu.vector_load %arg10[%get3A_1373] {strides = array<i32>} : memref<4096xi32, #tpu.memory_space<vmem>>, vector<16xi32>,
      %get3A_1375 = arith.index_cast %add3A_1372 : i32 to index
      %get3A_1376 = tpu.vector_load %arg12[%get3A_1375] {strides = array<i32>} : memref<4096xi32, #tpu.memory_space<vmem>>, vector<16xi32>,
      %shift_right_logical3A_1377 = arith.constant 12 : i32
      %shift_right_logical3A_1378 = vector.broadcast %shift_right_logical3A_1377 : i32 to vector<16xi32>
      %shift_right_logical3A_1379 = arith.shrui %get3A_1374, %shift_right_logical3A_1378 : vector<16xi32>
      %eq3A_1380 = vector.broadcast %add3A : i32 to vector<16xi32>
      %eq3A_1381 = arith.cmpi eq, %shift_right_logical3A_1379, %eq3A_1380 : vector<16xi32>
      %and3A_1382 = arith.constant 4095 : i32
      %and3A_1383 = vector.broadcast %and3A_1382 : i32 to vector<16xi32>
      %and3A_1384 = arith.andi %get3A_1374, %and3A_1383 : vector<16xi32>
      %add3A_1385 = arith.constant 1 : i32
      %add3A_1386 = vector.broadcast %add3A_1385 : i32 to vector<16xi32>
      %add3A_1387 = arith.addi %get3A_1376, %add3A_1386 : vector<16xi32>
      tpu.vector_store_idx %arg13[%and3A_1384], %add3A_1387 masked %eq3A_1381 : memref<4096xi32, #tpu.memory_space<vmem>>[vector<16xi32>], vector<16xi32>, vector<16xi1>
      %mul3A_1388 = arith.constant 64 : i32
      %mul3A_1389 = arith.muli %scan3A_1350, %mul3A_1388 : i32
      %add3A_1390 = arith.constant 32 : i32
      %add3A_1391 = arith.addi %mul3A_1389, %add3A_1390 : i32
      %get3A_1392 = arith.index_cast %add3A_1391 : i32 to index
      %get3A_1393 = tpu.vector_load %arg10[%get3A_1392] {strides = array<i32>} : memref<4096xi32, #tpu.memory_space<vmem>>, vector<16xi32>,
      %get3A_1394 = arith.index_cast %add3A_1391 : i32 to index
      %get3A_1395 = tpu.vector_load %arg12[%get3A_1394] {strides = array<i32>} : memref<4096xi32, #tpu.memory_space<vmem>>, vector<16xi32>,
      %shift_right_logical3A_1396 = arith.constant 12 : i32
      %shift_right_logical3A_1397 = vector.broadcast %shift_right_logical3A_1396 : i32 to vector<16xi32>
      %shift_right_logical3A_1398 = arith.shrui %get3A_1393, %shift_right_logical3A_1397 : vector<16xi32>
      %eq3A_1399 = vector.broadcast %add3A : i32 to vector<16xi32>
      %eq3A_1400 = arith.cmpi eq, %shift_right_logical3A_1398, %eq3A_1399 : vector<16xi32>
      %and3A_1401 = arith.constant 4095 : i32
      %and3A_1402 = vector.broadcast %and3A_1401 : i32 to vector<16xi32>
      %and3A_1403 = arith.andi %get3A_1393, %and3A_1402 : vector<16xi32>
      %add3A_1404 = arith.constant 1 : i32
      %add3A_1405 = vector.broadcast %add3A_1404 : i32 to vector<16xi32>
      %add3A_1406 = arith.addi %get3A_1395, %add3A_1405 : vector<16xi32>
      tpu.vector_store_idx %arg13[%and3A_1403], %add3A_1406 masked %eq3A_1400 : memref<4096xi32, #tpu.memory_space<vmem>>[vector<16xi32>], vector<16xi32>, vector<16xi1>
      %mul3A_1407 = arith.constant 64 : i32
      %mul3A_1408 = arith.muli %scan3A_1350, %mul3A_1407 : i32
      %add3A_1409 = arith.constant 48 : i32
      %add3A_1410 = arith.addi %mul3A_1408, %add3A_1409 : i32
      %get3A_1411 = arith.index_cast %add3A_1410 : i32 to index
      %get3A_1412 = tpu.vector_load %arg10[%get3A_1411] {strides = array<i32>} : memref<4096xi32, #tpu.memory_space<vmem>>, vector<16xi32>,
      %get3A_1413 = arith.index_cast %add3A_1410 : i32 to index
      %get3A_1414 = tpu.vector_load %arg12[%get3A_1413] {strides = array<i32>} : memref<4096xi32, #tpu.memory_space<vmem>>, vector<16xi32>,
      %shift_right_logical3A_1415 = arith.constant 12 : i32
      %shift_right_logical3A_1416 = vector.broadcast %shift_right_logical3A_1415 : i32 to vector<16xi32>
      %shift_right_logical3A_1417 = arith.shrui %get3A_1412, %shift_right_logical3A_1416 : vector<16xi32>
      %eq3A_1418 = vector.broadcast %add3A : i32 to vector<16xi32>
      %eq3A_1419 = arith.cmpi eq, %shift_right_logical3A_1417, %eq3A_1418 : vector<16xi32>
      %and3A_1420 = arith.constant 4095 : i32
      %and3A_1421 = vector.broadcast %and3A_1420 : i32 to vector<16xi32>
      %and3A_1422 = arith.andi %get3A_1412, %and3A_1421 : vector<16xi32>
      %add3A_1423 = arith.constant 1 : i32
      %add3A_1424 = vector.broadcast %add3A_1423 : i32 to vector<16xi32>
      %add3A_1425 = arith.addi %get3A_1414, %add3A_1424 : vector<16xi32>
      tpu.vector_store_idx %arg13[%and3A_1422], %add3A_1425 masked %eq3A_1419 : memref<4096xi32, #tpu.memory_space<vmem>>[vector<16xi32>], vector<16xi32>, vector<16xi1>
      %scan3A_1426 = arith.constant 0 : i32
      scf.yield %scan3A_1426 : i32
    }
    %scan3A_578 = arith.constant 64 : i32
    "tpu.trace_stop"() : () -> ()
    "tpu.trace_start"() <{level = 10 : i32, message = "scan_f"}> : () -> ()
    %dma_start3A_579 = arith.constant 0 : i32
    %dma_start3A_580 = tpu.memref_slice %arg5[%dma_start3A_579] : memref<32768xi32, #tpu.memory_space<hbm>> -> memref<4096xi32, #tpu.memory_space<hbm>>
    %dma_start3A_581 = arith.constant 0 : i32
    %dma_start3A_582 = tpu.memref_slice %arg5[%dma_start3A_581] : memref<32768xi32, #tpu.memory_space<hbm>> -> memref<4096xi32, #tpu.memory_space<hbm>>
    tpu.enqueue_dma source(%dma_start3A_582 : memref<4096xi32, #tpu.memory_space<hbm>>) target(%arg9 : memref<4096xi32, #tpu.memory_space<vmem>>) target_semaphore(%arg21 : memref<!tpu.dma_semaphore, #tpu.memory_space<semaphore_mem>>)
    %dma_start3A_583 = arith.constant 0 : i32
    %dma_start3A_584 = tpu.memref_slice %arg6[%dma_start3A_583] : memref<32768xi32, #tpu.memory_space<hbm>> -> memref<4096xi32, #tpu.memory_space<hbm>>
    %dma_start3A_585 = arith.constant 0 : i32
    %dma_start3A_586 = tpu.memref_slice %arg6[%dma_start3A_585] : memref<32768xi32, #tpu.memory_space<hbm>> -> memref<4096xi32, #tpu.memory_space<hbm>>
    tpu.enqueue_dma source(%dma_start3A_586 : memref<4096xi32, #tpu.memory_space<hbm>>) target(%arg11 : memref<4096xi32, #tpu.memory_space<vmem>>) target_semaphore(%arg21 : memref<!tpu.dma_semaphore, #tpu.memory_space<semaphore_mem>>)
    %dma_wait3A_587 = arith.constant 0 : i32
    %dma_wait3A_588 = tpu.memref_slice %arg5[%dma_wait3A_587] : memref<32768xi32, #tpu.memory_space<hbm>> -> memref<4096xi32, #tpu.memory_space<hbm>>
    %dma_wait3A_589 = arith.constant 0 : i32
    %dma_wait3A_590 = tpu.memref_slice %arg5[%dma_wait3A_589] : memref<32768xi32, #tpu.memory_space<hbm>> -> memref<4096xi32, #tpu.memory_space<hbm>>
    tpu.wait_dma2 semaphore(%arg21 : memref<!tpu.dma_semaphore, #tpu.memory_space<semaphore_mem>>) src(%dma_wait3A_590 : memref<4096xi32, #tpu.memory_space<hbm>>) dst(%arg9 : memref<4096xi32, #tpu.memory_space<vmem>>)
    %dma_wait3A_591 = arith.constant 0 : i32
    %dma_wait3A_592 = tpu.memref_slice %arg6[%dma_wait3A_591] : memref<32768xi32, #tpu.memory_space<hbm>> -> memref<4096xi32, #tpu.memory_space<hbm>>
    %dma_wait3A_593 = arith.constant 0 : i32
    %dma_wait3A_594 = tpu.memref_slice %arg6[%dma_wait3A_593] : memref<32768xi32, #tpu.memory_space<hbm>> -> memref<4096xi32, #tpu.memory_space<hbm>>
    tpu.wait_dma2 semaphore(%arg21 : memref<!tpu.dma_semaphore, #tpu.memory_space<semaphore_mem>>) src(%dma_wait3A_594 : memref<4096xi32, #tpu.memory_space<hbm>>) dst(%arg11 : memref<4096xi32, #tpu.memory_space<vmem>>)
    %dma_start3A_595 = arith.constant 4096 : i32
    %dma_start3A_596 = tpu.memref_slice %arg5[%dma_start3A_595] : memref<32768xi32, #tpu.memory_space<hbm>> -> memref<4096xi32, #tpu.memory_space<hbm>>
    %dma_start3A_597 = arith.constant 4096 : i32
    %dma_start3A_598 = tpu.memref_slice %arg5[%dma_start3A_597] : memref<32768xi32, #tpu.memory_space<hbm>> -> memref<4096xi32, #tpu.memory_space<hbm>>
    tpu.enqueue_dma source(%dma_start3A_598 : memref<4096xi32, #tpu.memory_space<hbm>>) target(%arg10 : memref<4096xi32, #tpu.memory_space<vmem>>) target_semaphore(%arg21 : memref<!tpu.dma_semaphore, #tpu.memory_space<semaphore_mem>>)
    %dma_start3A_599 = arith.constant 4096 : i32
    %dma_start3A_600 = tpu.memref_slice %arg6[%dma_start3A_599] : memref<32768xi32, #tpu.memory_space<hbm>> -> memref<4096xi32, #tpu.memory_space<hbm>>
    %dma_start3A_601 = arith.constant 4096 : i32
    %dma_start3A_602 = tpu.memref_slice %arg6[%dma_start3A_601] : memref<32768xi32, #tpu.memory_space<hbm>> -> memref<4096xi32, #tpu.memory_space<hbm>>
    tpu.enqueue_dma source(%dma_start3A_602 : memref<4096xi32, #tpu.memory_space<hbm>>) target(%arg12 : memref<4096xi32, #tpu.memory_space<vmem>>) target_semaphore(%arg21 : memref<!tpu.dma_semaphore, #tpu.memory_space<semaphore_mem>>)
    %scan3A_603 = arith.constant 0 : i32
    %scan3A_604 = arith.constant 0 : i32
    %scan3A_605 = arith.constant 64 : i32
    %scan3A_606 = arith.addi %scan3A_604, %scan3A_605 : i32
    %scan3A_607 = arith.constant 1 : i32
    %scan3A_608 = scf.for %scan3A_1350 = %scan3A_604 to %scan3A_606 step %scan3A_607 iter_args(%scan3A_1351 = %scan3A_603) -> (i32)  : i32 {
      %mul3A_1352 = arith.constant 64 : i32
      %mul3A_1353 = arith.muli %scan3A_1350, %mul3A_1352 : i32
      %add3A_1354 = arith.constant 0 : i32
      %add3A_1355 = arith.addi %mul3A_1353, %add3A_1354 : i32
      %get3A = arith.index_cast %add3A_1355 : i32 to index
      %get3A_1356 = tpu.vector_load %arg9[%get3A] {strides = array<i32>} : memref<4096xi32, #tpu.memory_space<vmem>>, vector<16xi32>,
      %get3A_1357 = arith.index_cast %add3A_1355 : i32 to index
      %get3A_1358 = tpu.vector_load %arg11[%get3A_1357] {strides = array<i32>} : memref<4096xi32, #tpu.memory_space<vmem>>, vector<16xi32>,
      %shift_right_logical3A_1359 = arith.constant 12 : i32
      %shift_right_logical3A_1360 = vector.broadcast %shift_right_logical3A_1359 : i32 to vector<16xi32>
      %shift_right_logical3A_1361 = arith.shrui %get3A_1356, %shift_right_logical3A_1360 : vector<16xi32>
      %eq3A = vector.broadcast %add3A : i32 to vector<16xi32>
      %eq3A_1362 = arith.cmpi eq, %shift_right_logical3A_1361, %eq3A : vector<16xi32>
      %and3A_1363 = arith.constant 4095 : i32
      %and3A_1364 = vector.broadcast %and3A_1363 : i32 to vector<16xi32>
      %and3A_1365 = arith.andi %get3A_1356, %and3A_1364 : vector<16xi32>
      %add3A_1366 = arith.constant 1 : i32
      %add3A_1367 = vector.broadcast %add3A_1366 : i32 to vector<16xi32>
      %add3A_1368 = arith.addi %get3A_1358, %add3A_1367 : vector<16xi32>
      tpu.vector_store_idx %arg14[%and3A_1365], %add3A_1368 masked %eq3A_1362 : memref<4096xi32, #tpu.memory_space<vmem>>[vector<16xi32>], vector<16xi32>, vector<16xi1>
      %mul3A_1369 = arith.constant 64 : i32
      %mul3A_1370 = arith.muli %scan3A_1350, %mul3A_1369 : i32
      %add3A_1371 = arith.constant 16 : i32
      %add3A_1372 = arith.addi %mul3A_1370, %add3A_1371 : i32
      %get3A_1373 = arith.index_cast %add3A_1372 : i32 to index
      %get3A_1374 = tpu.vector_load %arg9[%get3A_1373] {strides = array<i32>} : memref<4096xi32, #tpu.memory_space<vmem>>, vector<16xi32>,
      %get3A_1375 = arith.index_cast %add3A_1372 : i32 to index
      %get3A_1376 = tpu.vector_load %arg11[%get3A_1375] {strides = array<i32>} : memref<4096xi32, #tpu.memory_space<vmem>>, vector<16xi32>,
      %shift_right_logical3A_1377 = arith.constant 12 : i32
      %shift_right_logical3A_1378 = vector.broadcast %shift_right_logical3A_1377 : i32 to vector<16xi32>
      %shift_right_logical3A_1379 = arith.shrui %get3A_1374, %shift_right_logical3A_1378 : vector<16xi32>
      %eq3A_1380 = vector.broadcast %add3A : i32 to vector<16xi32>
      %eq3A_1381 = arith.cmpi eq, %shift_right_logical3A_1379, %eq3A_1380 : vector<16xi32>
      %and3A_1382 = arith.constant 4095 : i32
      %and3A_1383 = vector.broadcast %and3A_1382 : i32 to vector<16xi32>
      %and3A_1384 = arith.andi %get3A_1374, %and3A_1383 : vector<16xi32>
      %add3A_1385 = arith.constant 1 : i32
      %add3A_1386 = vector.broadcast %add3A_1385 : i32 to vector<16xi32>
      %add3A_1387 = arith.addi %get3A_1376, %add3A_1386 : vector<16xi32>
      tpu.vector_store_idx %arg14[%and3A_1384], %add3A_1387 masked %eq3A_1381 : memref<4096xi32, #tpu.memory_space<vmem>>[vector<16xi32>], vector<16xi32>, vector<16xi1>
      %mul3A_1388 = arith.constant 64 : i32
      %mul3A_1389 = arith.muli %scan3A_1350, %mul3A_1388 : i32
      %add3A_1390 = arith.constant 32 : i32
      %add3A_1391 = arith.addi %mul3A_1389, %add3A_1390 : i32
      %get3A_1392 = arith.index_cast %add3A_1391 : i32 to index
      %get3A_1393 = tpu.vector_load %arg9[%get3A_1392] {strides = array<i32>} : memref<4096xi32, #tpu.memory_space<vmem>>, vector<16xi32>,
      %get3A_1394 = arith.index_cast %add3A_1391 : i32 to index
      %get3A_1395 = tpu.vector_load %arg11[%get3A_1394] {strides = array<i32>} : memref<4096xi32, #tpu.memory_space<vmem>>, vector<16xi32>,
      %shift_right_logical3A_1396 = arith.constant 12 : i32
      %shift_right_logical3A_1397 = vector.broadcast %shift_right_logical3A_1396 : i32 to vector<16xi32>
      %shift_right_logical3A_1398 = arith.shrui %get3A_1393, %shift_right_logical3A_1397 : vector<16xi32>
      %eq3A_1399 = vector.broadcast %add3A : i32 to vector<16xi32>
      %eq3A_1400 = arith.cmpi eq, %shift_right_logical3A_1398, %eq3A_1399 : vector<16xi32>
      %and3A_1401 = arith.constant 4095 : i32
      %and3A_1402 = vector.broadcast %and3A_1401 : i32 to vector<16xi32>
      %and3A_1403 = arith.andi %get3A_1393, %and3A_1402 : vector<16xi32>
      %add3A_1404 = arith.constant 1 : i32
      %add3A_1405 = vector.broadcast %add3A_1404 : i32 to vector<16xi32>
      %add3A_1406 = arith.addi %get3A_1395, %add3A_1405 : vector<16xi32>
      tpu.vector_store_idx %arg14[%and3A_1403], %add3A_1406 masked %eq3A_1400 : memref<4096xi32, #tpu.memory_space<vmem>>[vector<16xi32>], vector<16xi32>, vector<16xi1>
      %mul3A_1407 = arith.constant 64 : i32
      %mul3A_1408 = arith.muli %scan3A_1350, %mul3A_1407 : i32
      %add3A_1409 = arith.constant 48 : i32
      %add3A_1410 = arith.addi %mul3A_1408, %add3A_1409 : i32
      %get3A_1411 = arith.index_cast %add3A_1410 : i32 to index
      %get3A_1412 = tpu.vector_load %arg9[%get3A_1411] {strides = array<i32>} : memref<4096xi32, #tpu.memory_space<vmem>>, vector<16xi32>,
      %get3A_1413 = arith.index_cast %add3A_1410 : i32 to index
      %get3A_1414 = tpu.vector_load %arg11[%get3A_1413] {strides = array<i32>} : memref<4096xi32, #tpu.memory_space<vmem>>, vector<16xi32>,
      %shift_right_logical3A_1415 = arith.constant 12 : i32
      %shift_right_logical3A_1416 = vector.broadcast %shift_right_logical3A_1415 : i32 to vector<16xi32>
      %shift_right_logical3A_1417 = arith.shrui %get3A_1412, %shift_right_logical3A_1416 : vector<16xi32>
      %eq3A_1418 = vector.broadcast %add3A : i32 to vector<16xi32>
      %eq3A_1419 = arith.cmpi eq, %shift_right_logical3A_1417, %eq3A_1418 : vector<16xi32>
      %and3A_1420 = arith.constant 4095 : i32
      %and3A_1421 = vector.broadcast %and3A_1420 : i32 to vector<16xi32>
      %and3A_1422 = arith.andi %get3A_1412, %and3A_1421 : vector<16xi32>
      %add3A_1423 = arith.constant 1 : i32
      %add3A_1424 = vector.broadcast %add3A_1423 : i32 to vector<16xi32>
      %add3A_1425 = arith.addi %get3A_1414, %add3A_1424 : vector<16xi32>
      tpu.vector_store_idx %arg14[%and3A_1422], %add3A_1425 masked %eq3A_1419 : memref<4096xi32, #tpu.memory_space<vmem>>[vector<16xi32>], vector<16xi32>, vector<16xi1>
      %scan3A_1426 = arith.constant 0 : i32
      scf.yield %scan3A_1426 : i32
    }
    %scan3A_609 = arith.constant 64 : i32
    %dma_wait3A_610 = arith.constant 4096 : i32
    %dma_wait3A_611 = tpu.memref_slice %arg5[%dma_wait3A_610] : memref<32768xi32, #tpu.memory_space<hbm>> -> memref<4096xi32, #tpu.memory_space<hbm>>
    %dma_wait3A_612 = arith.constant 4096 : i32
    %dma_wait3A_613 = tpu.memref_slice %arg5[%dma_wait3A_612] : memref<32768xi32, #tpu.memory_space<hbm>> -> memref<4096xi32, #tpu.memory_space<hbm>>
    tpu.wait_dma2 semaphore(%arg21 : memref<!tpu.dma_semaphore, #tpu.memory_space<semaphore_mem>>) src(%dma_wait3A_613 : memref<4096xi32, #tpu.memory_space<hbm>>) dst(%arg10 : memref<4096xi32, #tpu.memory_space<vmem>>)
    %dma_wait3A_614 = arith.constant 4096 : i32
    %dma_wait3A_615 = tpu.memref_slice %arg6[%dma_wait3A_614] : memref<32768xi32, #tpu.memory_space<hbm>> -> memref<4096xi32, #tpu.memory_space<hbm>>
    %dma_wait3A_616 = arith.constant 4096 : i32
    %dma_wait3A_617 = tpu.memref_slice %arg6[%dma_wait3A_616] : memref<32768xi32, #tpu.memory_space<hbm>> -> memref<4096xi32, #tpu.memory_space<hbm>>
    tpu.wait_dma2 semaphore(%arg21 : memref<!tpu.dma_semaphore, #tpu.memory_space<semaphore_mem>>) src(%dma_wait3A_617 : memref<4096xi32, #tpu.memory_space<hbm>>) dst(%arg12 : memref<4096xi32, #tpu.memory_space<vmem>>)
    %dma_start3A_618 = arith.constant 8192 : i32
    %dma_start3A_619 = tpu.memref_slice %arg5[%dma_start3A_618] : memref<32768xi32, #tpu.memory_space<hbm>> -> memref<4096xi32, #tpu.memory_space<hbm>>
    %dma_start3A_620 = arith.constant 8192 : i32
    %dma_start3A_621 = tpu.memref_slice %arg5[%dma_start3A_620] : memref<32768xi32, #tpu.memory_space<hbm>> -> memref<4096xi32, #tpu.memory_space<hbm>>
    tpu.enqueue_dma source(%dma_start3A_621 : memref<4096xi32, #tpu.memory_space<hbm>>) target(%arg9 : memref<4096xi32, #tpu.memory_space<vmem>>) target_semaphore(%arg21 : memref<!tpu.dma_semaphore, #tpu.memory_space<semaphore_mem>>)
    %dma_start3A_622 = arith.constant 8192 : i32
    %dma_start3A_623 = tpu.memref_slice %arg6[%dma_start3A_622] : memref<32768xi32, #tpu.memory_space<hbm>> -> memref<4096xi32, #tpu.memory_space<hbm>>
    %dma_start3A_624 = arith.constant 8192 : i32
    %dma_start3A_625 = tpu.memref_slice %arg6[%dma_start3A_624] : memref<32768xi32, #tpu.memory_space<hbm>> -> memref<4096xi32, #tpu.memory_space<hbm>>
    tpu.enqueue_dma source(%dma_start3A_625 : memref<4096xi32, #tpu.memory_space<hbm>>) target(%arg11 : memref<4096xi32, #tpu.memory_space<vmem>>) target_semaphore(%arg21 : memref<!tpu.dma_semaphore, #tpu.memory_space<semaphore_mem>>)
    %scan3A_626 = arith.constant 0 : i32
    %scan3A_627 = arith.constant 0 : i32
    %scan3A_628 = arith.constant 64 : i32
    %scan3A_629 = arith.addi %scan3A_627, %scan3A_628 : i32
    %scan3A_630 = arith.constant 1 : i32
    %scan3A_631 = scf.for %scan3A_1350 = %scan3A_627 to %scan3A_629 step %scan3A_630 iter_args(%scan3A_1351 = %scan3A_626) -> (i32)  : i32 {
      %mul3A_1352 = arith.constant 64 : i32
      %mul3A_1353 = arith.muli %scan3A_1350, %mul3A_1352 : i32
      %add3A_1354 = arith.constant 0 : i32
      %add3A_1355 = arith.addi %mul3A_1353, %add3A_1354 : i32
      %get3A = arith.index_cast %add3A_1355 : i32 to index
      %get3A_1356 = tpu.vector_load %arg10[%get3A] {strides = array<i32>} : memref<4096xi32, #tpu.memory_space<vmem>>, vector<16xi32>,
      %get3A_1357 = arith.index_cast %add3A_1355 : i32 to index
      %get3A_1358 = tpu.vector_load %arg12[%get3A_1357] {strides = array<i32>} : memref<4096xi32, #tpu.memory_space<vmem>>, vector<16xi32>,
      %shift_right_logical3A_1359 = arith.constant 12 : i32
      %shift_right_logical3A_1360 = vector.broadcast %shift_right_logical3A_1359 : i32 to vector<16xi32>
      %shift_right_logical3A_1361 = arith.shrui %get3A_1356, %shift_right_logical3A_1360 : vector<16xi32>
      %eq3A = vector.broadcast %add3A : i32 to vector<16xi32>
      %eq3A_1362 = arith.cmpi eq, %shift_right_logical3A_1361, %eq3A : vector<16xi32>
      %and3A_1363 = arith.constant 4095 : i32
      %and3A_1364 = vector.broadcast %and3A_1363 : i32 to vector<16xi32>
      %and3A_1365 = arith.andi %get3A_1356, %and3A_1364 : vector<16xi32>
      %add3A_1366 = arith.constant 1 : i32
      %add3A_1367 = vector.broadcast %add3A_1366 : i32 to vector<16xi32>
      %add3A_1368 = arith.addi %get3A_1358, %add3A_1367 : vector<16xi32>
      tpu.vector_store_idx %arg14[%and3A_1365], %add3A_1368 masked %eq3A_1362 : memref<4096xi32, #tpu.memory_space<vmem>>[vector<16xi32>], vector<16xi32>, vector<16xi1>
      %mul3A_1369 = arith.constant 64 : i32
      %mul3A_1370 = arith.muli %scan3A_1350, %mul3A_1369 : i32
      %add3A_1371 = arith.constant 16 : i32
      %add3A_1372 = arith.addi %mul3A_1370, %add3A_1371 : i32
      %get3A_1373 = arith.index_cast %add3A_1372 : i32 to index
      %get3A_1374 = tpu.vector_load %arg10[%get3A_1373] {strides = array<i32>} : memref<4096xi32, #tpu.memory_space<vmem>>, vector<16xi32>,
      %get3A_1375 = arith.index_cast %add3A_1372 : i32 to index
      %get3A_1376 = tpu.vector_load %arg12[%get3A_1375] {strides = array<i32>} : memref<4096xi32, #tpu.memory_space<vmem>>, vector<16xi32>,
      %shift_right_logical3A_1377 = arith.constant 12 : i32
      %shift_right_logical3A_1378 = vector.broadcast %shift_right_logical3A_1377 : i32 to vector<16xi32>
      %shift_right_logical3A_1379 = arith.shrui %get3A_1374, %shift_right_logical3A_1378 : vector<16xi32>
      %eq3A_1380 = vector.broadcast %add3A : i32 to vector<16xi32>
      %eq3A_1381 = arith.cmpi eq, %shift_right_logical3A_1379, %eq3A_1380 : vector<16xi32>
      %and3A_1382 = arith.constant 4095 : i32
      %and3A_1383 = vector.broadcast %and3A_1382 : i32 to vector<16xi32>
      %and3A_1384 = arith.andi %get3A_1374, %and3A_1383 : vector<16xi32>
      %add3A_1385 = arith.constant 1 : i32
      %add3A_1386 = vector.broadcast %add3A_1385 : i32 to vector<16xi32>
      %add3A_1387 = arith.addi %get3A_1376, %add3A_1386 : vector<16xi32>
      tpu.vector_store_idx %arg14[%and3A_1384], %add3A_1387 masked %eq3A_1381 : memref<4096xi32, #tpu.memory_space<vmem>>[vector<16xi32>], vector<16xi32>, vector<16xi1>
      %mul3A_1388 = arith.constant 64 : i32
      %mul3A_1389 = arith.muli %scan3A_1350, %mul3A_1388 : i32
      %add3A_1390 = arith.constant 32 : i32
      %add3A_1391 = arith.addi %mul3A_1389, %add3A_1390 : i32
      %get3A_1392 = arith.index_cast %add3A_1391 : i32 to index
      %get3A_1393 = tpu.vector_load %arg10[%get3A_1392] {strides = array<i32>} : memref<4096xi32, #tpu.memory_space<vmem>>, vector<16xi32>,
      %get3A_1394 = arith.index_cast %add3A_1391 : i32 to index
      %get3A_1395 = tpu.vector_load %arg12[%get3A_1394] {strides = array<i32>} : memref<4096xi32, #tpu.memory_space<vmem>>, vector<16xi32>,
      %shift_right_logical3A_1396 = arith.constant 12 : i32
      %shift_right_logical3A_1397 = vector.broadcast %shift_right_logical3A_1396 : i32 to vector<16xi32>
      %shift_right_logical3A_1398 = arith.shrui %get3A_1393, %shift_right_logical3A_1397 : vector<16xi32>
      %eq3A_1399 = vector.broadcast %add3A : i32 to vector<16xi32>
      %eq3A_1400 = arith.cmpi eq, %shift_right_logical3A_1398, %eq3A_1399 : vector<16xi32>
      %and3A_1401 = arith.constant 4095 : i32
      %and3A_1402 = vector.broadcast %and3A_1401 : i32 to vector<16xi32>
      %and3A_1403 = arith.andi %get3A_1393, %and3A_1402 : vector<16xi32>
      %add3A_1404 = arith.constant 1 : i32
      %add3A_1405 = vector.broadcast %add3A_1404 : i32 to vector<16xi32>
      %add3A_1406 = arith.addi %get3A_1395, %add3A_1405 : vector<16xi32>
      tpu.vector_store_idx %arg14[%and3A_1403], %add3A_1406 masked %eq3A_1400 : memref<4096xi32, #tpu.memory_space<vmem>>[vector<16xi32>], vector<16xi32>, vector<16xi1>
      %mul3A_1407 = arith.constant 64 : i32
      %mul3A_1408 = arith.muli %scan3A_1350, %mul3A_1407 : i32
      %add3A_1409 = arith.constant 48 : i32
      %add3A_1410 = arith.addi %mul3A_1408, %add3A_1409 : i32
      %get3A_1411 = arith.index_cast %add3A_1410 : i32 to index
      %get3A_1412 = tpu.vector_load %arg10[%get3A_1411] {strides = array<i32>} : memref<4096xi32, #tpu.memory_space<vmem>>, vector<16xi32>,
      %get3A_1413 = arith.index_cast %add3A_1410 : i32 to index
      %get3A_1414 = tpu.vector_load %arg12[%get3A_1413] {strides = array<i32>} : memref<4096xi32, #tpu.memory_space<vmem>>, vector<16xi32>,
      %shift_right_logical3A_1415 = arith.constant 12 : i32
      %shift_right_logical3A_1416 = vector.broadcast %shift_right_logical3A_1415 : i32 to vector<16xi32>
      %shift_right_logical3A_1417 = arith.shrui %get3A_1412, %shift_right_logical3A_1416 : vector<16xi32>
      %eq3A_1418 = vector.broadcast %add3A : i32 to vector<16xi32>
      %eq3A_1419 = arith.cmpi eq, %shift_right_logical3A_1417, %eq3A_1418 : vector<16xi32>
      %and3A_1420 = arith.constant 4095 : i32
      %and3A_1421 = vector.broadcast %and3A_1420 : i32 to vector<16xi32>
      %and3A_1422 = arith.andi %get3A_1412, %and3A_1421 : vector<16xi32>
      %add3A_1423 = arith.constant 1 : i32
      %add3A_1424 = vector.broadcast %add3A_1423 : i32 to vector<16xi32>
      %add3A_1425 = arith.addi %get3A_1414, %add3A_1424 : vector<16xi32>
      tpu.vector_store_idx %arg14[%and3A_1422], %add3A_1425 masked %eq3A_1419 : memref<4096xi32, #tpu.memory_space<vmem>>[vector<16xi32>], vector<16xi32>, vector<16xi1>
      %scan3A_1426 = arith.constant 0 : i32
      scf.yield %scan3A_1426 : i32
    }
    %scan3A_632 = arith.constant 64 : i32
    %dma_wait3A_633 = arith.constant 8192 : i32
    %dma_wait3A_634 = tpu.memref_slice %arg5[%dma_wait3A_633] : memref<32768xi32, #tpu.memory_space<hbm>> -> memref<4096xi32, #tpu.memory_space<hbm>>
    %dma_wait3A_635 = arith.constant 8192 : i32
    %dma_wait3A_636 = tpu.memref_slice %arg5[%dma_wait3A_635] : memref<32768xi32, #tpu.memory_space<hbm>> -> memref<4096xi32, #tpu.memory_space<hbm>>
    tpu.wait_dma2 semaphore(%arg21 : memref<!tpu.dma_semaphore, #tpu.memory_space<semaphore_mem>>) src(%dma_wait3A_636 : memref<4096xi32, #tpu.memory_space<hbm>>) dst(%arg9 : memref<4096xi32, #tpu.memory_space<vmem>>)
    %dma_wait3A_637 = arith.constant 8192 : i32
    %dma_wait3A_638 = tpu.memref_slice %arg6[%dma_wait3A_637] : memref<32768xi32, #tpu.memory_space<hbm>> -> memref<4096xi32, #tpu.memory_space<hbm>>
    %dma_wait3A_639 = arith.constant 8192 : i32
    %dma_wait3A_640 = tpu.memref_slice %arg6[%dma_wait3A_639] : memref<32768xi32, #tpu.memory_space<hbm>> -> memref<4096xi32, #tpu.memory_space<hbm>>
    tpu.wait_dma2 semaphore(%arg21 : memref<!tpu.dma_semaphore, #tpu.memory_space<semaphore_mem>>) src(%dma_wait3A_640 : memref<4096xi32, #tpu.memory_space<hbm>>) dst(%arg11 : memref<4096xi32, #tpu.memory_space<vmem>>)
    %dma_start3A_641 = arith.constant 12288 : i32
    %dma_start3A_642 = tpu.memref_slice %arg5[%dma_start3A_641] : memref<32768xi32, #tpu.memory_space<hbm>> -> memref<4096xi32, #tpu.memory_space<hbm>>
    %dma_start3A_643 = arith.constant 12288 : i32
    %dma_start3A_644 = tpu.memref_slice %arg5[%dma_start3A_643] : memref<32768xi32, #tpu.memory_space<hbm>> -> memref<4096xi32, #tpu.memory_space<hbm>>
    tpu.enqueue_dma source(%dma_start3A_644 : memref<4096xi32, #tpu.memory_space<hbm>>) target(%arg10 : memref<4096xi32, #tpu.memory_space<vmem>>) target_semaphore(%arg21 : memref<!tpu.dma_semaphore, #tpu.memory_space<semaphore_mem>>)
    %dma_start3A_645 = arith.constant 12288 : i32
    %dma_start3A_646 = tpu.memref_slice %arg6[%dma_start3A_645] : memref<32768xi32, #tpu.memory_space<hbm>> -> memref<4096xi32, #tpu.memory_space<hbm>>
    %dma_start3A_647 = arith.constant 12288 : i32
    %dma_start3A_648 = tpu.memref_slice %arg6[%dma_start3A_647] : memref<32768xi32, #tpu.memory_space<hbm>> -> memref<4096xi32, #tpu.memory_space<hbm>>
    tpu.enqueue_dma source(%dma_start3A_648 : memref<4096xi32, #tpu.memory_space<hbm>>) target(%arg12 : memref<4096xi32, #tpu.memory_space<vmem>>) target_semaphore(%arg21 : memref<!tpu.dma_semaphore, #tpu.memory_space<semaphore_mem>>)
    %scan3A_649 = arith.constant 0 : i32
    %scan3A_650 = arith.constant 0 : i32
    %scan3A_651 = arith.constant 64 : i32
    %scan3A_652 = arith.addi %scan3A_650, %scan3A_651 : i32
    %scan3A_653 = arith.constant 1 : i32
    %scan3A_654 = scf.for %scan3A_1350 = %scan3A_650 to %scan3A_652 step %scan3A_653 iter_args(%scan3A_1351 = %scan3A_649) -> (i32)  : i32 {
      %mul3A_1352 = arith.constant 64 : i32
      %mul3A_1353 = arith.muli %scan3A_1350, %mul3A_1352 : i32
      %add3A_1354 = arith.constant 0 : i32
      %add3A_1355 = arith.addi %mul3A_1353, %add3A_1354 : i32
      %get3A = arith.index_cast %add3A_1355 : i32 to index
      %get3A_1356 = tpu.vector_load %arg9[%get3A] {strides = array<i32>} : memref<4096xi32, #tpu.memory_space<vmem>>, vector<16xi32>,
      %get3A_1357 = arith.index_cast %add3A_1355 : i32 to index
      %get3A_1358 = tpu.vector_load %arg11[%get3A_1357] {strides = array<i32>} : memref<4096xi32, #tpu.memory_space<vmem>>, vector<16xi32>,
      %shift_right_logical3A_1359 = arith.constant 12 : i32
      %shift_right_logical3A_1360 = vector.broadcast %shift_right_logical3A_1359 : i32 to vector<16xi32>
      %shift_right_logical3A_1361 = arith.shrui %get3A_1356, %shift_right_logical3A_1360 : vector<16xi32>
      %eq3A = vector.broadcast %add3A : i32 to vector<16xi32>
      %eq3A_1362 = arith.cmpi eq, %shift_right_logical3A_1361, %eq3A : vector<16xi32>
      %and3A_1363 = arith.constant 4095 : i32
      %and3A_1364 = vector.broadcast %and3A_1363 : i32 to vector<16xi32>
      %and3A_1365 = arith.andi %get3A_1356, %and3A_1364 : vector<16xi32>
      %add3A_1366 = arith.constant 1 : i32
      %add3A_1367 = vector.broadcast %add3A_1366 : i32 to vector<16xi32>
      %add3A_1368 = arith.addi %get3A_1358, %add3A_1367 : vector<16xi32>
      tpu.vector_store_idx %arg14[%and3A_1365], %add3A_1368 masked %eq3A_1362 : memref<4096xi32, #tpu.memory_space<vmem>>[vector<16xi32>], vector<16xi32>, vector<16xi1>
      %mul3A_1369 = arith.constant 64 : i32
      %mul3A_1370 = arith.muli %scan3A_1350, %mul3A_1369 : i32
      %add3A_1371 = arith.constant 16 : i32
      %add3A_1372 = arith.addi %mul3A_1370, %add3A_1371 : i32
      %get3A_1373 = arith.index_cast %add3A_1372 : i32 to index
      %get3A_1374 = tpu.vector_load %arg9[%get3A_1373] {strides = array<i32>} : memref<4096xi32, #tpu.memory_space<vmem>>, vector<16xi32>,
      %get3A_1375 = arith.index_cast %add3A_1372 : i32 to index
      %get3A_1376 = tpu.vector_load %arg11[%get3A_1375] {strides = array<i32>} : memref<4096xi32, #tpu.memory_space<vmem>>, vector<16xi32>,
      %shift_right_logical3A_1377 = arith.constant 12 : i32
      %shift_right_logical3A_1378 = vector.broadcast %shift_right_logical3A_1377 : i32 to vector<16xi32>
      %shift_right_logical3A_1379 = arith.shrui %get3A_1374, %shift_right_logical3A_1378 : vector<16xi32>
      %eq3A_1380 = vector.broadcast %add3A : i32 to vector<16xi32>
      %eq3A_1381 = arith.cmpi eq, %shift_right_logical3A_1379, %eq3A_1380 : vector<16xi32>
      %and3A_1382 = arith.constant 4095 : i32
      %and3A_1383 = vector.broadcast %and3A_1382 : i32 to vector<16xi32>
      %and3A_1384 = arith.andi %get3A_1374, %and3A_1383 : vector<16xi32>
      %add3A_1385 = arith.constant 1 : i32
      %add3A_1386 = vector.broadcast %add3A_1385 : i32 to vector<16xi32>
      %add3A_1387 = arith.addi %get3A_1376, %add3A_1386 : vector<16xi32>
      tpu.vector_store_idx %arg14[%and3A_1384], %add3A_1387 masked %eq3A_1381 : memref<4096xi32, #tpu.memory_space<vmem>>[vector<16xi32>], vector<16xi32>, vector<16xi1>
      %mul3A_1388 = arith.constant 64 : i32
      %mul3A_1389 = arith.muli %scan3A_1350, %mul3A_1388 : i32
      %add3A_1390 = arith.constant 32 : i32
      %add3A_1391 = arith.addi %mul3A_1389, %add3A_1390 : i32
      %get3A_1392 = arith.index_cast %add3A_1391 : i32 to index
      %get3A_1393 = tpu.vector_load %arg9[%get3A_1392] {strides = array<i32>} : memref<4096xi32, #tpu.memory_space<vmem>>, vector<16xi32>,
      %get3A_1394 = arith.index_cast %add3A_1391 : i32 to index
      %get3A_1395 = tpu.vector_load %arg11[%get3A_1394] {strides = array<i32>} : memref<4096xi32, #tpu.memory_space<vmem>>, vector<16xi32>,
      %shift_right_logical3A_1396 = arith.constant 12 : i32
      %shift_right_logical3A_1397 = vector.broadcast %shift_right_logical3A_1396 : i32 to vector<16xi32>
      %shift_right_logical3A_1398 = arith.shrui %get3A_1393, %shift_right_logical3A_1397 : vector<16xi32>
      %eq3A_1399 = vector.broadcast %add3A : i32 to vector<16xi32>
      %eq3A_1400 = arith.cmpi eq, %shift_right_logical3A_1398, %eq3A_1399 : vector<16xi32>
      %and3A_1401 = arith.constant 4095 : i32
      %and3A_1402 = vector.broadcast %and3A_1401 : i32 to vector<16xi32>
      %and3A_1403 = arith.andi %get3A_1393, %and3A_1402 : vector<16xi32>
      %add3A_1404 = arith.constant 1 : i32
      %add3A_1405 = vector.broadcast %add3A_1404 : i32 to vector<16xi32>
      %add3A_1406 = arith.addi %get3A_1395, %add3A_1405 : vector<16xi32>
      tpu.vector_store_idx %arg14[%and3A_1403], %add3A_1406 masked %eq3A_1400 : memref<4096xi32, #tpu.memory_space<vmem>>[vector<16xi32>], vector<16xi32>, vector<16xi1>
      %mul3A_1407 = arith.constant 64 : i32
      %mul3A_1408 = arith.muli %scan3A_1350, %mul3A_1407 : i32
      %add3A_1409 = arith.constant 48 : i32
      %add3A_1410 = arith.addi %mul3A_1408, %add3A_1409 : i32
      %get3A_1411 = arith.index_cast %add3A_1410 : i32 to index
      %get3A_1412 = tpu.vector_load %arg9[%get3A_1411] {strides = array<i32>} : memref<4096xi32, #tpu.memory_space<vmem>>, vector<16xi32>,
      %get3A_1413 = arith.index_cast %add3A_1410 : i32 to index
      %get3A_1414 = tpu.vector_load %arg11[%get3A_1413] {strides = array<i32>} : memref<4096xi32, #tpu.memory_space<vmem>>, vector<16xi32>,
      %shift_right_logical3A_1415 = arith.constant 12 : i32
      %shift_right_logical3A_1416 = vector.broadcast %shift_right_logical3A_1415 : i32 to vector<16xi32>
      %shift_right_logical3A_1417 = arith.shrui %get3A_1412, %shift_right_logical3A_1416 : vector<16xi32>
      %eq3A_1418 = vector.broadcast %add3A : i32 to vector<16xi32>
      %eq3A_1419 = arith.cmpi eq, %shift_right_logical3A_1417, %eq3A_1418 : vector<16xi32>
      %and3A_1420 = arith.constant 4095 : i32
      %and3A_1421 = vector.broadcast %and3A_1420 : i32 to vector<16xi32>
      %and3A_1422 = arith.andi %get3A_1412, %and3A_1421 : vector<16xi32>
      %add3A_1423 = arith.constant 1 : i32
      %add3A_1424 = vector.broadcast %add3A_1423 : i32 to vector<16xi32>
      %add3A_1425 = arith.addi %get3A_1414, %add3A_1424 : vector<16xi32>
      tpu.vector_store_idx %arg14[%and3A_1422], %add3A_1425 masked %eq3A_1419 : memref<4096xi32, #tpu.memory_space<vmem>>[vector<16xi32>], vector<16xi32>, vector<16xi1>
      %scan3A_1426 = arith.constant 0 : i32
      scf.yield %scan3A_1426 : i32
    }
    %scan3A_655 = arith.constant 64 : i32
    %dma_wait3A_656 = arith.constant 12288 : i32
    %dma_wait3A_657 = tpu.memref_slice %arg5[%dma_wait3A_656] : memref<32768xi32, #tpu.memory_space<hbm>> -> memref<4096xi32, #tpu.memory_space<hbm>>
    %dma_wait3A_658 = arith.constant 12288 : i32
    %dma_wait3A_659 = tpu.memref_slice %arg5[%dma_wait3A_658] : memref<32768xi32, #tpu.memory_space<hbm>> -> memref<4096xi32, #tpu.memory_space<hbm>>
    tpu.wait_dma2 semaphore(%arg21 : memref<!tpu.dma_semaphore, #tpu.memory_space<semaphore_mem>>) src(%dma_wait3A_659 : memref<4096xi32, #tpu.memory_space<hbm>>) dst(%arg10 : memref<4096xi32, #tpu.memory_space<vmem>>)
    %dma_wait3A_660 = arith.constant 12288 : i32
    %dma_wait3A_661 = tpu.memref_slice %arg6[%dma_wait3A_660] : memref<32768xi32, #tpu.memory_space<hbm>> -> memref<4096xi32, #tpu.memory_space<hbm>>
    %dma_wait3A_662 = arith.constant 12288 : i32
    %dma_wait3A_663 = tpu.memref_slice %arg6[%dma_wait3A_662] : memref<32768xi32, #tpu.memory_space<hbm>> -> memref<4096xi32, #tpu.memory_space<hbm>>
    tpu.wait_dma2 semaphore(%arg21 : memref<!tpu.dma_semaphore, #tpu.memory_space<semaphore_mem>>) src(%dma_wait3A_663 : memref<4096xi32, #tpu.memory_space<hbm>>) dst(%arg12 : memref<4096xi32, #tpu.memory_space<vmem>>)
    %dma_start3A_664 = arith.constant 16384 : i32
    %dma_start3A_665 = tpu.memref_slice %arg5[%dma_start3A_664] : memref<32768xi32, #tpu.memory_space<hbm>> -> memref<4096xi32, #tpu.memory_space<hbm>>
    %dma_start3A_666 = arith.constant 16384 : i32
    %dma_start3A_667 = tpu.memref_slice %arg5[%dma_start3A_666] : memref<32768xi32, #tpu.memory_space<hbm>> -> memref<4096xi32, #tpu.memory_space<hbm>>
    tpu.enqueue_dma source(%dma_start3A_667 : memref<4096xi32, #tpu.memory_space<hbm>>) target(%arg9 : memref<4096xi32, #tpu.memory_space<vmem>>) target_semaphore(%arg21 : memref<!tpu.dma_semaphore, #tpu.memory_space<semaphore_mem>>)
    %dma_start3A_668 = arith.constant 16384 : i32
    %dma_start3A_669 = tpu.memref_slice %arg6[%dma_start3A_668] : memref<32768xi32, #tpu.memory_space<hbm>> -> memref<4096xi32, #tpu.memory_space<hbm>>
    %dma_start3A_670 = arith.constant 16384 : i32
    %dma_start3A_671 = tpu.memref_slice %arg6[%dma_start3A_670] : memref<32768xi32, #tpu.memory_space<hbm>> -> memref<4096xi32, #tpu.memory_space<hbm>>
    tpu.enqueue_dma source(%dma_start3A_671 : memref<4096xi32, #tpu.memory_space<hbm>>) target(%arg11 : memref<4096xi32, #tpu.memory_space<vmem>>) target_semaphore(%arg21 : memref<!tpu.dma_semaphore, #tpu.memory_space<semaphore_mem>>)
    %scan3A_672 = arith.constant 0 : i32
    %scan3A_673 = arith.constant 0 : i32
    %scan3A_674 = arith.constant 64 : i32
    %scan3A_675 = arith.addi %scan3A_673, %scan3A_674 : i32
    %scan3A_676 = arith.constant 1 : i32
    %scan3A_677 = scf.for %scan3A_1350 = %scan3A_673 to %scan3A_675 step %scan3A_676 iter_args(%scan3A_1351 = %scan3A_672) -> (i32)  : i32 {
      %mul3A_1352 = arith.constant 64 : i32
      %mul3A_1353 = arith.muli %scan3A_1350, %mul3A_1352 : i32
      %add3A_1354 = arith.constant 0 : i32
      %add3A_1355 = arith.addi %mul3A_1353, %add3A_1354 : i32
      %get3A = arith.index_cast %add3A_1355 : i32 to index
      %get3A_1356 = tpu.vector_load %arg10[%get3A] {strides = array<i32>} : memref<4096xi32, #tpu.memory_space<vmem>>, vector<16xi32>,
      %get3A_1357 = arith.index_cast %add3A_1355 : i32 to index
      %get3A_1358 = tpu.vector_load %arg12[%get3A_1357] {strides = array<i32>} : memref<4096xi32, #tpu.memory_space<vmem>>, vector<16xi32>,
      %shift_right_logical3A_1359 = arith.constant 12 : i32
      %shift_right_logical3A_1360 = vector.broadcast %shift_right_logical3A_1359 : i32 to vector<16xi32>
      %shift_right_logical3A_1361 = arith.shrui %get3A_1356, %shift_right_logical3A_1360 : vector<16xi32>
      %eq3A = vector.broadcast %add3A : i32 to vector<16xi32>
      %eq3A_1362 = arith.cmpi eq, %shift_right_logical3A_1361, %eq3A : vector<16xi32>
      %and3A_1363 = arith.constant 4095 : i32
      %and3A_1364 = vector.broadcast %and3A_1363 : i32 to vector<16xi32>
      %and3A_1365 = arith.andi %get3A_1356, %and3A_1364 : vector<16xi32>
      %add3A_1366 = arith.constant 1 : i32
      %add3A_1367 = vector.broadcast %add3A_1366 : i32 to vector<16xi32>
      %add3A_1368 = arith.addi %get3A_1358, %add3A_1367 : vector<16xi32>
      tpu.vector_store_idx %arg14[%and3A_1365], %add3A_1368 masked %eq3A_1362 : memref<4096xi32, #tpu.memory_space<vmem>>[vector<16xi32>], vector<16xi32>, vector<16xi1>
      %mul3A_1369 = arith.constant 64 : i32
      %mul3A_1370 = arith.muli %scan3A_1350, %mul3A_1369 : i32
      %add3A_1371 = arith.constant 16 : i32
      %add3A_1372 = arith.addi %mul3A_1370, %add3A_1371 : i32
      %get3A_1373 = arith.index_cast %add3A_1372 : i32 to index
      %get3A_1374 = tpu.vector_load %arg10[%get3A_1373] {strides = array<i32>} : memref<4096xi32, #tpu.memory_space<vmem>>, vector<16xi32>,
      %get3A_1375 = arith.index_cast %add3A_1372 : i32 to index
      %get3A_1376 = tpu.vector_load %arg12[%get3A_1375] {strides = array<i32>} : memref<4096xi32, #tpu.memory_space<vmem>>, vector<16xi32>,
      %shift_right_logical3A_1377 = arith.constant 12 : i32
      %shift_right_logical3A_1378 = vector.broadcast %shift_right_logical3A_1377 : i32 to vector<16xi32>
      %shift_right_logical3A_1379 = arith.shrui %get3A_1374, %shift_right_logical3A_1378 : vector<16xi32>
      %eq3A_1380 = vector.broadcast %add3A : i32 to vector<16xi32>
      %eq3A_1381 = arith.cmpi eq, %shift_right_logical3A_1379, %eq3A_1380 : vector<16xi32>
      %and3A_1382 = arith.constant 4095 : i32
      %and3A_1383 = vector.broadcast %and3A_1382 : i32 to vector<16xi32>
      %and3A_1384 = arith.andi %get3A_1374, %and3A_1383 : vector<16xi32>
      %add3A_1385 = arith.constant 1 : i32
      %add3A_1386 = vector.broadcast %add3A_1385 : i32 to vector<16xi32>
      %add3A_1387 = arith.addi %get3A_1376, %add3A_1386 : vector<16xi32>
      tpu.vector_store_idx %arg14[%and3A_1384], %add3A_1387 masked %eq3A_1381 : memref<4096xi32, #tpu.memory_space<vmem>>[vector<16xi32>], vector<16xi32>, vector<16xi1>
      %mul3A_1388 = arith.constant 64 : i32
      %mul3A_1389 = arith.muli %scan3A_1350, %mul3A_1388 : i32
      %add3A_1390 = arith.constant 32 : i32
      %add3A_1391 = arith.addi %mul3A_1389, %add3A_1390 : i32
      %get3A_1392 = arith.index_cast %add3A_1391 : i32 to index
      %get3A_1393 = tpu.vector_load %arg10[%get3A_1392] {strides = array<i32>} : memref<4096xi32, #tpu.memory_space<vmem>>, vector<16xi32>,
      %get3A_1394 = arith.index_cast %add3A_1391 : i32 to index
      %get3A_1395 = tpu.vector_load %arg12[%get3A_1394] {strides = array<i32>} : memref<4096xi32, #tpu.memory_space<vmem>>, vector<16xi32>,
      %shift_right_logical3A_1396 = arith.constant 12 : i32
      %shift_right_logical3A_1397 = vector.broadcast %shift_right_logical3A_1396 : i32 to vector<16xi32>
      %shift_right_logical3A_1398 = arith.shrui %get3A_1393, %shift_right_logical3A_1397 : vector<16xi32>
      %eq3A_1399 = vector.broadcast %add3A : i32 to vector<16xi32>
      %eq3A_1400 = arith.cmpi eq, %shift_right_logical3A_1398, %eq3A_1399 : vector<16xi32>
      %and3A_1401 = arith.constant 4095 : i32
      %and3A_1402 = vector.broadcast %and3A_1401 : i32 to vector<16xi32>
      %and3A_1403 = arith.andi %get3A_1393, %and3A_1402 : vector<16xi32>
      %add3A_1404 = arith.constant 1 : i32
      %add3A_1405 = vector.broadcast %add3A_1404 : i32 to vector<16xi32>
      %add3A_1406 = arith.addi %get3A_1395, %add3A_1405 : vector<16xi32>
      tpu.vector_store_idx %arg14[%and3A_1403], %add3A_1406 masked %eq3A_1400 : memref<4096xi32, #tpu.memory_space<vmem>>[vector<16xi32>], vector<16xi32>, vector<16xi1>
      %mul3A_1407 = arith.constant 64 : i32
      %mul3A_1408 = arith.muli %scan3A_1350, %mul3A_1407 : i32
      %add3A_1409 = arith.constant 48 : i32
      %add3A_1410 = arith.addi %mul3A_1408, %add3A_1409 : i32
      %get3A_1411 = arith.index_cast %add3A_1410 : i32 to index
      %get3A_1412 = tpu.vector_load %arg10[%get3A_1411] {strides = array<i32>} : memref<4096xi32, #tpu.memory_space<vmem>>, vector<16xi32>,
      %get3A_1413 = arith.index_cast %add3A_1410 : i32 to index
      %get3A_1414 = tpu.vector_load %arg12[%get3A_1413] {strides = array<i32>} : memref<4096xi32, #tpu.memory_space<vmem>>, vector<16xi32>,
      %shift_right_logical3A_1415 = arith.constant 12 : i32
      %shift_right_logical3A_1416 = vector.broadcast %shift_right_logical3A_1415 : i32 to vector<16xi32>
      %shift_right_logical3A_1417 = arith.shrui %get3A_1412, %shift_right_logical3A_1416 : vector<16xi32>
      %eq3A_1418 = vector.broadcast %add3A : i32 to vector<16xi32>
      %eq3A_1419 = arith.cmpi eq, %shift_right_logical3A_1417, %eq3A_1418 : vector<16xi32>
      %and3A_1420 = arith.constant 4095 : i32
      %and3A_1421 = vector.broadcast %and3A_1420 : i32 to vector<16xi32>
      %and3A_1422 = arith.andi %get3A_1412, %and3A_1421 : vector<16xi32>
      %add3A_1423 = arith.constant 1 : i32
      %add3A_1424 = vector.broadcast %add3A_1423 : i32 to vector<16xi32>
      %add3A_1425 = arith.addi %get3A_1414, %add3A_1424 : vector<16xi32>
      tpu.vector_store_idx %arg14[%and3A_1422], %add3A_1425 masked %eq3A_1419 : memref<4096xi32, #tpu.memory_space<vmem>>[vector<16xi32>], vector<16xi32>, vector<16xi1>
      %scan3A_1426 = arith.constant 0 : i32
      scf.yield %scan3A_1426 : i32
    }
    %scan3A_678 = arith.constant 64 : i32
    %dma_wait3A_679 = arith.constant 16384 : i32
    %dma_wait3A_680 = tpu.memref_slice %arg5[%dma_wait3A_679] : memref<32768xi32, #tpu.memory_space<hbm>> -> memref<4096xi32, #tpu.memory_space<hbm>>
    %dma_wait3A_681 = arith.constant 16384 : i32
    %dma_wait3A_682 = tpu.memref_slice %arg5[%dma_wait3A_681] : memref<32768xi32, #tpu.memory_space<hbm>> -> memref<4096xi32, #tpu.memory_space<hbm>>
    tpu.wait_dma2 semaphore(%arg21 : memref<!tpu.dma_semaphore, #tpu.memory_space<semaphore_mem>>) src(%dma_wait3A_682 : memref<4096xi32, #tpu.memory_space<hbm>>) dst(%arg9 : memref<4096xi32, #tpu.memory_space<vmem>>)
    %dma_wait3A_683 = arith.constant 16384 : i32
    %dma_wait3A_684 = tpu.memref_slice %arg6[%dma_wait3A_683] : memref<32768xi32, #tpu.memory_space<hbm>> -> memref<4096xi32, #tpu.memory_space<hbm>>
    %dma_wait3A_685 = arith.constant 16384 : i32
    %dma_wait3A_686 = tpu.memref_slice %arg6[%dma_wait3A_685] : memref<32768xi32, #tpu.memory_space<hbm>> -> memref<4096xi32, #tpu.memory_space<hbm>>
    tpu.wait_dma2 semaphore(%arg21 : memref<!tpu.dma_semaphore, #tpu.memory_space<semaphore_mem>>) src(%dma_wait3A_686 : memref<4096xi32, #tpu.memory_space<hbm>>) dst(%arg11 : memref<4096xi32, #tpu.memory_space<vmem>>)
    %dma_start3A_687 = arith.constant 20480 : i32
    %dma_start3A_688 = tpu.memref_slice %arg5[%dma_start3A_687] : memref<32768xi32, #tpu.memory_space<hbm>> -> memref<4096xi32, #tpu.memory_space<hbm>>
    %dma_start3A_689 = arith.constant 20480 : i32
    %dma_start3A_690 = tpu.memref_slice %arg5[%dma_start3A_689] : memref<32768xi32, #tpu.memory_space<hbm>> -> memref<4096xi32, #tpu.memory_space<hbm>>
    tpu.enqueue_dma source(%dma_start3A_690 : memref<4096xi32, #tpu.memory_space<hbm>>) target(%arg10 : memref<4096xi32, #tpu.memory_space<vmem>>) target_semaphore(%arg21 : memref<!tpu.dma_semaphore, #tpu.memory_space<semaphore_mem>>)
    %dma_start3A_691 = arith.constant 20480 : i32
    %dma_start3A_692 = tpu.memref_slice %arg6[%dma_start3A_691] : memref<32768xi32, #tpu.memory_space<hbm>> -> memref<4096xi32, #tpu.memory_space<hbm>>
    %dma_start3A_693 = arith.constant 20480 : i32
    %dma_start3A_694 = tpu.memref_slice %arg6[%dma_start3A_693] : memref<32768xi32, #tpu.memory_space<hbm>> -> memref<4096xi32, #tpu.memory_space<hbm>>
    tpu.enqueue_dma source(%dma_start3A_694 : memref<4096xi32, #tpu.memory_space<hbm>>) target(%arg12 : memref<4096xi32, #tpu.memory_space<vmem>>) target_semaphore(%arg21 : memref<!tpu.dma_semaphore, #tpu.memory_space<semaphore_mem>>)
    %scan3A_695 = arith.constant 0 : i32
    %scan3A_696 = arith.constant 0 : i32
    %scan3A_697 = arith.constant 64 : i32
    %scan3A_698 = arith.addi %scan3A_696, %scan3A_697 : i32
    %scan3A_699 = arith.constant 1 : i32
    %scan3A_700 = scf.for %scan3A_1350 = %scan3A_696 to %scan3A_698 step %scan3A_699 iter_args(%scan3A_1351 = %scan3A_695) -> (i32)  : i32 {
      %mul3A_1352 = arith.constant 64 : i32
      %mul3A_1353 = arith.muli %scan3A_1350, %mul3A_1352 : i32
      %add3A_1354 = arith.constant 0 : i32
      %add3A_1355 = arith.addi %mul3A_1353, %add3A_1354 : i32
      %get3A = arith.index_cast %add3A_1355 : i32 to index
      %get3A_1356 = tpu.vector_load %arg9[%get3A] {strides = array<i32>} : memref<4096xi32, #tpu.memory_space<vmem>>, vector<16xi32>,
      %get3A_1357 = arith.index_cast %add3A_1355 : i32 to index
      %get3A_1358 = tpu.vector_load %arg11[%get3A_1357] {strides = array<i32>} : memref<4096xi32, #tpu.memory_space<vmem>>, vector<16xi32>,
      %shift_right_logical3A_1359 = arith.constant 12 : i32
      %shift_right_logical3A_1360 = vector.broadcast %shift_right_logical3A_1359 : i32 to vector<16xi32>
      %shift_right_logical3A_1361 = arith.shrui %get3A_1356, %shift_right_logical3A_1360 : vector<16xi32>
      %eq3A = vector.broadcast %add3A : i32 to vector<16xi32>
      %eq3A_1362 = arith.cmpi eq, %shift_right_logical3A_1361, %eq3A : vector<16xi32>
      %and3A_1363 = arith.constant 4095 : i32
      %and3A_1364 = vector.broadcast %and3A_1363 : i32 to vector<16xi32>
      %and3A_1365 = arith.andi %get3A_1356, %and3A_1364 : vector<16xi32>
      %add3A_1366 = arith.constant 1 : i32
      %add3A_1367 = vector.broadcast %add3A_1366 : i32 to vector<16xi32>
      %add3A_1368 = arith.addi %get3A_1358, %add3A_1367 : vector<16xi32>
      tpu.vector_store_idx %arg14[%and3A_1365], %add3A_1368 masked %eq3A_1362 : memref<4096xi32, #tpu.memory_space<vmem>>[vector<16xi32>], vector<16xi32>, vector<16xi1>
      %mul3A_1369 = arith.constant 64 : i32
      %mul3A_1370 = arith.muli %scan3A_1350, %mul3A_1369 : i32
      %add3A_1371 = arith.constant 16 : i32
      %add3A_1372 = arith.addi %mul3A_1370, %add3A_1371 : i32
      %get3A_1373 = arith.index_cast %add3A_1372 : i32 to index
      %get3A_1374 = tpu.vector_load %arg9[%get3A_1373] {strides = array<i32>} : memref<4096xi32, #tpu.memory_space<vmem>>, vector<16xi32>,
      %get3A_1375 = arith.index_cast %add3A_1372 : i32 to index
      %get3A_1376 = tpu.vector_load %arg11[%get3A_1375] {strides = array<i32>} : memref<4096xi32, #tpu.memory_space<vmem>>, vector<16xi32>,
      %shift_right_logical3A_1377 = arith.constant 12 : i32
      %shift_right_logical3A_1378 = vector.broadcast %shift_right_logical3A_1377 : i32 to vector<16xi32>
      %shift_right_logical3A_1379 = arith.shrui %get3A_1374, %shift_right_logical3A_1378 : vector<16xi32>
      %eq3A_1380 = vector.broadcast %add3A : i32 to vector<16xi32>
      %eq3A_1381 = arith.cmpi eq, %shift_right_logical3A_1379, %eq3A_1380 : vector<16xi32>
      %and3A_1382 = arith.constant 4095 : i32
      %and3A_1383 = vector.broadcast %and3A_1382 : i32 to vector<16xi32>
      %and3A_1384 = arith.andi %get3A_1374, %and3A_1383 : vector<16xi32>
      %add3A_1385 = arith.constant 1 : i32
      %add3A_1386 = vector.broadcast %add3A_1385 : i32 to vector<16xi32>
      %add3A_1387 = arith.addi %get3A_1376, %add3A_1386 : vector<16xi32>
      tpu.vector_store_idx %arg14[%and3A_1384], %add3A_1387 masked %eq3A_1381 : memref<4096xi32, #tpu.memory_space<vmem>>[vector<16xi32>], vector<16xi32>, vector<16xi1>
      %mul3A_1388 = arith.constant 64 : i32
      %mul3A_1389 = arith.muli %scan3A_1350, %mul3A_1388 : i32
      %add3A_1390 = arith.constant 32 : i32
      %add3A_1391 = arith.addi %mul3A_1389, %add3A_1390 : i32
      %get3A_1392 = arith.index_cast %add3A_1391 : i32 to index
      %get3A_1393 = tpu.vector_load %arg9[%get3A_1392] {strides = array<i32>} : memref<4096xi32, #tpu.memory_space<vmem>>, vector<16xi32>,
      %get3A_1394 = arith.index_cast %add3A_1391 : i32 to index
      %get3A_1395 = tpu.vector_load %arg11[%get3A_1394] {strides = array<i32>} : memref<4096xi32, #tpu.memory_space<vmem>>, vector<16xi32>,
      %shift_right_logical3A_1396 = arith.constant 12 : i32
      %shift_right_logical3A_1397 = vector.broadcast %shift_right_logical3A_1396 : i32 to vector<16xi32>
      %shift_right_logical3A_1398 = arith.shrui %get3A_1393, %shift_right_logical3A_1397 : vector<16xi32>
      %eq3A_1399 = vector.broadcast %add3A : i32 to vector<16xi32>
      %eq3A_1400 = arith.cmpi eq, %shift_right_logical3A_1398, %eq3A_1399 : vector<16xi32>
      %and3A_1401 = arith.constant 4095 : i32
      %and3A_1402 = vector.broadcast %and3A_1401 : i32 to vector<16xi32>
      %and3A_1403 = arith.andi %get3A_1393, %and3A_1402 : vector<16xi32>
      %add3A_1404 = arith.constant 1 : i32
      %add3A_1405 = vector.broadcast %add3A_1404 : i32 to vector<16xi32>
      %add3A_1406 = arith.addi %get3A_1395, %add3A_1405 : vector<16xi32>
      tpu.vector_store_idx %arg14[%and3A_1403], %add3A_1406 masked %eq3A_1400 : memref<4096xi32, #tpu.memory_space<vmem>>[vector<16xi32>], vector<16xi32>, vector<16xi1>
      %mul3A_1407 = arith.constant 64 : i32
      %mul3A_1408 = arith.muli %scan3A_1350, %mul3A_1407 : i32
      %add3A_1409 = arith.constant 48 : i32
      %add3A_1410 = arith.addi %mul3A_1408, %add3A_1409 : i32
      %get3A_1411 = arith.index_cast %add3A_1410 : i32 to index
      %get3A_1412 = tpu.vector_load %arg9[%get3A_1411] {strides = array<i32>} : memref<4096xi32, #tpu.memory_space<vmem>>, vector<16xi32>,
      %get3A_1413 = arith.index_cast %add3A_1410 : i32 to index
      %get3A_1414 = tpu.vector_load %arg11[%get3A_1413] {strides = array<i32>} : memref<4096xi32, #tpu.memory_space<vmem>>, vector<16xi32>,
      %shift_right_logical3A_1415 = arith.constant 12 : i32
      %shift_right_logical3A_1416 = vector.broadcast %shift_right_logical3A_1415 : i32 to vector<16xi32>
      %shift_right_logical3A_1417 = arith.shrui %get3A_1412, %shift_right_logical3A_1416 : vector<16xi32>
      %eq3A_1418 = vector.broadcast %add3A : i32 to vector<16xi32>
      %eq3A_1419 = arith.cmpi eq, %shift_right_logical3A_1417, %eq3A_1418 : vector<16xi32>
      %and3A_1420 = arith.constant 4095 : i32
      %and3A_1421 = vector.broadcast %and3A_1420 : i32 to vector<16xi32>
      %and3A_1422 = arith.andi %get3A_1412, %and3A_1421 : vector<16xi32>
      %add3A_1423 = arith.constant 1 : i32
      %add3A_1424 = vector.broadcast %add3A_1423 : i32 to vector<16xi32>
      %add3A_1425 = arith.addi %get3A_1414, %add3A_1424 : vector<16xi32>
      tpu.vector_store_idx %arg14[%and3A_1422], %add3A_1425 masked %eq3A_1419 : memref<4096xi32, #tpu.memory_space<vmem>>[vector<16xi32>], vector<16xi32>, vector<16xi1>
      %scan3A_1426 = arith.constant 0 : i32
      scf.yield %scan3A_1426 : i32
    }
    %scan3A_701 = arith.constant 64 : i32
    %dma_wait3A_702 = arith.constant 20480 : i32
    %dma_wait3A_703 = tpu.memref_slice %arg5[%dma_wait3A_702] : memref<32768xi32, #tpu.memory_space<hbm>> -> memref<4096xi32, #tpu.memory_space<hbm>>
    %dma_wait3A_704 = arith.constant 20480 : i32
    %dma_wait3A_705 = tpu.memref_slice %arg5[%dma_wait3A_704] : memref<32768xi32, #tpu.memory_space<hbm>> -> memref<4096xi32, #tpu.memory_space<hbm>>
    tpu.wait_dma2 semaphore(%arg21 : memref<!tpu.dma_semaphore, #tpu.memory_space<semaphore_mem>>) src(%dma_wait3A_705 : memref<4096xi32, #tpu.memory_space<hbm>>) dst(%arg10 : memref<4096xi32, #tpu.memory_space<vmem>>)
    %dma_wait3A_706 = arith.constant 20480 : i32
    %dma_wait3A_707 = tpu.memref_slice %arg6[%dma_wait3A_706] : memref<32768xi32, #tpu.memory_space<hbm>> -> memref<4096xi32, #tpu.memory_space<hbm>>
    %dma_wait3A_708 = arith.constant 20480 : i32
    %dma_wait3A_709 = tpu.memref_slice %arg6[%dma_wait3A_708] : memref<32768xi32, #tpu.memory_space<hbm>> -> memref<4096xi32, #tpu.memory_space<hbm>>
    tpu.wait_dma2 semaphore(%arg21 : memref<!tpu.dma_semaphore, #tpu.memory_space<semaphore_mem>>) src(%dma_wait3A_709 : memref<4096xi32, #tpu.memory_space<hbm>>) dst(%arg12 : memref<4096xi32, #tpu.memory_space<vmem>>)
    %dma_start3A_710 = arith.constant 24576 : i32
    %dma_start3A_711 = tpu.memref_slice %arg5[%dma_start3A_710] : memref<32768xi32, #tpu.memory_space<hbm>> -> memref<4096xi32, #tpu.memory_space<hbm>>
    %dma_start3A_712 = arith.constant 24576 : i32
    %dma_start3A_713 = tpu.memref_slice %arg5[%dma_start3A_712] : memref<32768xi32, #tpu.memory_space<hbm>> -> memref<4096xi32, #tpu.memory_space<hbm>>
    tpu.enqueue_dma source(%dma_start3A_713 : memref<4096xi32, #tpu.memory_space<hbm>>) target(%arg9 : memref<4096xi32, #tpu.memory_space<vmem>>) target_semaphore(%arg21 : memref<!tpu.dma_semaphore, #tpu.memory_space<semaphore_mem>>)
    %dma_start3A_714 = arith.constant 24576 : i32
    %dma_start3A_715 = tpu.memref_slice %arg6[%dma_start3A_714] : memref<32768xi32, #tpu.memory_space<hbm>> -> memref<4096xi32, #tpu.memory_space<hbm>>
    %dma_start3A_716 = arith.constant 24576 : i32
    %dma_start3A_717 = tpu.memref_slice %arg6[%dma_start3A_716] : memref<32768xi32, #tpu.memory_space<hbm>> -> memref<4096xi32, #tpu.memory_space<hbm>>
    tpu.enqueue_dma source(%dma_start3A_717 : memref<4096xi32, #tpu.memory_space<hbm>>) target(%arg11 : memref<4096xi32, #tpu.memory_space<vmem>>) target_semaphore(%arg21 : memref<!tpu.dma_semaphore, #tpu.memory_space<semaphore_mem>>)
    %scan3A_718 = arith.constant 0 : i32
    %scan3A_719 = arith.constant 0 : i32
    %scan3A_720 = arith.constant 64 : i32
    %scan3A_721 = arith.addi %scan3A_719, %scan3A_720 : i32
    %scan3A_722 = arith.constant 1 : i32
    %scan3A_723 = scf.for %scan3A_1350 = %scan3A_719 to %scan3A_721 step %scan3A_722 iter_args(%scan3A_1351 = %scan3A_718) -> (i32)  : i32 {
      %mul3A_1352 = arith.constant 64 : i32
      %mul3A_1353 = arith.muli %scan3A_1350, %mul3A_1352 : i32
      %add3A_1354 = arith.constant 0 : i32
      %add3A_1355 = arith.addi %mul3A_1353, %add3A_1354 : i32
      %get3A = arith.index_cast %add3A_1355 : i32 to index
      %get3A_1356 = tpu.vector_load %arg10[%get3A] {strides = array<i32>} : memref<4096xi32, #tpu.memory_space<vmem>>, vector<16xi32>,
      %get3A_1357 = arith.index_cast %add3A_1355 : i32 to index
      %get3A_1358 = tpu.vector_load %arg12[%get3A_1357] {strides = array<i32>} : memref<4096xi32, #tpu.memory_space<vmem>>, vector<16xi32>,
      %shift_right_logical3A_1359 = arith.constant 12 : i32
      %shift_right_logical3A_1360 = vector.broadcast %shift_right_logical3A_1359 : i32 to vector<16xi32>
      %shift_right_logical3A_1361 = arith.shrui %get3A_1356, %shift_right_logical3A_1360 : vector<16xi32>
      %eq3A = vector.broadcast %add3A : i32 to vector<16xi32>
      %eq3A_1362 = arith.cmpi eq, %shift_right_logical3A_1361, %eq3A : vector<16xi32>
      %and3A_1363 = arith.constant 4095 : i32
      %and3A_1364 = vector.broadcast %and3A_1363 : i32 to vector<16xi32>
      %and3A_1365 = arith.andi %get3A_1356, %and3A_1364 : vector<16xi32>
      %add3A_1366 = arith.constant 1 : i32
      %add3A_1367 = vector.broadcast %add3A_1366 : i32 to vector<16xi32>
      %add3A_1368 = arith.addi %get3A_1358, %add3A_1367 : vector<16xi32>
      tpu.vector_store_idx %arg14[%and3A_1365], %add3A_1368 masked %eq3A_1362 : memref<4096xi32, #tpu.memory_space<vmem>>[vector<16xi32>], vector<16xi32>, vector<16xi1>
      %mul3A_1369 = arith.constant 64 : i32
      %mul3A_1370 = arith.muli %scan3A_1350, %mul3A_1369 : i32
      %add3A_1371 = arith.constant 16 : i32
      %add3A_1372 = arith.addi %mul3A_1370, %add3A_1371 : i32
      %get3A_1373 = arith.index_cast %add3A_1372 : i32 to index
      %get3A_1374 = tpu.vector_load %arg10[%get3A_1373] {strides = array<i32>} : memref<4096xi32, #tpu.memory_space<vmem>>, vector<16xi32>,
      %get3A_1375 = arith.index_cast %add3A_1372 : i32 to index
      %get3A_1376 = tpu.vector_load %arg12[%get3A_1375] {strides = array<i32>} : memref<4096xi32, #tpu.memory_space<vmem>>, vector<16xi32>,
      %shift_right_logical3A_1377 = arith.constant 12 : i32
      %shift_right_logical3A_1378 = vector.broadcast %shift_right_logical3A_1377 : i32 to vector<16xi32>
      %shift_right_logical3A_1379 = arith.shrui %get3A_1374, %shift_right_logical3A_1378 : vector<16xi32>
      %eq3A_1380 = vector.broadcast %add3A : i32 to vector<16xi32>
      %eq3A_1381 = arith.cmpi eq, %shift_right_logical3A_1379, %eq3A_1380 : vector<16xi32>
      %and3A_1382 = arith.constant 4095 : i32
      %and3A_1383 = vector.broadcast %and3A_1382 : i32 to vector<16xi32>
      %and3A_1384 = arith.andi %get3A_1374, %and3A_1383 : vector<16xi32>
      %add3A_1385 = arith.constant 1 : i32
      %add3A_1386 = vector.broadcast %add3A_1385 : i32 to vector<16xi32>
      %add3A_1387 = arith.addi %get3A_1376, %add3A_1386 : vector<16xi32>
      tpu.vector_store_idx %arg14[%and3A_1384], %add3A_1387 masked %eq3A_1381 : memref<4096xi32, #tpu.memory_space<vmem>>[vector<16xi32>], vector<16xi32>, vector<16xi1>
      %mul3A_1388 = arith.constant 64 : i32
      %mul3A_1389 = arith.muli %scan3A_1350, %mul3A_1388 : i32
      %add3A_1390 = arith.constant 32 : i32
      %add3A_1391 = arith.addi %mul3A_1389, %add3A_1390 : i32
      %get3A_1392 = arith.index_cast %add3A_1391 : i32 to index
      %get3A_1393 = tpu.vector_load %arg10[%get3A_1392] {strides = array<i32>} : memref<4096xi32, #tpu.memory_space<vmem>>, vector<16xi32>,
      %get3A_1394 = arith.index_cast %add3A_1391 : i32 to index
      %get3A_1395 = tpu.vector_load %arg12[%get3A_1394] {strides = array<i32>} : memref<4096xi32, #tpu.memory_space<vmem>>, vector<16xi32>,
      %shift_right_logical3A_1396 = arith.constant 12 : i32
      %shift_right_logical3A_1397 = vector.broadcast %shift_right_logical3A_1396 : i32 to vector<16xi32>
      %shift_right_logical3A_1398 = arith.shrui %get3A_1393, %shift_right_logical3A_1397 : vector<16xi32>
      %eq3A_1399 = vector.broadcast %add3A : i32 to vector<16xi32>
      %eq3A_1400 = arith.cmpi eq, %shift_right_logical3A_1398, %eq3A_1399 : vector<16xi32>
      %and3A_1401 = arith.constant 4095 : i32
      %and3A_1402 = vector.broadcast %and3A_1401 : i32 to vector<16xi32>
      %and3A_1403 = arith.andi %get3A_1393, %and3A_1402 : vector<16xi32>
      %add3A_1404 = arith.constant 1 : i32
      %add3A_1405 = vector.broadcast %add3A_1404 : i32 to vector<16xi32>
      %add3A_1406 = arith.addi %get3A_1395, %add3A_1405 : vector<16xi32>
      tpu.vector_store_idx %arg14[%and3A_1403], %add3A_1406 masked %eq3A_1400 : memref<4096xi32, #tpu.memory_space<vmem>>[vector<16xi32>], vector<16xi32>, vector<16xi1>
      %mul3A_1407 = arith.constant 64 : i32
      %mul3A_1408 = arith.muli %scan3A_1350, %mul3A_1407 : i32
      %add3A_1409 = arith.constant 48 : i32
      %add3A_1410 = arith.addi %mul3A_1408, %add3A_1409 : i32
      %get3A_1411 = arith.index_cast %add3A_1410 : i32 to index
      %get3A_1412 = tpu.vector_load %arg10[%get3A_1411] {strides = array<i32>} : memref<4096xi32, #tpu.memory_space<vmem>>, vector<16xi32>,
      %get3A_1413 = arith.index_cast %add3A_1410 : i32 to index
      %get3A_1414 = tpu.vector_load %arg12[%get3A_1413] {strides = array<i32>} : memref<4096xi32, #tpu.memory_space<vmem>>, vector<16xi32>,
      %shift_right_logical3A_1415 = arith.constant 12 : i32
      %shift_right_logical3A_1416 = vector.broadcast %shift_right_logical3A_1415 : i32 to vector<16xi32>
      %shift_right_logical3A_1417 = arith.shrui %get3A_1412, %shift_right_logical3A_1416 : vector<16xi32>
      %eq3A_1418 = vector.broadcast %add3A : i32 to vector<16xi32>
      %eq3A_1419 = arith.cmpi eq, %shift_right_logical3A_1417, %eq3A_1418 : vector<16xi32>
      %and3A_1420 = arith.constant 4095 : i32
      %and3A_1421 = vector.broadcast %and3A_1420 : i32 to vector<16xi32>
      %and3A_1422 = arith.andi %get3A_1412, %and3A_1421 : vector<16xi32>
      %add3A_1423 = arith.constant 1 : i32
      %add3A_1424 = vector.broadcast %add3A_1423 : i32 to vector<16xi32>
      %add3A_1425 = arith.addi %get3A_1414, %add3A_1424 : vector<16xi32>
      tpu.vector_store_idx %arg14[%and3A_1422], %add3A_1425 masked %eq3A_1419 : memref<4096xi32, #tpu.memory_space<vmem>>[vector<16xi32>], vector<16xi32>, vector<16xi1>
      %scan3A_1426 = arith.constant 0 : i32
      scf.yield %scan3A_1426 : i32
    }
    %scan3A_724 = arith.constant 64 : i32
    %dma_wait3A_725 = arith.constant 24576 : i32
    %dma_wait3A_726 = tpu.memref_slice %arg5[%dma_wait3A_725] : memref<32768xi32, #tpu.memory_space<hbm>> -> memref<4096xi32, #tpu.memory_space<hbm>>
    %dma_wait3A_727 = arith.constant 24576 : i32
    %dma_wait3A_728 = tpu.memref_slice %arg5[%dma_wait3A_727] : memref<32768xi32, #tpu.memory_space<hbm>> -> memref<4096xi32, #tpu.memory_space<hbm>>
    tpu.wait_dma2 semaphore(%arg21 : memref<!tpu.dma_semaphore, #tpu.memory_space<semaphore_mem>>) src(%dma_wait3A_728 : memref<4096xi32, #tpu.memory_space<hbm>>) dst(%arg9 : memref<4096xi32, #tpu.memory_space<vmem>>)
    %dma_wait3A_729 = arith.constant 24576 : i32
    %dma_wait3A_730 = tpu.memref_slice %arg6[%dma_wait3A_729] : memref<32768xi32, #tpu.memory_space<hbm>> -> memref<4096xi32, #tpu.memory_space<hbm>>
    %dma_wait3A_731 = arith.constant 24576 : i32
    %dma_wait3A_732 = tpu.memref_slice %arg6[%dma_wait3A_731] : memref<32768xi32, #tpu.memory_space<hbm>> -> memref<4096xi32, #tpu.memory_space<hbm>>
    tpu.wait_dma2 semaphore(%arg21 : memref<!tpu.dma_semaphore, #tpu.memory_space<semaphore_mem>>) src(%dma_wait3A_732 : memref<4096xi32, #tpu.memory_space<hbm>>) dst(%arg11 : memref<4096xi32, #tpu.memory_space<vmem>>)
    %dma_start3A_733 = arith.constant 28672 : i32
    %dma_start3A_734 = tpu.memref_slice %arg5[%dma_start3A_733] : memref<32768xi32, #tpu.memory_space<hbm>> -> memref<4096xi32, #tpu.memory_space<hbm>>
    %dma_start3A_735 = arith.constant 28672 : i32
    %dma_start3A_736 = tpu.memref_slice %arg5[%dma_start3A_735] : memref<32768xi32, #tpu.memory_space<hbm>> -> memref<4096xi32, #tpu.memory_space<hbm>>
    tpu.enqueue_dma source(%dma_start3A_736 : memref<4096xi32, #tpu.memory_space<hbm>>) target(%arg10 : memref<4096xi32, #tpu.memory_space<vmem>>) target_semaphore(%arg21 : memref<!tpu.dma_semaphore, #tpu.memory_space<semaphore_mem>>)
    %dma_start3A_737 = arith.constant 28672 : i32
    %dma_start3A_738 = tpu.memref_slice %arg6[%dma_start3A_737] : memref<32768xi32, #tpu.memory_space<hbm>> -> memref<4096xi32, #tpu.memory_space<hbm>>
    %dma_start3A_739 = arith.constant 28672 : i32
    %dma_start3A_740 = tpu.memref_slice %arg6[%dma_start3A_739] : memref<32768xi32, #tpu.memory_space<hbm>> -> memref<4096xi32, #tpu.memory_space<hbm>>
    tpu.enqueue_dma source(%dma_start3A_740 : memref<4096xi32, #tpu.memory_space<hbm>>) target(%arg12 : memref<4096xi32, #tpu.memory_space<vmem>>) target_semaphore(%arg21 : memref<!tpu.dma_semaphore, #tpu.memory_space<semaphore_mem>>)
    %scan3A_741 = arith.constant 0 : i32
    %scan3A_742 = arith.constant 0 : i32
    %scan3A_743 = arith.constant 64 : i32
    %scan3A_744 = arith.addi %scan3A_742, %scan3A_743 : i32
    %scan3A_745 = arith.constant 1 : i32
    %scan3A_746 = scf.for %scan3A_1350 = %scan3A_742 to %scan3A_744 step %scan3A_745 iter_args(%scan3A_1351 = %scan3A_741) -> (i32)  : i32 {
      %mul3A_1352 = arith.constant 64 : i32
      %mul3A_1353 = arith.muli %scan3A_1350, %mul3A_1352 : i32
      %add3A_1354 = arith.constant 0 : i32
      %add3A_1355 = arith.addi %mul3A_1353, %add3A_1354 : i32
      %get3A = arith.index_cast %add3A_1355 : i32 to index
      %get3A_1356 = tpu.vector_load %arg9[%get3A] {strides = array<i32>} : memref<4096xi32, #tpu.memory_space<vmem>>, vector<16xi32>,
      %get3A_1357 = arith.index_cast %add3A_1355 : i32 to index
      %get3A_1358 = tpu.vector_load %arg11[%get3A_1357] {strides = array<i32>} : memref<4096xi32, #tpu.memory_space<vmem>>, vector<16xi32>,
      %shift_right_logical3A_1359 = arith.constant 12 : i32
      %shift_right_logical3A_1360 = vector.broadcast %shift_right_logical3A_1359 : i32 to vector<16xi32>
      %shift_right_logical3A_1361 = arith.shrui %get3A_1356, %shift_right_logical3A_1360 : vector<16xi32>
      %eq3A = vector.broadcast %add3A : i32 to vector<16xi32>
      %eq3A_1362 = arith.cmpi eq, %shift_right_logical3A_1361, %eq3A : vector<16xi32>
      %and3A_1363 = arith.constant 4095 : i32
      %and3A_1364 = vector.broadcast %and3A_1363 : i32 to vector<16xi32>
      %and3A_1365 = arith.andi %get3A_1356, %and3A_1364 : vector<16xi32>
      %add3A_1366 = arith.constant 1 : i32
      %add3A_1367 = vector.broadcast %add3A_1366 : i32 to vector<16xi32>
      %add3A_1368 = arith.addi %get3A_1358, %add3A_1367 : vector<16xi32>
      tpu.vector_store_idx %arg14[%and3A_1365], %add3A_1368 masked %eq3A_1362 : memref<4096xi32, #tpu.memory_space<vmem>>[vector<16xi32>], vector<16xi32>, vector<16xi1>
      %mul3A_1369 = arith.constant 64 : i32
      %mul3A_1370 = arith.muli %scan3A_1350, %mul3A_1369 : i32
      %add3A_1371 = arith.constant 16 : i32
      %add3A_1372 = arith.addi %mul3A_1370, %add3A_1371 : i32
      %get3A_1373 = arith.index_cast %add3A_1372 : i32 to index
      %get3A_1374 = tpu.vector_load %arg9[%get3A_1373] {strides = array<i32>} : memref<4096xi32, #tpu.memory_space<vmem>>, vector<16xi32>,
      %get3A_1375 = arith.index_cast %add3A_1372 : i32 to index
      %get3A_1376 = tpu.vector_load %arg11[%get3A_1375] {strides = array<i32>} : memref<4096xi32, #tpu.memory_space<vmem>>, vector<16xi32>,
      %shift_right_logical3A_1377 = arith.constant 12 : i32
      %shift_right_logical3A_1378 = vector.broadcast %shift_right_logical3A_1377 : i32 to vector<16xi32>
      %shift_right_logical3A_1379 = arith.shrui %get3A_1374, %shift_right_logical3A_1378 : vector<16xi32>
      %eq3A_1380 = vector.broadcast %add3A : i32 to vector<16xi32>
      %eq3A_1381 = arith.cmpi eq, %shift_right_logical3A_1379, %eq3A_1380 : vector<16xi32>
      %and3A_1382 = arith.constant 4095 : i32
      %and3A_1383 = vector.broadcast %and3A_1382 : i32 to vector<16xi32>
      %and3A_1384 = arith.andi %get3A_1374, %and3A_1383 : vector<16xi32>
      %add3A_1385 = arith.constant 1 : i32
      %add3A_1386 = vector.broadcast %add3A_1385 : i32 to vector<16xi32>
      %add3A_1387 = arith.addi %get3A_1376, %add3A_1386 : vector<16xi32>
      tpu.vector_store_idx %arg14[%and3A_1384], %add3A_1387 masked %eq3A_1381 : memref<4096xi32, #tpu.memory_space<vmem>>[vector<16xi32>], vector<16xi32>, vector<16xi1>
      %mul3A_1388 = arith.constant 64 : i32
      %mul3A_1389 = arith.muli %scan3A_1350, %mul3A_1388 : i32
      %add3A_1390 = arith.constant 32 : i32
      %add3A_1391 = arith.addi %mul3A_1389, %add3A_1390 : i32
      %get3A_1392 = arith.index_cast %add3A_1391 : i32 to index
      %get3A_1393 = tpu.vector_load %arg9[%get3A_1392] {strides = array<i32>} : memref<4096xi32, #tpu.memory_space<vmem>>, vector<16xi32>,
      %get3A_1394 = arith.index_cast %add3A_1391 : i32 to index
      %get3A_1395 = tpu.vector_load %arg11[%get3A_1394] {strides = array<i32>} : memref<4096xi32, #tpu.memory_space<vmem>>, vector<16xi32>,
      %shift_right_logical3A_1396 = arith.constant 12 : i32
      %shift_right_logical3A_1397 = vector.broadcast %shift_right_logical3A_1396 : i32 to vector<16xi32>
      %shift_right_logical3A_1398 = arith.shrui %get3A_1393, %shift_right_logical3A_1397 : vector<16xi32>
      %eq3A_1399 = vector.broadcast %add3A : i32 to vector<16xi32>
      %eq3A_1400 = arith.cmpi eq, %shift_right_logical3A_1398, %eq3A_1399 : vector<16xi32>
      %and3A_1401 = arith.constant 4095 : i32
      %and3A_1402 = vector.broadcast %and3A_1401 : i32 to vector<16xi32>
      %and3A_1403 = arith.andi %get3A_1393, %and3A_1402 : vector<16xi32>
      %add3A_1404 = arith.constant 1 : i32
      %add3A_1405 = vector.broadcast %add3A_1404 : i32 to vector<16xi32>
      %add3A_1406 = arith.addi %get3A_1395, %add3A_1405 : vector<16xi32>
      tpu.vector_store_idx %arg14[%and3A_1403], %add3A_1406 masked %eq3A_1400 : memref<4096xi32, #tpu.memory_space<vmem>>[vector<16xi32>], vector<16xi32>, vector<16xi1>
      %mul3A_1407 = arith.constant 64 : i32
      %mul3A_1408 = arith.muli %scan3A_1350, %mul3A_1407 : i32
      %add3A_1409 = arith.constant 48 : i32
      %add3A_1410 = arith.addi %mul3A_1408, %add3A_1409 : i32
      %get3A_1411 = arith.index_cast %add3A_1410 : i32 to index
      %get3A_1412 = tpu.vector_load %arg9[%get3A_1411] {strides = array<i32>} : memref<4096xi32, #tpu.memory_space<vmem>>, vector<16xi32>,
      %get3A_1413 = arith.index_cast %add3A_1410 : i32 to index
      %get3A_1414 = tpu.vector_load %arg11[%get3A_1413] {strides = array<i32>} : memref<4096xi32, #tpu.memory_space<vmem>>, vector<16xi32>,
      %shift_right_logical3A_1415 = arith.constant 12 : i32
      %shift_right_logical3A_1416 = vector.broadcast %shift_right_logical3A_1415 : i32 to vector<16xi32>
      %shift_right_logical3A_1417 = arith.shrui %get3A_1412, %shift_right_logical3A_1416 : vector<16xi32>
      %eq3A_1418 = vector.broadcast %add3A : i32 to vector<16xi32>
      %eq3A_1419 = arith.cmpi eq, %shift_right_logical3A_1417, %eq3A_1418 : vector<16xi32>
      %and3A_1420 = arith.constant 4095 : i32
      %and3A_1421 = vector.broadcast %and3A_1420 : i32 to vector<16xi32>
      %and3A_1422 = arith.andi %get3A_1412, %and3A_1421 : vector<16xi32>
      %add3A_1423 = arith.constant 1 : i32
      %add3A_1424 = vector.broadcast %add3A_1423 : i32 to vector<16xi32>
      %add3A_1425 = arith.addi %get3A_1414, %add3A_1424 : vector<16xi32>
      tpu.vector_store_idx %arg14[%and3A_1422], %add3A_1425 masked %eq3A_1419 : memref<4096xi32, #tpu.memory_space<vmem>>[vector<16xi32>], vector<16xi32>, vector<16xi1>
      %scan3A_1426 = arith.constant 0 : i32
      scf.yield %scan3A_1426 : i32
    }
    %scan3A_747 = arith.constant 64 : i32
    %dma_wait3A_748 = arith.constant 28672 : i32
    %dma_wait3A_749 = tpu.memref_slice %arg5[%dma_wait3A_748] : memref<32768xi32, #tpu.memory_space<hbm>> -> memref<4096xi32, #tpu.memory_space<hbm>>
    %dma_wait3A_750 = arith.constant 28672 : i32
    %dma_wait3A_751 = tpu.memref_slice %arg5[%dma_wait3A_750] : memref<32768xi32, #tpu.memory_space<hbm>> -> memref<4096xi32, #tpu.memory_space<hbm>>
    tpu.wait_dma2 semaphore(%arg21 : memref<!tpu.dma_semaphore, #tpu.memory_space<semaphore_mem>>) src(%dma_wait3A_751 : memref<4096xi32, #tpu.memory_space<hbm>>) dst(%arg10 : memref<4096xi32, #tpu.memory_space<vmem>>)
    %dma_wait3A_752 = arith.constant 28672 : i32
    %dma_wait3A_753 = tpu.memref_slice %arg6[%dma_wait3A_752] : memref<32768xi32, #tpu.memory_space<hbm>> -> memref<4096xi32, #tpu.memory_space<hbm>>
    %dma_wait3A_754 = arith.constant 28672 : i32
    %dma_wait3A_755 = tpu.memref_slice %arg6[%dma_wait3A_754] : memref<32768xi32, #tpu.memory_space<hbm>> -> memref<4096xi32, #tpu.memory_space<hbm>>
    tpu.wait_dma2 semaphore(%arg21 : memref<!tpu.dma_semaphore, #tpu.memory_space<semaphore_mem>>) src(%dma_wait3A_755 : memref<4096xi32, #tpu.memory_space<hbm>>) dst(%arg12 : memref<4096xi32, #tpu.memory_space<vmem>>)
    %scan3A_756 = arith.constant 0 : i32
    %scan3A_757 = arith.constant 0 : i32
    %scan3A_758 = arith.constant 64 : i32
    %scan3A_759 = arith.addi %scan3A_757, %scan3A_758 : i32
    %scan3A_760 = arith.constant 1 : i32
    %scan3A_761 = scf.for %scan3A_1350 = %scan3A_757 to %scan3A_759 step %scan3A_760 iter_args(%scan3A_1351 = %scan3A_756) -> (i32)  : i32 {
      %mul3A_1352 = arith.constant 64 : i32
      %mul3A_1353 = arith.muli %scan3A_1350, %mul3A_1352 : i32
      %add3A_1354 = arith.constant 0 : i32
      %add3A_1355 = arith.addi %mul3A_1353, %add3A_1354 : i32
      %get3A = arith.index_cast %add3A_1355 : i32 to index
      %get3A_1356 = tpu.vector_load %arg10[%get3A] {strides = array<i32>} : memref<4096xi32, #tpu.memory_space<vmem>>, vector<16xi32>,
      %get3A_1357 = arith.index_cast %add3A_1355 : i32 to index
      %get3A_1358 = tpu.vector_load %arg12[%get3A_1357] {strides = array<i32>} : memref<4096xi32, #tpu.memory_space<vmem>>, vector<16xi32>,
      %shift_right_logical3A_1359 = arith.constant 12 : i32
      %shift_right_logical3A_1360 = vector.broadcast %shift_right_logical3A_1359 : i32 to vector<16xi32>
      %shift_right_logical3A_1361 = arith.shrui %get3A_1356, %shift_right_logical3A_1360 : vector<16xi32>
      %eq3A = vector.broadcast %add3A : i32 to vector<16xi32>
      %eq3A_1362 = arith.cmpi eq, %shift_right_logical3A_1361, %eq3A : vector<16xi32>
      %and3A_1363 = arith.constant 4095 : i32
      %and3A_1364 = vector.broadcast %and3A_1363 : i32 to vector<16xi32>
      %and3A_1365 = arith.andi %get3A_1356, %and3A_1364 : vector<16xi32>
      %add3A_1366 = arith.constant 1 : i32
      %add3A_1367 = vector.broadcast %add3A_1366 : i32 to vector<16xi32>
      %add3A_1368 = arith.addi %get3A_1358, %add3A_1367 : vector<16xi32>
      tpu.vector_store_idx %arg14[%and3A_1365], %add3A_1368 masked %eq3A_1362 : memref<4096xi32, #tpu.memory_space<vmem>>[vector<16xi32>], vector<16xi32>, vector<16xi1>
      %mul3A_1369 = arith.constant 64 : i32
      %mul3A_1370 = arith.muli %scan3A_1350, %mul3A_1369 : i32
      %add3A_1371 = arith.constant 16 : i32
      %add3A_1372 = arith.addi %mul3A_1370, %add3A_1371 : i32
      %get3A_1373 = arith.index_cast %add3A_1372 : i32 to index
      %get3A_1374 = tpu.vector_load %arg10[%get3A_1373] {strides = array<i32>} : memref<4096xi32, #tpu.memory_space<vmem>>, vector<16xi32>,
      %get3A_1375 = arith.index_cast %add3A_1372 : i32 to index
      %get3A_1376 = tpu.vector_load %arg12[%get3A_1375] {strides = array<i32>} : memref<4096xi32, #tpu.memory_space<vmem>>, vector<16xi32>,
      %shift_right_logical3A_1377 = arith.constant 12 : i32
      %shift_right_logical3A_1378 = vector.broadcast %shift_right_logical3A_1377 : i32 to vector<16xi32>
      %shift_right_logical3A_1379 = arith.shrui %get3A_1374, %shift_right_logical3A_1378 : vector<16xi32>
      %eq3A_1380 = vector.broadcast %add3A : i32 to vector<16xi32>
      %eq3A_1381 = arith.cmpi eq, %shift_right_logical3A_1379, %eq3A_1380 : vector<16xi32>
      %and3A_1382 = arith.constant 4095 : i32
      %and3A_1383 = vector.broadcast %and3A_1382 : i32 to vector<16xi32>
      %and3A_1384 = arith.andi %get3A_1374, %and3A_1383 : vector<16xi32>
      %add3A_1385 = arith.constant 1 : i32
      %add3A_1386 = vector.broadcast %add3A_1385 : i32 to vector<16xi32>
      %add3A_1387 = arith.addi %get3A_1376, %add3A_1386 : vector<16xi32>
      tpu.vector_store_idx %arg14[%and3A_1384], %add3A_1387 masked %eq3A_1381 : memref<4096xi32, #tpu.memory_space<vmem>>[vector<16xi32>], vector<16xi32>, vector<16xi1>
      %mul3A_1388 = arith.constant 64 : i32
      %mul3A_1389 = arith.muli %scan3A_1350, %mul3A_1388 : i32
      %add3A_1390 = arith.constant 32 : i32
      %add3A_1391 = arith.addi %mul3A_1389, %add3A_1390 : i32
      %get3A_1392 = arith.index_cast %add3A_1391 : i32 to index
      %get3A_1393 = tpu.vector_load %arg10[%get3A_1392] {strides = array<i32>} : memref<4096xi32, #tpu.memory_space<vmem>>, vector<16xi32>,
      %get3A_1394 = arith.index_cast %add3A_1391 : i32 to index
      %get3A_1395 = tpu.vector_load %arg12[%get3A_1394] {strides = array<i32>} : memref<4096xi32, #tpu.memory_space<vmem>>, vector<16xi32>,
      %shift_right_logical3A_1396 = arith.constant 12 : i32
      %shift_right_logical3A_1397 = vector.broadcast %shift_right_logical3A_1396 : i32 to vector<16xi32>
      %shift_right_logical3A_1398 = arith.shrui %get3A_1393, %shift_right_logical3A_1397 : vector<16xi32>
      %eq3A_1399 = vector.broadcast %add3A : i32 to vector<16xi32>
      %eq3A_1400 = arith.cmpi eq, %shift_right_logical3A_1398, %eq3A_1399 : vector<16xi32>
      %and3A_1401 = arith.constant 4095 : i32
      %and3A_1402 = vector.broadcast %and3A_1401 : i32 to vector<16xi32>
      %and3A_1403 = arith.andi %get3A_1393, %and3A_1402 : vector<16xi32>
      %add3A_1404 = arith.constant 1 : i32
      %add3A_1405 = vector.broadcast %add3A_1404 : i32 to vector<16xi32>
      %add3A_1406 = arith.addi %get3A_1395, %add3A_1405 : vector<16xi32>
      tpu.vector_store_idx %arg14[%and3A_1403], %add3A_1406 masked %eq3A_1400 : memref<4096xi32, #tpu.memory_space<vmem>>[vector<16xi32>], vector<16xi32>, vector<16xi1>
      %mul3A_1407 = arith.constant 64 : i32
      %mul3A_1408 = arith.muli %scan3A_1350, %mul3A_1407 : i32
      %add3A_1409 = arith.constant 48 : i32
      %add3A_1410 = arith.addi %mul3A_1408, %add3A_1409 : i32
      %get3A_1411 = arith.index_cast %add3A_1410 : i32 to index
      %get3A_1412 = tpu.vector_load %arg10[%get3A_1411] {strides = array<i32>} : memref<4096xi32, #tpu.memory_space<vmem>>, vector<16xi32>,
      %get3A_1413 = arith.index_cast %add3A_1410 : i32 to index
      %get3A_1414 = tpu.vector_load %arg12[%get3A_1413] {strides = array<i32>} : memref<4096xi32, #tpu.memory_space<vmem>>, vector<16xi32>,
      %shift_right_logical3A_1415 = arith.constant 12 : i32
      %shift_right_logical3A_1416 = vector.broadcast %shift_right_logical3A_1415 : i32 to vector<16xi32>
      %shift_right_logical3A_1417 = arith.shrui %get3A_1412, %shift_right_logical3A_1416 : vector<16xi32>
      %eq3A_1418 = vector.broadcast %add3A : i32 to vector<16xi32>
      %eq3A_1419 = arith.cmpi eq, %shift_right_logical3A_1417, %eq3A_1418 : vector<16xi32>
      %and3A_1420 = arith.constant 4095 : i32
      %and3A_1421 = vector.broadcast %and3A_1420 : i32 to vector<16xi32>
      %and3A_1422 = arith.andi %get3A_1412, %and3A_1421 : vector<16xi32>
      %add3A_1423 = arith.constant 1 : i32
      %add3A_1424 = vector.broadcast %add3A_1423 : i32 to vector<16xi32>
      %add3A_1425 = arith.addi %get3A_1414, %add3A_1424 : vector<16xi32>
      tpu.vector_store_idx %arg14[%and3A_1422], %add3A_1425 masked %eq3A_1419 : memref<4096xi32, #tpu.memory_space<vmem>>[vector<16xi32>], vector<16xi32>, vector<16xi1>
      %scan3A_1426 = arith.constant 0 : i32
      scf.yield %scan3A_1426 : i32
    }
    %scan3A_762 = arith.constant 64 : i32
    "tpu.trace_stop"() : () -> ()
    "tpu.trace_start"() <{level = 10 : i32, message = "compact"}> : () -> ()
    %scan3A_763 = arith.constant 0 : i32
    %scan3A_764 = arith.constant -1 : i32
    %scan3A_765 = arith.constant -1 : i32
    %scan3A_766 = arith.constant 0 : i32
    %scan3A_767 = arith.constant -1 : i32
    %scan3A_768 = arith.constant -1 : i32
    %scan3A_769 = arith.constant -1 : i32
    %scan3A_770 = arith.constant 0 : i32
    %scan3A_771 = arith.constant 256 : i32
    %scan3A_772 = arith.addi %scan3A_770, %scan3A_771 : i32
    %scan3A_773 = arith.constant 1 : i32
    %scan3A_774:7 = scf.for %scan3A_1350 = %scan3A_770 to %scan3A_772 step %scan3A_773 iter_args(%scan3A_1351 = %scan3A_763, %scan3A_1352 = %scan3A_764, %scan3A_1353 = %scan3A_765, %scan3A_1354 = %scan3A_766, %scan3A_1355 = %scan3A_767, %scan3A_1356 = %scan3A_768, %scan3A_1357 = %scan3A_769) -> (i32, i32, i32, i32, i32, i32, i32)  : i32 {
      %mul3A_1358 = arith.constant 16 : i32
      %mul3A_1359 = arith.muli %scan3A_1350, %mul3A_1358 : i32
      %get3A = arith.index_cast %mul3A_1359 : i32 to index
      %get3A_1360 = tpu.vector_load %arg13[%get3A] {strides = array<i32>} : memref<4096xi32, #tpu.memory_space<vmem>>, vector<16xi32>,
      %mul3A_1361 = arith.constant 16 : i32
      %mul3A_1362 = arith.muli %scan3A_1350, %mul3A_1361 : i32
      %get3A_1363 = arith.index_cast %mul3A_1362 : i32 to index
      %get3A_1364 = tpu.vector_load %arg14[%get3A_1363] {strides = array<i32>} : memref<4096xi32, #tpu.memory_space<vmem>>, vector<16xi32>,
      %mul3A_1365 = arith.constant 16 : i32
      %mul3A_1366 = arith.muli %scan3A_1350, %mul3A_1365 : i32
      %add3A_1367 = arith.addi %mul3A_2, %mul3A_1366 : i32
      %add3A_1368 = vector.broadcast %add3A_1367 : i32 to vector<16xi32>
      %add3A_1369 = arith.addi %add3A_1368, %iota3A : vector<16xi32>
      %gt3A_1370 = arith.constant 0 : i32
      %gt3A_1371 = vector.broadcast %gt3A_1370 : i32 to vector<16xi32>
      %gt3A_1372 = arith.cmpi sgt, %get3A_1360, %gt3A_1371 : vector<16xi32>
      %gt3A_1373 = arith.constant 0 : i32
      %gt3A_1374 = vector.broadcast %gt3A_1373 : i32 to vector<16xi32>
      %gt3A_1375 = arith.cmpi sgt, %get3A_1364, %gt3A_1374 : vector<16xi32>
      %xor3A = arith.xori %gt3A_1372, %gt3A_1375 : vector<16xi1>
      %sub3A_1376 = arith.constant 1 : i32
      %sub3A_1377 = vector.broadcast %sub3A_1376 : i32 to vector<16xi32>
      %sub3A_1378 = arith.subi %get3A_1360, %sub3A_1377 : vector<16xi32>
      %sub3A_1379 = arith.constant 1 : i32
      %sub3A_1380 = vector.broadcast %sub3A_1379 : i32 to vector<16xi32>
      %sub3A_1381 = arith.subi %get3A_1364, %sub3A_1380 : vector<16xi32>
      %add3A_1382 = arith.constant 2049 : i32
      %add3A_1383 = vector.broadcast %add3A_1382 : i32 to vector<16xi32>
      %add3A_1384 = arith.addi %sub3A_1381, %add3A_1383 : vector<16xi32>
      %select_n3A_1385 = arith.select %gt3A_1372, %sub3A_1378, %add3A_1384 : vector<16xi1>, vector<16xi32>
      %convert_element_type3A_1386 = arith.extui %xor3A : vector<16xi1> to vector<16xi32>
      %broadcast_in_dim3A = arith.constant true
      %broadcast_in_dim3A_1387 = vector.broadcast %broadcast_in_dim3A : i1 to vector<16xi1>
      %masked_cumsum3A = tpu.scan <sum>, %convert_element_type3A_1386 masked %broadcast_in_dim3A_1387 : vector<16xi32>, vector<16xi1> -> vector<16xi32>
      %add3A_1388 = vector.broadcast %scan3A_1351 : i32 to vector<16xi32>
      %add3A_1389 = arith.addi %add3A_1388, %masked_cumsum3A : vector<16xi32>
      %sub3A_1390 = arith.constant 1 : i32
      %sub3A_1391 = vector.broadcast %sub3A_1390 : i32 to vector<16xi32>
      %sub3A_1392 = arith.subi %add3A_1389, %sub3A_1391 : vector<16xi32>
      %shift_right_logical3A_1393 = arith.constant 7 : i32
      %shift_right_logical3A_1394 = vector.broadcast %shift_right_logical3A_1393 : i32 to vector<16xi32>
      %shift_right_logical3A_1395 = arith.shrui %sub3A_1392, %shift_right_logical3A_1394 : vector<16xi32>
      %and3A_1396 = arith.constant 127 : i32
      %and3A_1397 = vector.broadcast %and3A_1396 : i32 to vector<16xi32>
      %and3A_1398 = arith.andi %sub3A_1392, %and3A_1397 : vector<16xi32>
      tpu.vector_store_idx %arg15[%shift_right_logical3A_1395, %and3A_1398], %select_n3A_1385 masked %xor3A : memref<34x128xi32, #tpu.memory_space<vmem>>[vector<16xi32>, vector<16xi32>], vector<16xi32>, vector<16xi1>
      %shift_right_logical3A_1399 = arith.constant 7 : i32
      %shift_right_logical3A_1400 = vector.broadcast %shift_right_logical3A_1399 : i32 to vector<16xi32>
      %shift_right_logical3A_1401 = arith.shrui %sub3A_1392, %shift_right_logical3A_1400 : vector<16xi32>
      %and3A_1402 = arith.constant 127 : i32
      %and3A_1403 = vector.broadcast %and3A_1402 : i32 to vector<16xi32>
      %and3A_1404 = arith.andi %sub3A_1392, %and3A_1403 : vector<16xi32>
      tpu.vector_store_idx %arg16[%shift_right_logical3A_1401, %and3A_1404], %add3A_1369 masked %xor3A : memref<34x128xi32, #tpu.memory_space<vmem>>[vector<16xi32>, vector<16xi32>], vector<16xi32>, vector<16xi1>
      %jit3A_1405 = arith.constant -1 : i32
      %broadcast_in_dim3A_1406 = vector.broadcast %jit3A_1405 : i32 to vector<16xi32>
      %select_n3A_1407 = arith.select %xor3A, %add3A_1369, %broadcast_in_dim3A_1406 : vector<16xi1>, vector<16xi32>
      %reduce_max3A = arith.constant true
      %reduce_max3A_1408 = vector.broadcast %reduce_max3A : i1 to vector<16xi1>
      %reduce_max3A_1409 = arith.constant -2147483648 : i32
      %reduce_max3A_1410 = vector.broadcast %reduce_max3A_1409 : i32 to vector<16xi32>
      %reduce_max3A_1411 = arith.xori %select_n3A_1407, %reduce_max3A_1410 : vector<16xi32>
      %reduce_max3A_1412 = tpu.scan <max>, %reduce_max3A_1411 masked %reduce_max3A_1408 : vector<16xi32>, vector<16xi1> -> vector<16xi32>
      %reduce_max3A_1413 = arith.xori %reduce_max3A_1412, %reduce_max3A_1410 : vector<16xi32>
      %reduce_max3A_1414 = vector.extract %reduce_max3A_1413[15] : i32 from vector<16xi32>
      %eq3A = vector.broadcast %reduce_max3A_1414 : i32 to vector<16xi32>
      %eq3A_1415 = arith.cmpi eq, %add3A_1369, %eq3A : vector<16xi32>
      %and3A_1416 = arith.andi %xor3A, %eq3A_1415 : vector<16xi1>
      %jit3A_1417 = arith.constant -1 : i32
      %broadcast_in_dim3A_1418 = vector.broadcast %jit3A_1417 : i32 to vector<16xi32>
      %select_n3A_1419 = arith.select %and3A_1416, %select_n3A_1385, %broadcast_in_dim3A_1418 : vector<16xi1>, vector<16xi32>
      %reduce_max3A_1420 = arith.constant true
      %reduce_max3A_1421 = vector.broadcast %reduce_max3A_1420 : i1 to vector<16xi1>
      %reduce_max3A_1422 = arith.constant -2147483648 : i32
      %reduce_max3A_1423 = vector.broadcast %reduce_max3A_1422 : i32 to vector<16xi32>
      %reduce_max3A_1424 = arith.xori %select_n3A_1419, %reduce_max3A_1423 : vector<16xi32>
      %reduce_max3A_1425 = tpu.scan <max>, %reduce_max3A_1424 masked %reduce_max3A_1421 : vector<16xi32>, vector<16xi1> -> vector<16xi32>
      %reduce_max3A_1426 = arith.xori %reduce_max3A_1425, %reduce_max3A_1423 : vector<16xi32>
      %reduce_max3A_1427 = vector.extract %reduce_max3A_1426[15] : i32 from vector<16xi32>
      %gt3A_1428 = arith.cmpi sgt, %reduce_max3A_1414, %scan3A_1352 : i32
      %reduce_sum3A = arith.constant true
      %reduce_sum3A_1429 = vector.broadcast %reduce_sum3A : i1 to vector<16xi1>
      %reduce_sum3A_1430 = tpu.scan <sum>, %convert_element_type3A_1386 masked %reduce_sum3A_1429 : vector<16xi32>, vector<16xi1> -> vector<16xi32>
      %reduce_sum3A_1431 = vector.extract %reduce_sum3A_1430[15] : i32 from vector<16xi32>
      %add3A_1432 = arith.addi %scan3A_1351, %reduce_sum3A_1431 : i32
      %select_n3A_1433 = arith.select %gt3A_1428, %reduce_max3A_1414, %scan3A_1352 : i32
      %select_n3A_1434 = arith.select %gt3A_1428, %reduce_max3A_1427, %scan3A_1353 : i32
      %and3A_1435 = arith.andi %gt3A_1372, %gt3A_1375 : vector<16xi1>
      %convert_element_type3A_1436 = arith.extui %and3A_1435 : vector<16xi1> to vector<16xi32>
      %broadcast_in_dim3A_1437 = arith.constant true
      %broadcast_in_dim3A_1438 = vector.broadcast %broadcast_in_dim3A_1437 : i1 to vector<16xi1>
      %masked_cumsum3A_1439 = tpu.scan <sum>, %convert_element_type3A_1436 masked %broadcast_in_dim3A_1438 : vector<16xi32>, vector<16xi1> -> vector<16xi32>
      %add3A_1440 = vector.broadcast %scan3A_1354 : i32 to vector<16xi32>
      %add3A_1441 = arith.addi %add3A_1440, %masked_cumsum3A_1439 : vector<16xi32>
      %sub3A_1442 = arith.constant 1 : i32
      %sub3A_1443 = vector.broadcast %sub3A_1442 : i32 to vector<16xi32>
      %sub3A_1444 = arith.subi %add3A_1441, %sub3A_1443 : vector<16xi32>
      %sub3A_1445 = arith.constant 1 : i32
      %sub3A_1446 = vector.broadcast %sub3A_1445 : i32 to vector<16xi32>
      %sub3A_1447 = arith.subi %get3A_1360, %sub3A_1446 : vector<16xi32>
      %add3A_1448 = arith.constant 4098 : i32
      %add3A_1449 = vector.broadcast %add3A_1448 : i32 to vector<16xi32>
      %add3A_1450 = arith.addi %sub3A_1447, %add3A_1449 : vector<16xi32>
      %shift_right_logical3A_1451 = arith.constant 7 : i32
      %shift_right_logical3A_1452 = vector.broadcast %shift_right_logical3A_1451 : i32 to vector<16xi32>
      %shift_right_logical3A_1453 = arith.shrui %sub3A_1444, %shift_right_logical3A_1452 : vector<16xi32>
      %and3A_1454 = arith.constant 127 : i32
      %and3A_1455 = vector.broadcast %and3A_1454 : i32 to vector<16xi32>
      %and3A_1456 = arith.andi %sub3A_1444, %and3A_1455 : vector<16xi32>
      tpu.vector_store_idx %arg17[%shift_right_logical3A_1453, %and3A_1456], %add3A_1450 masked %and3A_1435 : memref<34x128xi32, #tpu.memory_space<vmem>>[vector<16xi32>, vector<16xi32>], vector<16xi32>, vector<16xi1>
      %sub3A_1457 = arith.constant 1 : i32
      %sub3A_1458 = vector.broadcast %sub3A_1457 : i32 to vector<16xi32>
      %sub3A_1459 = arith.subi %get3A_1364, %sub3A_1458 : vector<16xi32>
      %add3A_1460 = arith.constant 2049 : i32
      %add3A_1461 = vector.broadcast %add3A_1460 : i32 to vector<16xi32>
      %add3A_1462 = arith.addi %sub3A_1459, %add3A_1461 : vector<16xi32>
      %shift_right_logical3A_1463 = arith.constant 7 : i32
      %shift_right_logical3A_1464 = vector.broadcast %shift_right_logical3A_1463 : i32 to vector<16xi32>
      %shift_right_logical3A_1465 = arith.shrui %sub3A_1444, %shift_right_logical3A_1464 : vector<16xi32>
      %and3A_1466 = arith.constant 127 : i32
      %and3A_1467 = vector.broadcast %and3A_1466 : i32 to vector<16xi32>
      %and3A_1468 = arith.andi %sub3A_1444, %and3A_1467 : vector<16xi32>
      tpu.vector_store_idx %arg18[%shift_right_logical3A_1465, %and3A_1468], %add3A_1462 masked %and3A_1435 : memref<34x128xi32, #tpu.memory_space<vmem>>[vector<16xi32>, vector<16xi32>], vector<16xi32>, vector<16xi1>
      %shift_right_logical3A_1469 = arith.constant 7 : i32
      %shift_right_logical3A_1470 = vector.broadcast %shift_right_logical3A_1469 : i32 to vector<16xi32>
      %shift_right_logical3A_1471 = arith.shrui %sub3A_1444, %shift_right_logical3A_1470 : vector<16xi32>
      %and3A_1472 = arith.constant 127 : i32
      %and3A_1473 = vector.broadcast %and3A_1472 : i32 to vector<16xi32>
      %and3A_1474 = arith.andi %sub3A_1444, %and3A_1473 : vector<16xi32>
      tpu.vector_store_idx %arg19[%shift_right_logical3A_1471, %and3A_1474], %add3A_1369 masked %and3A_1435 : memref<34x128xi32, #tpu.memory_space<vmem>>[vector<16xi32>, vector<16xi32>], vector<16xi32>, vector<16xi1>
      %jit3A_1475 = arith.constant -1 : i32
      %broadcast_in_dim3A_1476 = vector.broadcast %jit3A_1475 : i32 to vector<16xi32>
      %select_n3A_1477 = arith.select %and3A_1435, %add3A_1369, %broadcast_in_dim3A_1476 : vector<16xi1>, vector<16xi32>
      %reduce_max3A_1478 = arith.constant true
      %reduce_max3A_1479 = vector.broadcast %reduce_max3A_1478 : i1 to vector<16xi1>
      %reduce_max3A_1480 = arith.constant -2147483648 : i32
      %reduce_max3A_1481 = vector.broadcast %reduce_max3A_1480 : i32 to vector<16xi32>
      %reduce_max3A_1482 = arith.xori %select_n3A_1477, %reduce_max3A_1481 : vector<16xi32>
      %reduce_max3A_1483 = tpu.scan <max>, %reduce_max3A_1482 masked %reduce_max3A_1479 : vector<16xi32>, vector<16xi1> -> vector<16xi32>
      %reduce_max3A_1484 = arith.xori %reduce_max3A_1483, %reduce_max3A_1481 : vector<16xi32>
      %reduce_max3A_1485 = vector.extract %reduce_max3A_1484[15] : i32 from vector<16xi32>
      %eq3A_1486 = vector.broadcast %reduce_max3A_1485 : i32 to vector<16xi32>
      %eq3A_1487 = arith.cmpi eq, %add3A_1369, %eq3A_1486 : vector<16xi32>
      %and3A_1488 = arith.andi %and3A_1435, %eq3A_1487 : vector<16xi1>
      %sub3A_1489 = arith.constant 1 : i32
      %sub3A_1490 = vector.broadcast %sub3A_1489 : i32 to vector<16xi32>
      %sub3A_1491 = arith.subi %get3A_1360, %sub3A_1490 : vector<16xi32>
      %add3A_1492 = arith.constant 4098 : i32
      %add3A_1493 = vector.broadcast %add3A_1492 : i32 to vector<16xi32>
      %add3A_1494 = arith.addi %sub3A_1491, %add3A_1493 : vector<16xi32>
      %jit3A_1495 = arith.constant -1 : i32
      %broadcast_in_dim3A_1496 = vector.broadcast %jit3A_1495 : i32 to vector<16xi32>
      %select_n3A_1497 = arith.select %and3A_1488, %add3A_1494, %broadcast_in_dim3A_1496 : vector<16xi1>, vector<16xi32>
      %reduce_max3A_1498 = arith.constant true
      %reduce_max3A_1499 = vector.broadcast %reduce_max3A_1498 : i1 to vector<16xi1>
      %reduce_max3A_1500 = arith.constant -2147483648 : i32
      %reduce_max3A_1501 = vector.broadcast %reduce_max3A_1500 : i32 to vector<16xi32>
      %reduce_max3A_1502 = arith.xori %select_n3A_1497, %reduce_max3A_1501 : vector<16xi32>
      %reduce_max3A_1503 = tpu.scan <max>, %reduce_max3A_1502 masked %reduce_max3A_1499 : vector<16xi32>, vector<16xi1> -> vector<16xi32>
      %reduce_max3A_1504 = arith.xori %reduce_max3A_1503, %reduce_max3A_1501 : vector<16xi32>
      %reduce_max3A_1505 = vector.extract %reduce_max3A_1504[15] : i32 from vector<16xi32>
      %sub3A_1506 = arith.constant 1 : i32
      %sub3A_1507 = vector.broadcast %sub3A_1506 : i32 to vector<16xi32>
      %sub3A_1508 = arith.subi %get3A_1364, %sub3A_1507 : vector<16xi32>
      %add3A_1509 = arith.constant 2049 : i32
      %add3A_1510 = vector.broadcast %add3A_1509 : i32 to vector<16xi32>
      %add3A_1511 = arith.addi %sub3A_1508, %add3A_1510 : vector<16xi32>
      %jit3A_1512 = arith.constant -1 : i32
      %broadcast_in_dim3A_1513 = vector.broadcast %jit3A_1512 : i32 to vector<16xi32>
      %select_n3A_1514 = arith.select %and3A_1488, %add3A_1511, %broadcast_in_dim3A_1513 : vector<16xi1>, vector<16xi32>
      %reduce_max3A_1515 = arith.constant true
      %reduce_max3A_1516 = vector.broadcast %reduce_max3A_1515 : i1 to vector<16xi1>
      %reduce_max3A_1517 = arith.constant -2147483648 : i32
      %reduce_max3A_1518 = vector.broadcast %reduce_max3A_1517 : i32 to vector<16xi32>
      %reduce_max3A_1519 = arith.xori %select_n3A_1514, %reduce_max3A_1518 : vector<16xi32>
      %reduce_max3A_1520 = tpu.scan <max>, %reduce_max3A_1519 masked %reduce_max3A_1516 : vector<16xi32>, vector<16xi1> -> vector<16xi32>
      %reduce_max3A_1521 = arith.xori %reduce_max3A_1520, %reduce_max3A_1518 : vector<16xi32>
      %reduce_max3A_1522 = vector.extract %reduce_max3A_1521[15] : i32 from vector<16xi32>
      %gt3A_1523 = arith.cmpi sgt, %reduce_max3A_1485, %scan3A_1355 : i32
      %reduce_sum3A_1524 = arith.constant true
      %reduce_sum3A_1525 = vector.broadcast %reduce_sum3A_1524 : i1 to vector<16xi1>
      %reduce_sum3A_1526 = tpu.scan <sum>, %convert_element_type3A_1436 masked %reduce_sum3A_1525 : vector<16xi32>, vector<16xi1> -> vector<16xi32>
      %reduce_sum3A_1527 = vector.extract %reduce_sum3A_1526[15] : i32 from vector<16xi32>
      %add3A_1528 = arith.addi %scan3A_1354, %reduce_sum3A_1527 : i32
      %select_n3A_1529 = arith.select %gt3A_1523, %reduce_max3A_1485, %scan3A_1355 : i32
      %select_n3A_1530 = arith.select %gt3A_1523, %reduce_max3A_1505, %scan3A_1356 : i32
      %select_n3A_1531 = arith.select %gt3A_1523, %reduce_max3A_1522, %scan3A_1357 : i32
      scf.yield %add3A_1432, %select_n3A_1433, %select_n3A_1434, %add3A_1528, %select_n3A_1529, %select_n3A_1530, %select_n3A_1531 : i32, i32, i32, i32, i32, i32, i32
    }
    %scan3A_775 = arith.constant 256 : i32
    %dma_wait3A_776 = arith.constant 0 : i32
    "tpu.trace_stop"() : () -> ()
    "tpu.trace_start"() <{level = 10 : i32, message = "memset_drain"}> : () -> ()
    %dma_wait3A_777 = arith.constant 0 : i32
    %dma_wait3A_778 = arith.constant 0 : i32
    %dma_wait3A_779 = tpu.memref_slice %arg20[%dma_wait3A_776, %dma_wait3A_777, %dma_wait3A_778] : memref<4x128x128xf32, #tpu.memory_space<vmem>> -> memref<1x128x128xf32, #tpu.memory_space<vmem>>
    %dma_wait3A_780 = tpu.memref_squeeze %dma_wait3A_779 : memref<1x128x128xf32, #tpu.memory_space<vmem>> -> memref<128x128xf32, #tpu.memory_space<vmem>>
    %dma_wait3A_781 = arith.constant 0 : i32
    %dma_wait3A_782 = tpu.memref_slice %arg8[%add3A_4, %dma_wait3A_781] : memref<131072x128xf32, #tpu.memory_space<hbm>> -> memref<128x128xf32, #tpu.memory_space<hbm>>
    %dma_wait3A_783 = arith.constant 0 : i32
    %dma_wait3A_784 = tpu.memref_slice %arg8[%add3A_4, %dma_wait3A_783] : memref<131072x128xf32, #tpu.memory_space<hbm>> -> memref<128x128xf32, #tpu.memory_space<hbm>>
    %dma_wait3A_785 = arith.constant 0 : i32
    %dma_wait3A_786 = arith.constant 0 : i32
    %dma_wait3A_787 = tpu.memref_slice %arg20[%dma_wait3A_776, %dma_wait3A_785, %dma_wait3A_786] : memref<4x128x128xf32, #tpu.memory_space<vmem>> -> memref<1x128x128xf32, #tpu.memory_space<vmem>>
    %dma_wait3A_788 = tpu.memref_squeeze %dma_wait3A_787 : memref<1x128x128xf32, #tpu.memory_space<vmem>> -> memref<128x128xf32, #tpu.memory_space<vmem>>
    tpu.wait_dma2 semaphore(%arg22 : memref<!tpu.dma_semaphore, #tpu.memory_space<semaphore_mem>>) src(%dma_wait3A_788 : memref<128x128xf32, #tpu.memory_space<vmem>>) dst(%dma_wait3A_784 : memref<128x128xf32, #tpu.memory_space<hbm>>)
    %dma_wait3A_789 = arith.constant 0 : i32
    %dma_wait3A_790 = arith.constant 0 : i32
    %dma_wait3A_791 = arith.constant 0 : i32
    %dma_wait3A_792 = tpu.memref_slice %arg20[%dma_wait3A_789, %dma_wait3A_790, %dma_wait3A_791] : memref<4x128x128xf32, #tpu.memory_space<vmem>> -> memref<1x128x128xf32, #tpu.memory_space<vmem>>
    %dma_wait3A_793 = tpu.memref_squeeze %dma_wait3A_792 : memref<1x128x128xf32, #tpu.memory_space<vmem>> -> memref<128x128xf32, #tpu.memory_space<vmem>>
    %dma_wait3A_794 = arith.constant 0 : i32
    %dma_wait3A_795 = tpu.memref_slice %arg8[%add3A_18, %dma_wait3A_794] : memref<131072x128xf32, #tpu.memory_space<hbm>> -> memref<128x128xf32, #tpu.memory_space<hbm>>
    %dma_wait3A_796 = arith.constant 0 : i32
    %dma_wait3A_797 = tpu.memref_slice %arg8[%add3A_18, %dma_wait3A_796] : memref<131072x128xf32, #tpu.memory_space<hbm>> -> memref<128x128xf32, #tpu.memory_space<hbm>>
    %dma_wait3A_798 = arith.constant 0 : i32
    %dma_wait3A_799 = arith.constant 0 : i32
    %dma_wait3A_800 = tpu.memref_slice %arg20[%dma_wait3A_789, %dma_wait3A_798, %dma_wait3A_799] : memref<4x128x128xf32, #tpu.memory_space<vmem>> -> memref<1x128x128xf32, #tpu.memory_space<vmem>>
    %dma_wait3A_801 = tpu.memref_squeeze %dma_wait3A_800 : memref<1x128x128xf32, #tpu.memory_space<vmem>> -> memref<128x128xf32, #tpu.memory_space<vmem>>
    tpu.wait_dma2 semaphore(%arg22 : memref<!tpu.dma_semaphore, #tpu.memory_space<semaphore_mem>>) src(%dma_wait3A_801 : memref<128x128xf32, #tpu.memory_space<vmem>>) dst(%dma_wait3A_797 : memref<128x128xf32, #tpu.memory_space<hbm>>)
    %dma_wait3A_802 = arith.constant 0 : i32
    %dma_wait3A_803 = arith.constant 0 : i32
    %dma_wait3A_804 = arith.constant 0 : i32
    %dma_wait3A_805 = tpu.memref_slice %arg20[%dma_wait3A_802, %dma_wait3A_803, %dma_wait3A_804] : memref<4x128x128xf32, #tpu.memory_space<vmem>> -> memref<1x128x128xf32, #tpu.memory_space<vmem>>
    %dma_wait3A_806 = tpu.memref_squeeze %dma_wait3A_805 : memref<1x128x128xf32, #tpu.memory_space<vmem>> -> memref<128x128xf32, #tpu.memory_space<vmem>>
    %dma_wait3A_807 = arith.constant 0 : i32
    %dma_wait3A_808 = tpu.memref_slice %arg8[%add3A_33, %dma_wait3A_807] : memref<131072x128xf32, #tpu.memory_space<hbm>> -> memref<128x128xf32, #tpu.memory_space<hbm>>
    %dma_wait3A_809 = arith.constant 0 : i32
    %dma_wait3A_810 = tpu.memref_slice %arg8[%add3A_33, %dma_wait3A_809] : memref<131072x128xf32, #tpu.memory_space<hbm>> -> memref<128x128xf32, #tpu.memory_space<hbm>>
    %dma_wait3A_811 = arith.constant 0 : i32
    %dma_wait3A_812 = arith.constant 0 : i32
    %dma_wait3A_813 = tpu.memref_slice %arg20[%dma_wait3A_802, %dma_wait3A_811, %dma_wait3A_812] : memref<4x128x128xf32, #tpu.memory_space<vmem>> -> memref<1x128x128xf32, #tpu.memory_space<vmem>>
    %dma_wait3A_814 = tpu.memref_squeeze %dma_wait3A_813 : memref<1x128x128xf32, #tpu.memory_space<vmem>> -> memref<128x128xf32, #tpu.memory_space<vmem>>
    tpu.wait_dma2 semaphore(%arg22 : memref<!tpu.dma_semaphore, #tpu.memory_space<semaphore_mem>>) src(%dma_wait3A_814 : memref<128x128xf32, #tpu.memory_space<vmem>>) dst(%dma_wait3A_810 : memref<128x128xf32, #tpu.memory_space<hbm>>)
    %dma_wait3A_815 = arith.constant 0 : i32
    %dma_wait3A_816 = arith.constant 0 : i32
    %dma_wait3A_817 = arith.constant 0 : i32
    %dma_wait3A_818 = tpu.memref_slice %arg20[%dma_wait3A_815, %dma_wait3A_816, %dma_wait3A_817] : memref<4x128x128xf32, #tpu.memory_space<vmem>> -> memref<1x128x128xf32, #tpu.memory_space<vmem>>
    %dma_wait3A_819 = tpu.memref_squeeze %dma_wait3A_818 : memref<1x128x128xf32, #tpu.memory_space<vmem>> -> memref<128x128xf32, #tpu.memory_space<vmem>>
    %dma_wait3A_820 = arith.constant 0 : i32
    %dma_wait3A_821 = tpu.memref_slice %arg8[%add3A_48, %dma_wait3A_820] : memref<131072x128xf32, #tpu.memory_space<hbm>> -> memref<128x128xf32, #tpu.memory_space<hbm>>
    %dma_wait3A_822 = arith.constant 0 : i32
    %dma_wait3A_823 = tpu.memref_slice %arg8[%add3A_48, %dma_wait3A_822] : memref<131072x128xf32, #tpu.memory_space<hbm>> -> memref<128x128xf32, #tpu.memory_space<hbm>>
    %dma_wait3A_824 = arith.constant 0 : i32
    %dma_wait3A_825 = arith.constant 0 : i32
    %dma_wait3A_826 = tpu.memref_slice %arg20[%dma_wait3A_815, %dma_wait3A_824, %dma_wait3A_825] : memref<4x128x128xf32, #tpu.memory_space<vmem>> -> memref<1x128x128xf32, #tpu.memory_space<vmem>>
    %dma_wait3A_827 = tpu.memref_squeeze %dma_wait3A_826 : memref<1x128x128xf32, #tpu.memory_space<vmem>> -> memref<128x128xf32, #tpu.memory_space<vmem>>
    tpu.wait_dma2 semaphore(%arg22 : memref<!tpu.dma_semaphore, #tpu.memory_space<semaphore_mem>>) src(%dma_wait3A_827 : memref<128x128xf32, #tpu.memory_space<vmem>>) dst(%dma_wait3A_823 : memref<128x128xf32, #tpu.memory_space<hbm>>)
    %dma_wait3A_828 = arith.constant 0 : i32
    %dma_wait3A_829 = arith.constant 0 : i32
    %dma_wait3A_830 = arith.constant 0 : i32
    %dma_wait3A_831 = tpu.memref_slice %arg20[%dma_wait3A_828, %dma_wait3A_829, %dma_wait3A_830] : memref<4x128x128xf32, #tpu.memory_space<vmem>> -> memref<1x128x128xf32, #tpu.memory_space<vmem>>
    %dma_wait3A_832 = tpu.memref_squeeze %dma_wait3A_831 : memref<1x128x128xf32, #tpu.memory_space<vmem>> -> memref<128x128xf32, #tpu.memory_space<vmem>>
    %dma_wait3A_833 = arith.constant 0 : i32
    %dma_wait3A_834 = tpu.memref_slice %arg8[%add3A_63, %dma_wait3A_833] : memref<131072x128xf32, #tpu.memory_space<hbm>> -> memref<128x128xf32, #tpu.memory_space<hbm>>
    %dma_wait3A_835 = arith.constant 0 : i32
    %dma_wait3A_836 = tpu.memref_slice %arg8[%add3A_63, %dma_wait3A_835] : memref<131072x128xf32, #tpu.memory_space<hbm>> -> memref<128x128xf32, #tpu.memory_space<hbm>>
    %dma_wait3A_837 = arith.constant 0 : i32
    %dma_wait3A_838 = arith.constant 0 : i32
    %dma_wait3A_839 = tpu.memref_slice %arg20[%dma_wait3A_828, %dma_wait3A_837, %dma_wait3A_838] : memref<4x128x128xf32, #tpu.memory_space<vmem>> -> memref<1x128x128xf32, #tpu.memory_space<vmem>>
    %dma_wait3A_840 = tpu.memref_squeeze %dma_wait3A_839 : memref<1x128x128xf32, #tpu.memory_space<vmem>> -> memref<128x128xf32, #tpu.memory_space<vmem>>
    tpu.wait_dma2 semaphore(%arg22 : memref<!tpu.dma_semaphore, #tpu.memory_space<semaphore_mem>>) src(%dma_wait3A_840 : memref<128x128xf32, #tpu.memory_space<vmem>>) dst(%dma_wait3A_836 : memref<128x128xf32, #tpu.memory_space<hbm>>)
    %dma_wait3A_841 = arith.constant 0 : i32
    %dma_wait3A_842 = arith.constant 0 : i32
    %dma_wait3A_843 = arith.constant 0 : i32
    %dma_wait3A_844 = tpu.memref_slice %arg20[%dma_wait3A_841, %dma_wait3A_842, %dma_wait3A_843] : memref<4x128x128xf32, #tpu.memory_space<vmem>> -> memref<1x128x128xf32, #tpu.memory_space<vmem>>
    %dma_wait3A_845 = tpu.memref_squeeze %dma_wait3A_844 : memref<1x128x128xf32, #tpu.memory_space<vmem>> -> memref<128x128xf32, #tpu.memory_space<vmem>>
    %dma_wait3A_846 = arith.constant 0 : i32
    %dma_wait3A_847 = tpu.memref_slice %arg8[%add3A_78, %dma_wait3A_846] : memref<131072x128xf32, #tpu.memory_space<hbm>> -> memref<128x128xf32, #tpu.memory_space<hbm>>
    %dma_wait3A_848 = arith.constant 0 : i32
    %dma_wait3A_849 = tpu.memref_slice %arg8[%add3A_78, %dma_wait3A_848] : memref<131072x128xf32, #tpu.memory_space<hbm>> -> memref<128x128xf32, #tpu.memory_space<hbm>>
    %dma_wait3A_850 = arith.constant 0 : i32
    %dma_wait3A_851 = arith.constant 0 : i32
    %dma_wait3A_852 = tpu.memref_slice %arg20[%dma_wait3A_841, %dma_wait3A_850, %dma_wait3A_851] : memref<4x128x128xf32, #tpu.memory_space<vmem>> -> memref<1x128x128xf32, #tpu.memory_space<vmem>>
    %dma_wait3A_853 = tpu.memref_squeeze %dma_wait3A_852 : memref<1x128x128xf32, #tpu.memory_space<vmem>> -> memref<128x128xf32, #tpu.memory_space<vmem>>
    tpu.wait_dma2 semaphore(%arg22 : memref<!tpu.dma_semaphore, #tpu.memory_space<semaphore_mem>>) src(%dma_wait3A_853 : memref<128x128xf32, #tpu.memory_space<vmem>>) dst(%dma_wait3A_849 : memref<128x128xf32, #tpu.memory_space<hbm>>)
    %dma_wait3A_854 = arith.constant 0 : i32
    %dma_wait3A_855 = arith.constant 0 : i32
    %dma_wait3A_856 = arith.constant 0 : i32
    %dma_wait3A_857 = tpu.memref_slice %arg20[%dma_wait3A_854, %dma_wait3A_855, %dma_wait3A_856] : memref<4x128x128xf32, #tpu.memory_space<vmem>> -> memref<1x128x128xf32, #tpu.memory_space<vmem>>
    %dma_wait3A_858 = tpu.memref_squeeze %dma_wait3A_857 : memref<1x128x128xf32, #tpu.memory_space<vmem>> -> memref<128x128xf32, #tpu.memory_space<vmem>>
    %dma_wait3A_859 = arith.constant 0 : i32
    %dma_wait3A_860 = tpu.memref_slice %arg8[%add3A_93, %dma_wait3A_859] : memref<131072x128xf32, #tpu.memory_space<hbm>> -> memref<128x128xf32, #tpu.memory_space<hbm>>
    %dma_wait3A_861 = arith.constant 0 : i32
    %dma_wait3A_862 = tpu.memref_slice %arg8[%add3A_93, %dma_wait3A_861] : memref<131072x128xf32, #tpu.memory_space<hbm>> -> memref<128x128xf32, #tpu.memory_space<hbm>>
    %dma_wait3A_863 = arith.constant 0 : i32
    %dma_wait3A_864 = arith.constant 0 : i32
    %dma_wait3A_865 = tpu.memref_slice %arg20[%dma_wait3A_854, %dma_wait3A_863, %dma_wait3A_864] : memref<4x128x128xf32, #tpu.memory_space<vmem>> -> memref<1x128x128xf32, #tpu.memory_space<vmem>>
    %dma_wait3A_866 = tpu.memref_squeeze %dma_wait3A_865 : memref<1x128x128xf32, #tpu.memory_space<vmem>> -> memref<128x128xf32, #tpu.memory_space<vmem>>
    tpu.wait_dma2 semaphore(%arg22 : memref<!tpu.dma_semaphore, #tpu.memory_space<semaphore_mem>>) src(%dma_wait3A_866 : memref<128x128xf32, #tpu.memory_space<vmem>>) dst(%dma_wait3A_862 : memref<128x128xf32, #tpu.memory_space<hbm>>)
    %dma_wait3A_867 = arith.constant 0 : i32
    %dma_wait3A_868 = arith.constant 0 : i32
    %dma_wait3A_869 = arith.constant 0 : i32
    %dma_wait3A_870 = tpu.memref_slice %arg20[%dma_wait3A_867, %dma_wait3A_868, %dma_wait3A_869] : memref<4x128x128xf32, #tpu.memory_space<vmem>> -> memref<1x128x128xf32, #tpu.memory_space<vmem>>
    %dma_wait3A_871 = tpu.memref_squeeze %dma_wait3A_870 : memref<1x128x128xf32, #tpu.memory_space<vmem>> -> memref<128x128xf32, #tpu.memory_space<vmem>>
    %dma_wait3A_872 = arith.constant 0 : i32
    %dma_wait3A_873 = tpu.memref_slice %arg8[%add3A_108, %dma_wait3A_872] : memref<131072x128xf32, #tpu.memory_space<hbm>> -> memref<128x128xf32, #tpu.memory_space<hbm>>
    %dma_wait3A_874 = arith.constant 0 : i32
    %dma_wait3A_875 = tpu.memref_slice %arg8[%add3A_108, %dma_wait3A_874] : memref<131072x128xf32, #tpu.memory_space<hbm>> -> memref<128x128xf32, #tpu.memory_space<hbm>>
    %dma_wait3A_876 = arith.constant 0 : i32
    %dma_wait3A_877 = arith.constant 0 : i32
    %dma_wait3A_878 = tpu.memref_slice %arg20[%dma_wait3A_867, %dma_wait3A_876, %dma_wait3A_877] : memref<4x128x128xf32, #tpu.memory_space<vmem>> -> memref<1x128x128xf32, #tpu.memory_space<vmem>>
    %dma_wait3A_879 = tpu.memref_squeeze %dma_wait3A_878 : memref<1x128x128xf32, #tpu.memory_space<vmem>> -> memref<128x128xf32, #tpu.memory_space<vmem>>
    tpu.wait_dma2 semaphore(%arg22 : memref<!tpu.dma_semaphore, #tpu.memory_space<semaphore_mem>>) src(%dma_wait3A_879 : memref<128x128xf32, #tpu.memory_space<vmem>>) dst(%dma_wait3A_875 : memref<128x128xf32, #tpu.memory_space<hbm>>)
    %dma_wait3A_880 = arith.constant 0 : i32
    %dma_wait3A_881 = arith.constant 0 : i32
    %dma_wait3A_882 = arith.constant 0 : i32
    %dma_wait3A_883 = tpu.memref_slice %arg20[%dma_wait3A_880, %dma_wait3A_881, %dma_wait3A_882] : memref<4x128x128xf32, #tpu.memory_space<vmem>> -> memref<1x128x128xf32, #tpu.memory_space<vmem>>
    %dma_wait3A_884 = tpu.memref_squeeze %dma_wait3A_883 : memref<1x128x128xf32, #tpu.memory_space<vmem>> -> memref<128x128xf32, #tpu.memory_space<vmem>>
    %dma_wait3A_885 = arith.constant 0 : i32
    %dma_wait3A_886 = tpu.memref_slice %arg8[%add3A_123, %dma_wait3A_885] : memref<131072x128xf32, #tpu.memory_space<hbm>> -> memref<128x128xf32, #tpu.memory_space<hbm>>
    %dma_wait3A_887 = arith.constant 0 : i32
    %dma_wait3A_888 = tpu.memref_slice %arg8[%add3A_123, %dma_wait3A_887] : memref<131072x128xf32, #tpu.memory_space<hbm>> -> memref<128x128xf32, #tpu.memory_space<hbm>>
    %dma_wait3A_889 = arith.constant 0 : i32
    %dma_wait3A_890 = arith.constant 0 : i32
    %dma_wait3A_891 = tpu.memref_slice %arg20[%dma_wait3A_880, %dma_wait3A_889, %dma_wait3A_890] : memref<4x128x128xf32, #tpu.memory_space<vmem>> -> memref<1x128x128xf32, #tpu.memory_space<vmem>>
    %dma_wait3A_892 = tpu.memref_squeeze %dma_wait3A_891 : memref<1x128x128xf32, #tpu.memory_space<vmem>> -> memref<128x128xf32, #tpu.memory_space<vmem>>
    tpu.wait_dma2 semaphore(%arg22 : memref<!tpu.dma_semaphore, #tpu.memory_space<semaphore_mem>>) src(%dma_wait3A_892 : memref<128x128xf32, #tpu.memory_space<vmem>>) dst(%dma_wait3A_888 : memref<128x128xf32, #tpu.memory_space<hbm>>)
    %dma_wait3A_893 = arith.constant 0 : i32
    %dma_wait3A_894 = arith.constant 0 : i32
    %dma_wait3A_895 = arith.constant 0 : i32
    %dma_wait3A_896 = tpu.memref_slice %arg20[%dma_wait3A_893, %dma_wait3A_894, %dma_wait3A_895] : memref<4x128x128xf32, #tpu.memory_space<vmem>> -> memref<1x128x128xf32, #tpu.memory_space<vmem>>
    %dma_wait3A_897 = tpu.memref_squeeze %dma_wait3A_896 : memref<1x128x128xf32, #tpu.memory_space<vmem>> -> memref<128x128xf32, #tpu.memory_space<vmem>>
    %dma_wait3A_898 = arith.constant 0 : i32
    %dma_wait3A_899 = tpu.memref_slice %arg8[%add3A_138, %dma_wait3A_898] : memref<131072x128xf32, #tpu.memory_space<hbm>> -> memref<128x128xf32, #tpu.memory_space<hbm>>
    %dma_wait3A_900 = arith.constant 0 : i32
    %dma_wait3A_901 = tpu.memref_slice %arg8[%add3A_138, %dma_wait3A_900] : memref<131072x128xf32, #tpu.memory_space<hbm>> -> memref<128x128xf32, #tpu.memory_space<hbm>>
    %dma_wait3A_902 = arith.constant 0 : i32
    %dma_wait3A_903 = arith.constant 0 : i32
    %dma_wait3A_904 = tpu.memref_slice %arg20[%dma_wait3A_893, %dma_wait3A_902, %dma_wait3A_903] : memref<4x128x128xf32, #tpu.memory_space<vmem>> -> memref<1x128x128xf32, #tpu.memory_space<vmem>>
    %dma_wait3A_905 = tpu.memref_squeeze %dma_wait3A_904 : memref<1x128x128xf32, #tpu.memory_space<vmem>> -> memref<128x128xf32, #tpu.memory_space<vmem>>
    tpu.wait_dma2 semaphore(%arg22 : memref<!tpu.dma_semaphore, #tpu.memory_space<semaphore_mem>>) src(%dma_wait3A_905 : memref<128x128xf32, #tpu.memory_space<vmem>>) dst(%dma_wait3A_901 : memref<128x128xf32, #tpu.memory_space<hbm>>)
    %dma_wait3A_906 = arith.constant 0 : i32
    %dma_wait3A_907 = arith.constant 0 : i32
    %dma_wait3A_908 = arith.constant 0 : i32
    %dma_wait3A_909 = tpu.memref_slice %arg20[%dma_wait3A_906, %dma_wait3A_907, %dma_wait3A_908] : memref<4x128x128xf32, #tpu.memory_space<vmem>> -> memref<1x128x128xf32, #tpu.memory_space<vmem>>
    %dma_wait3A_910 = tpu.memref_squeeze %dma_wait3A_909 : memref<1x128x128xf32, #tpu.memory_space<vmem>> -> memref<128x128xf32, #tpu.memory_space<vmem>>
    %dma_wait3A_911 = arith.constant 0 : i32
    %dma_wait3A_912 = tpu.memref_slice %arg8[%add3A_153, %dma_wait3A_911] : memref<131072x128xf32, #tpu.memory_space<hbm>> -> memref<128x128xf32, #tpu.memory_space<hbm>>
    %dma_wait3A_913 = arith.constant 0 : i32
    %dma_wait3A_914 = tpu.memref_slice %arg8[%add3A_153, %dma_wait3A_913] : memref<131072x128xf32, #tpu.memory_space<hbm>> -> memref<128x128xf32, #tpu.memory_space<hbm>>
    %dma_wait3A_915 = arith.constant 0 : i32
    %dma_wait3A_916 = arith.constant 0 : i32
    %dma_wait3A_917 = tpu.memref_slice %arg20[%dma_wait3A_906, %dma_wait3A_915, %dma_wait3A_916] : memref<4x128x128xf32, #tpu.memory_space<vmem>> -> memref<1x128x128xf32, #tpu.memory_space<vmem>>
    %dma_wait3A_918 = tpu.memref_squeeze %dma_wait3A_917 : memref<1x128x128xf32, #tpu.memory_space<vmem>> -> memref<128x128xf32, #tpu.memory_space<vmem>>
    tpu.wait_dma2 semaphore(%arg22 : memref<!tpu.dma_semaphore, #tpu.memory_space<semaphore_mem>>) src(%dma_wait3A_918 : memref<128x128xf32, #tpu.memory_space<vmem>>) dst(%dma_wait3A_914 : memref<128x128xf32, #tpu.memory_space<hbm>>)
    %dma_wait3A_919 = arith.constant 0 : i32
    %dma_wait3A_920 = arith.constant 0 : i32
    %dma_wait3A_921 = arith.constant 0 : i32
    %dma_wait3A_922 = tpu.memref_slice %arg20[%dma_wait3A_919, %dma_wait3A_920, %dma_wait3A_921] : memref<4x128x128xf32, #tpu.memory_space<vmem>> -> memref<1x128x128xf32, #tpu.memory_space<vmem>>
    %dma_wait3A_923 = tpu.memref_squeeze %dma_wait3A_922 : memref<1x128x128xf32, #tpu.memory_space<vmem>> -> memref<128x128xf32, #tpu.memory_space<vmem>>
    %dma_wait3A_924 = arith.constant 0 : i32
    %dma_wait3A_925 = tpu.memref_slice %arg8[%add3A_168, %dma_wait3A_924] : memref<131072x128xf32, #tpu.memory_space<hbm>> -> memref<128x128xf32, #tpu.memory_space<hbm>>
    %dma_wait3A_926 = arith.constant 0 : i32
    %dma_wait3A_927 = tpu.memref_slice %arg8[%add3A_168, %dma_wait3A_926] : memref<131072x128xf32, #tpu.memory_space<hbm>> -> memref<128x128xf32, #tpu.memory_space<hbm>>
    %dma_wait3A_928 = arith.constant 0 : i32
    %dma_wait3A_929 = arith.constant 0 : i32
    %dma_wait3A_930 = tpu.memref_slice %arg20[%dma_wait3A_919, %dma_wait3A_928, %dma_wait3A_929] : memref<4x128x128xf32, #tpu.memory_space<vmem>> -> memref<1x128x128xf32, #tpu.memory_space<vmem>>
    %dma_wait3A_931 = tpu.memref_squeeze %dma_wait3A_930 : memref<1x128x128xf32, #tpu.memory_space<vmem>> -> memref<128x128xf32, #tpu.memory_space<vmem>>
    tpu.wait_dma2 semaphore(%arg22 : memref<!tpu.dma_semaphore, #tpu.memory_space<semaphore_mem>>) src(%dma_wait3A_931 : memref<128x128xf32, #tpu.memory_space<vmem>>) dst(%dma_wait3A_927 : memref<128x128xf32, #tpu.memory_space<hbm>>)
    %dma_wait3A_932 = arith.constant 0 : i32
    %dma_wait3A_933 = arith.constant 0 : i32
    %dma_wait3A_934 = arith.constant 0 : i32
    %dma_wait3A_935 = tpu.memref_slice %arg20[%dma_wait3A_932, %dma_wait3A_933, %dma_wait3A_934] : memref<4x128x128xf32, #tpu.memory_space<vmem>> -> memref<1x128x128xf32, #tpu.memory_space<vmem>>
    %dma_wait3A_936 = tpu.memref_squeeze %dma_wait3A_935 : memref<1x128x128xf32, #tpu.memory_space<vmem>> -> memref<128x128xf32, #tpu.memory_space<vmem>>
    %dma_wait3A_937 = arith.constant 0 : i32
    %dma_wait3A_938 = tpu.memref_slice %arg8[%add3A_183, %dma_wait3A_937] : memref<131072x128xf32, #tpu.memory_space<hbm>> -> memref<128x128xf32, #tpu.memory_space<hbm>>
    %dma_wait3A_939 = arith.constant 0 : i32
    %dma_wait3A_940 = tpu.memref_slice %arg8[%add3A_183, %dma_wait3A_939] : memref<131072x128xf32, #tpu.memory_space<hbm>> -> memref<128x128xf32, #tpu.memory_space<hbm>>
    %dma_wait3A_941 = arith.constant 0 : i32
    %dma_wait3A_942 = arith.constant 0 : i32
    %dma_wait3A_943 = tpu.memref_slice %arg20[%dma_wait3A_932, %dma_wait3A_941, %dma_wait3A_942] : memref<4x128x128xf32, #tpu.memory_space<vmem>> -> memref<1x128x128xf32, #tpu.memory_space<vmem>>
    %dma_wait3A_944 = tpu.memref_squeeze %dma_wait3A_943 : memref<1x128x128xf32, #tpu.memory_space<vmem>> -> memref<128x128xf32, #tpu.memory_space<vmem>>
    tpu.wait_dma2 semaphore(%arg22 : memref<!tpu.dma_semaphore, #tpu.memory_space<semaphore_mem>>) src(%dma_wait3A_944 : memref<128x128xf32, #tpu.memory_space<vmem>>) dst(%dma_wait3A_940 : memref<128x128xf32, #tpu.memory_space<hbm>>)
    %dma_wait3A_945 = arith.constant 0 : i32
    %dma_wait3A_946 = arith.constant 0 : i32
    %dma_wait3A_947 = arith.constant 0 : i32
    %dma_wait3A_948 = tpu.memref_slice %arg20[%dma_wait3A_945, %dma_wait3A_946, %dma_wait3A_947] : memref<4x128x128xf32, #tpu.memory_space<vmem>> -> memref<1x128x128xf32, #tpu.memory_space<vmem>>
    %dma_wait3A_949 = tpu.memref_squeeze %dma_wait3A_948 : memref<1x128x128xf32, #tpu.memory_space<vmem>> -> memref<128x128xf32, #tpu.memory_space<vmem>>
    %dma_wait3A_950 = arith.constant 0 : i32
    %dma_wait3A_951 = tpu.memref_slice %arg8[%add3A_198, %dma_wait3A_950] : memref<131072x128xf32, #tpu.memory_space<hbm>> -> memref<128x128xf32, #tpu.memory_space<hbm>>
    %dma_wait3A_952 = arith.constant 0 : i32
    %dma_wait3A_953 = tpu.memref_slice %arg8[%add3A_198, %dma_wait3A_952] : memref<131072x128xf32, #tpu.memory_space<hbm>> -> memref<128x128xf32, #tpu.memory_space<hbm>>
    %dma_wait3A_954 = arith.constant 0 : i32
    %dma_wait3A_955 = arith.constant 0 : i32
    %dma_wait3A_956 = tpu.memref_slice %arg20[%dma_wait3A_945, %dma_wait3A_954, %dma_wait3A_955] : memref<4x128x128xf32, #tpu.memory_space<vmem>> -> memref<1x128x128xf32, #tpu.memory_space<vmem>>
    %dma_wait3A_957 = tpu.memref_squeeze %dma_wait3A_956 : memref<1x128x128xf32, #tpu.memory_space<vmem>> -> memref<128x128xf32, #tpu.memory_space<vmem>>
    tpu.wait_dma2 semaphore(%arg22 : memref<!tpu.dma_semaphore, #tpu.memory_space<semaphore_mem>>) src(%dma_wait3A_957 : memref<128x128xf32, #tpu.memory_space<vmem>>) dst(%dma_wait3A_953 : memref<128x128xf32, #tpu.memory_space<hbm>>)
    %dma_wait3A_958 = arith.constant 0 : i32
    %dma_wait3A_959 = arith.constant 0 : i32
    %dma_wait3A_960 = arith.constant 0 : i32
    %dma_wait3A_961 = tpu.memref_slice %arg20[%dma_wait3A_958, %dma_wait3A_959, %dma_wait3A_960] : memref<4x128x128xf32, #tpu.memory_space<vmem>> -> memref<1x128x128xf32, #tpu.memory_space<vmem>>
    %dma_wait3A_962 = tpu.memref_squeeze %dma_wait3A_961 : memref<1x128x128xf32, #tpu.memory_space<vmem>> -> memref<128x128xf32, #tpu.memory_space<vmem>>
    %dma_wait3A_963 = arith.constant 0 : i32
    %dma_wait3A_964 = tpu.memref_slice %arg8[%add3A_213, %dma_wait3A_963] : memref<131072x128xf32, #tpu.memory_space<hbm>> -> memref<128x128xf32, #tpu.memory_space<hbm>>
    %dma_wait3A_965 = arith.constant 0 : i32
    %dma_wait3A_966 = tpu.memref_slice %arg8[%add3A_213, %dma_wait3A_965] : memref<131072x128xf32, #tpu.memory_space<hbm>> -> memref<128x128xf32, #tpu.memory_space<hbm>>
    %dma_wait3A_967 = arith.constant 0 : i32
    %dma_wait3A_968 = arith.constant 0 : i32
    %dma_wait3A_969 = tpu.memref_slice %arg20[%dma_wait3A_958, %dma_wait3A_967, %dma_wait3A_968] : memref<4x128x128xf32, #tpu.memory_space<vmem>> -> memref<1x128x128xf32, #tpu.memory_space<vmem>>
    %dma_wait3A_970 = tpu.memref_squeeze %dma_wait3A_969 : memref<1x128x128xf32, #tpu.memory_space<vmem>> -> memref<128x128xf32, #tpu.memory_space<vmem>>
    tpu.wait_dma2 semaphore(%arg22 : memref<!tpu.dma_semaphore, #tpu.memory_space<semaphore_mem>>) src(%dma_wait3A_970 : memref<128x128xf32, #tpu.memory_space<vmem>>) dst(%dma_wait3A_966 : memref<128x128xf32, #tpu.memory_space<hbm>>)
    %dma_wait3A_971 = arith.constant 0 : i32
    %dma_wait3A_972 = arith.constant 0 : i32
    %dma_wait3A_973 = arith.constant 0 : i32
    %dma_wait3A_974 = tpu.memref_slice %arg20[%dma_wait3A_971, %dma_wait3A_972, %dma_wait3A_973] : memref<4x128x128xf32, #tpu.memory_space<vmem>> -> memref<1x128x128xf32, #tpu.memory_space<vmem>>
    %dma_wait3A_975 = tpu.memref_squeeze %dma_wait3A_974 : memref<1x128x128xf32, #tpu.memory_space<vmem>> -> memref<128x128xf32, #tpu.memory_space<vmem>>
    %dma_wait3A_976 = arith.constant 0 : i32
    %dma_wait3A_977 = tpu.memref_slice %arg8[%add3A_228, %dma_wait3A_976] : memref<131072x128xf32, #tpu.memory_space<hbm>> -> memref<128x128xf32, #tpu.memory_space<hbm>>
    %dma_wait3A_978 = arith.constant 0 : i32
    %dma_wait3A_979 = tpu.memref_slice %arg8[%add3A_228, %dma_wait3A_978] : memref<131072x128xf32, #tpu.memory_space<hbm>> -> memref<128x128xf32, #tpu.memory_space<hbm>>
    %dma_wait3A_980 = arith.constant 0 : i32
    %dma_wait3A_981 = arith.constant 0 : i32
    %dma_wait3A_982 = tpu.memref_slice %arg20[%dma_wait3A_971, %dma_wait3A_980, %dma_wait3A_981] : memref<4x128x128xf32, #tpu.memory_space<vmem>> -> memref<1x128x128xf32, #tpu.memory_space<vmem>>
    %dma_wait3A_983 = tpu.memref_squeeze %dma_wait3A_982 : memref<1x128x128xf32, #tpu.memory_space<vmem>> -> memref<128x128xf32, #tpu.memory_space<vmem>>
    tpu.wait_dma2 semaphore(%arg22 : memref<!tpu.dma_semaphore, #tpu.memory_space<semaphore_mem>>) src(%dma_wait3A_983 : memref<128x128xf32, #tpu.memory_space<vmem>>) dst(%dma_wait3A_979 : memref<128x128xf32, #tpu.memory_space<hbm>>)
    %dma_wait3A_984 = arith.constant 0 : i32
    %dma_wait3A_985 = arith.constant 0 : i32
    %dma_wait3A_986 = arith.constant 0 : i32
    %dma_wait3A_987 = tpu.memref_slice %arg20[%dma_wait3A_984, %dma_wait3A_985, %dma_wait3A_986] : memref<4x128x128xf32, #tpu.memory_space<vmem>> -> memref<1x128x128xf32, #tpu.memory_space<vmem>>
    %dma_wait3A_988 = tpu.memref_squeeze %dma_wait3A_987 : memref<1x128x128xf32, #tpu.memory_space<vmem>> -> memref<128x128xf32, #tpu.memory_space<vmem>>
    %dma_wait3A_989 = arith.constant 0 : i32
    %dma_wait3A_990 = tpu.memref_slice %arg8[%add3A_243, %dma_wait3A_989] : memref<131072x128xf32, #tpu.memory_space<hbm>> -> memref<128x128xf32, #tpu.memory_space<hbm>>
    %dma_wait3A_991 = arith.constant 0 : i32
    %dma_wait3A_992 = tpu.memref_slice %arg8[%add3A_243, %dma_wait3A_991] : memref<131072x128xf32, #tpu.memory_space<hbm>> -> memref<128x128xf32, #tpu.memory_space<hbm>>
    %dma_wait3A_993 = arith.constant 0 : i32
    %dma_wait3A_994 = arith.constant 0 : i32
    %dma_wait3A_995 = tpu.memref_slice %arg20[%dma_wait3A_984, %dma_wait3A_993, %dma_wait3A_994] : memref<4x128x128xf32, #tpu.memory_space<vmem>> -> memref<1x128x128xf32, #tpu.memory_space<vmem>>
    %dma_wait3A_996 = tpu.memref_squeeze %dma_wait3A_995 : memref<1x128x128xf32, #tpu.memory_space<vmem>> -> memref<128x128xf32, #tpu.memory_space<vmem>>
    tpu.wait_dma2 semaphore(%arg22 : memref<!tpu.dma_semaphore, #tpu.memory_space<semaphore_mem>>) src(%dma_wait3A_996 : memref<128x128xf32, #tpu.memory_space<vmem>>) dst(%dma_wait3A_992 : memref<128x128xf32, #tpu.memory_space<hbm>>)
    %dma_wait3A_997 = arith.constant 0 : i32
    %dma_wait3A_998 = arith.constant 0 : i32
    %dma_wait3A_999 = arith.constant 0 : i32
    %dma_wait3A_1000 = tpu.memref_slice %arg20[%dma_wait3A_997, %dma_wait3A_998, %dma_wait3A_999] : memref<4x128x128xf32, #tpu.memory_space<vmem>> -> memref<1x128x128xf32, #tpu.memory_space<vmem>>
    %dma_wait3A_1001 = tpu.memref_squeeze %dma_wait3A_1000 : memref<1x128x128xf32, #tpu.memory_space<vmem>> -> memref<128x128xf32, #tpu.memory_space<vmem>>
    %dma_wait3A_1002 = arith.constant 0 : i32
    %dma_wait3A_1003 = tpu.memref_slice %arg8[%add3A_258, %dma_wait3A_1002] : memref<131072x128xf32, #tpu.memory_space<hbm>> -> memref<128x128xf32, #tpu.memory_space<hbm>>
    %dma_wait3A_1004 = arith.constant 0 : i32
    %dma_wait3A_1005 = tpu.memref_slice %arg8[%add3A_258, %dma_wait3A_1004] : memref<131072x128xf32, #tpu.memory_space<hbm>> -> memref<128x128xf32, #tpu.memory_space<hbm>>
    %dma_wait3A_1006 = arith.constant 0 : i32
    %dma_wait3A_1007 = arith.constant 0 : i32
    %dma_wait3A_1008 = tpu.memref_slice %arg20[%dma_wait3A_997, %dma_wait3A_1006, %dma_wait3A_1007] : memref<4x128x128xf32, #tpu.memory_space<vmem>> -> memref<1x128x128xf32, #tpu.memory_space<vmem>>
    %dma_wait3A_1009 = tpu.memref_squeeze %dma_wait3A_1008 : memref<1x128x128xf32, #tpu.memory_space<vmem>> -> memref<128x128xf32, #tpu.memory_space<vmem>>
    tpu.wait_dma2 semaphore(%arg22 : memref<!tpu.dma_semaphore, #tpu.memory_space<semaphore_mem>>) src(%dma_wait3A_1009 : memref<128x128xf32, #tpu.memory_space<vmem>>) dst(%dma_wait3A_1005 : memref<128x128xf32, #tpu.memory_space<hbm>>)
    %dma_wait3A_1010 = arith.constant 0 : i32
    %dma_wait3A_1011 = arith.constant 0 : i32
    %dma_wait3A_1012 = arith.constant 0 : i32
    %dma_wait3A_1013 = tpu.memref_slice %arg20[%dma_wait3A_1010, %dma_wait3A_1011, %dma_wait3A_1012] : memref<4x128x128xf32, #tpu.memory_space<vmem>> -> memref<1x128x128xf32, #tpu.memory_space<vmem>>
    %dma_wait3A_1014 = tpu.memref_squeeze %dma_wait3A_1013 : memref<1x128x128xf32, #tpu.memory_space<vmem>> -> memref<128x128xf32, #tpu.memory_space<vmem>>
    %dma_wait3A_1015 = arith.constant 0 : i32
    %dma_wait3A_1016 = tpu.memref_slice %arg8[%add3A_273, %dma_wait3A_1015] : memref<131072x128xf32, #tpu.memory_space<hbm>> -> memref<128x128xf32, #tpu.memory_space<hbm>>
    %dma_wait3A_1017 = arith.constant 0 : i32
    %dma_wait3A_1018 = tpu.memref_slice %arg8[%add3A_273, %dma_wait3A_1017] : memref<131072x128xf32, #tpu.memory_space<hbm>> -> memref<128x128xf32, #tpu.memory_space<hbm>>
    %dma_wait3A_1019 = arith.constant 0 : i32
    %dma_wait3A_1020 = arith.constant 0 : i32
    %dma_wait3A_1021 = tpu.memref_slice %arg20[%dma_wait3A_1010, %dma_wait3A_1019, %dma_wait3A_1020] : memref<4x128x128xf32, #tpu.memory_space<vmem>> -> memref<1x128x128xf32, #tpu.memory_space<vmem>>
    %dma_wait3A_1022 = tpu.memref_squeeze %dma_wait3A_1021 : memref<1x128x128xf32, #tpu.memory_space<vmem>> -> memref<128x128xf32, #tpu.memory_space<vmem>>
    tpu.wait_dma2 semaphore(%arg22 : memref<!tpu.dma_semaphore, #tpu.memory_space<semaphore_mem>>) src(%dma_wait3A_1022 : memref<128x128xf32, #tpu.memory_space<vmem>>) dst(%dma_wait3A_1018 : memref<128x128xf32, #tpu.memory_space<hbm>>)
    %dma_wait3A_1023 = arith.constant 0 : i32
    %dma_wait3A_1024 = arith.constant 0 : i32
    %dma_wait3A_1025 = arith.constant 0 : i32
    %dma_wait3A_1026 = tpu.memref_slice %arg20[%dma_wait3A_1023, %dma_wait3A_1024, %dma_wait3A_1025] : memref<4x128x128xf32, #tpu.memory_space<vmem>> -> memref<1x128x128xf32, #tpu.memory_space<vmem>>
    %dma_wait3A_1027 = tpu.memref_squeeze %dma_wait3A_1026 : memref<1x128x128xf32, #tpu.memory_space<vmem>> -> memref<128x128xf32, #tpu.memory_space<vmem>>
    %dma_wait3A_1028 = arith.constant 0 : i32
    %dma_wait3A_1029 = tpu.memref_slice %arg8[%add3A_288, %dma_wait3A_1028] : memref<131072x128xf32, #tpu.memory_space<hbm>> -> memref<128x128xf32, #tpu.memory_space<hbm>>
    %dma_wait3A_1030 = arith.constant 0 : i32
    %dma_wait3A_1031 = tpu.memref_slice %arg8[%add3A_288, %dma_wait3A_1030] : memref<131072x128xf32, #tpu.memory_space<hbm>> -> memref<128x128xf32, #tpu.memory_space<hbm>>
    %dma_wait3A_1032 = arith.constant 0 : i32
    %dma_wait3A_1033 = arith.constant 0 : i32
    %dma_wait3A_1034 = tpu.memref_slice %arg20[%dma_wait3A_1023, %dma_wait3A_1032, %dma_wait3A_1033] : memref<4x128x128xf32, #tpu.memory_space<vmem>> -> memref<1x128x128xf32, #tpu.memory_space<vmem>>
    %dma_wait3A_1035 = tpu.memref_squeeze %dma_wait3A_1034 : memref<1x128x128xf32, #tpu.memory_space<vmem>> -> memref<128x128xf32, #tpu.memory_space<vmem>>
    tpu.wait_dma2 semaphore(%arg22 : memref<!tpu.dma_semaphore, #tpu.memory_space<semaphore_mem>>) src(%dma_wait3A_1035 : memref<128x128xf32, #tpu.memory_space<vmem>>) dst(%dma_wait3A_1031 : memref<128x128xf32, #tpu.memory_space<hbm>>)
    %dma_wait3A_1036 = arith.constant 0 : i32
    %dma_wait3A_1037 = arith.constant 0 : i32
    %dma_wait3A_1038 = arith.constant 0 : i32
    %dma_wait3A_1039 = tpu.memref_slice %arg20[%dma_wait3A_1036, %dma_wait3A_1037, %dma_wait3A_1038] : memref<4x128x128xf32, #tpu.memory_space<vmem>> -> memref<1x128x128xf32, #tpu.memory_space<vmem>>
    %dma_wait3A_1040 = tpu.memref_squeeze %dma_wait3A_1039 : memref<1x128x128xf32, #tpu.memory_space<vmem>> -> memref<128x128xf32, #tpu.memory_space<vmem>>
    %dma_wait3A_1041 = arith.constant 0 : i32
    %dma_wait3A_1042 = tpu.memref_slice %arg8[%add3A_303, %dma_wait3A_1041] : memref<131072x128xf32, #tpu.memory_space<hbm>> -> memref<128x128xf32, #tpu.memory_space<hbm>>
    %dma_wait3A_1043 = arith.constant 0 : i32
    %dma_wait3A_1044 = tpu.memref_slice %arg8[%add3A_303, %dma_wait3A_1043] : memref<131072x128xf32, #tpu.memory_space<hbm>> -> memref<128x128xf32, #tpu.memory_space<hbm>>
    %dma_wait3A_1045 = arith.constant 0 : i32
    %dma_wait3A_1046 = arith.constant 0 : i32
    %dma_wait3A_1047 = tpu.memref_slice %arg20[%dma_wait3A_1036, %dma_wait3A_1045, %dma_wait3A_1046] : memref<4x128x128xf32, #tpu.memory_space<vmem>> -> memref<1x128x128xf32, #tpu.memory_space<vmem>>
    %dma_wait3A_1048 = tpu.memref_squeeze %dma_wait3A_1047 : memref<1x128x128xf32, #tpu.memory_space<vmem>> -> memref<128x128xf32, #tpu.memory_space<vmem>>
    tpu.wait_dma2 semaphore(%arg22 : memref<!tpu.dma_semaphore, #tpu.memory_space<semaphore_mem>>) src(%dma_wait3A_1048 : memref<128x128xf32, #tpu.memory_space<vmem>>) dst(%dma_wait3A_1044 : memref<128x128xf32, #tpu.memory_space<hbm>>)
    %dma_wait3A_1049 = arith.constant 0 : i32
    %dma_wait3A_1050 = arith.constant 0 : i32
    %dma_wait3A_1051 = arith.constant 0 : i32
    %dma_wait3A_1052 = tpu.memref_slice %arg20[%dma_wait3A_1049, %dma_wait3A_1050, %dma_wait3A_1051] : memref<4x128x128xf32, #tpu.memory_space<vmem>> -> memref<1x128x128xf32, #tpu.memory_space<vmem>>
    %dma_wait3A_1053 = tpu.memref_squeeze %dma_wait3A_1052 : memref<1x128x128xf32, #tpu.memory_space<vmem>> -> memref<128x128xf32, #tpu.memory_space<vmem>>
    %dma_wait3A_1054 = arith.constant 0 : i32
    %dma_wait3A_1055 = tpu.memref_slice %arg8[%add3A_318, %dma_wait3A_1054] : memref<131072x128xf32, #tpu.memory_space<hbm>> -> memref<128x128xf32, #tpu.memory_space<hbm>>
    %dma_wait3A_1056 = arith.constant 0 : i32
    %dma_wait3A_1057 = tpu.memref_slice %arg8[%add3A_318, %dma_wait3A_1056] : memref<131072x128xf32, #tpu.memory_space<hbm>> -> memref<128x128xf32, #tpu.memory_space<hbm>>
    %dma_wait3A_1058 = arith.constant 0 : i32
    %dma_wait3A_1059 = arith.constant 0 : i32
    %dma_wait3A_1060 = tpu.memref_slice %arg20[%dma_wait3A_1049, %dma_wait3A_1058, %dma_wait3A_1059] : memref<4x128x128xf32, #tpu.memory_space<vmem>> -> memref<1x128x128xf32, #tpu.memory_space<vmem>>
    %dma_wait3A_1061 = tpu.memref_squeeze %dma_wait3A_1060 : memref<1x128x128xf32, #tpu.memory_space<vmem>> -> memref<128x128xf32, #tpu.memory_space<vmem>>
    tpu.wait_dma2 semaphore(%arg22 : memref<!tpu.dma_semaphore, #tpu.memory_space<semaphore_mem>>) src(%dma_wait3A_1061 : memref<128x128xf32, #tpu.memory_space<vmem>>) dst(%dma_wait3A_1057 : memref<128x128xf32, #tpu.memory_space<hbm>>)
    %dma_wait3A_1062 = arith.constant 0 : i32
    %dma_wait3A_1063 = arith.constant 0 : i32
    %dma_wait3A_1064 = arith.constant 0 : i32
    %dma_wait3A_1065 = tpu.memref_slice %arg20[%dma_wait3A_1062, %dma_wait3A_1063, %dma_wait3A_1064] : memref<4x128x128xf32, #tpu.memory_space<vmem>> -> memref<1x128x128xf32, #tpu.memory_space<vmem>>
    %dma_wait3A_1066 = tpu.memref_squeeze %dma_wait3A_1065 : memref<1x128x128xf32, #tpu.memory_space<vmem>> -> memref<128x128xf32, #tpu.memory_space<vmem>>
    %dma_wait3A_1067 = arith.constant 0 : i32
    %dma_wait3A_1068 = tpu.memref_slice %arg8[%add3A_333, %dma_wait3A_1067] : memref<131072x128xf32, #tpu.memory_space<hbm>> -> memref<128x128xf32, #tpu.memory_space<hbm>>
    %dma_wait3A_1069 = arith.constant 0 : i32
    %dma_wait3A_1070 = tpu.memref_slice %arg8[%add3A_333, %dma_wait3A_1069] : memref<131072x128xf32, #tpu.memory_space<hbm>> -> memref<128x128xf32, #tpu.memory_space<hbm>>
    %dma_wait3A_1071 = arith.constant 0 : i32
    %dma_wait3A_1072 = arith.constant 0 : i32
    %dma_wait3A_1073 = tpu.memref_slice %arg20[%dma_wait3A_1062, %dma_wait3A_1071, %dma_wait3A_1072] : memref<4x128x128xf32, #tpu.memory_space<vmem>> -> memref<1x128x128xf32, #tpu.memory_space<vmem>>
    %dma_wait3A_1074 = tpu.memref_squeeze %dma_wait3A_1073 : memref<1x128x128xf32, #tpu.memory_space<vmem>> -> memref<128x128xf32, #tpu.memory_space<vmem>>
    tpu.wait_dma2 semaphore(%arg22 : memref<!tpu.dma_semaphore, #tpu.memory_space<semaphore_mem>>) src(%dma_wait3A_1074 : memref<128x128xf32, #tpu.memory_space<vmem>>) dst(%dma_wait3A_1070 : memref<128x128xf32, #tpu.memory_space<hbm>>)
    %dma_wait3A_1075 = arith.constant 0 : i32
    %dma_wait3A_1076 = arith.constant 0 : i32
    %dma_wait3A_1077 = arith.constant 0 : i32
    %dma_wait3A_1078 = tpu.memref_slice %arg20[%dma_wait3A_1075, %dma_wait3A_1076, %dma_wait3A_1077] : memref<4x128x128xf32, #tpu.memory_space<vmem>> -> memref<1x128x128xf32, #tpu.memory_space<vmem>>
    %dma_wait3A_1079 = tpu.memref_squeeze %dma_wait3A_1078 : memref<1x128x128xf32, #tpu.memory_space<vmem>> -> memref<128x128xf32, #tpu.memory_space<vmem>>
    %dma_wait3A_1080 = arith.constant 0 : i32
    %dma_wait3A_1081 = tpu.memref_slice %arg8[%add3A_348, %dma_wait3A_1080] : memref<131072x128xf32, #tpu.memory_space<hbm>> -> memref<128x128xf32, #tpu.memory_space<hbm>>
    %dma_wait3A_1082 = arith.constant 0 : i32
    %dma_wait3A_1083 = tpu.memref_slice %arg8[%add3A_348, %dma_wait3A_1082] : memref<131072x128xf32, #tpu.memory_space<hbm>> -> memref<128x128xf32, #tpu.memory_space<hbm>>
    %dma_wait3A_1084 = arith.constant 0 : i32
    %dma_wait3A_1085 = arith.constant 0 : i32
    %dma_wait3A_1086 = tpu.memref_slice %arg20[%dma_wait3A_1075, %dma_wait3A_1084, %dma_wait3A_1085] : memref<4x128x128xf32, #tpu.memory_space<vmem>> -> memref<1x128x128xf32, #tpu.memory_space<vmem>>
    %dma_wait3A_1087 = tpu.memref_squeeze %dma_wait3A_1086 : memref<1x128x128xf32, #tpu.memory_space<vmem>> -> memref<128x128xf32, #tpu.memory_space<vmem>>
    tpu.wait_dma2 semaphore(%arg22 : memref<!tpu.dma_semaphore, #tpu.memory_space<semaphore_mem>>) src(%dma_wait3A_1087 : memref<128x128xf32, #tpu.memory_space<vmem>>) dst(%dma_wait3A_1083 : memref<128x128xf32, #tpu.memory_space<hbm>>)
    %dma_wait3A_1088 = arith.constant 0 : i32
    %dma_wait3A_1089 = arith.constant 0 : i32
    %dma_wait3A_1090 = arith.constant 0 : i32
    %dma_wait3A_1091 = tpu.memref_slice %arg20[%dma_wait3A_1088, %dma_wait3A_1089, %dma_wait3A_1090] : memref<4x128x128xf32, #tpu.memory_space<vmem>> -> memref<1x128x128xf32, #tpu.memory_space<vmem>>
    %dma_wait3A_1092 = tpu.memref_squeeze %dma_wait3A_1091 : memref<1x128x128xf32, #tpu.memory_space<vmem>> -> memref<128x128xf32, #tpu.memory_space<vmem>>
    %dma_wait3A_1093 = arith.constant 0 : i32
    %dma_wait3A_1094 = tpu.memref_slice %arg8[%add3A_363, %dma_wait3A_1093] : memref<131072x128xf32, #tpu.memory_space<hbm>> -> memref<128x128xf32, #tpu.memory_space<hbm>>
    %dma_wait3A_1095 = arith.constant 0 : i32
    %dma_wait3A_1096 = tpu.memref_slice %arg8[%add3A_363, %dma_wait3A_1095] : memref<131072x128xf32, #tpu.memory_space<hbm>> -> memref<128x128xf32, #tpu.memory_space<hbm>>
    %dma_wait3A_1097 = arith.constant 0 : i32
    %dma_wait3A_1098 = arith.constant 0 : i32
    %dma_wait3A_1099 = tpu.memref_slice %arg20[%dma_wait3A_1088, %dma_wait3A_1097, %dma_wait3A_1098] : memref<4x128x128xf32, #tpu.memory_space<vmem>> -> memref<1x128x128xf32, #tpu.memory_space<vmem>>
    %dma_wait3A_1100 = tpu.memref_squeeze %dma_wait3A_1099 : memref<1x128x128xf32, #tpu.memory_space<vmem>> -> memref<128x128xf32, #tpu.memory_space<vmem>>
    tpu.wait_dma2 semaphore(%arg22 : memref<!tpu.dma_semaphore, #tpu.memory_space<semaphore_mem>>) src(%dma_wait3A_1100 : memref<128x128xf32, #tpu.memory_space<vmem>>) dst(%dma_wait3A_1096 : memref<128x128xf32, #tpu.memory_space<hbm>>)
    %dma_wait3A_1101 = arith.constant 0 : i32
    %dma_wait3A_1102 = arith.constant 0 : i32
    %dma_wait3A_1103 = arith.constant 0 : i32
    %dma_wait3A_1104 = tpu.memref_slice %arg20[%dma_wait3A_1101, %dma_wait3A_1102, %dma_wait3A_1103] : memref<4x128x128xf32, #tpu.memory_space<vmem>> -> memref<1x128x128xf32, #tpu.memory_space<vmem>>
    %dma_wait3A_1105 = tpu.memref_squeeze %dma_wait3A_1104 : memref<1x128x128xf32, #tpu.memory_space<vmem>> -> memref<128x128xf32, #tpu.memory_space<vmem>>
    %dma_wait3A_1106 = arith.constant 0 : i32
    %dma_wait3A_1107 = tpu.memref_slice %arg8[%add3A_378, %dma_wait3A_1106] : memref<131072x128xf32, #tpu.memory_space<hbm>> -> memref<128x128xf32, #tpu.memory_space<hbm>>
    %dma_wait3A_1108 = arith.constant 0 : i32
    %dma_wait3A_1109 = tpu.memref_slice %arg8[%add3A_378, %dma_wait3A_1108] : memref<131072x128xf32, #tpu.memory_space<hbm>> -> memref<128x128xf32, #tpu.memory_space<hbm>>
    %dma_wait3A_1110 = arith.constant 0 : i32
    %dma_wait3A_1111 = arith.constant 0 : i32
    %dma_wait3A_1112 = tpu.memref_slice %arg20[%dma_wait3A_1101, %dma_wait3A_1110, %dma_wait3A_1111] : memref<4x128x128xf32, #tpu.memory_space<vmem>> -> memref<1x128x128xf32, #tpu.memory_space<vmem>>
    %dma_wait3A_1113 = tpu.memref_squeeze %dma_wait3A_1112 : memref<1x128x128xf32, #tpu.memory_space<vmem>> -> memref<128x128xf32, #tpu.memory_space<vmem>>
    tpu.wait_dma2 semaphore(%arg22 : memref<!tpu.dma_semaphore, #tpu.memory_space<semaphore_mem>>) src(%dma_wait3A_1113 : memref<128x128xf32, #tpu.memory_space<vmem>>) dst(%dma_wait3A_1109 : memref<128x128xf32, #tpu.memory_space<hbm>>)
    %dma_wait3A_1114 = arith.constant 0 : i32
    %dma_wait3A_1115 = arith.constant 0 : i32
    %dma_wait3A_1116 = arith.constant 0 : i32
    %dma_wait3A_1117 = tpu.memref_slice %arg20[%dma_wait3A_1114, %dma_wait3A_1115, %dma_wait3A_1116] : memref<4x128x128xf32, #tpu.memory_space<vmem>> -> memref<1x128x128xf32, #tpu.memory_space<vmem>>
    %dma_wait3A_1118 = tpu.memref_squeeze %dma_wait3A_1117 : memref<1x128x128xf32, #tpu.memory_space<vmem>> -> memref<128x128xf32, #tpu.memory_space<vmem>>
    %dma_wait3A_1119 = arith.constant 0 : i32
    %dma_wait3A_1120 = tpu.memref_slice %arg8[%add3A_393, %dma_wait3A_1119] : memref<131072x128xf32, #tpu.memory_space<hbm>> -> memref<128x128xf32, #tpu.memory_space<hbm>>
    %dma_wait3A_1121 = arith.constant 0 : i32
    %dma_wait3A_1122 = tpu.memref_slice %arg8[%add3A_393, %dma_wait3A_1121] : memref<131072x128xf32, #tpu.memory_space<hbm>> -> memref<128x128xf32, #tpu.memory_space<hbm>>
    %dma_wait3A_1123 = arith.constant 0 : i32
    %dma_wait3A_1124 = arith.constant 0 : i32
    %dma_wait3A_1125 = tpu.memref_slice %arg20[%dma_wait3A_1114, %dma_wait3A_1123, %dma_wait3A_1124] : memref<4x128x128xf32, #tpu.memory_space<vmem>> -> memref<1x128x128xf32, #tpu.memory_space<vmem>>
    %dma_wait3A_1126 = tpu.memref_squeeze %dma_wait3A_1125 : memref<1x128x128xf32, #tpu.memory_space<vmem>> -> memref<128x128xf32, #tpu.memory_space<vmem>>
    tpu.wait_dma2 semaphore(%arg22 : memref<!tpu.dma_semaphore, #tpu.memory_space<semaphore_mem>>) src(%dma_wait3A_1126 : memref<128x128xf32, #tpu.memory_space<vmem>>) dst(%dma_wait3A_1122 : memref<128x128xf32, #tpu.memory_space<hbm>>)
    %dma_wait3A_1127 = arith.constant 0 : i32
    %dma_wait3A_1128 = arith.constant 0 : i32
    %dma_wait3A_1129 = arith.constant 0 : i32
    %dma_wait3A_1130 = tpu.memref_slice %arg20[%dma_wait3A_1127, %dma_wait3A_1128, %dma_wait3A_1129] : memref<4x128x128xf32, #tpu.memory_space<vmem>> -> memref<1x128x128xf32, #tpu.memory_space<vmem>>
    %dma_wait3A_1131 = tpu.memref_squeeze %dma_wait3A_1130 : memref<1x128x128xf32, #tpu.memory_space<vmem>> -> memref<128x128xf32, #tpu.memory_space<vmem>>
    %dma_wait3A_1132 = arith.constant 0 : i32
    %dma_wait3A_1133 = tpu.memref_slice %arg8[%add3A_408, %dma_wait3A_1132] : memref<131072x128xf32, #tpu.memory_space<hbm>> -> memref<128x128xf32, #tpu.memory_space<hbm>>
    %dma_wait3A_1134 = arith.constant 0 : i32
    %dma_wait3A_1135 = tpu.memref_slice %arg8[%add3A_408, %dma_wait3A_1134] : memref<131072x128xf32, #tpu.memory_space<hbm>> -> memref<128x128xf32, #tpu.memory_space<hbm>>
    %dma_wait3A_1136 = arith.constant 0 : i32
    %dma_wait3A_1137 = arith.constant 0 : i32
    %dma_wait3A_1138 = tpu.memref_slice %arg20[%dma_wait3A_1127, %dma_wait3A_1136, %dma_wait3A_1137] : memref<4x128x128xf32, #tpu.memory_space<vmem>> -> memref<1x128x128xf32, #tpu.memory_space<vmem>>
    %dma_wait3A_1139 = tpu.memref_squeeze %dma_wait3A_1138 : memref<1x128x128xf32, #tpu.memory_space<vmem>> -> memref<128x128xf32, #tpu.memory_space<vmem>>
    tpu.wait_dma2 semaphore(%arg22 : memref<!tpu.dma_semaphore, #tpu.memory_space<semaphore_mem>>) src(%dma_wait3A_1139 : memref<128x128xf32, #tpu.memory_space<vmem>>) dst(%dma_wait3A_1135 : memref<128x128xf32, #tpu.memory_space<hbm>>)
    %dma_wait3A_1140 = arith.constant 0 : i32
    %dma_wait3A_1141 = arith.constant 0 : i32
    %dma_wait3A_1142 = arith.constant 0 : i32
    %dma_wait3A_1143 = tpu.memref_slice %arg20[%dma_wait3A_1140, %dma_wait3A_1141, %dma_wait3A_1142] : memref<4x128x128xf32, #tpu.memory_space<vmem>> -> memref<1x128x128xf32, #tpu.memory_space<vmem>>
    %dma_wait3A_1144 = tpu.memref_squeeze %dma_wait3A_1143 : memref<1x128x128xf32, #tpu.memory_space<vmem>> -> memref<128x128xf32, #tpu.memory_space<vmem>>
    %dma_wait3A_1145 = arith.constant 0 : i32
    %dma_wait3A_1146 = tpu.memref_slice %arg8[%add3A_423, %dma_wait3A_1145] : memref<131072x128xf32, #tpu.memory_space<hbm>> -> memref<128x128xf32, #tpu.memory_space<hbm>>
    %dma_wait3A_1147 = arith.constant 0 : i32
    %dma_wait3A_1148 = tpu.memref_slice %arg8[%add3A_423, %dma_wait3A_1147] : memref<131072x128xf32, #tpu.memory_space<hbm>> -> memref<128x128xf32, #tpu.memory_space<hbm>>
    %dma_wait3A_1149 = arith.constant 0 : i32
    %dma_wait3A_1150 = arith.constant 0 : i32
    %dma_wait3A_1151 = tpu.memref_slice %arg20[%dma_wait3A_1140, %dma_wait3A_1149, %dma_wait3A_1150] : memref<4x128x128xf32, #tpu.memory_space<vmem>> -> memref<1x128x128xf32, #tpu.memory_space<vmem>>
    %dma_wait3A_1152 = tpu.memref_squeeze %dma_wait3A_1151 : memref<1x128x128xf32, #tpu.memory_space<vmem>> -> memref<128x128xf32, #tpu.memory_space<vmem>>
    tpu.wait_dma2 semaphore(%arg22 : memref<!tpu.dma_semaphore, #tpu.memory_space<semaphore_mem>>) src(%dma_wait3A_1152 : memref<128x128xf32, #tpu.memory_space<vmem>>) dst(%dma_wait3A_1148 : memref<128x128xf32, #tpu.memory_space<hbm>>)
    %dma_wait3A_1153 = arith.constant 0 : i32
    %dma_wait3A_1154 = arith.constant 0 : i32
    %dma_wait3A_1155 = arith.constant 0 : i32
    %dma_wait3A_1156 = tpu.memref_slice %arg20[%dma_wait3A_1153, %dma_wait3A_1154, %dma_wait3A_1155] : memref<4x128x128xf32, #tpu.memory_space<vmem>> -> memref<1x128x128xf32, #tpu.memory_space<vmem>>
    %dma_wait3A_1157 = tpu.memref_squeeze %dma_wait3A_1156 : memref<1x128x128xf32, #tpu.memory_space<vmem>> -> memref<128x128xf32, #tpu.memory_space<vmem>>
    %dma_wait3A_1158 = arith.constant 0 : i32
    %dma_wait3A_1159 = tpu.memref_slice %arg8[%add3A_438, %dma_wait3A_1158] : memref<131072x128xf32, #tpu.memory_space<hbm>> -> memref<128x128xf32, #tpu.memory_space<hbm>>
    %dma_wait3A_1160 = arith.constant 0 : i32
    %dma_wait3A_1161 = tpu.memref_slice %arg8[%add3A_438, %dma_wait3A_1160] : memref<131072x128xf32, #tpu.memory_space<hbm>> -> memref<128x128xf32, #tpu.memory_space<hbm>>
    %dma_wait3A_1162 = arith.constant 0 : i32
    %dma_wait3A_1163 = arith.constant 0 : i32
    %dma_wait3A_1164 = tpu.memref_slice %arg20[%dma_wait3A_1153, %dma_wait3A_1162, %dma_wait3A_1163] : memref<4x128x128xf32, #tpu.memory_space<vmem>> -> memref<1x128x128xf32, #tpu.memory_space<vmem>>
    %dma_wait3A_1165 = tpu.memref_squeeze %dma_wait3A_1164 : memref<1x128x128xf32, #tpu.memory_space<vmem>> -> memref<128x128xf32, #tpu.memory_space<vmem>>
    tpu.wait_dma2 semaphore(%arg22 : memref<!tpu.dma_semaphore, #tpu.memory_space<semaphore_mem>>) src(%dma_wait3A_1165 : memref<128x128xf32, #tpu.memory_space<vmem>>) dst(%dma_wait3A_1161 : memref<128x128xf32, #tpu.memory_space<hbm>>)
    %dma_wait3A_1166 = arith.constant 0 : i32
    %dma_wait3A_1167 = arith.constant 0 : i32
    %dma_wait3A_1168 = arith.constant 0 : i32
    %dma_wait3A_1169 = tpu.memref_slice %arg20[%dma_wait3A_1166, %dma_wait3A_1167, %dma_wait3A_1168] : memref<4x128x128xf32, #tpu.memory_space<vmem>> -> memref<1x128x128xf32, #tpu.memory_space<vmem>>
    %dma_wait3A_1170 = tpu.memref_squeeze %dma_wait3A_1169 : memref<1x128x128xf32, #tpu.memory_space<vmem>> -> memref<128x128xf32, #tpu.memory_space<vmem>>
    %dma_wait3A_1171 = arith.constant 0 : i32
    %dma_wait3A_1172 = tpu.memref_slice %arg8[%add3A_453, %dma_wait3A_1171] : memref<131072x128xf32, #tpu.memory_space<hbm>> -> memref<128x128xf32, #tpu.memory_space<hbm>>
    %dma_wait3A_1173 = arith.constant 0 : i32
    %dma_wait3A_1174 = tpu.memref_slice %arg8[%add3A_453, %dma_wait3A_1173] : memref<131072x128xf32, #tpu.memory_space<hbm>> -> memref<128x128xf32, #tpu.memory_space<hbm>>
    %dma_wait3A_1175 = arith.constant 0 : i32
    %dma_wait3A_1176 = arith.constant 0 : i32
    %dma_wait3A_1177 = tpu.memref_slice %arg20[%dma_wait3A_1166, %dma_wait3A_1175, %dma_wait3A_1176] : memref<4x128x128xf32, #tpu.memory_space<vmem>> -> memref<1x128x128xf32, #tpu.memory_space<vmem>>
    %dma_wait3A_1178 = tpu.memref_squeeze %dma_wait3A_1177 : memref<1x128x128xf32, #tpu.memory_space<vmem>> -> memref<128x128xf32, #tpu.memory_space<vmem>>
    tpu.wait_dma2 semaphore(%arg22 : memref<!tpu.dma_semaphore, #tpu.memory_space<semaphore_mem>>) src(%dma_wait3A_1178 : memref<128x128xf32, #tpu.memory_space<vmem>>) dst(%dma_wait3A_1174 : memref<128x128xf32, #tpu.memory_space<hbm>>)
    %dma_wait3A_1179 = arith.constant 0 : i32
    %dma_wait3A_1180 = arith.constant 0 : i32
    %dma_wait3A_1181 = arith.constant 0 : i32
    %dma_wait3A_1182 = tpu.memref_slice %arg20[%dma_wait3A_1179, %dma_wait3A_1180, %dma_wait3A_1181] : memref<4x128x128xf32, #tpu.memory_space<vmem>> -> memref<1x128x128xf32, #tpu.memory_space<vmem>>
    %dma_wait3A_1183 = tpu.memref_squeeze %dma_wait3A_1182 : memref<1x128x128xf32, #tpu.memory_space<vmem>> -> memref<128x128xf32, #tpu.memory_space<vmem>>
    %dma_wait3A_1184 = arith.constant 0 : i32
    %dma_wait3A_1185 = tpu.memref_slice %arg8[%add3A_468, %dma_wait3A_1184] : memref<131072x128xf32, #tpu.memory_space<hbm>> -> memref<128x128xf32, #tpu.memory_space<hbm>>
    %dma_wait3A_1186 = arith.constant 0 : i32
    %dma_wait3A_1187 = tpu.memref_slice %arg8[%add3A_468, %dma_wait3A_1186] : memref<131072x128xf32, #tpu.memory_space<hbm>> -> memref<128x128xf32, #tpu.memory_space<hbm>>
    %dma_wait3A_1188 = arith.constant 0 : i32
    %dma_wait3A_1189 = arith.constant 0 : i32
    %dma_wait3A_1190 = tpu.memref_slice %arg20[%dma_wait3A_1179, %dma_wait3A_1188, %dma_wait3A_1189] : memref<4x128x128xf32, #tpu.memory_space<vmem>> -> memref<1x128x128xf32, #tpu.memory_space<vmem>>
    %dma_wait3A_1191 = tpu.memref_squeeze %dma_wait3A_1190 : memref<1x128x128xf32, #tpu.memory_space<vmem>> -> memref<128x128xf32, #tpu.memory_space<vmem>>
    tpu.wait_dma2 semaphore(%arg22 : memref<!tpu.dma_semaphore, #tpu.memory_space<semaphore_mem>>) src(%dma_wait3A_1191 : memref<128x128xf32, #tpu.memory_space<vmem>>) dst(%dma_wait3A_1187 : memref<128x128xf32, #tpu.memory_space<hbm>>)
    "tpu.trace_stop"() : () -> ()
    "tpu.trace_start"() <{level = 10 : i32, message = "flush_s"}> : () -> ()
    %add3A_1192 = arith.constant 512 : i32
    %add3A_1193 = arith.addi %scan3A_774#0, %add3A_1192 : i32
    %sub3A = arith.constant 1 : i32
    %sub3A_1194 = arith.subi %add3A_1193, %sub3A : i32
    %jit3A = arith.constant 512 : i32
    %div3A = arith.divsi %sub3A_1194, %jit3A : i32
    %sign3A = arith.constant 0 : i32
    %sign3A_1195 = arith.cmpi sgt, %sub3A_1194, %sign3A : i32
    %sign3A_1196 = arith.extui %sign3A_1195 : i1 to i32
    %sign3A_1197 = arith.constant 0 : i32
    %sign3A_1198 = arith.cmpi slt, %sub3A_1194, %sign3A_1197 : i32
    %sign3A_1199 = arith.extui %sign3A_1198 : i1 to i32
    %sign3A_1200 = arith.subi %sign3A_1196, %sign3A_1199 : i32
    %sign3A_1201 = arith.constant 0 : i32
    %sign3A_1202 = arith.cmpi sgt, %jit3A, %sign3A_1201 : i32
    %sign3A_1203 = arith.extui %sign3A_1202 : i1 to i32
    %sign3A_1204 = arith.constant 0 : i32
    %sign3A_1205 = arith.cmpi slt, %jit3A, %sign3A_1204 : i32
    %sign3A_1206 = arith.extui %sign3A_1205 : i1 to i32
    %sign3A_1207 = arith.subi %sign3A_1203, %sign3A_1206 : i32
    %ne3A = arith.cmpi ne, %sign3A_1200, %sign3A_1207 : i32
    %rem3A = arith.remsi %sub3A_1194, %jit3A : i32
    %ne3A_1208 = arith.constant 0 : i32
    %ne3A_1209 = arith.cmpi ne, %rem3A, %ne3A_1208 : i32
    %and3A = arith.andi %ne3A, %ne3A_1209 : i1
    %sub3A_1210 = arith.constant 1 : i32
    %sub3A_1211 = arith.subi %div3A, %sub3A_1210 : i32
    %select_n3A = arith.select %and3A, %sub3A_1211, %div3A : i32
    %mul3A_1212 = arith.constant 512 : i32
    %mul3A_1213 = arith.muli %select_n3A, %mul3A_1212 : i32
    %shift_right_logical3A = arith.constant 4 : i32
    %shift_right_logical3A_1214 = arith.shrui %scan3A_774#0, %shift_right_logical3A : i32
    %add3A_1215 = arith.constant 15 : i32
    %add3A_1216 = arith.addi %mul3A_1213, %add3A_1215 : i32
    %shift_right_logical3A_1217 = arith.constant 4 : i32
    %shift_right_logical3A_1218 = arith.shrui %add3A_1216, %shift_right_logical3A_1217 : i32
    %while3A = arith.constant 0 : i32
    %while3A_1219 = arith.subi %shift_right_logical3A_1218, %shift_right_logical3A_1214 : i32
    %while3A_1220 = arith.addi %shift_right_logical3A_1214, %while3A_1219 : i32
    %while3A_1221 = arith.constant 1 : i32
    %while3A_1222 = arith.divsi %while3A_1219, %while3A_1221 : i32
    %while3A_1223 = arith.muli %while3A_1222, %while3A_1221 : i32
    %while3A_1224 = arith.addi %shift_right_logical3A_1214, %while3A_1223 : i32
    %while3A_1225 = arith.constant 1 : i32
    %while3A_1226 = scf.for %while3A_1350 = %shift_right_logical3A_1214 to %while3A_1224 step %while3A_1225 iter_args(%while3A_1351 = %while3A) -> (i32)  : i32 {
      %mul3A_1352 = arith.constant 16 : i32
      %mul3A_1353 = arith.muli %while3A_1350, %mul3A_1352 : i32
      %add3A_1354 = vector.broadcast %mul3A_1353 : i32 to vector<16xi32>
      %add3A_1355 = arith.addi %add3A_1354, %iota3A : vector<16xi32>
      %ge3A = vector.broadcast %scan3A_774#0 : i32 to vector<16xi32>
      %ge3A_1356 = arith.cmpi sge, %add3A_1355, %ge3A : vector<16xi32>
      %lt3A = vector.broadcast %mul3A_1213 : i32 to vector<16xi32>
      %lt3A_1357 = arith.cmpi slt, %add3A_1355, %lt3A : vector<16xi32>
      %and3A_1358 = arith.andi %ge3A_1356, %lt3A_1357 : vector<16xi1>
      %broadcast_in_dim3A = vector.broadcast %scan3A_774#2 : i32 to vector<16xi32>
      %shift_right_logical3A_1359 = arith.constant 7 : i32
      %shift_right_logical3A_1360 = vector.broadcast %shift_right_logical3A_1359 : i32 to vector<16xi32>
      %shift_right_logical3A_1361 = arith.shrui %add3A_1355, %shift_right_logical3A_1360 : vector<16xi32>
      %and3A_1362 = arith.constant 127 : i32
      %and3A_1363 = vector.broadcast %and3A_1362 : i32 to vector<16xi32>
      %and3A_1364 = arith.andi %add3A_1355, %and3A_1363 : vector<16xi32>
      tpu.vector_store_idx %arg15[%shift_right_logical3A_1361, %and3A_1364], %broadcast_in_dim3A masked %and3A_1358 : memref<34x128xi32, #tpu.memory_space<vmem>>[vector<16xi32>, vector<16xi32>], vector<16xi32>, vector<16xi1>
      %broadcast_in_dim3A_1365 = vector.broadcast %scan3A_774#1 : i32 to vector<16xi32>
      %shift_right_logical3A_1366 = arith.constant 7 : i32
      %shift_right_logical3A_1367 = vector.broadcast %shift_right_logical3A_1366 : i32 to vector<16xi32>
      %shift_right_logical3A_1368 = arith.shrui %add3A_1355, %shift_right_logical3A_1367 : vector<16xi32>
      %and3A_1369 = arith.constant 127 : i32
      %and3A_1370 = vector.broadcast %and3A_1369 : i32 to vector<16xi32>
      %and3A_1371 = arith.andi %add3A_1355, %and3A_1370 : vector<16xi32>
      tpu.vector_store_idx %arg16[%shift_right_logical3A_1368, %and3A_1371], %broadcast_in_dim3A_1365 masked %and3A_1358 : memref<34x128xi32, #tpu.memory_space<vmem>>[vector<16xi32>, vector<16xi32>], vector<16xi32>, vector<16xi1>
      %while3A_1372 = arith.constant 0 : i32
      scf.yield %while3A_1372 : i32
    }
    %while3A_1227 = arith.constant 1 : i32
    %while3A_1228 = scf.for %while3A_1350 = %while3A_1224 to %while3A_1220 step %while3A_1227 iter_args(%while3A_1351 = %while3A_1226) -> (i32)  : i32 {
      %mul3A_1352 = arith.constant 16 : i32
      %mul3A_1353 = arith.muli %while3A_1350, %mul3A_1352 : i32
      %add3A_1354 = vector.broadcast %mul3A_1353 : i32 to vector<16xi32>
      %add3A_1355 = arith.addi %add3A_1354, %iota3A : vector<16xi32>
      %ge3A = vector.broadcast %scan3A_774#0 : i32 to vector<16xi32>
      %ge3A_1356 = arith.cmpi sge, %add3A_1355, %ge3A : vector<16xi32>
      %lt3A = vector.broadcast %mul3A_1213 : i32 to vector<16xi32>
      %lt3A_1357 = arith.cmpi slt, %add3A_1355, %lt3A : vector<16xi32>
      %and3A_1358 = arith.andi %ge3A_1356, %lt3A_1357 : vector<16xi1>
      %broadcast_in_dim3A = vector.broadcast %scan3A_774#2 : i32 to vector<16xi32>
      %shift_right_logical3A_1359 = arith.constant 7 : i32
      %shift_right_logical3A_1360 = vector.broadcast %shift_right_logical3A_1359 : i32 to vector<16xi32>
      %shift_right_logical3A_1361 = arith.shrui %add3A_1355, %shift_right_logical3A_1360 : vector<16xi32>
      %and3A_1362 = arith.constant 127 : i32
      %and3A_1363 = vector.broadcast %and3A_1362 : i32 to vector<16xi32>
      %and3A_1364 = arith.andi %add3A_1355, %and3A_1363 : vector<16xi32>
      tpu.vector_store_idx %arg15[%shift_right_logical3A_1361, %and3A_1364], %broadcast_in_dim3A masked %and3A_1358 : memref<34x128xi32, #tpu.memory_space<vmem>>[vector<16xi32>, vector<16xi32>], vector<16xi32>, vector<16xi1>
      %broadcast_in_dim3A_1365 = vector.broadcast %scan3A_774#1 : i32 to vector<16xi32>
      %shift_right_logical3A_1366 = arith.constant 7 : i32
      %shift_right_logical3A_1367 = vector.broadcast %shift_right_logical3A_1366 : i32 to vector<16xi32>
      %shift_right_logical3A_1368 = arith.shrui %add3A_1355, %shift_right_logical3A_1367 : vector<16xi32>
      %and3A_1369 = arith.constant 127 : i32
      %and3A_1370 = vector.broadcast %and3A_1369 : i32 to vector<16xi32>
      %and3A_1371 = arith.andi %add3A_1355, %and3A_1370 : vector<16xi32>
      tpu.vector_store_idx %arg16[%shift_right_logical3A_1368, %and3A_1371], %broadcast_in_dim3A_1365 masked %and3A_1358 : memref<34x128xi32, #tpu.memory_space<vmem>>[vector<16xi32>, vector<16xi32>], vector<16xi32>, vector<16xi1>
      %while3A_1372 = arith.constant 0 : i32
      scf.yield %while3A_1372 : i32
    }
    %jit3A_1229 = arith.constant 512 : i32
    %div3A_1230 = arith.divsi %mul3A_1213, %jit3A_1229 : i32
    %sign3A_1231 = arith.constant 0 : i32
    %sign3A_1232 = arith.cmpi sgt, %mul3A_1213, %sign3A_1231 : i32
    %sign3A_1233 = arith.extui %sign3A_1232 : i1 to i32
    %sign3A_1234 = arith.constant 0 : i32
    %sign3A_1235 = arith.cmpi slt, %mul3A_1213, %sign3A_1234 : i32
    %sign3A_1236 = arith.extui %sign3A_1235 : i1 to i32
    %sign3A_1237 = arith.subi %sign3A_1233, %sign3A_1236 : i32
    %sign3A_1238 = arith.constant 0 : i32
    %sign3A_1239 = arith.cmpi sgt, %jit3A_1229, %sign3A_1238 : i32
    %sign3A_1240 = arith.extui %sign3A_1239 : i1 to i32
    %sign3A_1241 = arith.constant 0 : i32
    %sign3A_1242 = arith.cmpi slt, %jit3A_1229, %sign3A_1241 : i32
    %sign3A_1243 = arith.extui %sign3A_1242 : i1 to i32
    %sign3A_1244 = arith.subi %sign3A_1240, %sign3A_1243 : i32
    %ne3A_1245 = arith.cmpi ne, %sign3A_1237, %sign3A_1244 : i32
    %rem3A_1246 = arith.remsi %mul3A_1213, %jit3A_1229 : i32
    %ne3A_1247 = arith.constant 0 : i32
    %ne3A_1248 = arith.cmpi ne, %rem3A_1246, %ne3A_1247 : i32
    %and3A_1249 = arith.andi %ne3A_1245, %ne3A_1248 : i1
    %sub3A_1250 = arith.constant 1 : i32
    %sub3A_1251 = arith.subi %div3A_1230, %sub3A_1250 : i32
    %select_n3A_1252 = arith.select %and3A_1249, %sub3A_1251, %div3A_1230 : i32
    %while3A_1253 = arith.constant 0 : i32
    %while3A_1254 = arith.constant 0 : i32
    %while3A_1255 = arith.subi %select_n3A_1252, %while3A_1253 : i32
    %while3A_1256 = arith.addi %while3A_1253, %while3A_1255 : i32
    %while3A_1257 = arith.constant 1 : i32
    %while3A_1258 = arith.divsi %while3A_1255, %while3A_1257 : i32
    %while3A_1259 = arith.muli %while3A_1258, %while3A_1257 : i32
    %while3A_1260 = arith.addi %while3A_1253, %while3A_1259 : i32
    %while3A_1261 = arith.constant 1 : i32
    %while3A_1262 = scf.for %while3A_1350 = %while3A_1253 to %while3A_1260 step %while3A_1261 iter_args(%while3A_1351 = %while3A_1254) -> (i32)  : i32 {
      %gt3A_1352 = arith.constant 0 : i32
      %gt3A_1353 = arith.cmpi sgt, %while3A_1350, %gt3A_1352 : i32
      %convert_element_type3A_1354 = arith.extui %gt3A_1353 : i1 to i32
      %cond3A_1355 = arith.constant 0 : i32
      %cond3A_1356 = arith.cmpi ne, %convert_element_type3A_1354, %cond3A_1355 : i32
      scf.if %cond3A_1356 {
        %dma_wait3A_1541 = arith.constant 0 : i32
        %dma_wait3A_1542 = arith.constant 0 : i32
        %dma_wait3A_1543 = arith.constant 0 : i32
        %dma_wait3A_1544 = arith.constant 0 : i32
        %dma_wait3A_1545 = tpu.memref_slice %arg20[%dma_wait3A_1541, %dma_wait3A_1543, %dma_wait3A_1544] : memref<4x128x128xf32, #tpu.memory_space<vmem>> -> memref<1x128x128xf32, #tpu.memory_space<vmem>>
        %dma_wait3A_1546 = tpu.memref_squeeze %dma_wait3A_1545 : memref<1x128x128xf32, #tpu.memory_space<vmem>> -> memref<128x128xf32, #tpu.memory_space<vmem>>
        %dma_wait3A_1547 = arith.constant 0 : i32
        %dma_wait3A_1548 = tpu.memref_slice %arg16[%dma_wait3A_1542, %dma_wait3A_1547] : memref<34x128xi32, #tpu.memory_space<vmem>> -> memref<1x128xi32, #tpu.memory_space<vmem>>
        %dma_wait3A_1549 = tpu.memref_squeeze %dma_wait3A_1548 : memref<1x128xi32, #tpu.memory_space<vmem>> -> memref<128xi32, #tpu.memory_space<vmem>>
        %dma_wait3A_1550 = arith.constant 0 : i32
        %dma_wait3A_1551 = arith.constant 0 : i32
        %dma_wait3A_1552 = tpu.memref_slice %arg8[%dma_wait3A_1550, %dma_wait3A_1551] : memref<131072x128xf32, #tpu.memory_space<hbm>> -> memref<131072x128xf32, #tpu.memory_space<hbm>>
        tpu.wait_indirect_dma semaphore(%arg27 : memref<!tpu.dma_semaphore, #tpu.memory_space<semaphore_mem>>) src(%dma_wait3A_1546 : memref<128x128xf32, #tpu.memory_space<vmem>>) dst(%dma_wait3A_1552 : memref<131072x128xf32, #tpu.memory_space<hbm>>)
      } else {
      }
      %mul3A_1357 = arith.constant 4 : i32
      %mul3A_1358 = arith.muli %mul3A_1357, %while3A_1350 : i32
      %add3A_1359 = arith.constant 0 : i32
      %add3A_1360 = arith.addi %mul3A_1358, %add3A_1359 : i32
      %dma_start3A_1361 = arith.constant 0 : i32
      %dma_start3A_1362 = arith.constant 0 : i32
      %dma_start3A_1363 = arith.constant 0 : i32
      %dma_start3A_1364 = tpu.memref_slice %arg20[%dma_start3A_1361, %dma_start3A_1362, %dma_start3A_1363] : memref<4x128x128xf32, #tpu.memory_space<vmem>> -> memref<1x128x128xf32, #tpu.memory_space<vmem>>
      %dma_start3A_1365 = tpu.memref_squeeze %dma_start3A_1364 : memref<1x128x128xf32, #tpu.memory_space<vmem>> -> memref<128x128xf32, #tpu.memory_space<vmem>>
      %dma_start3A_1366 = arith.constant 0 : i32
      %dma_start3A_1367 = tpu.memref_slice %arg15[%add3A_1360, %dma_start3A_1366] : memref<34x128xi32, #tpu.memory_space<vmem>> -> memref<1x128xi32, #tpu.memory_space<vmem>>
      %dma_start3A_1368 = tpu.memref_squeeze %dma_start3A_1367 : memref<1x128xi32, #tpu.memory_space<vmem>> -> memref<128xi32, #tpu.memory_space<vmem>>
      %dma_start3A_1369 = arith.constant 0 : i32
      %dma_start3A_1370 = arith.constant 0 : i32
      %dma_start3A_1371 = tpu.memref_slice %arg2[%dma_start3A_1369, %dma_start3A_1370] : memref<6147x128xf32, #tpu.memory_space<hbm>> -> memref<6147x128xf32, #tpu.memory_space<hbm>>
      tpu.enqueue_indirect_dma source(%dma_start3A_1371 : memref<6147x128xf32, #tpu.memory_space<hbm>>) target(%dma_start3A_1365 : memref<128x128xf32, #tpu.memory_space<vmem>>) offsets(%dma_start3A_1368 : memref<128xi32, #tpu.memory_space<vmem>>) semaphore(%arg23 : memref<!tpu.dma_semaphore, #tpu.memory_space<semaphore_mem>>)
      %gt3A_1372 = arith.constant 0 : i32
      %gt3A_1373 = arith.cmpi sgt, %while3A_1350, %gt3A_1372 : i32
      %convert_element_type3A_1374 = arith.extui %gt3A_1373 : i1 to i32
      %cond3A_1375 = arith.constant 0 : i32
      %cond3A_1376 = arith.cmpi ne, %convert_element_type3A_1374, %cond3A_1375 : i32
      scf.if %cond3A_1376 {
        %dma_wait3A_1541 = arith.constant 1 : i32
        %dma_wait3A_1542 = arith.constant 0 : i32
        %dma_wait3A_1543 = arith.constant 0 : i32
        %dma_wait3A_1544 = arith.constant 0 : i32
        %dma_wait3A_1545 = tpu.memref_slice %arg20[%dma_wait3A_1541, %dma_wait3A_1543, %dma_wait3A_1544] : memref<4x128x128xf32, #tpu.memory_space<vmem>> -> memref<1x128x128xf32, #tpu.memory_space<vmem>>
        %dma_wait3A_1546 = tpu.memref_squeeze %dma_wait3A_1545 : memref<1x128x128xf32, #tpu.memory_space<vmem>> -> memref<128x128xf32, #tpu.memory_space<vmem>>
        %dma_wait3A_1547 = arith.constant 0 : i32
        %dma_wait3A_1548 = tpu.memref_slice %arg16[%dma_wait3A_1542, %dma_wait3A_1547] : memref<34x128xi32, #tpu.memory_space<vmem>> -> memref<1x128xi32, #tpu.memory_space<vmem>>
        %dma_wait3A_1549 = tpu.memref_squeeze %dma_wait3A_1548 : memref<1x128xi32, #tpu.memory_space<vmem>> -> memref<128xi32, #tpu.memory_space<vmem>>
        %dma_wait3A_1550 = arith.constant 0 : i32
        %dma_wait3A_1551 = arith.constant 0 : i32
        %dma_wait3A_1552 = tpu.memref_slice %arg8[%dma_wait3A_1550, %dma_wait3A_1551] : memref<131072x128xf32, #tpu.memory_space<hbm>> -> memref<131072x128xf32, #tpu.memory_space<hbm>>
        tpu.wait_indirect_dma semaphore(%arg28 : memref<!tpu.dma_semaphore, #tpu.memory_space<semaphore_mem>>) src(%dma_wait3A_1546 : memref<128x128xf32, #tpu.memory_space<vmem>>) dst(%dma_wait3A_1552 : memref<131072x128xf32, #tpu.memory_space<hbm>>)
      } else {
      }
      %mul3A_1377 = arith.constant 4 : i32
      %mul3A_1378 = arith.muli %mul3A_1377, %while3A_1350 : i32
      %add3A_1379 = arith.constant 1 : i32
      %add3A_1380 = arith.addi %mul3A_1378, %add3A_1379 : i32
      %dma_start3A_1381 = arith.constant 1 : i32
      %dma_start3A_1382 = arith.constant 0 : i32
      %dma_start3A_1383 = arith.constant 0 : i32
      %dma_start3A_1384 = tpu.memref_slice %arg20[%dma_start3A_1381, %dma_start3A_1382, %dma_start3A_1383] : memref<4x128x128xf32, #tpu.memory_space<vmem>> -> memref<1x128x128xf32, #tpu.memory_space<vmem>>
      %dma_start3A_1385 = tpu.memref_squeeze %dma_start3A_1384 : memref<1x128x128xf32, #tpu.memory_space<vmem>> -> memref<128x128xf32, #tpu.memory_space<vmem>>
      %dma_start3A_1386 = arith.constant 0 : i32
      %dma_start3A_1387 = tpu.memref_slice %arg15[%add3A_1380, %dma_start3A_1386] : memref<34x128xi32, #tpu.memory_space<vmem>> -> memref<1x128xi32, #tpu.memory_space<vmem>>
      %dma_start3A_1388 = tpu.memref_squeeze %dma_start3A_1387 : memref<1x128xi32, #tpu.memory_space<vmem>> -> memref<128xi32, #tpu.memory_space<vmem>>
      %dma_start3A_1389 = arith.constant 0 : i32
      %dma_start3A_1390 = arith.constant 0 : i32
      %dma_start3A_1391 = tpu.memref_slice %arg2[%dma_start3A_1389, %dma_start3A_1390] : memref<6147x128xf32, #tpu.memory_space<hbm>> -> memref<6147x128xf32, #tpu.memory_space<hbm>>
      tpu.enqueue_indirect_dma source(%dma_start3A_1391 : memref<6147x128xf32, #tpu.memory_space<hbm>>) target(%dma_start3A_1385 : memref<128x128xf32, #tpu.memory_space<vmem>>) offsets(%dma_start3A_1388 : memref<128xi32, #tpu.memory_space<vmem>>) semaphore(%arg24 : memref<!tpu.dma_semaphore, #tpu.memory_space<semaphore_mem>>)
      %gt3A_1392 = arith.constant 0 : i32
      %gt3A_1393 = arith.cmpi sgt, %while3A_1350, %gt3A_1392 : i32
      %convert_element_type3A_1394 = arith.extui %gt3A_1393 : i1 to i32
      %cond3A_1395 = arith.constant 0 : i32
      %cond3A_1396 = arith.cmpi ne, %convert_element_type3A_1394, %cond3A_1395 : i32
      scf.if %cond3A_1396 {
        %dma_wait3A_1541 = arith.constant 2 : i32
        %dma_wait3A_1542 = arith.constant 0 : i32
        %dma_wait3A_1543 = arith.constant 0 : i32
        %dma_wait3A_1544 = arith.constant 0 : i32
        %dma_wait3A_1545 = tpu.memref_slice %arg20[%dma_wait3A_1541, %dma_wait3A_1543, %dma_wait3A_1544] : memref<4x128x128xf32, #tpu.memory_space<vmem>> -> memref<1x128x128xf32, #tpu.memory_space<vmem>>
        %dma_wait3A_1546 = tpu.memref_squeeze %dma_wait3A_1545 : memref<1x128x128xf32, #tpu.memory_space<vmem>> -> memref<128x128xf32, #tpu.memory_space<vmem>>
        %dma_wait3A_1547 = arith.constant 0 : i32
        %dma_wait3A_1548 = tpu.memref_slice %arg16[%dma_wait3A_1542, %dma_wait3A_1547] : memref<34x128xi32, #tpu.memory_space<vmem>> -> memref<1x128xi32, #tpu.memory_space<vmem>>
        %dma_wait3A_1549 = tpu.memref_squeeze %dma_wait3A_1548 : memref<1x128xi32, #tpu.memory_space<vmem>> -> memref<128xi32, #tpu.memory_space<vmem>>
        %dma_wait3A_1550 = arith.constant 0 : i32
        %dma_wait3A_1551 = arith.constant 0 : i32
        %dma_wait3A_1552 = tpu.memref_slice %arg8[%dma_wait3A_1550, %dma_wait3A_1551] : memref<131072x128xf32, #tpu.memory_space<hbm>> -> memref<131072x128xf32, #tpu.memory_space<hbm>>
        tpu.wait_indirect_dma semaphore(%arg29 : memref<!tpu.dma_semaphore, #tpu.memory_space<semaphore_mem>>) src(%dma_wait3A_1546 : memref<128x128xf32, #tpu.memory_space<vmem>>) dst(%dma_wait3A_1552 : memref<131072x128xf32, #tpu.memory_space<hbm>>)
      } else {
      }
      %mul3A_1397 = arith.constant 4 : i32
      %mul3A_1398 = arith.muli %mul3A_1397, %while3A_1350 : i32
      %add3A_1399 = arith.constant 2 : i32
      %add3A_1400 = arith.addi %mul3A_1398, %add3A_1399 : i32
      %dma_start3A_1401 = arith.constant 2 : i32
      %dma_start3A_1402 = arith.constant 0 : i32
      %dma_start3A_1403 = arith.constant 0 : i32
      %dma_start3A_1404 = tpu.memref_slice %arg20[%dma_start3A_1401, %dma_start3A_1402, %dma_start3A_1403] : memref<4x128x128xf32, #tpu.memory_space<vmem>> -> memref<1x128x128xf32, #tpu.memory_space<vmem>>
      %dma_start3A_1405 = tpu.memref_squeeze %dma_start3A_1404 : memref<1x128x128xf32, #tpu.memory_space<vmem>> -> memref<128x128xf32, #tpu.memory_space<vmem>>
      %dma_start3A_1406 = arith.constant 0 : i32
      %dma_start3A_1407 = tpu.memref_slice %arg15[%add3A_1400, %dma_start3A_1406] : memref<34x128xi32, #tpu.memory_space<vmem>> -> memref<1x128xi32, #tpu.memory_space<vmem>>
      %dma_start3A_1408 = tpu.memref_squeeze %dma_start3A_1407 : memref<1x128xi32, #tpu.memory_space<vmem>> -> memref<128xi32, #tpu.memory_space<vmem>>
      %dma_start3A_1409 = arith.constant 0 : i32
      %dma_start3A_1410 = arith.constant 0 : i32
      %dma_start3A_1411 = tpu.memref_slice %arg2[%dma_start3A_1409, %dma_start3A_1410] : memref<6147x128xf32, #tpu.memory_space<hbm>> -> memref<6147x128xf32, #tpu.memory_space<hbm>>
      tpu.enqueue_indirect_dma source(%dma_start3A_1411 : memref<6147x128xf32, #tpu.memory_space<hbm>>) target(%dma_start3A_1405 : memref<128x128xf32, #tpu.memory_space<vmem>>) offsets(%dma_start3A_1408 : memref<128xi32, #tpu.memory_space<vmem>>) semaphore(%arg25 : memref<!tpu.dma_semaphore, #tpu.memory_space<semaphore_mem>>)
      %gt3A_1412 = arith.constant 0 : i32
      %gt3A_1413 = arith.cmpi sgt, %while3A_1350, %gt3A_1412 : i32
      %convert_element_type3A_1414 = arith.extui %gt3A_1413 : i1 to i32
      %cond3A_1415 = arith.constant 0 : i32
      %cond3A_1416 = arith.cmpi ne, %convert_element_type3A_1414, %cond3A_1415 : i32
      scf.if %cond3A_1416 {
        %dma_wait3A_1541 = arith.constant 3 : i32
        %dma_wait3A_1542 = arith.constant 0 : i32
        %dma_wait3A_1543 = arith.constant 0 : i32
        %dma_wait3A_1544 = arith.constant 0 : i32
        %dma_wait3A_1545 = tpu.memref_slice %arg20[%dma_wait3A_1541, %dma_wait3A_1543, %dma_wait3A_1544] : memref<4x128x128xf32, #tpu.memory_space<vmem>> -> memref<1x128x128xf32, #tpu.memory_space<vmem>>
        %dma_wait3A_1546 = tpu.memref_squeeze %dma_wait3A_1545 : memref<1x128x128xf32, #tpu.memory_space<vmem>> -> memref<128x128xf32, #tpu.memory_space<vmem>>
        %dma_wait3A_1547 = arith.constant 0 : i32
        %dma_wait3A_1548 = tpu.memref_slice %arg16[%dma_wait3A_1542, %dma_wait3A_1547] : memref<34x128xi32, #tpu.memory_space<vmem>> -> memref<1x128xi32, #tpu.memory_space<vmem>>
        %dma_wait3A_1549 = tpu.memref_squeeze %dma_wait3A_1548 : memref<1x128xi32, #tpu.memory_space<vmem>> -> memref<128xi32, #tpu.memory_space<vmem>>
        %dma_wait3A_1550 = arith.constant 0 : i32
        %dma_wait3A_1551 = arith.constant 0 : i32
        %dma_wait3A_1552 = tpu.memref_slice %arg8[%dma_wait3A_1550, %dma_wait3A_1551] : memref<131072x128xf32, #tpu.memory_space<hbm>> -> memref<131072x128xf32, #tpu.memory_space<hbm>>
        tpu.wait_indirect_dma semaphore(%arg30 : memref<!tpu.dma_semaphore, #tpu.memory_space<semaphore_mem>>) src(%dma_wait3A_1546 : memref<128x128xf32, #tpu.memory_space<vmem>>) dst(%dma_wait3A_1552 : memref<131072x128xf32, #tpu.memory_space<hbm>>)
      } else {
      }
      %mul3A_1417 = arith.constant 4 : i32
      %mul3A_1418 = arith.muli %mul3A_1417, %while3A_1350 : i32
      %add3A_1419 = arith.constant 3 : i32
      %add3A_1420 = arith.addi %mul3A_1418, %add3A_1419 : i32
      %dma_start3A_1421 = arith.constant 3 : i32
      %dma_start3A_1422 = arith.constant 0 : i32
      %dma_start3A_1423 = arith.constant 0 : i32
      %dma_start3A_1424 = tpu.memref_slice %arg20[%dma_start3A_1421, %dma_start3A_1422, %dma_start3A_1423] : memref<4x128x128xf32, #tpu.memory_space<vmem>> -> memref<1x128x128xf32, #tpu.memory_space<vmem>>
      %dma_start3A_1425 = tpu.memref_squeeze %dma_start3A_1424 : memref<1x128x128xf32, #tpu.memory_space<vmem>> -> memref<128x128xf32, #tpu.memory_space<vmem>>
      %dma_start3A_1426 = arith.constant 0 : i32
      %dma_start3A_1427 = tpu.memref_slice %arg15[%add3A_1420, %dma_start3A_1426] : memref<34x128xi32, #tpu.memory_space<vmem>> -> memref<1x128xi32, #tpu.memory_space<vmem>>
      %dma_start3A_1428 = tpu.memref_squeeze %dma_start3A_1427 : memref<1x128xi32, #tpu.memory_space<vmem>> -> memref<128xi32, #tpu.memory_space<vmem>>
      %dma_start3A_1429 = arith.constant 0 : i32
      %dma_start3A_1430 = arith.constant 0 : i32
      %dma_start3A_1431 = tpu.memref_slice %arg2[%dma_start3A_1429, %dma_start3A_1430] : memref<6147x128xf32, #tpu.memory_space<hbm>> -> memref<6147x128xf32, #tpu.memory_space<hbm>>
      tpu.enqueue_indirect_dma source(%dma_start3A_1431 : memref<6147x128xf32, #tpu.memory_space<hbm>>) target(%dma_start3A_1425 : memref<128x128xf32, #tpu.memory_space<vmem>>) offsets(%dma_start3A_1428 : memref<128xi32, #tpu.memory_space<vmem>>) semaphore(%arg26 : memref<!tpu.dma_semaphore, #tpu.memory_space<semaphore_mem>>)
      %dma_wait3A_1432 = arith.constant 0 : i32
      %dma_wait3A_1433 = arith.constant 0 : i32
      %dma_wait3A_1434 = arith.constant 0 : i32
      %dma_wait3A_1435 = arith.constant 0 : i32
      %dma_wait3A_1436 = tpu.memref_slice %arg20[%dma_wait3A_1433, %dma_wait3A_1434, %dma_wait3A_1435] : memref<4x128x128xf32, #tpu.memory_space<vmem>> -> memref<1x128x128xf32, #tpu.memory_space<vmem>>
      %dma_wait3A_1437 = tpu.memref_squeeze %dma_wait3A_1436 : memref<1x128x128xf32, #tpu.memory_space<vmem>> -> memref<128x128xf32, #tpu.memory_space<vmem>>
      %dma_wait3A_1438 = arith.constant 0 : i32
      %dma_wait3A_1439 = tpu.memref_slice %arg15[%dma_wait3A_1432, %dma_wait3A_1438] : memref<34x128xi32, #tpu.memory_space<vmem>> -> memref<1x128xi32, #tpu.memory_space<vmem>>
      %dma_wait3A_1440 = tpu.memref_squeeze %dma_wait3A_1439 : memref<1x128xi32, #tpu.memory_space<vmem>> -> memref<128xi32, #tpu.memory_space<vmem>>
      %dma_wait3A_1441 = arith.constant 0 : i32
      %dma_wait3A_1442 = arith.constant 0 : i32
      %dma_wait3A_1443 = tpu.memref_slice %arg2[%dma_wait3A_1441, %dma_wait3A_1442] : memref<6147x128xf32, #tpu.memory_space<hbm>> -> memref<6147x128xf32, #tpu.memory_space<hbm>>
      tpu.wait_indirect_dma semaphore(%arg23 : memref<!tpu.dma_semaphore, #tpu.memory_space<semaphore_mem>>) src(%dma_wait3A_1443 : memref<6147x128xf32, #tpu.memory_space<hbm>>) dst(%dma_wait3A_1437 : memref<128x128xf32, #tpu.memory_space<vmem>>)
      %mul3A_1444 = arith.constant 4 : i32
      %mul3A_1445 = arith.muli %mul3A_1444, %while3A_1350 : i32
      %add3A_1446 = arith.constant 0 : i32
      %add3A_1447 = arith.addi %mul3A_1445, %add3A_1446 : i32
      %dma_start3A_1448 = arith.constant 0 : i32
      %dma_start3A_1449 = arith.constant 0 : i32
      %dma_start3A_1450 = arith.constant 0 : i32
      %dma_start3A_1451 = tpu.memref_slice %arg20[%dma_start3A_1448, %dma_start3A_1449, %dma_start3A_1450] : memref<4x128x128xf32, #tpu.memory_space<vmem>> -> memref<1x128x128xf32, #tpu.memory_space<vmem>>
      %dma_start3A_1452 = tpu.memref_squeeze %dma_start3A_1451 : memref<1x128x128xf32, #tpu.memory_space<vmem>> -> memref<128x128xf32, #tpu.memory_space<vmem>>
      %dma_start3A_1453 = arith.constant 0 : i32
      %dma_start3A_1454 = tpu.memref_slice %arg16[%add3A_1447, %dma_start3A_1453] : memref<34x128xi32, #tpu.memory_space<vmem>> -> memref<1x128xi32, #tpu.memory_space<vmem>>
      %dma_start3A_1455 = tpu.memref_squeeze %dma_start3A_1454 : memref<1x128xi32, #tpu.memory_space<vmem>> -> memref<128xi32, #tpu.memory_space<vmem>>
      %dma_start3A_1456 = arith.constant 0 : i32
      %dma_start3A_1457 = arith.constant 0 : i32
      %dma_start3A_1458 = tpu.memref_slice %arg8[%dma_start3A_1456, %dma_start3A_1457] : memref<131072x128xf32, #tpu.memory_space<hbm>> -> memref<131072x128xf32, #tpu.memory_space<hbm>>
      tpu.enqueue_indirect_dma source(%dma_start3A_1452 : memref<128x128xf32, #tpu.memory_space<vmem>>) target(%dma_start3A_1458 : memref<131072x128xf32, #tpu.memory_space<hbm>>) offsets(%dma_start3A_1455 : memref<128xi32, #tpu.memory_space<vmem>>) semaphore(%arg27 : memref<!tpu.dma_semaphore, #tpu.memory_space<semaphore_mem>>)
      %dma_wait3A_1459 = arith.constant 0 : i32
      %dma_wait3A_1460 = arith.constant 1 : i32
      %dma_wait3A_1461 = arith.constant 0 : i32
      %dma_wait3A_1462 = arith.constant 0 : i32
      %dma_wait3A_1463 = tpu.memref_slice %arg20[%dma_wait3A_1460, %dma_wait3A_1461, %dma_wait3A_1462] : memref<4x128x128xf32, #tpu.memory_space<vmem>> -> memref<1x128x128xf32, #tpu.memory_space<vmem>>
      %dma_wait3A_1464 = tpu.memref_squeeze %dma_wait3A_1463 : memref<1x128x128xf32, #tpu.memory_space<vmem>> -> memref<128x128xf32, #tpu.memory_space<vmem>>
      %dma_wait3A_1465 = arith.constant 0 : i32
      %dma_wait3A_1466 = tpu.memref_slice %arg15[%dma_wait3A_1459, %dma_wait3A_1465] : memref<34x128xi32, #tpu.memory_space<vmem>> -> memref<1x128xi32, #tpu.memory_space<vmem>>
      %dma_wait3A_1467 = tpu.memref_squeeze %dma_wait3A_1466 : memref<1x128xi32, #tpu.memory_space<vmem>> -> memref<128xi32, #tpu.memory_space<vmem>>
      %dma_wait3A_1468 = arith.constant 0 : i32
      %dma_wait3A_1469 = arith.constant 0 : i32
      %dma_wait3A_1470 = tpu.memref_slice %arg2[%dma_wait3A_1468, %dma_wait3A_1469] : memref<6147x128xf32, #tpu.memory_space<hbm>> -> memref<6147x128xf32, #tpu.memory_space<hbm>>
      tpu.wait_indirect_dma semaphore(%arg24 : memref<!tpu.dma_semaphore, #tpu.memory_space<semaphore_mem>>) src(%dma_wait3A_1470 : memref<6147x128xf32, #tpu.memory_space<hbm>>) dst(%dma_wait3A_1464 : memref<128x128xf32, #tpu.memory_space<vmem>>)
      %mul3A_1471 = arith.constant 4 : i32
      %mul3A_1472 = arith.muli %mul3A_1471, %while3A_1350 : i32
      %add3A_1473 = arith.constant 1 : i32
      %add3A_1474 = arith.addi %mul3A_1472, %add3A_1473 : i32
      %dma_start3A_1475 = arith.constant 1 : i32
      %dma_start3A_1476 = arith.constant 0 : i32
      %dma_start3A_1477 = arith.constant 0 : i32
      %dma_start3A_1478 = tpu.memref_slice %arg20[%dma_start3A_1475, %dma_start3A_1476, %dma_start3A_1477] : memref<4x128x128xf32, #tpu.memory_space<vmem>> -> memref<1x128x128xf32, #tpu.memory_space<vmem>>
      %dma_start3A_1479 = tpu.memref_squeeze %dma_start3A_1478 : memref<1x128x128xf32, #tpu.memory_space<vmem>> -> memref<128x128xf32, #tpu.memory_space<vmem>>
      %dma_start3A_1480 = arith.constant 0 : i32
      %dma_start3A_1481 = tpu.memref_slice %arg16[%add3A_1474, %dma_start3A_1480] : memref<34x128xi32, #tpu.memory_space<vmem>> -> memref<1x128xi32, #tpu.memory_space<vmem>>
      %dma_start3A_1482 = tpu.memref_squeeze %dma_start3A_1481 : memref<1x128xi32, #tpu.memory_space<vmem>> -> memref<128xi32, #tpu.memory_space<vmem>>
      %dma_start3A_1483 = arith.constant 0 : i32
      %dma_start3A_1484 = arith.constant 0 : i32
      %dma_start3A_1485 = tpu.memref_slice %arg8[%dma_start3A_1483, %dma_start3A_1484] : memref<131072x128xf32, #tpu.memory_space<hbm>> -> memref<131072x128xf32, #tpu.memory_space<hbm>>
      tpu.enqueue_indirect_dma source(%dma_start3A_1479 : memref<128x128xf32, #tpu.memory_space<vmem>>) target(%dma_start3A_1485 : memref<131072x128xf32, #tpu.memory_space<hbm>>) offsets(%dma_start3A_1482 : memref<128xi32, #tpu.memory_space<vmem>>) semaphore(%arg28 : memref<!tpu.dma_semaphore, #tpu.memory_space<semaphore_mem>>)
      %dma_wait3A_1486 = arith.constant 0 : i32
      %dma_wait3A_1487 = arith.constant 2 : i32
      %dma_wait3A_1488 = arith.constant 0 : i32
      %dma_wait3A_1489 = arith.constant 0 : i32
      %dma_wait3A_1490 = tpu.memref_slice %arg20[%dma_wait3A_1487, %dma_wait3A_1488, %dma_wait3A_1489] : memref<4x128x128xf32, #tpu.memory_space<vmem>> -> memref<1x128x128xf32, #tpu.memory_space<vmem>>
      %dma_wait3A_1491 = tpu.memref_squeeze %dma_wait3A_1490 : memref<1x128x128xf32, #tpu.memory_space<vmem>> -> memref<128x128xf32, #tpu.memory_space<vmem>>
      %dma_wait3A_1492 = arith.constant 0 : i32
      %dma_wait3A_1493 = tpu.memref_slice %arg15[%dma_wait3A_1486, %dma_wait3A_1492] : memref<34x128xi32, #tpu.memory_space<vmem>> -> memref<1x128xi32, #tpu.memory_space<vmem>>
      %dma_wait3A_1494 = tpu.memref_squeeze %dma_wait3A_1493 : memref<1x128xi32, #tpu.memory_space<vmem>> -> memref<128xi32, #tpu.memory_space<vmem>>
      %dma_wait3A_1495 = arith.constant 0 : i32
      %dma_wait3A_1496 = arith.constant 0 : i32
      %dma_wait3A_1497 = tpu.memref_slice %arg2[%dma_wait3A_1495, %dma_wait3A_1496] : memref<6147x128xf32, #tpu.memory_space<hbm>> -> memref<6147x128xf32, #tpu.memory_space<hbm>>
      tpu.wait_indirect_dma semaphore(%arg25 : memref<!tpu.dma_semaphore, #tpu.memory_space<semaphore_mem>>) src(%dma_wait3A_1497 : memref<6147x128xf32, #tpu.memory_space<hbm>>) dst(%dma_wait3A_1491 : memref<128x128xf32, #tpu.memory_space<vmem>>)
      %mul3A_1498 = arith.constant 4 : i32
      %mul3A_1499 = arith.muli %mul3A_1498, %while3A_1350 : i32
      %add3A_1500 = arith.constant 2 : i32
      %add3A_1501 = arith.addi %mul3A_1499, %add3A_1500 : i32
      %dma_start3A_1502 = arith.constant 2 : i32
      %dma_start3A_1503 = arith.constant 0 : i32
      %dma_start3A_1504 = arith.constant 0 : i32
      %dma_start3A_1505 = tpu.memref_slice %arg20[%dma_start3A_1502, %dma_start3A_1503, %dma_start3A_1504] : memref<4x128x128xf32, #tpu.memory_space<vmem>> -> memref<1x128x128xf32, #tpu.memory_space<vmem>>
      %dma_start3A_1506 = tpu.memref_squeeze %dma_start3A_1505 : memref<1x128x128xf32, #tpu.memory_space<vmem>> -> memref<128x128xf32, #tpu.memory_space<vmem>>
      %dma_start3A_1507 = arith.constant 0 : i32
      %dma_start3A_1508 = tpu.memref_slice %arg16[%add3A_1501, %dma_start3A_1507] : memref<34x128xi32, #tpu.memory_space<vmem>> -> memref<1x128xi32, #tpu.memory_space<vmem>>
      %dma_start3A_1509 = tpu.memref_squeeze %dma_start3A_1508 : memref<1x128xi32, #tpu.memory_space<vmem>> -> memref<128xi32, #tpu.memory_space<vmem>>
      %dma_start3A_1510 = arith.constant 0 : i32
      %dma_start3A_1511 = arith.constant 0 : i32
      %dma_start3A_1512 = tpu.memref_slice %arg8[%dma_start3A_1510, %dma_start3A_1511] : memref<131072x128xf32, #tpu.memory_space<hbm>> -> memref<131072x128xf32, #tpu.memory_space<hbm>>
      tpu.enqueue_indirect_dma source(%dma_start3A_1506 : memref<128x128xf32, #tpu.memory_space<vmem>>) target(%dma_start3A_1512 : memref<131072x128xf32, #tpu.memory_space<hbm>>) offsets(%dma_start3A_1509 : memref<128xi32, #tpu.memory_space<vmem>>) semaphore(%arg29 : memref<!tpu.dma_semaphore, #tpu.memory_space<semaphore_mem>>)
      %dma_wait3A_1513 = arith.constant 0 : i32
      %dma_wait3A_1514 = arith.constant 3 : i32
      %dma_wait3A_1515 = arith.constant 0 : i32
      %dma_wait3A_1516 = arith.constant 0 : i32
      %dma_wait3A_1517 = tpu.memref_slice %arg20[%dma_wait3A_1514, %dma_wait3A_1515, %dma_wait3A_1516] : memref<4x128x128xf32, #tpu.memory_space<vmem>> -> memref<1x128x128xf32, #tpu.memory_space<vmem>>
      %dma_wait3A_1518 = tpu.memref_squeeze %dma_wait3A_1517 : memref<1x128x128xf32, #tpu.memory_space<vmem>> -> memref<128x128xf32, #tpu.memory_space<vmem>>
      %dma_wait3A_1519 = arith.constant 0 : i32
      %dma_wait3A_1520 = tpu.memref_slice %arg15[%dma_wait3A_1513, %dma_wait3A_1519] : memref<34x128xi32, #tpu.memory_space<vmem>> -> memref<1x128xi32, #tpu.memory_space<vmem>>
      %dma_wait3A_1521 = tpu.memref_squeeze %dma_wait3A_1520 : memref<1x128xi32, #tpu.memory_space<vmem>> -> memref<128xi32, #tpu.memory_space<vmem>>
      %dma_wait3A_1522 = arith.constant 0 : i32
      %dma_wait3A_1523 = arith.constant 0 : i32
      %dma_wait3A_1524 = tpu.memref_slice %arg2[%dma_wait3A_1522, %dma_wait3A_1523] : memref<6147x128xf32, #tpu.memory_space<hbm>> -> memref<6147x128xf32, #tpu.memory_space<hbm>>
      tpu.wait_indirect_dma semaphore(%arg26 : memref<!tpu.dma_semaphore, #tpu.memory_space<semaphore_mem>>) src(%dma_wait3A_1524 : memref<6147x128xf32, #tpu.memory_space<hbm>>) dst(%dma_wait3A_1518 : memref<128x128xf32, #tpu.memory_space<vmem>>)
      %mul3A_1525 = arith.constant 4 : i32
      %mul3A_1526 = arith.muli %mul3A_1525, %while3A_1350 : i32
      %add3A_1527 = arith.constant 3 : i32
      %add3A_1528 = arith.addi %mul3A_1526, %add3A_1527 : i32
      %dma_start3A_1529 = arith.constant 3 : i32
      %dma_start3A_1530 = arith.constant 0 : i32
      %dma_start3A_1531 = arith.constant 0 : i32
      %dma_start3A_1532 = tpu.memref_slice %arg20[%dma_start3A_1529, %dma_start3A_1530, %dma_start3A_1531] : memref<4x128x128xf32, #tpu.memory_space<vmem>> -> memref<1x128x128xf32, #tpu.memory_space<vmem>>
      %dma_start3A_1533 = tpu.memref_squeeze %dma_start3A_1532 : memref<1x128x128xf32, #tpu.memory_space<vmem>> -> memref<128x128xf32, #tpu.memory_space<vmem>>
      %dma_start3A_1534 = arith.constant 0 : i32
      %dma_start3A_1535 = tpu.memref_slice %arg16[%add3A_1528, %dma_start3A_1534] : memref<34x128xi32, #tpu.memory_space<vmem>> -> memref<1x128xi32, #tpu.memory_space<vmem>>
      %dma_start3A_1536 = tpu.memref_squeeze %dma_start3A_1535 : memref<1x128xi32, #tpu.memory_space<vmem>> -> memref<128xi32, #tpu.memory_space<vmem>>
      %dma_start3A_1537 = arith.constant 0 : i32
      %dma_start3A_1538 = arith.constant 0 : i32
      %dma_start3A_1539 = tpu.memref_slice %arg8[%dma_start3A_1537, %dma_start3A_1538] : memref<131072x128xf32, #tpu.memory_space<hbm>> -> memref<131072x128xf32, #tpu.memory_space<hbm>>
      tpu.enqueue_indirect_dma source(%dma_start3A_1533 : memref<128x128xf32, #tpu.memory_space<vmem>>) target(%dma_start3A_1539 : memref<131072x128xf32, #tpu.memory_space<hbm>>) offsets(%dma_start3A_1536 : memref<128xi32, #tpu.memory_space<vmem>>) semaphore(%arg30 : memref<!tpu.dma_semaphore, #tpu.memory_space<semaphore_mem>>)
      %while3A_1540 = arith.constant 0 : i32
      scf.yield %while3A_1540 : i32
    }
    %while3A_1263 = arith.constant 1 : i32
    %while3A_1264 = scf.for %while3A_1350 = %while3A_1260 to %while3A_1256 step %while3A_1263 iter_args(%while3A_1351 = %while3A_1262) -> (i32)  : i32 {
      %gt3A_1352 = arith.constant 0 : i32
      %gt3A_1353 = arith.cmpi sgt, %while3A_1350, %gt3A_1352 : i32
      %convert_element_type3A_1354 = arith.extui %gt3A_1353 : i1 to i32
      %cond3A_1355 = arith.constant 0 : i32
      %cond3A_1356 = arith.cmpi ne, %convert_element_type3A_1354, %cond3A_1355 : i32
      scf.if %cond3A_1356 {
        %dma_wait3A_1541 = arith.constant 0 : i32
        %dma_wait3A_1542 = arith.constant 0 : i32
        %dma_wait3A_1543 = arith.constant 0 : i32
        %dma_wait3A_1544 = arith.constant 0 : i32
        %dma_wait3A_1545 = tpu.memref_slice %arg20[%dma_wait3A_1541, %dma_wait3A_1543, %dma_wait3A_1544] : memref<4x128x128xf32, #tpu.memory_space<vmem>> -> memref<1x128x128xf32, #tpu.memory_space<vmem>>
        %dma_wait3A_1546 = tpu.memref_squeeze %dma_wait3A_1545 : memref<1x128x128xf32, #tpu.memory_space<vmem>> -> memref<128x128xf32, #tpu.memory_space<vmem>>
        %dma_wait3A_1547 = arith.constant 0 : i32
        %dma_wait3A_1548 = tpu.memref_slice %arg16[%dma_wait3A_1542, %dma_wait3A_1547] : memref<34x128xi32, #tpu.memory_space<vmem>> -> memref<1x128xi32, #tpu.memory_space<vmem>>
        %dma_wait3A_1549 = tpu.memref_squeeze %dma_wait3A_1548 : memref<1x128xi32, #tpu.memory_space<vmem>> -> memref<128xi32, #tpu.memory_space<vmem>>
        %dma_wait3A_1550 = arith.constant 0 : i32
        %dma_wait3A_1551 = arith.constant 0 : i32
        %dma_wait3A_1552 = tpu.memref_slice %arg8[%dma_wait3A_1550, %dma_wait3A_1551] : memref<131072x128xf32, #tpu.memory_space<hbm>> -> memref<131072x128xf32, #tpu.memory_space<hbm>>
        tpu.wait_indirect_dma semaphore(%arg27 : memref<!tpu.dma_semaphore, #tpu.memory_space<semaphore_mem>>) src(%dma_wait3A_1546 : memref<128x128xf32, #tpu.memory_space<vmem>>) dst(%dma_wait3A_1552 : memref<131072x128xf32, #tpu.memory_space<hbm>>)
      } else {
      }
      %mul3A_1357 = arith.constant 4 : i32
      %mul3A_1358 = arith.muli %mul3A_1357, %while3A_1350 : i32
      %add3A_1359 = arith.constant 0 : i32
      %add3A_1360 = arith.addi %mul3A_1358, %add3A_1359 : i32
      %dma_start3A_1361 = arith.constant 0 : i32
      %dma_start3A_1362 = arith.constant 0 : i32
      %dma_start3A_1363 = arith.constant 0 : i32
      %dma_start3A_1364 = tpu.memref_slice %arg20[%dma_start3A_1361, %dma_start3A_1362, %dma_start3A_1363] : memref<4x128x128xf32, #tpu.memory_space<vmem>> -> memref<1x128x128xf32, #tpu.memory_space<vmem>>
      %dma_start3A_1365 = tpu.memref_squeeze %dma_start3A_1364 : memref<1x128x128xf32, #tpu.memory_space<vmem>> -> memref<128x128xf32, #tpu.memory_space<vmem>>
      %dma_start3A_1366 = arith.constant 0 : i32
      %dma_start3A_1367 = tpu.memref_slice %arg15[%add3A_1360, %dma_start3A_1366] : memref<34x128xi32, #tpu.memory_space<vmem>> -> memref<1x128xi32, #tpu.memory_space<vmem>>
      %dma_start3A_1368 = tpu.memref_squeeze %dma_start3A_1367 : memref<1x128xi32, #tpu.memory_space<vmem>> -> memref<128xi32, #tpu.memory_space<vmem>>
      %dma_start3A_1369 = arith.constant 0 : i32
      %dma_start3A_1370 = arith.constant 0 : i32
      %dma_start3A_1371 = tpu.memref_slice %arg2[%dma_start3A_1369, %dma_start3A_1370] : memref<6147x128xf32, #tpu.memory_space<hbm>> -> memref<6147x128xf32, #tpu.memory_space<hbm>>
      tpu.enqueue_indirect_dma source(%dma_start3A_1371 : memref<6147x128xf32, #tpu.memory_space<hbm>>) target(%dma_start3A_1365 : memref<128x128xf32, #tpu.memory_space<vmem>>) offsets(%dma_start3A_1368 : memref<128xi32, #tpu.memory_space<vmem>>) semaphore(%arg23 : memref<!tpu.dma_semaphore, #tpu.memory_space<semaphore_mem>>)
      %gt3A_1372 = arith.constant 0 : i32
      %gt3A_1373 = arith.cmpi sgt, %while3A_1350, %gt3A_1372 : i32
      %convert_element_type3A_1374 = arith.extui %gt3A_1373 : i1 to i32
      %cond3A_1375 = arith.constant 0 : i32
      %cond3A_1376 = arith.cmpi ne, %convert_element_type3A_1374, %cond3A_1375 : i32
      scf.if %cond3A_1376 {
        %dma_wait3A_1541 = arith.constant 1 : i32
        %dma_wait3A_1542 = arith.constant 0 : i32
        %dma_wait3A_1543 = arith.constant 0 : i32
        %dma_wait3A_1544 = arith.constant 0 : i32
        %dma_wait3A_1545 = tpu.memref_slice %arg20[%dma_wait3A_1541, %dma_wait3A_1543, %dma_wait3A_1544] : memref<4x128x128xf32, #tpu.memory_space<vmem>> -> memref<1x128x128xf32, #tpu.memory_space<vmem>>
        %dma_wait3A_1546 = tpu.memref_squeeze %dma_wait3A_1545 : memref<1x128x128xf32, #tpu.memory_space<vmem>> -> memref<128x128xf32, #tpu.memory_space<vmem>>
        %dma_wait3A_1547 = arith.constant 0 : i32
        %dma_wait3A_1548 = tpu.memref_slice %arg16[%dma_wait3A_1542, %dma_wait3A_1547] : memref<34x128xi32, #tpu.memory_space<vmem>> -> memref<1x128xi32, #tpu.memory_space<vmem>>
        %dma_wait3A_1549 = tpu.memref_squeeze %dma_wait3A_1548 : memref<1x128xi32, #tpu.memory_space<vmem>> -> memref<128xi32, #tpu.memory_space<vmem>>
        %dma_wait3A_1550 = arith.constant 0 : i32
        %dma_wait3A_1551 = arith.constant 0 : i32
        %dma_wait3A_1552 = tpu.memref_slice %arg8[%dma_wait3A_1550, %dma_wait3A_1551] : memref<131072x128xf32, #tpu.memory_space<hbm>> -> memref<131072x128xf32, #tpu.memory_space<hbm>>
        tpu.wait_indirect_dma semaphore(%arg28 : memref<!tpu.dma_semaphore, #tpu.memory_space<semaphore_mem>>) src(%dma_wait3A_1546 : memref<128x128xf32, #tpu.memory_space<vmem>>) dst(%dma_wait3A_1552 : memref<131072x128xf32, #tpu.memory_space<hbm>>)
      } else {
      }
      %mul3A_1377 = arith.constant 4 : i32
      %mul3A_1378 = arith.muli %mul3A_1377, %while3A_1350 : i32
      %add3A_1379 = arith.constant 1 : i32
      %add3A_1380 = arith.addi %mul3A_1378, %add3A_1379 : i32
      %dma_start3A_1381 = arith.constant 1 : i32
      %dma_start3A_1382 = arith.constant 0 : i32
      %dma_start3A_1383 = arith.constant 0 : i32
      %dma_start3A_1384 = tpu.memref_slice %arg20[%dma_start3A_1381, %dma_start3A_1382, %dma_start3A_1383] : memref<4x128x128xf32, #tpu.memory_space<vmem>> -> memref<1x128x128xf32, #tpu.memory_space<vmem>>
      %dma_start3A_1385 = tpu.memref_squeeze %dma_start3A_1384 : memref<1x128x128xf32, #tpu.memory_space<vmem>> -> memref<128x128xf32, #tpu.memory_space<vmem>>
      %dma_start3A_1386 = arith.constant 0 : i32
      %dma_start3A_1387 = tpu.memref_slice %arg15[%add3A_1380, %dma_start3A_1386] : memref<34x128xi32, #tpu.memory_space<vmem>> -> memref<1x128xi32, #tpu.memory_space<vmem>>
      %dma_start3A_1388 = tpu.memref_squeeze %dma_start3A_1387 : memref<1x128xi32, #tpu.memory_space<vmem>> -> memref<128xi32, #tpu.memory_space<vmem>>
      %dma_start3A_1389 = arith.constant 0 : i32
      %dma_start3A_1390 = arith.constant 0 : i32
      %dma_start3A_1391 = tpu.memref_slice %arg2[%dma_start3A_1389, %dma_start3A_1390] : memref<6147x128xf32, #tpu.memory_space<hbm>> -> memref<6147x128xf32, #tpu.memory_space<hbm>>
      tpu.enqueue_indirect_dma source(%dma_start3A_1391 : memref<6147x128xf32, #tpu.memory_space<hbm>>) target(%dma_start3A_1385 : memref<128x128xf32, #tpu.memory_space<vmem>>) offsets(%dma_start3A_1388 : memref<128xi32, #tpu.memory_space<vmem>>) semaphore(%arg24 : memref<!tpu.dma_semaphore, #tpu.memory_space<semaphore_mem>>)
      %gt3A_1392 = arith.constant 0 : i32
      %gt3A_1393 = arith.cmpi sgt, %while3A_1350, %gt3A_1392 : i32
      %convert_element_type3A_1394 = arith.extui %gt3A_1393 : i1 to i32
      %cond3A_1395 = arith.constant 0 : i32
      %cond3A_1396 = arith.cmpi ne, %convert_element_type3A_1394, %cond3A_1395 : i32
      scf.if %cond3A_1396 {
        %dma_wait3A_1541 = arith.constant 2 : i32
        %dma_wait3A_1542 = arith.constant 0 : i32
        %dma_wait3A_1543 = arith.constant 0 : i32
        %dma_wait3A_1544 = arith.constant 0 : i32
        %dma_wait3A_1545 = tpu.memref_slice %arg20[%dma_wait3A_1541, %dma_wait3A_1543, %dma_wait3A_1544] : memref<4x128x128xf32, #tpu.memory_space<vmem>> -> memref<1x128x128xf32, #tpu.memory_space<vmem>>
        %dma_wait3A_1546 = tpu.memref_squeeze %dma_wait3A_1545 : memref<1x128x128xf32, #tpu.memory_space<vmem>> -> memref<128x128xf32, #tpu.memory_space<vmem>>
        %dma_wait3A_1547 = arith.constant 0 : i32
        %dma_wait3A_1548 = tpu.memref_slice %arg16[%dma_wait3A_1542, %dma_wait3A_1547] : memref<34x128xi32, #tpu.memory_space<vmem>> -> memref<1x128xi32, #tpu.memory_space<vmem>>
        %dma_wait3A_1549 = tpu.memref_squeeze %dma_wait3A_1548 : memref<1x128xi32, #tpu.memory_space<vmem>> -> memref<128xi32, #tpu.memory_space<vmem>>
        %dma_wait3A_1550 = arith.constant 0 : i32
        %dma_wait3A_1551 = arith.constant 0 : i32
        %dma_wait3A_1552 = tpu.memref_slice %arg8[%dma_wait3A_1550, %dma_wait3A_1551] : memref<131072x128xf32, #tpu.memory_space<hbm>> -> memref<131072x128xf32, #tpu.memory_space<hbm>>
        tpu.wait_indirect_dma semaphore(%arg29 : memref<!tpu.dma_semaphore, #tpu.memory_space<semaphore_mem>>) src(%dma_wait3A_1546 : memref<128x128xf32, #tpu.memory_space<vmem>>) dst(%dma_wait3A_1552 : memref<131072x128xf32, #tpu.memory_space<hbm>>)
      } else {
      }
      %mul3A_1397 = arith.constant 4 : i32
      %mul3A_1398 = arith.muli %mul3A_1397, %while3A_1350 : i32
      %add3A_1399 = arith.constant 2 : i32
      %add3A_1400 = arith.addi %mul3A_1398, %add3A_1399 : i32
      %dma_start3A_1401 = arith.constant 2 : i32
      %dma_start3A_1402 = arith.constant 0 : i32
      %dma_start3A_1403 = arith.constant 0 : i32
      %dma_start3A_1404 = tpu.memref_slice %arg20[%dma_start3A_1401, %dma_start3A_1402, %dma_start3A_1403] : memref<4x128x128xf32, #tpu.memory_space<vmem>> -> memref<1x128x128xf32, #tpu.memory_space<vmem>>
      %dma_start3A_1405 = tpu.memref_squeeze %dma_start3A_1404 : memref<1x128x128xf32, #tpu.memory_space<vmem>> -> memref<128x128xf32, #tpu.memory_space<vmem>>
      %dma_start3A_1406 = arith.constant 0 : i32
      %dma_start3A_1407 = tpu.memref_slice %arg15[%add3A_1400, %dma_start3A_1406] : memref<34x128xi32, #tpu.memory_space<vmem>> -> memref<1x128xi32, #tpu.memory_space<vmem>>
      %dma_start3A_1408 = tpu.memref_squeeze %dma_start3A_1407 : memref<1x128xi32, #tpu.memory_space<vmem>> -> memref<128xi32, #tpu.memory_space<vmem>>
      %dma_start3A_1409 = arith.constant 0 : i32
      %dma_start3A_1410 = arith.constant 0 : i32
      %dma_start3A_1411 = tpu.memref_slice %arg2[%dma_start3A_1409, %dma_start3A_1410] : memref<6147x128xf32, #tpu.memory_space<hbm>> -> memref<6147x128xf32, #tpu.memory_space<hbm>>
      tpu.enqueue_indirect_dma source(%dma_start3A_1411 : memref<6147x128xf32, #tpu.memory_space<hbm>>) target(%dma_start3A_1405 : memref<128x128xf32, #tpu.memory_space<vmem>>) offsets(%dma_start3A_1408 : memref<128xi32, #tpu.memory_space<vmem>>) semaphore(%arg25 : memref<!tpu.dma_semaphore, #tpu.memory_space<semaphore_mem>>)
      %gt3A_1412 = arith.constant 0 : i32
      %gt3A_1413 = arith.cmpi sgt, %while3A_1350, %gt3A_1412 : i32
      %convert_element_type3A_1414 = arith.extui %gt3A_1413 : i1 to i32
      %cond3A_1415 = arith.constant 0 : i32
      %cond3A_1416 = arith.cmpi ne, %convert_element_type3A_1414, %cond3A_1415 : i32
      scf.if %cond3A_1416 {
        %dma_wait3A_1541 = arith.constant 3 : i32
        %dma_wait3A_1542 = arith.constant 0 : i32
        %dma_wait3A_1543 = arith.constant 0 : i32
        %dma_wait3A_1544 = arith.constant 0 : i32
        %dma_wait3A_1545 = tpu.memref_slice %arg20[%dma_wait3A_1541, %dma_wait3A_1543, %dma_wait3A_1544] : memref<4x128x128xf32, #tpu.memory_space<vmem>> -> memref<1x128x128xf32, #tpu.memory_space<vmem>>
        %dma_wait3A_1546 = tpu.memref_squeeze %dma_wait3A_1545 : memref<1x128x128xf32, #tpu.memory_space<vmem>> -> memref<128x128xf32, #tpu.memory_space<vmem>>
        %dma_wait3A_1547 = arith.constant 0 : i32
        %dma_wait3A_1548 = tpu.memref_slice %arg16[%dma_wait3A_1542, %dma_wait3A_1547] : memref<34x128xi32, #tpu.memory_space<vmem>> -> memref<1x128xi32, #tpu.memory_space<vmem>>
        %dma_wait3A_1549 = tpu.memref_squeeze %dma_wait3A_1548 : memref<1x128xi32, #tpu.memory_space<vmem>> -> memref<128xi32, #tpu.memory_space<vmem>>
        %dma_wait3A_1550 = arith.constant 0 : i32
        %dma_wait3A_1551 = arith.constant 0 : i32
        %dma_wait3A_1552 = tpu.memref_slice %arg8[%dma_wait3A_1550, %dma_wait3A_1551] : memref<131072x128xf32, #tpu.memory_space<hbm>> -> memref<131072x128xf32, #tpu.memory_space<hbm>>
        tpu.wait_indirect_dma semaphore(%arg30 : memref<!tpu.dma_semaphore, #tpu.memory_space<semaphore_mem>>) src(%dma_wait3A_1546 : memref<128x128xf32, #tpu.memory_space<vmem>>) dst(%dma_wait3A_1552 : memref<131072x128xf32, #tpu.memory_space<hbm>>)
      } else {
      }
      %mul3A_1417 = arith.constant 4 : i32
      %mul3A_1418 = arith.muli %mul3A_1417, %while3A_1350 : i32
      %add3A_1419 = arith.constant 3 : i32
      %add3A_1420 = arith.addi %mul3A_1418, %add3A_1419 : i32
      %dma_start3A_1421 = arith.constant 3 : i32
      %dma_start3A_1422 = arith.constant 0 : i32
      %dma_start3A_1423 = arith.constant 0 : i32
      %dma_start3A_1424 = tpu.memref_slice %arg20[%dma_start3A_1421, %dma_start3A_1422, %dma_start3A_1423] : memref<4x128x128xf32, #tpu.memory_space<vmem>> -> memref<1x128x128xf32, #tpu.memory_space<vmem>>
      %dma_start3A_1425 = tpu.memref_squeeze %dma_start3A_1424 : memref<1x128x128xf32, #tpu.memory_space<vmem>> -> memref<128x128xf32, #tpu.memory_space<vmem>>
      %dma_start3A_1426 = arith.constant 0 : i32
      %dma_start3A_1427 = tpu.memref_slice %arg15[%add3A_1420, %dma_start3A_1426] : memref<34x128xi32, #tpu.memory_space<vmem>> -> memref<1x128xi32, #tpu.memory_space<vmem>>
      %dma_start3A_1428 = tpu.memref_squeeze %dma_start3A_1427 : memref<1x128xi32, #tpu.memory_space<vmem>> -> memref<128xi32, #tpu.memory_space<vmem>>
      %dma_start3A_1429 = arith.constant 0 : i32
      %dma_start3A_1430 = arith.constant 0 : i32
      %dma_start3A_1431 = tpu.memref_slice %arg2[%dma_start3A_1429, %dma_start3A_1430] : memref<6147x128xf32, #tpu.memory_space<hbm>> -> memref<6147x128xf32, #tpu.memory_space<hbm>>
      tpu.enqueue_indirect_dma source(%dma_start3A_1431 : memref<6147x128xf32, #tpu.memory_space<hbm>>) target(%dma_start3A_1425 : memref<128x128xf32, #tpu.memory_space<vmem>>) offsets(%dma_start3A_1428 : memref<128xi32, #tpu.memory_space<vmem>>) semaphore(%arg26 : memref<!tpu.dma_semaphore, #tpu.memory_space<semaphore_mem>>)
      %dma_wait3A_1432 = arith.constant 0 : i32
      %dma_wait3A_1433 = arith.constant 0 : i32
      %dma_wait3A_1434 = arith.constant 0 : i32
      %dma_wait3A_1435 = arith.constant 0 : i32
      %dma_wait3A_1436 = tpu.memref_slice %arg20[%dma_wait3A_1433, %dma_wait3A_1434, %dma_wait3A_1435] : memref<4x128x128xf32, #tpu.memory_space<vmem>> -> memref<1x128x128xf32, #tpu.memory_space<vmem>>
      %dma_wait3A_1437 = tpu.memref_squeeze %dma_wait3A_1436 : memref<1x128x128xf32, #tpu.memory_space<vmem>> -> memref<128x128xf32, #tpu.memory_space<vmem>>
      %dma_wait3A_1438 = arith.constant 0 : i32
      %dma_wait3A_1439 = tpu.memref_slice %arg15[%dma_wait3A_1432, %dma_wait3A_1438] : memref<34x128xi32, #tpu.memory_space<vmem>> -> memref<1x128xi32, #tpu.memory_space<vmem>>
      %dma_wait3A_1440 = tpu.memref_squeeze %dma_wait3A_1439 : memref<1x128xi32, #tpu.memory_space<vmem>> -> memref<128xi32, #tpu.memory_space<vmem>>
      %dma_wait3A_1441 = arith.constant 0 : i32
      %dma_wait3A_1442 = arith.constant 0 : i32
      %dma_wait3A_1443 = tpu.memref_slice %arg2[%dma_wait3A_1441, %dma_wait3A_1442] : memref<6147x128xf32, #tpu.memory_space<hbm>> -> memref<6147x128xf32, #tpu.memory_space<hbm>>
      tpu.wait_indirect_dma semaphore(%arg23 : memref<!tpu.dma_semaphore, #tpu.memory_space<semaphore_mem>>) src(%dma_wait3A_1443 : memref<6147x128xf32, #tpu.memory_space<hbm>>) dst(%dma_wait3A_1437 : memref<128x128xf32, #tpu.memory_space<vmem>>)
      %mul3A_1444 = arith.constant 4 : i32
      %mul3A_1445 = arith.muli %mul3A_1444, %while3A_1350 : i32
      %add3A_1446 = arith.constant 0 : i32
      %add3A_1447 = arith.addi %mul3A_1445, %add3A_1446 : i32
      %dma_start3A_1448 = arith.constant 0 : i32
      %dma_start3A_1449 = arith.constant 0 : i32
      %dma_start3A_1450 = arith.constant 0 : i32
      %dma_start3A_1451 = tpu.memref_slice %arg20[%dma_start3A_1448, %dma_start3A_1449, %dma_start3A_1450] : memref<4x128x128xf32, #tpu.memory_space<vmem>> -> memref<1x128x128xf32, #tpu.memory_space<vmem>>
      %dma_start3A_1452 = tpu.memref_squeeze %dma_start3A_1451 : memref<1x128x128xf32, #tpu.memory_space<vmem>> -> memref<128x128xf32, #tpu.memory_space<vmem>>
      %dma_start3A_1453 = arith.constant 0 : i32
      %dma_start3A_1454 = tpu.memref_slice %arg16[%add3A_1447, %dma_start3A_1453] : memref<34x128xi32, #tpu.memory_space<vmem>> -> memref<1x128xi32, #tpu.memory_space<vmem>>
      %dma_start3A_1455 = tpu.memref_squeeze %dma_start3A_1454 : memref<1x128xi32, #tpu.memory_space<vmem>> -> memref<128xi32, #tpu.memory_space<vmem>>
      %dma_start3A_1456 = arith.constant 0 : i32
      %dma_start3A_1457 = arith.constant 0 : i32
      %dma_start3A_1458 = tpu.memref_slice %arg8[%dma_start3A_1456, %dma_start3A_1457] : memref<131072x128xf32, #tpu.memory_space<hbm>> -> memref<131072x128xf32, #tpu.memory_space<hbm>>
      tpu.enqueue_indirect_dma source(%dma_start3A_1452 : memref<128x128xf32, #tpu.memory_space<vmem>>) target(%dma_start3A_1458 : memref<131072x128xf32, #tpu.memory_space<hbm>>) offsets(%dma_start3A_1455 : memref<128xi32, #tpu.memory_space<vmem>>) semaphore(%arg27 : memref<!tpu.dma_semaphore, #tpu.memory_space<semaphore_mem>>)
      %dma_wait3A_1459 = arith.constant 0 : i32
      %dma_wait3A_1460 = arith.constant 1 : i32
      %dma_wait3A_1461 = arith.constant 0 : i32
      %dma_wait3A_1462 = arith.constant 0 : i32
      %dma_wait3A_1463 = tpu.memref_slice %arg20[%dma_wait3A_1460, %dma_wait3A_1461, %dma_wait3A_1462] : memref<4x128x128xf32, #tpu.memory_space<vmem>> -> memref<1x128x128xf32, #tpu.memory_space<vmem>>
      %dma_wait3A_1464 = tpu.memref_squeeze %dma_wait3A_1463 : memref<1x128x128xf32, #tpu.memory_space<vmem>> -> memref<128x128xf32, #tpu.memory_space<vmem>>
      %dma_wait3A_1465 = arith.constant 0 : i32
      %dma_wait3A_1466 = tpu.memref_slice %arg15[%dma_wait3A_1459, %dma_wait3A_1465] : memref<34x128xi32, #tpu.memory_space<vmem>> -> memref<1x128xi32, #tpu.memory_space<vmem>>
      %dma_wait3A_1467 = tpu.memref_squeeze %dma_wait3A_1466 : memref<1x128xi32, #tpu.memory_space<vmem>> -> memref<128xi32, #tpu.memory_space<vmem>>
      %dma_wait3A_1468 = arith.constant 0 : i32
      %dma_wait3A_1469 = arith.constant 0 : i32
      %dma_wait3A_1470 = tpu.memref_slice %arg2[%dma_wait3A_1468, %dma_wait3A_1469] : memref<6147x128xf32, #tpu.memory_space<hbm>> -> memref<6147x128xf32, #tpu.memory_space<hbm>>
      tpu.wait_indirect_dma semaphore(%arg24 : memref<!tpu.dma_semaphore, #tpu.memory_space<semaphore_mem>>) src(%dma_wait3A_1470 : memref<6147x128xf32, #tpu.memory_space<hbm>>) dst(%dma_wait3A_1464 : memref<128x128xf32, #tpu.memory_space<vmem>>)
      %mul3A_1471 = arith.constant 4 : i32
      %mul3A_1472 = arith.muli %mul3A_1471, %while3A_1350 : i32
      %add3A_1473 = arith.constant 1 : i32
      %add3A_1474 = arith.addi %mul3A_1472, %add3A_1473 : i32
      %dma_start3A_1475 = arith.constant 1 : i32
      %dma_start3A_1476 = arith.constant 0 : i32
      %dma_start3A_1477 = arith.constant 0 : i32
      %dma_start3A_1478 = tpu.memref_slice %arg20[%dma_start3A_1475, %dma_start3A_1476, %dma_start3A_1477] : memref<4x128x128xf32, #tpu.memory_space<vmem>> -> memref<1x128x128xf32, #tpu.memory_space<vmem>>
      %dma_start3A_1479 = tpu.memref_squeeze %dma_start3A_1478 : memref<1x128x128xf32, #tpu.memory_space<vmem>> -> memref<128x128xf32, #tpu.memory_space<vmem>>
      %dma_start3A_1480 = arith.constant 0 : i32
      %dma_start3A_1481 = tpu.memref_slice %arg16[%add3A_1474, %dma_start3A_1480] : memref<34x128xi32, #tpu.memory_space<vmem>> -> memref<1x128xi32, #tpu.memory_space<vmem>>
      %dma_start3A_1482 = tpu.memref_squeeze %dma_start3A_1481 : memref<1x128xi32, #tpu.memory_space<vmem>> -> memref<128xi32, #tpu.memory_space<vmem>>
      %dma_start3A_1483 = arith.constant 0 : i32
      %dma_start3A_1484 = arith.constant 0 : i32
      %dma_start3A_1485 = tpu.memref_slice %arg8[%dma_start3A_1483, %dma_start3A_1484] : memref<131072x128xf32, #tpu.memory_space<hbm>> -> memref<131072x128xf32, #tpu.memory_space<hbm>>
      tpu.enqueue_indirect_dma source(%dma_start3A_1479 : memref<128x128xf32, #tpu.memory_space<vmem>>) target(%dma_start3A_1485 : memref<131072x128xf32, #tpu.memory_space<hbm>>) offsets(%dma_start3A_1482 : memref<128xi32, #tpu.memory_space<vmem>>) semaphore(%arg28 : memref<!tpu.dma_semaphore, #tpu.memory_space<semaphore_mem>>)
      %dma_wait3A_1486 = arith.constant 0 : i32
      %dma_wait3A_1487 = arith.constant 2 : i32
      %dma_wait3A_1488 = arith.constant 0 : i32
      %dma_wait3A_1489 = arith.constant 0 : i32
      %dma_wait3A_1490 = tpu.memref_slice %arg20[%dma_wait3A_1487, %dma_wait3A_1488, %dma_wait3A_1489] : memref<4x128x128xf32, #tpu.memory_space<vmem>> -> memref<1x128x128xf32, #tpu.memory_space<vmem>>
      %dma_wait3A_1491 = tpu.memref_squeeze %dma_wait3A_1490 : memref<1x128x128xf32, #tpu.memory_space<vmem>> -> memref<128x128xf32, #tpu.memory_space<vmem>>
      %dma_wait3A_1492 = arith.constant 0 : i32
      %dma_wait3A_1493 = tpu.memref_slice %arg15[%dma_wait3A_1486, %dma_wait3A_1492] : memref<34x128xi32, #tpu.memory_space<vmem>> -> memref<1x128xi32, #tpu.memory_space<vmem>>
      %dma_wait3A_1494 = tpu.memref_squeeze %dma_wait3A_1493 : memref<1x128xi32, #tpu.memory_space<vmem>> -> memref<128xi32, #tpu.memory_space<vmem>>
      %dma_wait3A_1495 = arith.constant 0 : i32
      %dma_wait3A_1496 = arith.constant 0 : i32
      %dma_wait3A_1497 = tpu.memref_slice %arg2[%dma_wait3A_1495, %dma_wait3A_1496] : memref<6147x128xf32, #tpu.memory_space<hbm>> -> memref<6147x128xf32, #tpu.memory_space<hbm>>
      tpu.wait_indirect_dma semaphore(%arg25 : memref<!tpu.dma_semaphore, #tpu.memory_space<semaphore_mem>>) src(%dma_wait3A_1497 : memref<6147x128xf32, #tpu.memory_space<hbm>>) dst(%dma_wait3A_1491 : memref<128x128xf32, #tpu.memory_space<vmem>>)
      %mul3A_1498 = arith.constant 4 : i32
      %mul3A_1499 = arith.muli %mul3A_1498, %while3A_1350 : i32
      %add3A_1500 = arith.constant 2 : i32
      %add3A_1501 = arith.addi %mul3A_1499, %add3A_1500 : i32
      %dma_start3A_1502 = arith.constant 2 : i32
      %dma_start3A_1503 = arith.constant 0 : i32
      %dma_start3A_1504 = arith.constant 0 : i32
      %dma_start3A_1505 = tpu.memref_slice %arg20[%dma_start3A_1502, %dma_start3A_1503, %dma_start3A_1504] : memref<4x128x128xf32, #tpu.memory_space<vmem>> -> memref<1x128x128xf32, #tpu.memory_space<vmem>>
      %dma_start3A_1506 = tpu.memref_squeeze %dma_start3A_1505 : memref<1x128x128xf32, #tpu.memory_space<vmem>> -> memref<128x128xf32, #tpu.memory_space<vmem>>
      %dma_start3A_1507 = arith.constant 0 : i32
      %dma_start3A_1508 = tpu.memref_slice %arg16[%add3A_1501, %dma_start3A_1507] : memref<34x128xi32, #tpu.memory_space<vmem>> -> memref<1x128xi32, #tpu.memory_space<vmem>>
      %dma_start3A_1509 = tpu.memref_squeeze %dma_start3A_1508 : memref<1x128xi32, #tpu.memory_space<vmem>> -> memref<128xi32, #tpu.memory_space<vmem>>
      %dma_start3A_1510 = arith.constant 0 : i32
      %dma_start3A_1511 = arith.constant 0 : i32
      %dma_start3A_1512 = tpu.memref_slice %arg8[%dma_start3A_1510, %dma_start3A_1511] : memref<131072x128xf32, #tpu.memory_space<hbm>> -> memref<131072x128xf32, #tpu.memory_space<hbm>>
      tpu.enqueue_indirect_dma source(%dma_start3A_1506 : memref<128x128xf32, #tpu.memory_space<vmem>>) target(%dma_start3A_1512 : memref<131072x128xf32, #tpu.memory_space<hbm>>) offsets(%dma_start3A_1509 : memref<128xi32, #tpu.memory_space<vmem>>) semaphore(%arg29 : memref<!tpu.dma_semaphore, #tpu.memory_space<semaphore_mem>>)
      %dma_wait3A_1513 = arith.constant 0 : i32
      %dma_wait3A_1514 = arith.constant 3 : i32
      %dma_wait3A_1515 = arith.constant 0 : i32
      %dma_wait3A_1516 = arith.constant 0 : i32
      %dma_wait3A_1517 = tpu.memref_slice %arg20[%dma_wait3A_1514, %dma_wait3A_1515, %dma_wait3A_1516] : memref<4x128x128xf32, #tpu.memory_space<vmem>> -> memref<1x128x128xf32, #tpu.memory_space<vmem>>
      %dma_wait3A_1518 = tpu.memref_squeeze %dma_wait3A_1517 : memref<1x128x128xf32, #tpu.memory_space<vmem>> -> memref<128x128xf32, #tpu.memory_space<vmem>>
      %dma_wait3A_1519 = arith.constant 0 : i32
      %dma_wait3A_1520 = tpu.memref_slice %arg15[%dma_wait3A_1513, %dma_wait3A_1519] : memref<34x128xi32, #tpu.memory_space<vmem>> -> memref<1x128xi32, #tpu.memory_space<vmem>>
      %dma_wait3A_1521 = tpu.memref_squeeze %dma_wait3A_1520 : memref<1x128xi32, #tpu.memory_space<vmem>> -> memref<128xi32, #tpu.memory_space<vmem>>
      %dma_wait3A_1522 = arith.constant 0 : i32
      %dma_wait3A_1523 = arith.constant 0 : i32
      %dma_wait3A_1524 = tpu.memref_slice %arg2[%dma_wait3A_1522, %dma_wait3A_1523] : memref<6147x128xf32, #tpu.memory_space<hbm>> -> memref<6147x128xf32, #tpu.memory_space<hbm>>
      tpu.wait_indirect_dma semaphore(%arg26 : memref<!tpu.dma_semaphore, #tpu.memory_space<semaphore_mem>>) src(%dma_wait3A_1524 : memref<6147x128xf32, #tpu.memory_space<hbm>>) dst(%dma_wait3A_1518 : memref<128x128xf32, #tpu.memory_space<vmem>>)
      %mul3A_1525 = arith.constant 4 : i32
      %mul3A_1526 = arith.muli %mul3A_1525, %while3A_1350 : i32
      %add3A_1527 = arith.constant 3 : i32
      %add3A_1528 = arith.addi %mul3A_1526, %add3A_1527 : i32
      %dma_start3A_1529 = arith.constant 3 : i32
      %dma_start3A_1530 = arith.constant 0 : i32
      %dma_start3A_1531 = arith.constant 0 : i32
      %dma_start3A_1532 = tpu.memref_slice %arg20[%dma_start3A_1529, %dma_start3A_1530, %dma_start3A_1531] : memref<4x128x128xf32, #tpu.memory_space<vmem>> -> memref<1x128x128xf32, #tpu.memory_space<vmem>>
      %dma_start3A_1533 = tpu.memref_squeeze %dma_start3A_1532 : memref<1x128x128xf32, #tpu.memory_space<vmem>> -> memref<128x128xf32, #tpu.memory_space<vmem>>
      %dma_start3A_1534 = arith.constant 0 : i32
      %dma_start3A_1535 = tpu.memref_slice %arg16[%add3A_1528, %dma_start3A_1534] : memref<34x128xi32, #tpu.memory_space<vmem>> -> memref<1x128xi32, #tpu.memory_space<vmem>>
      %dma_start3A_1536 = tpu.memref_squeeze %dma_start3A_1535 : memref<1x128xi32, #tpu.memory_space<vmem>> -> memref<128xi32, #tpu.memory_space<vmem>>
      %dma_start3A_1537 = arith.constant 0 : i32
      %dma_start3A_1538 = arith.constant 0 : i32
      %dma_start3A_1539 = tpu.memref_slice %arg8[%dma_start3A_1537, %dma_start3A_1538] : memref<131072x128xf32, #tpu.memory_space<hbm>> -> memref<131072x128xf32, #tpu.memory_space<hbm>>
      tpu.enqueue_indirect_dma source(%dma_start3A_1533 : memref<128x128xf32, #tpu.memory_space<vmem>>) target(%dma_start3A_1539 : memref<131072x128xf32, #tpu.memory_space<hbm>>) offsets(%dma_start3A_1536 : memref<128xi32, #tpu.memory_space<vmem>>) semaphore(%arg30 : memref<!tpu.dma_semaphore, #tpu.memory_space<semaphore_mem>>)
      %while3A_1540 = arith.constant 0 : i32
      scf.yield %while3A_1540 : i32
    }
    %gt3A = arith.constant 0 : i32
    %gt3A_1265 = arith.cmpi sgt, %select_n3A_1252, %gt3A : i32
    %convert_element_type3A = arith.extui %gt3A_1265 : i1 to i32
    %cond3A = arith.constant 0 : i32
    %cond3A_1266 = arith.cmpi ne, %convert_element_type3A, %cond3A : i32
    scf.if %cond3A_1266 {
      %dma_wait3A_1350 = arith.constant 0 : i32
      %dma_wait3A_1351 = arith.constant 0 : i32
      %dma_wait3A_1352 = arith.constant 0 : i32
      %dma_wait3A_1353 = arith.constant 0 : i32
      %dma_wait3A_1354 = tpu.memref_slice %arg20[%dma_wait3A_1350, %dma_wait3A_1352, %dma_wait3A_1353] : memref<4x128x128xf32, #tpu.memory_space<vmem>> -> memref<1x128x128xf32, #tpu.memory_space<vmem>>
      %dma_wait3A_1355 = tpu.memref_squeeze %dma_wait3A_1354 : memref<1x128x128xf32, #tpu.memory_space<vmem>> -> memref<128x128xf32, #tpu.memory_space<vmem>>
      %dma_wait3A_1356 = arith.constant 0 : i32
      %dma_wait3A_1357 = tpu.memref_slice %arg16[%dma_wait3A_1351, %dma_wait3A_1356] : memref<34x128xi32, #tpu.memory_space<vmem>> -> memref<1x128xi32, #tpu.memory_space<vmem>>
      %dma_wait3A_1358 = tpu.memref_squeeze %dma_wait3A_1357 : memref<1x128xi32, #tpu.memory_space<vmem>> -> memref<128xi32, #tpu.memory_space<vmem>>
      %dma_wait3A_1359 = arith.constant 0 : i32
      %dma_wait3A_1360 = arith.constant 0 : i32
      %dma_wait3A_1361 = tpu.memref_slice %arg8[%dma_wait3A_1359, %dma_wait3A_1360] : memref<131072x128xf32, #tpu.memory_space<hbm>> -> memref<131072x128xf32, #tpu.memory_space<hbm>>
      tpu.wait_indirect_dma semaphore(%arg27 : memref<!tpu.dma_semaphore, #tpu.memory_space<semaphore_mem>>) src(%dma_wait3A_1355 : memref<128x128xf32, #tpu.memory_space<vmem>>) dst(%dma_wait3A_1361 : memref<131072x128xf32, #tpu.memory_space<hbm>>)
      %dma_wait3A_1362 = arith.constant 1 : i32
      %dma_wait3A_1363 = arith.constant 0 : i32
      %dma_wait3A_1364 = arith.constant 0 : i32
      %dma_wait3A_1365 = arith.constant 0 : i32
      %dma_wait3A_1366 = tpu.memref_slice %arg20[%dma_wait3A_1362, %dma_wait3A_1364, %dma_wait3A_1365] : memref<4x128x128xf32, #tpu.memory_space<vmem>> -> memref<1x128x128xf32, #tpu.memory_space<vmem>>
      %dma_wait3A_1367 = tpu.memref_squeeze %dma_wait3A_1366 : memref<1x128x128xf32, #tpu.memory_space<vmem>> -> memref<128x128xf32, #tpu.memory_space<vmem>>
      %dma_wait3A_1368 = arith.constant 0 : i32
      %dma_wait3A_1369 = tpu.memref_slice %arg16[%dma_wait3A_1363, %dma_wait3A_1368] : memref<34x128xi32, #tpu.memory_space<vmem>> -> memref<1x128xi32, #tpu.memory_space<vmem>>
      %dma_wait3A_1370 = tpu.memref_squeeze %dma_wait3A_1369 : memref<1x128xi32, #tpu.memory_space<vmem>> -> memref<128xi32, #tpu.memory_space<vmem>>
      %dma_wait3A_1371 = arith.constant 0 : i32
      %dma_wait3A_1372 = arith.constant 0 : i32
      %dma_wait3A_1373 = tpu.memref_slice %arg8[%dma_wait3A_1371, %dma_wait3A_1372] : memref<131072x128xf32, #tpu.memory_space<hbm>> -> memref<131072x128xf32, #tpu.memory_space<hbm>>
      tpu.wait_indirect_dma semaphore(%arg28 : memref<!tpu.dma_semaphore, #tpu.memory_space<semaphore_mem>>) src(%dma_wait3A_1367 : memref<128x128xf32, #tpu.memory_space<vmem>>) dst(%dma_wait3A_1373 : memref<131072x128xf32, #tpu.memory_space<hbm>>)
      %dma_wait3A_1374 = arith.constant 2 : i32
      %dma_wait3A_1375 = arith.constant 0 : i32
      %dma_wait3A_1376 = arith.constant 0 : i32
      %dma_wait3A_1377 = arith.constant 0 : i32
      %dma_wait3A_1378 = tpu.memref_slice %arg20[%dma_wait3A_1374, %dma_wait3A_1376, %dma_wait3A_1377] : memref<4x128x128xf32, #tpu.memory_space<vmem>> -> memref<1x128x128xf32, #tpu.memory_space<vmem>>
      %dma_wait3A_1379 = tpu.memref_squeeze %dma_wait3A_1378 : memref<1x128x128xf32, #tpu.memory_space<vmem>> -> memref<128x128xf32, #tpu.memory_space<vmem>>
      %dma_wait3A_1380 = arith.constant 0 : i32
      %dma_wait3A_1381 = tpu.memref_slice %arg16[%dma_wait3A_1375, %dma_wait3A_1380] : memref<34x128xi32, #tpu.memory_space<vmem>> -> memref<1x128xi32, #tpu.memory_space<vmem>>
      %dma_wait3A_1382 = tpu.memref_squeeze %dma_wait3A_1381 : memref<1x128xi32, #tpu.memory_space<vmem>> -> memref<128xi32, #tpu.memory_space<vmem>>
      %dma_wait3A_1383 = arith.constant 0 : i32
      %dma_wait3A_1384 = arith.constant 0 : i32
      %dma_wait3A_1385 = tpu.memref_slice %arg8[%dma_wait3A_1383, %dma_wait3A_1384] : memref<131072x128xf32, #tpu.memory_space<hbm>> -> memref<131072x128xf32, #tpu.memory_space<hbm>>
      tpu.wait_indirect_dma semaphore(%arg29 : memref<!tpu.dma_semaphore, #tpu.memory_space<semaphore_mem>>) src(%dma_wait3A_1379 : memref<128x128xf32, #tpu.memory_space<vmem>>) dst(%dma_wait3A_1385 : memref<131072x128xf32, #tpu.memory_space<hbm>>)
      %dma_wait3A_1386 = arith.constant 3 : i32
      %dma_wait3A_1387 = arith.constant 0 : i32
      %dma_wait3A_1388 = arith.constant 0 : i32
      %dma_wait3A_1389 = arith.constant 0 : i32
      %dma_wait3A_1390 = tpu.memref_slice %arg20[%dma_wait3A_1386, %dma_wait3A_1388, %dma_wait3A_1389] : memref<4x128x128xf32, #tpu.memory_space<vmem>> -> memref<1x128x128xf32, #tpu.memory_space<vmem>>
      %dma_wait3A_1391 = tpu.memref_squeeze %dma_wait3A_1390 : memref<1x128x128xf32, #tpu.memory_space<vmem>> -> memref<128x128xf32, #tpu.memory_space<vmem>>
      %dma_wait3A_1392 = arith.constant 0 : i32
      %dma_wait3A_1393 = tpu.memref_slice %arg16[%dma_wait3A_1387, %dma_wait3A_1392] : memref<34x128xi32, #tpu.memory_space<vmem>> -> memref<1x128xi32, #tpu.memory_space<vmem>>
      %dma_wait3A_1394 = tpu.memref_squeeze %dma_wait3A_1393 : memref<1x128xi32, #tpu.memory_space<vmem>> -> memref<128xi32, #tpu.memory_space<vmem>>
      %dma_wait3A_1395 = arith.constant 0 : i32
      %dma_wait3A_1396 = arith.constant 0 : i32
      %dma_wait3A_1397 = tpu.memref_slice %arg8[%dma_wait3A_1395, %dma_wait3A_1396] : memref<131072x128xf32, #tpu.memory_space<hbm>> -> memref<131072x128xf32, #tpu.memory_space<hbm>>
      tpu.wait_indirect_dma semaphore(%arg30 : memref<!tpu.dma_semaphore, #tpu.memory_space<semaphore_mem>>) src(%dma_wait3A_1391 : memref<128x128xf32, #tpu.memory_space<vmem>>) dst(%dma_wait3A_1397 : memref<131072x128xf32, #tpu.memory_space<hbm>>)
    } else {
    }
    "tpu.trace_stop"() : () -> ()
    "tpu.trace_start"() <{level = 10 : i32, message = "flush_b"}> : () -> ()
    %add3A_1267 = arith.constant 128 : i32
    %add3A_1268 = arith.addi %scan3A_774#3, %add3A_1267 : i32
    %sub3A_1269 = arith.constant 1 : i32
    %sub3A_1270 = arith.subi %add3A_1268, %sub3A_1269 : i32
    %jit3A_1271 = arith.constant 128 : i32
    %div3A_1272 = arith.divsi %sub3A_1270, %jit3A_1271 : i32
    %sign3A_1273 = arith.constant 0 : i32
    %sign3A_1274 = arith.cmpi sgt, %sub3A_1270, %sign3A_1273 : i32
    %sign3A_1275 = arith.extui %sign3A_1274 : i1 to i32
    %sign3A_1276 = arith.constant 0 : i32
    %sign3A_1277 = arith.cmpi slt, %sub3A_1270, %sign3A_1276 : i32
    %sign3A_1278 = arith.extui %sign3A_1277 : i1 to i32
    %sign3A_1279 = arith.subi %sign3A_1275, %sign3A_1278 : i32
    %sign3A_1280 = arith.constant 0 : i32
    %sign3A_1281 = arith.cmpi sgt, %jit3A_1271, %sign3A_1280 : i32
    %sign3A_1282 = arith.extui %sign3A_1281 : i1 to i32
    %sign3A_1283 = arith.constant 0 : i32
    %sign3A_1284 = arith.cmpi slt, %jit3A_1271, %sign3A_1283 : i32
    %sign3A_1285 = arith.extui %sign3A_1284 : i1 to i32
    %sign3A_1286 = arith.subi %sign3A_1282, %sign3A_1285 : i32
    %ne3A_1287 = arith.cmpi ne, %sign3A_1279, %sign3A_1286 : i32
    %rem3A_1288 = arith.remsi %sub3A_1270, %jit3A_1271 : i32
    %ne3A_1289 = arith.constant 0 : i32
    %ne3A_1290 = arith.cmpi ne, %rem3A_1288, %ne3A_1289 : i32
    %and3A_1291 = arith.andi %ne3A_1287, %ne3A_1290 : i1
    %sub3A_1292 = arith.constant 1 : i32
    %sub3A_1293 = arith.subi %div3A_1272, %sub3A_1292 : i32
    %select_n3A_1294 = arith.select %and3A_1291, %sub3A_1293, %div3A_1272 : i32
    %mul3A_1295 = arith.constant 128 : i32
    %mul3A_1296 = arith.muli %select_n3A_1294, %mul3A_1295 : i32
    %shift_right_logical3A_1297 = arith.constant 4 : i32
    %shift_right_logical3A_1298 = arith.shrui %scan3A_774#3, %shift_right_logical3A_1297 : i32
    %add3A_1299 = arith.constant 15 : i32
    %add3A_1300 = arith.addi %mul3A_1296, %add3A_1299 : i32
    %shift_right_logical3A_1301 = arith.constant 4 : i32
    %shift_right_logical3A_1302 = arith.shrui %add3A_1300, %shift_right_logical3A_1301 : i32
    %while3A_1303 = arith.constant 0 : i32
    %while3A_1304 = arith.subi %shift_right_logical3A_1302, %shift_right_logical3A_1298 : i32
    %while3A_1305 = arith.addi %shift_right_logical3A_1298, %while3A_1304 : i32
    %while3A_1306 = arith.constant 1 : i32
    %while3A_1307 = arith.divsi %while3A_1304, %while3A_1306 : i32
    %while3A_1308 = arith.muli %while3A_1307, %while3A_1306 : i32
    %while3A_1309 = arith.addi %shift_right_logical3A_1298, %while3A_1308 : i32
    %while3A_1310 = arith.constant 1 : i32
    %while3A_1311 = scf.for %while3A_1350 = %shift_right_logical3A_1298 to %while3A_1309 step %while3A_1310 iter_args(%while3A_1351 = %while3A_1303) -> (i32)  : i32 {
      %mul3A_1352 = arith.constant 16 : i32
      %mul3A_1353 = arith.muli %while3A_1350, %mul3A_1352 : i32
      %add3A_1354 = vector.broadcast %mul3A_1353 : i32 to vector<16xi32>
      %add3A_1355 = arith.addi %add3A_1354, %iota3A : vector<16xi32>
      %ge3A = vector.broadcast %scan3A_774#3 : i32 to vector<16xi32>
      %ge3A_1356 = arith.cmpi sge, %add3A_1355, %ge3A : vector<16xi32>
      %lt3A = vector.broadcast %mul3A_1296 : i32 to vector<16xi32>
      %lt3A_1357 = arith.cmpi slt, %add3A_1355, %lt3A : vector<16xi32>
      %and3A_1358 = arith.andi %ge3A_1356, %lt3A_1357 : vector<16xi1>
      %broadcast_in_dim3A = vector.broadcast %scan3A_774#5 : i32 to vector<16xi32>
      %shift_right_logical3A_1359 = arith.constant 7 : i32
      %shift_right_logical3A_1360 = vector.broadcast %shift_right_logical3A_1359 : i32 to vector<16xi32>
      %shift_right_logical3A_1361 = arith.shrui %add3A_1355, %shift_right_logical3A_1360 : vector<16xi32>
      %and3A_1362 = arith.constant 127 : i32
      %and3A_1363 = vector.broadcast %and3A_1362 : i32 to vector<16xi32>
      %and3A_1364 = arith.andi %add3A_1355, %and3A_1363 : vector<16xi32>
      tpu.vector_store_idx %arg17[%shift_right_logical3A_1361, %and3A_1364], %broadcast_in_dim3A masked %and3A_1358 : memref<34x128xi32, #tpu.memory_space<vmem>>[vector<16xi32>, vector<16xi32>], vector<16xi32>, vector<16xi1>
      %broadcast_in_dim3A_1365 = vector.broadcast %scan3A_774#6 : i32 to vector<16xi32>
      %shift_right_logical3A_1366 = arith.constant 7 : i32
      %shift_right_logical3A_1367 = vector.broadcast %shift_right_logical3A_1366 : i32 to vector<16xi32>
      %shift_right_logical3A_1368 = arith.shrui %add3A_1355, %shift_right_logical3A_1367 : vector<16xi32>
      %and3A_1369 = arith.constant 127 : i32
      %and3A_1370 = vector.broadcast %and3A_1369 : i32 to vector<16xi32>
      %and3A_1371 = arith.andi %add3A_1355, %and3A_1370 : vector<16xi32>
      tpu.vector_store_idx %arg18[%shift_right_logical3A_1368, %and3A_1371], %broadcast_in_dim3A_1365 masked %and3A_1358 : memref<34x128xi32, #tpu.memory_space<vmem>>[vector<16xi32>, vector<16xi32>], vector<16xi32>, vector<16xi1>
      %broadcast_in_dim3A_1372 = vector.broadcast %scan3A_774#4 : i32 to vector<16xi32>
      %shift_right_logical3A_1373 = arith.constant 7 : i32
      %shift_right_logical3A_1374 = vector.broadcast %shift_right_logical3A_1373 : i32 to vector<16xi32>
      %shift_right_logical3A_1375 = arith.shrui %add3A_1355, %shift_right_logical3A_1374 : vector<16xi32>
      %and3A_1376 = arith.constant 127 : i32
      %and3A_1377 = vector.broadcast %and3A_1376 : i32 to vector<16xi32>
      %and3A_1378 = arith.andi %add3A_1355, %and3A_1377 : vector<16xi32>
      tpu.vector_store_idx %arg19[%shift_right_logical3A_1375, %and3A_1378], %broadcast_in_dim3A_1372 masked %and3A_1358 : memref<34x128xi32, #tpu.memory_space<vmem>>[vector<16xi32>, vector<16xi32>], vector<16xi32>, vector<16xi1>
      %while3A_1379 = arith.constant 0 : i32
      scf.yield %while3A_1379 : i32
    }
    %while3A_1312 = arith.constant 1 : i32
    %while3A_1313 = scf.for %while3A_1350 = %while3A_1309 to %while3A_1305 step %while3A_1312 iter_args(%while3A_1351 = %while3A_1311) -> (i32)  : i32 {
      %mul3A_1352 = arith.constant 16 : i32
      %mul3A_1353 = arith.muli %while3A_1350, %mul3A_1352 : i32
      %add3A_1354 = vector.broadcast %mul3A_1353 : i32 to vector<16xi32>
      %add3A_1355 = arith.addi %add3A_1354, %iota3A : vector<16xi32>
      %ge3A = vector.broadcast %scan3A_774#3 : i32 to vector<16xi32>
      %ge3A_1356 = arith.cmpi sge, %add3A_1355, %ge3A : vector<16xi32>
      %lt3A = vector.broadcast %mul3A_1296 : i32 to vector<16xi32>
      %lt3A_1357 = arith.cmpi slt, %add3A_1355, %lt3A : vector<16xi32>
      %and3A_1358 = arith.andi %ge3A_1356, %lt3A_1357 : vector<16xi1>
      %broadcast_in_dim3A = vector.broadcast %scan3A_774#5 : i32 to vector<16xi32>
      %shift_right_logical3A_1359 = arith.constant 7 : i32
      %shift_right_logical3A_1360 = vector.broadcast %shift_right_logical3A_1359 : i32 to vector<16xi32>
      %shift_right_logical3A_1361 = arith.shrui %add3A_1355, %shift_right_logical3A_1360 : vector<16xi32>
      %and3A_1362 = arith.constant 127 : i32
      %and3A_1363 = vector.broadcast %and3A_1362 : i32 to vector<16xi32>
      %and3A_1364 = arith.andi %add3A_1355, %and3A_1363 : vector<16xi32>
      tpu.vector_store_idx %arg17[%shift_right_logical3A_1361, %and3A_1364], %broadcast_in_dim3A masked %and3A_1358 : memref<34x128xi32, #tpu.memory_space<vmem>>[vector<16xi32>, vector<16xi32>], vector<16xi32>, vector<16xi1>
      %broadcast_in_dim3A_1365 = vector.broadcast %scan3A_774#6 : i32 to vector<16xi32>
      %shift_right_logical3A_1366 = arith.constant 7 : i32
      %shift_right_logical3A_1367 = vector.broadcast %shift_right_logical3A_1366 : i32 to vector<16xi32>
      %shift_right_logical3A_1368 = arith.shrui %add3A_1355, %shift_right_logical3A_1367 : vector<16xi32>
      %and3A_1369 = arith.constant 127 : i32
      %and3A_1370 = vector.broadcast %and3A_1369 : i32 to vector<16xi32>
      %and3A_1371 = arith.andi %add3A_1355, %and3A_1370 : vector<16xi32>
      tpu.vector_store_idx %arg18[%shift_right_logical3A_1368, %and3A_1371], %broadcast_in_dim3A_1365 masked %and3A_1358 : memref<34x128xi32, #tpu.memory_space<vmem>>[vector<16xi32>, vector<16xi32>], vector<16xi32>, vector<16xi1>
      %broadcast_in_dim3A_1372 = vector.broadcast %scan3A_774#4 : i32 to vector<16xi32>
      %shift_right_logical3A_1373 = arith.constant 7 : i32
      %shift_right_logical3A_1374 = vector.broadcast %shift_right_logical3A_1373 : i32 to vector<16xi32>
      %shift_right_logical3A_1375 = arith.shrui %add3A_1355, %shift_right_logical3A_1374 : vector<16xi32>
      %and3A_1376 = arith.constant 127 : i32
      %and3A_1377 = vector.broadcast %and3A_1376 : i32 to vector<16xi32>
      %and3A_1378 = arith.andi %add3A_1355, %and3A_1377 : vector<16xi32>
      tpu.vector_store_idx %arg19[%shift_right_logical3A_1375, %and3A_1378], %broadcast_in_dim3A_1372 masked %and3A_1358 : memref<34x128xi32, #tpu.memory_space<vmem>>[vector<16xi32>, vector<16xi32>], vector<16xi32>, vector<16xi1>
      %while3A_1379 = arith.constant 0 : i32
      scf.yield %while3A_1379 : i32
    }
    %jit3A_1314 = arith.constant 128 : i32
    %div3A_1315 = arith.divsi %mul3A_1296, %jit3A_1314 : i32
    %sign3A_1316 = arith.constant 0 : i32
    %sign3A_1317 = arith.cmpi sgt, %mul3A_1296, %sign3A_1316 : i32
    %sign3A_1318 = arith.extui %sign3A_1317 : i1 to i32
    %sign3A_1319 = arith.constant 0 : i32
    %sign3A_1320 = arith.cmpi slt, %mul3A_1296, %sign3A_1319 : i32
    %sign3A_1321 = arith.extui %sign3A_1320 : i1 to i32
    %sign3A_1322 = arith.subi %sign3A_1318, %sign3A_1321 : i32
    %sign3A_1323 = arith.constant 0 : i32
    %sign3A_1324 = arith.cmpi sgt, %jit3A_1314, %sign3A_1323 : i32
    %sign3A_1325 = arith.extui %sign3A_1324 : i1 to i32
    %sign3A_1326 = arith.constant 0 : i32
    %sign3A_1327 = arith.cmpi slt, %jit3A_1314, %sign3A_1326 : i32
    %sign3A_1328 = arith.extui %sign3A_1327 : i1 to i32
    %sign3A_1329 = arith.subi %sign3A_1325, %sign3A_1328 : i32
    %ne3A_1330 = arith.cmpi ne, %sign3A_1322, %sign3A_1329 : i32
    %rem3A_1331 = arith.remsi %mul3A_1296, %jit3A_1314 : i32
    %ne3A_1332 = arith.constant 0 : i32
    %ne3A_1333 = arith.cmpi ne, %rem3A_1331, %ne3A_1332 : i32
    %and3A_1334 = arith.andi %ne3A_1330, %ne3A_1333 : i1
    %sub3A_1335 = arith.constant 1 : i32
    %sub3A_1336 = arith.subi %div3A_1315, %sub3A_1335 : i32
    %select_n3A_1337 = arith.select %and3A_1334, %sub3A_1336, %div3A_1315 : i32
    %while3A_1338 = arith.constant 0 : i32
    %while3A_1339 = arith.constant 0 : i32
    %while3A_1340 = arith.subi %select_n3A_1337, %while3A_1338 : i32
    %while3A_1341 = arith.addi %while3A_1338, %while3A_1340 : i32
    %while3A_1342 = arith.constant 1 : i32
    %while3A_1343 = arith.divsi %while3A_1340, %while3A_1342 : i32
    %while3A_1344 = arith.muli %while3A_1343, %while3A_1342 : i32
    %while3A_1345 = arith.addi %while3A_1338, %while3A_1344 : i32
    %while3A_1346 = arith.constant 1 : i32
    %while3A_1347 = scf.for %while3A_1350 = %while3A_1338 to %while3A_1345 step %while3A_1346 iter_args(%while3A_1351 = %while3A_1339) -> (i32)  : i32 {
      %dma_start3A_1352 = arith.constant 0 : i32
      %dma_start3A_1353 = arith.constant 0 : i32
      %dma_start3A_1354 = arith.constant 0 : i32
      %dma_start3A_1355 = tpu.memref_slice %arg20[%dma_start3A_1352, %dma_start3A_1353, %dma_start3A_1354] : memref<4x128x128xf32, #tpu.memory_space<vmem>> -> memref<1x128x128xf32, #tpu.memory_space<vmem>>
      %dma_start3A_1356 = tpu.memref_squeeze %dma_start3A_1355 : memref<1x128x128xf32, #tpu.memory_space<vmem>> -> memref<128x128xf32, #tpu.memory_space<vmem>>
      %dma_start3A_1357 = arith.constant 0 : i32
      %dma_start3A_1358 = tpu.memref_slice %arg17[%while3A_1350, %dma_start3A_1357] : memref<34x128xi32, #tpu.memory_space<vmem>> -> memref<1x128xi32, #tpu.memory_space<vmem>>
      %dma_start3A_1359 = tpu.memref_squeeze %dma_start3A_1358 : memref<1x128xi32, #tpu.memory_space<vmem>> -> memref<128xi32, #tpu.memory_space<vmem>>
      %dma_start3A_1360 = arith.constant 0 : i32
      %dma_start3A_1361 = arith.constant 0 : i32
      %dma_start3A_1362 = tpu.memref_slice %arg2[%dma_start3A_1360, %dma_start3A_1361] : memref<6147x128xf32, #tpu.memory_space<hbm>> -> memref<6147x128xf32, #tpu.memory_space<hbm>>
      tpu.enqueue_indirect_dma source(%dma_start3A_1362 : memref<6147x128xf32, #tpu.memory_space<hbm>>) target(%dma_start3A_1356 : memref<128x128xf32, #tpu.memory_space<vmem>>) offsets(%dma_start3A_1359 : memref<128xi32, #tpu.memory_space<vmem>>) semaphore(%arg23 : memref<!tpu.dma_semaphore, #tpu.memory_space<semaphore_mem>>)
      %dma_start3A_1363 = arith.constant 1 : i32
      %dma_start3A_1364 = arith.constant 0 : i32
      %dma_start3A_1365 = arith.constant 0 : i32
      %dma_start3A_1366 = tpu.memref_slice %arg20[%dma_start3A_1363, %dma_start3A_1364, %dma_start3A_1365] : memref<4x128x128xf32, #tpu.memory_space<vmem>> -> memref<1x128x128xf32, #tpu.memory_space<vmem>>
      %dma_start3A_1367 = tpu.memref_squeeze %dma_start3A_1366 : memref<1x128x128xf32, #tpu.memory_space<vmem>> -> memref<128x128xf32, #tpu.memory_space<vmem>>
      %dma_start3A_1368 = arith.constant 0 : i32
      %dma_start3A_1369 = tpu.memref_slice %arg18[%while3A_1350, %dma_start3A_1368] : memref<34x128xi32, #tpu.memory_space<vmem>> -> memref<1x128xi32, #tpu.memory_space<vmem>>
      %dma_start3A_1370 = tpu.memref_squeeze %dma_start3A_1369 : memref<1x128xi32, #tpu.memory_space<vmem>> -> memref<128xi32, #tpu.memory_space<vmem>>
      %dma_start3A_1371 = arith.constant 0 : i32
      %dma_start3A_1372 = arith.constant 0 : i32
      %dma_start3A_1373 = tpu.memref_slice %arg2[%dma_start3A_1371, %dma_start3A_1372] : memref<6147x128xf32, #tpu.memory_space<hbm>> -> memref<6147x128xf32, #tpu.memory_space<hbm>>
      tpu.enqueue_indirect_dma source(%dma_start3A_1373 : memref<6147x128xf32, #tpu.memory_space<hbm>>) target(%dma_start3A_1367 : memref<128x128xf32, #tpu.memory_space<vmem>>) offsets(%dma_start3A_1370 : memref<128xi32, #tpu.memory_space<vmem>>) semaphore(%arg24 : memref<!tpu.dma_semaphore, #tpu.memory_space<semaphore_mem>>)
      %dma_wait3A_1374 = arith.constant 0 : i32
      %dma_wait3A_1375 = arith.constant 0 : i32
      %dma_wait3A_1376 = arith.constant 0 : i32
      %dma_wait3A_1377 = tpu.memref_slice %arg20[%dma_wait3A_1374, %dma_wait3A_1375, %dma_wait3A_1376] : memref<4x128x128xf32, #tpu.memory_space<vmem>> -> memref<1x128x128xf32, #tpu.memory_space<vmem>>
      %dma_wait3A_1378 = tpu.memref_squeeze %dma_wait3A_1377 : memref<1x128x128xf32, #tpu.memory_space<vmem>> -> memref<128x128xf32, #tpu.memory_space<vmem>>
      %dma_wait3A_1379 = arith.constant 0 : i32
      %dma_wait3A_1380 = tpu.memref_slice %arg17[%while3A_1350, %dma_wait3A_1379] : memref<34x128xi32, #tpu.memory_space<vmem>> -> memref<1x128xi32, #tpu.memory_space<vmem>>
      %dma_wait3A_1381 = tpu.memref_squeeze %dma_wait3A_1380 : memref<1x128xi32, #tpu.memory_space<vmem>> -> memref<128xi32, #tpu.memory_space<vmem>>
      %dma_wait3A_1382 = arith.constant 0 : i32
      %dma_wait3A_1383 = arith.constant 0 : i32
      %dma_wait3A_1384 = tpu.memref_slice %arg2[%dma_wait3A_1382, %dma_wait3A_1383] : memref<6147x128xf32, #tpu.memory_space<hbm>> -> memref<6147x128xf32, #tpu.memory_space<hbm>>
      tpu.wait_indirect_dma semaphore(%arg23 : memref<!tpu.dma_semaphore, #tpu.memory_space<semaphore_mem>>) src(%dma_wait3A_1384 : memref<6147x128xf32, #tpu.memory_space<hbm>>) dst(%dma_wait3A_1378 : memref<128x128xf32, #tpu.memory_space<vmem>>)
      %dma_wait3A_1385 = arith.constant 1 : i32
      %dma_wait3A_1386 = arith.constant 0 : i32
      %dma_wait3A_1387 = arith.constant 0 : i32
      %dma_wait3A_1388 = tpu.memref_slice %arg20[%dma_wait3A_1385, %dma_wait3A_1386, %dma_wait3A_1387] : memref<4x128x128xf32, #tpu.memory_space<vmem>> -> memref<1x128x128xf32, #tpu.memory_space<vmem>>
      %dma_wait3A_1389 = tpu.memref_squeeze %dma_wait3A_1388 : memref<1x128x128xf32, #tpu.memory_space<vmem>> -> memref<128x128xf32, #tpu.memory_space<vmem>>
      %dma_wait3A_1390 = arith.constant 0 : i32
      %dma_wait3A_1391 = tpu.memref_slice %arg18[%while3A_1350, %dma_wait3A_1390] : memref<34x128xi32, #tpu.memory_space<vmem>> -> memref<1x128xi32, #tpu.memory_space<vmem>>
      %dma_wait3A_1392 = tpu.memref_squeeze %dma_wait3A_1391 : memref<1x128xi32, #tpu.memory_space<vmem>> -> memref<128xi32, #tpu.memory_space<vmem>>
      %dma_wait3A_1393 = arith.constant 0 : i32
      %dma_wait3A_1394 = arith.constant 0 : i32
      %dma_wait3A_1395 = tpu.memref_slice %arg2[%dma_wait3A_1393, %dma_wait3A_1394] : memref<6147x128xf32, #tpu.memory_space<hbm>> -> memref<6147x128xf32, #tpu.memory_space<hbm>>
      tpu.wait_indirect_dma semaphore(%arg24 : memref<!tpu.dma_semaphore, #tpu.memory_space<semaphore_mem>>) src(%dma_wait3A_1395 : memref<6147x128xf32, #tpu.memory_space<hbm>>) dst(%dma_wait3A_1389 : memref<128x128xf32, #tpu.memory_space<vmem>>)
      %scan3A_1396 = arith.constant 0 : i32
      %scan3A_1397 = arith.constant 0 : i32
      %scan3A_1398 = arith.constant 1024 : i32
      %scan3A_1399 = arith.addi %scan3A_1397, %scan3A_1398 : i32
      %scan3A_1400 = arith.constant 1 : i32
      %scan3A_1401 = scf.for %scan3A_1426 = %scan3A_1397 to %scan3A_1399 step %scan3A_1400 iter_args(%scan3A_1427 = %scan3A_1396) -> (i32)  : i32 {
        %jit3A_1428 = arith.constant 8 : i32
        %div3A_1429 = arith.divsi %scan3A_1426, %jit3A_1428 : i32
        %sign3A_1430 = arith.constant 0 : i32
        %sign3A_1431 = arith.cmpi sgt, %scan3A_1426, %sign3A_1430 : i32
        %sign3A_1432 = arith.extui %sign3A_1431 : i1 to i32
        %sign3A_1433 = arith.constant 0 : i32
        %sign3A_1434 = arith.cmpi slt, %scan3A_1426, %sign3A_1433 : i32
        %sign3A_1435 = arith.extui %sign3A_1434 : i1 to i32
        %sign3A_1436 = arith.subi %sign3A_1432, %sign3A_1435 : i32
        %sign3A_1437 = arith.constant 0 : i32
        %sign3A_1438 = arith.cmpi sgt, %jit3A_1428, %sign3A_1437 : i32
        %sign3A_1439 = arith.extui %sign3A_1438 : i1 to i32
        %sign3A_1440 = arith.constant 0 : i32
        %sign3A_1441 = arith.cmpi slt, %jit3A_1428, %sign3A_1440 : i32
        %sign3A_1442 = arith.extui %sign3A_1441 : i1 to i32
        %sign3A_1443 = arith.subi %sign3A_1439, %sign3A_1442 : i32
        %ne3A_1444 = arith.cmpi ne, %sign3A_1436, %sign3A_1443 : i32
        %rem3A_1445 = arith.remsi %scan3A_1426, %jit3A_1428 : i32
        %ne3A_1446 = arith.constant 0 : i32
        %ne3A_1447 = arith.cmpi ne, %rem3A_1445, %ne3A_1446 : i32
        %and3A_1448 = arith.andi %ne3A_1444, %ne3A_1447 : i1
        %sub3A_1449 = arith.constant 1 : i32
        %sub3A_1450 = arith.subi %div3A_1429, %sub3A_1449 : i32
        %select_n3A_1451 = arith.select %and3A_1448, %sub3A_1450, %div3A_1429 : i32
        %jit3A_1452 = arith.constant 8 : i32
        %eq3A = arith.constant 0 : i32
        %eq3A_1453 = arith.cmpi eq, %jit3A_1452, %eq3A : i32
        %jit3A_1454 = arith.constant 1 : i32
        %select_n3A_1455 = arith.select %eq3A_1453, %jit3A_1454, %jit3A_1452 : i32
        %rem3A_1456 = arith.remsi %scan3A_1426, %select_n3A_1455 : i32
        %ne3A_1457 = arith.constant 0 : i32
        %ne3A_1458 = arith.cmpi ne, %rem3A_1456, %ne3A_1457 : i32
        %lt3A = arith.constant 0 : i32
        %lt3A_1459 = arith.cmpi slt, %rem3A_1456, %lt3A : i32
        %lt3A_1460 = arith.constant 0 : i32
        %lt3A_1461 = arith.cmpi slt, %select_n3A_1455, %lt3A_1460 : i32
        %ne3A_1462 = arith.xori %lt3A_1459, %lt3A_1461 : i1
        %and3A_1463 = arith.andi %ne3A_1462, %ne3A_1458 : i1
        %add3A_1464 = arith.addi %rem3A_1456, %select_n3A_1455 : i32
        %select_n3A_1465 = arith.select %and3A_1463, %add3A_1464, %rem3A_1456 : i32
        %mul3A_1466 = arith.constant 16 : i32
        %mul3A_1467 = arith.muli %select_n3A_1465, %mul3A_1466 : i32
        %get3A = arith.constant 0 : i32
        %get3A_1468 = arith.index_cast %get3A : i32 to index
        %get3A_1469 = arith.index_cast %select_n3A_1451 : i32 to index
        %get3A_1470 = arith.index_cast %mul3A_1467 : i32 to index
        %get3A_1471 = tpu.vector_load %arg20[%get3A_1468, %get3A_1469, %get3A_1470] {strides = array<i32>} : memref<4x128x128xf32, #tpu.memory_space<vmem>>, vector<16xf32>,
        %get3A_1472 = arith.constant 1 : i32
        %get3A_1473 = arith.index_cast %get3A_1472 : i32 to index
        %get3A_1474 = arith.index_cast %select_n3A_1451 : i32 to index
        %get3A_1475 = arith.index_cast %mul3A_1467 : i32 to index
        %get3A_1476 = tpu.vector_load %arg20[%get3A_1473, %get3A_1474, %get3A_1475] {strides = array<i32>} : memref<4x128x128xf32, #tpu.memory_space<vmem>>, vector<16xf32>,
        %add3A_1477 = arith.addf %get3A_1471, %get3A_1476 : vector<16xf32>
        %swap3A = arith.constant 0 : i32
        %swap3A_1478 = arith.index_cast %swap3A : i32 to index
        %swap3A_1479 = arith.index_cast %select_n3A_1451 : i32 to index
        %swap3A_1480 = arith.index_cast %mul3A_1467 : i32 to index
        %swap3A_1481 = tpu.vector_load %arg20[%swap3A_1478, %swap3A_1479, %swap3A_1480] {strides = array<i32>} : memref<4x128x128xf32, #tpu.memory_space<vmem>>, vector<16xf32>,
        tpu.vector_store %arg20[%swap3A_1478, %swap3A_1479, %swap3A_1480], %add3A_1477 {strides = array<i32>} : memref<4x128x128xf32, #tpu.memory_space<vmem>>, vector<16xf32>,
        %scan3A_1482 = arith.constant 0 : i32
        scf.yield %scan3A_1482 : i32
      }
      %scan3A_1402 = arith.constant 1024 : i32
      %dma_start3A_1403 = arith.constant 0 : i32
      %dma_start3A_1404 = arith.constant 0 : i32
      %dma_start3A_1405 = arith.constant 0 : i32
      %dma_start3A_1406 = tpu.memref_slice %arg20[%dma_start3A_1403, %dma_start3A_1404, %dma_start3A_1405] : memref<4x128x128xf32, #tpu.memory_space<vmem>> -> memref<1x128x128xf32, #tpu.memory_space<vmem>>
      %dma_start3A_1407 = tpu.memref_squeeze %dma_start3A_1406 : memref<1x128x128xf32, #tpu.memory_space<vmem>> -> memref<128x128xf32, #tpu.memory_space<vmem>>
      %dma_start3A_1408 = arith.constant 0 : i32
      %dma_start3A_1409 = tpu.memref_slice %arg19[%while3A_1350, %dma_start3A_1408] : memref<34x128xi32, #tpu.memory_space<vmem>> -> memref<1x128xi32, #tpu.memory_space<vmem>>
      %dma_start3A_1410 = tpu.memref_squeeze %dma_start3A_1409 : memref<1x128xi32, #tpu.memory_space<vmem>> -> memref<128xi32, #tpu.memory_space<vmem>>
      %dma_start3A_1411 = arith.constant 0 : i32
      %dma_start3A_1412 = arith.constant 0 : i32
      %dma_start3A_1413 = tpu.memref_slice %arg8[%dma_start3A_1411, %dma_start3A_1412] : memref<131072x128xf32, #tpu.memory_space<hbm>> -> memref<131072x128xf32, #tpu.memory_space<hbm>>
      tpu.enqueue_indirect_dma source(%dma_start3A_1407 : memref<128x128xf32, #tpu.memory_space<vmem>>) target(%dma_start3A_1413 : memref<131072x128xf32, #tpu.memory_space<hbm>>) offsets(%dma_start3A_1410 : memref<128xi32, #tpu.memory_space<vmem>>) semaphore(%arg27 : memref<!tpu.dma_semaphore, #tpu.memory_space<semaphore_mem>>)
      %dma_wait3A_1414 = arith.constant 0 : i32
      %dma_wait3A_1415 = arith.constant 0 : i32
      %dma_wait3A_1416 = arith.constant 0 : i32
      %dma_wait3A_1417 = tpu.memref_slice %arg20[%dma_wait3A_1414, %dma_wait3A_1415, %dma_wait3A_1416] : memref<4x128x128xf32, #tpu.memory_space<vmem>> -> memref<1x128x128xf32, #tpu.memory_space<vmem>>
      %dma_wait3A_1418 = tpu.memref_squeeze %dma_wait3A_1417 : memref<1x128x128xf32, #tpu.memory_space<vmem>> -> memref<128x128xf32, #tpu.memory_space<vmem>>
      %dma_wait3A_1419 = arith.constant 0 : i32
      %dma_wait3A_1420 = tpu.memref_slice %arg19[%while3A_1350, %dma_wait3A_1419] : memref<34x128xi32, #tpu.memory_space<vmem>> -> memref<1x128xi32, #tpu.memory_space<vmem>>
      %dma_wait3A_1421 = tpu.memref_squeeze %dma_wait3A_1420 : memref<1x128xi32, #tpu.memory_space<vmem>> -> memref<128xi32, #tpu.memory_space<vmem>>
      %dma_wait3A_1422 = arith.constant 0 : i32
      %dma_wait3A_1423 = arith.constant 0 : i32
      %dma_wait3A_1424 = tpu.memref_slice %arg8[%dma_wait3A_1422, %dma_wait3A_1423] : memref<131072x128xf32, #tpu.memory_space<hbm>> -> memref<131072x128xf32, #tpu.memory_space<hbm>>
      tpu.wait_indirect_dma semaphore(%arg27 : memref<!tpu.dma_semaphore, #tpu.memory_space<semaphore_mem>>) src(%dma_wait3A_1418 : memref<128x128xf32, #tpu.memory_space<vmem>>) dst(%dma_wait3A_1424 : memref<131072x128xf32, #tpu.memory_space<hbm>>)
      %while3A_1425 = arith.constant 0 : i32
      scf.yield %while3A_1425 : i32
    }
    %while3A_1348 = arith.constant 1 : i32
    %while3A_1349 = scf.for %while3A_1350 = %while3A_1345 to %while3A_1341 step %while3A_1348 iter_args(%while3A_1351 = %while3A_1347) -> (i32)  : i32 {
      %dma_start3A_1352 = arith.constant 0 : i32
      %dma_start3A_1353 = arith.constant 0 : i32
      %dma_start3A_1354 = arith.constant 0 : i32
      %dma_start3A_1355 = tpu.memref_slice %arg20[%dma_start3A_1352, %dma_start3A_1353, %dma_start3A_1354] : memref<4x128x128xf32, #tpu.memory_space<vmem>> -> memref<1x128x128xf32, #tpu.memory_space<vmem>>
      %dma_start3A_1356 = tpu.memref_squeeze %dma_start3A_1355 : memref<1x128x128xf32, #tpu.memory_space<vmem>> -> memref<128x128xf32, #tpu.memory_space<vmem>>
      %dma_start3A_1357 = arith.constant 0 : i32
      %dma_start3A_1358 = tpu.memref_slice %arg17[%while3A_1350, %dma_start3A_1357] : memref<34x128xi32, #tpu.memory_space<vmem>> -> memref<1x128xi32, #tpu.memory_space<vmem>>
      %dma_start3A_1359 = tpu.memref_squeeze %dma_start3A_1358 : memref<1x128xi32, #tpu.memory_space<vmem>> -> memref<128xi32, #tpu.memory_space<vmem>>
      %dma_start3A_1360 = arith.constant 0 : i32
      %dma_start3A_1361 = arith.constant 0 : i32
      %dma_start3A_1362 = tpu.memref_slice %arg2[%dma_start3A_1360, %dma_start3A_1361] : memref<6147x128xf32, #tpu.memory_space<hbm>> -> memref<6147x128xf32, #tpu.memory_space<hbm>>
      tpu.enqueue_indirect_dma source(%dma_start3A_1362 : memref<6147x128xf32, #tpu.memory_space<hbm>>) target(%dma_start3A_1356 : memref<128x128xf32, #tpu.memory_space<vmem>>) offsets(%dma_start3A_1359 : memref<128xi32, #tpu.memory_space<vmem>>) semaphore(%arg23 : memref<!tpu.dma_semaphore, #tpu.memory_space<semaphore_mem>>)
      %dma_start3A_1363 = arith.constant 1 : i32
      %dma_start3A_1364 = arith.constant 0 : i32
      %dma_start3A_1365 = arith.constant 0 : i32
      %dma_start3A_1366 = tpu.memref_slice %arg20[%dma_start3A_1363, %dma_start3A_1364, %dma_start3A_1365] : memref<4x128x128xf32, #tpu.memory_space<vmem>> -> memref<1x128x128xf32, #tpu.memory_space<vmem>>
      %dma_start3A_1367 = tpu.memref_squeeze %dma_start3A_1366 : memref<1x128x128xf32, #tpu.memory_space<vmem>> -> memref<128x128xf32, #tpu.memory_space<vmem>>
      %dma_start3A_1368 = arith.constant 0 : i32
      %dma_start3A_1369 = tpu.memref_slice %arg18[%while3A_1350, %dma_start3A_1368] : memref<34x128xi32, #tpu.memory_space<vmem>> -> memref<1x128xi32, #tpu.memory_space<vmem>>
      %dma_start3A_1370 = tpu.memref_squeeze %dma_start3A_1369 : memref<1x128xi32, #tpu.memory_space<vmem>> -> memref<128xi32, #tpu.memory_space<vmem>>
      %dma_start3A_1371 = arith.constant 0 : i32
      %dma_start3A_1372 = arith.constant 0 : i32
      %dma_start3A_1373 = tpu.memref_slice %arg2[%dma_start3A_1371, %dma_start3A_1372] : memref<6147x128xf32, #tpu.memory_space<hbm>> -> memref<6147x128xf32, #tpu.memory_space<hbm>>
      tpu.enqueue_indirect_dma source(%dma_start3A_1373 : memref<6147x128xf32, #tpu.memory_space<hbm>>) target(%dma_start3A_1367 : memref<128x128xf32, #tpu.memory_space<vmem>>) offsets(%dma_start3A_1370 : memref<128xi32, #tpu.memory_space<vmem>>) semaphore(%arg24 : memref<!tpu.dma_semaphore, #tpu.memory_space<semaphore_mem>>)
      %dma_wait3A_1374 = arith.constant 0 : i32
      %dma_wait3A_1375 = arith.constant 0 : i32
      %dma_wait3A_1376 = arith.constant 0 : i32
      %dma_wait3A_1377 = tpu.memref_slice %arg20[%dma_wait3A_1374, %dma_wait3A_1375, %dma_wait3A_1376] : memref<4x128x128xf32, #tpu.memory_space<vmem>> -> memref<1x128x128xf32, #tpu.memory_space<vmem>>
      %dma_wait3A_1378 = tpu.memref_squeeze %dma_wait3A_1377 : memref<1x128x128xf32, #tpu.memory_space<vmem>> -> memref<128x128xf32, #tpu.memory_space<vmem>>
      %dma_wait3A_1379 = arith.constant 0 : i32
      %dma_wait3A_1380 = tpu.memref_slice %arg17[%while3A_1350, %dma_wait3A_1379] : memref<34x128xi32, #tpu.memory_space<vmem>> -> memref<1x128xi32, #tpu.memory_space<vmem>>
      %dma_wait3A_1381 = tpu.memref_squeeze %dma_wait3A_1380 : memref<1x128xi32, #tpu.memory_space<vmem>> -> memref<128xi32, #tpu.memory_space<vmem>>
      %dma_wait3A_1382 = arith.constant 0 : i32
      %dma_wait3A_1383 = arith.constant 0 : i32
      %dma_wait3A_1384 = tpu.memref_slice %arg2[%dma_wait3A_1382, %dma_wait3A_1383] : memref<6147x128xf32, #tpu.memory_space<hbm>> -> memref<6147x128xf32, #tpu.memory_space<hbm>>
      tpu.wait_indirect_dma semaphore(%arg23 : memref<!tpu.dma_semaphore, #tpu.memory_space<semaphore_mem>>) src(%dma_wait3A_1384 : memref<6147x128xf32, #tpu.memory_space<hbm>>) dst(%dma_wait3A_1378 : memref<128x128xf32, #tpu.memory_space<vmem>>)
      %dma_wait3A_1385 = arith.constant 1 : i32
      %dma_wait3A_1386 = arith.constant 0 : i32
      %dma_wait3A_1387 = arith.constant 0 : i32
      %dma_wait3A_1388 = tpu.memref_slice %arg20[%dma_wait3A_1385, %dma_wait3A_1386, %dma_wait3A_1387] : memref<4x128x128xf32, #tpu.memory_space<vmem>> -> memref<1x128x128xf32, #tpu.memory_space<vmem>>
      %dma_wait3A_1389 = tpu.memref_squeeze %dma_wait3A_1388 : memref<1x128x128xf32, #tpu.memory_space<vmem>> -> memref<128x128xf32, #tpu.memory_space<vmem>>
      %dma_wait3A_1390 = arith.constant 0 : i32
      %dma_wait3A_1391 = tpu.memref_slice %arg18[%while3A_1350, %dma_wait3A_1390] : memref<34x128xi32, #tpu.memory_space<vmem>> -> memref<1x128xi32, #tpu.memory_space<vmem>>
      %dma_wait3A_1392 = tpu.memref_squeeze %dma_wait3A_1391 : memref<1x128xi32, #tpu.memory_space<vmem>> -> memref<128xi32, #tpu.memory_space<vmem>>
      %dma_wait3A_1393 = arith.constant 0 : i32
      %dma_wait3A_1394 = arith.constant 0 : i32
      %dma_wait3A_1395 = tpu.memref_slice %arg2[%dma_wait3A_1393, %dma_wait3A_1394] : memref<6147x128xf32, #tpu.memory_space<hbm>> -> memref<6147x128xf32, #tpu.memory_space<hbm>>
      tpu.wait_indirect_dma semaphore(%arg24 : memref<!tpu.dma_semaphore, #tpu.memory_space<semaphore_mem>>) src(%dma_wait3A_1395 : memref<6147x128xf32, #tpu.memory_space<hbm>>) dst(%dma_wait3A_1389 : memref<128x128xf32, #tpu.memory_space<vmem>>)
      %scan3A_1396 = arith.constant 0 : i32
      %scan3A_1397 = arith.constant 0 : i32
      %scan3A_1398 = arith.constant 1024 : i32
      %scan3A_1399 = arith.addi %scan3A_1397, %scan3A_1398 : i32
      %scan3A_1400 = arith.constant 1 : i32
      %scan3A_1401 = scf.for %scan3A_1426 = %scan3A_1397 to %scan3A_1399 step %scan3A_1400 iter_args(%scan3A_1427 = %scan3A_1396) -> (i32)  : i32 {
        %jit3A_1428 = arith.constant 8 : i32
        %div3A_1429 = arith.divsi %scan3A_1426, %jit3A_1428 : i32
        %sign3A_1430 = arith.constant 0 : i32
        %sign3A_1431 = arith.cmpi sgt, %scan3A_1426, %sign3A_1430 : i32
        %sign3A_1432 = arith.extui %sign3A_1431 : i1 to i32
        %sign3A_1433 = arith.constant 0 : i32
        %sign3A_1434 = arith.cmpi slt, %scan3A_1426, %sign3A_1433 : i32
        %sign3A_1435 = arith.extui %sign3A_1434 : i1 to i32
        %sign3A_1436 = arith.subi %sign3A_1432, %sign3A_1435 : i32
        %sign3A_1437 = arith.constant 0 : i32
        %sign3A_1438 = arith.cmpi sgt, %jit3A_1428, %sign3A_1437 : i32
        %sign3A_1439 = arith.extui %sign3A_1438 : i1 to i32
        %sign3A_1440 = arith.constant 0 : i32
        %sign3A_1441 = arith.cmpi slt, %jit3A_1428, %sign3A_1440 : i32
        %sign3A_1442 = arith.extui %sign3A_1441 : i1 to i32
        %sign3A_1443 = arith.subi %sign3A_1439, %sign3A_1442 : i32
        %ne3A_1444 = arith.cmpi ne, %sign3A_1436, %sign3A_1443 : i32
        %rem3A_1445 = arith.remsi %scan3A_1426, %jit3A_1428 : i32
        %ne3A_1446 = arith.constant 0 : i32
        %ne3A_1447 = arith.cmpi ne, %rem3A_1445, %ne3A_1446 : i32
        %and3A_1448 = arith.andi %ne3A_1444, %ne3A_1447 : i1
        %sub3A_1449 = arith.constant 1 : i32
        %sub3A_1450 = arith.subi %div3A_1429, %sub3A_1449 : i32
        %select_n3A_1451 = arith.select %and3A_1448, %sub3A_1450, %div3A_1429 : i32
        %jit3A_1452 = arith.constant 8 : i32
        %eq3A = arith.constant 0 : i32
        %eq3A_1453 = arith.cmpi eq, %jit3A_1452, %eq3A : i32
        %jit3A_1454 = arith.constant 1 : i32
        %select_n3A_1455 = arith.select %eq3A_1453, %jit3A_1454, %jit3A_1452 : i32
        %rem3A_1456 = arith.remsi %scan3A_1426, %select_n3A_1455 : i32
        %ne3A_1457 = arith.constant 0 : i32
        %ne3A_1458 = arith.cmpi ne, %rem3A_1456, %ne3A_1457 : i32
        %lt3A = arith.constant 0 : i32
        %lt3A_1459 = arith.cmpi slt, %rem3A_1456, %lt3A : i32
        %lt3A_1460 = arith.constant 0 : i32
        %lt3A_1461 = arith.cmpi slt, %select_n3A_1455, %lt3A_1460 : i32
        %ne3A_1462 = arith.xori %lt3A_1459, %lt3A_1461 : i1
        %and3A_1463 = arith.andi %ne3A_1462, %ne3A_1458 : i1
        %add3A_1464 = arith.addi %rem3A_1456, %select_n3A_1455 : i32
        %select_n3A_1465 = arith.select %and3A_1463, %add3A_1464, %rem3A_1456 : i32
        %mul3A_1466 = arith.constant 16 : i32
        %mul3A_1467 = arith.muli %select_n3A_1465, %mul3A_1466 : i32
        %get3A = arith.constant 0 : i32
        %get3A_1468 = arith.index_cast %get3A : i32 to index
        %get3A_1469 = arith.index_cast %select_n3A_1451 : i32 to index
        %get3A_1470 = arith.index_cast %mul3A_1467 : i32 to index
        %get3A_1471 = tpu.vector_load %arg20[%get3A_1468, %get3A_1469, %get3A_1470] {strides = array<i32>} : memref<4x128x128xf32, #tpu.memory_space<vmem>>, vector<16xf32>,
        %get3A_1472 = arith.constant 1 : i32
        %get3A_1473 = arith.index_cast %get3A_1472 : i32 to index
        %get3A_1474 = arith.index_cast %select_n3A_1451 : i32 to index
        %get3A_1475 = arith.index_cast %mul3A_1467 : i32 to index
        %get3A_1476 = tpu.vector_load %arg20[%get3A_1473, %get3A_1474, %get3A_1475] {strides = array<i32>} : memref<4x128x128xf32, #tpu.memory_space<vmem>>, vector<16xf32>,
        %add3A_1477 = arith.addf %get3A_1471, %get3A_1476 : vector<16xf32>
        %swap3A = arith.constant 0 : i32
        %swap3A_1478 = arith.index_cast %swap3A : i32 to index
        %swap3A_1479 = arith.index_cast %select_n3A_1451 : i32 to index
        %swap3A_1480 = arith.index_cast %mul3A_1467 : i32 to index
        %swap3A_1481 = tpu.vector_load %arg20[%swap3A_1478, %swap3A_1479, %swap3A_1480] {strides = array<i32>} : memref<4x128x128xf32, #tpu.memory_space<vmem>>, vector<16xf32>,
        tpu.vector_store %arg20[%swap3A_1478, %swap3A_1479, %swap3A_1480], %add3A_1477 {strides = array<i32>} : memref<4x128x128xf32, #tpu.memory_space<vmem>>, vector<16xf32>,
        %scan3A_1482 = arith.constant 0 : i32
        scf.yield %scan3A_1482 : i32
      }
      %scan3A_1402 = arith.constant 1024 : i32
      %dma_start3A_1403 = arith.constant 0 : i32
      %dma_start3A_1404 = arith.constant 0 : i32
      %dma_start3A_1405 = arith.constant 0 : i32
      %dma_start3A_1406 = tpu.memref_slice %arg20[%dma_start3A_1403, %dma_start3A_1404, %dma_start3A_1405] : memref<4x128x128xf32, #tpu.memory_space<vmem>> -> memref<1x128x128xf32, #tpu.memory_space<vmem>>
      %dma_start3A_1407 = tpu.memref_squeeze %dma_start3A_1406 : memref<1x128x128xf32, #tpu.memory_space<vmem>> -> memref<128x128xf32, #tpu.memory_space<vmem>>
      %dma_start3A_1408 = arith.constant 0 : i32
      %dma_start3A_1409 = tpu.memref_slice %arg19[%while3A_1350, %dma_start3A_1408] : memref<34x128xi32, #tpu.memory_space<vmem>> -> memref<1x128xi32, #tpu.memory_space<vmem>>
      %dma_start3A_1410 = tpu.memref_squeeze %dma_start3A_1409 : memref<1x128xi32, #tpu.memory_space<vmem>> -> memref<128xi32, #tpu.memory_space<vmem>>
      %dma_start3A_1411 = arith.constant 0 : i32
      %dma_start3A_1412 = arith.constant 0 : i32
      %dma_start3A_1413 = tpu.memref_slice %arg8[%dma_start3A_1411, %dma_start3A_1412] : memref<131072x128xf32, #tpu.memory_space<hbm>> -> memref<131072x128xf32, #tpu.memory_space<hbm>>
      tpu.enqueue_indirect_dma source(%dma_start3A_1407 : memref<128x128xf32, #tpu.memory_space<vmem>>) target(%dma_start3A_1413 : memref<131072x128xf32, #tpu.memory_space<hbm>>) offsets(%dma_start3A_1410 : memref<128xi32, #tpu.memory_space<vmem>>) semaphore(%arg27 : memref<!tpu.dma_semaphore, #tpu.memory_space<semaphore_mem>>)
      %dma_wait3A_1414 = arith.constant 0 : i32
      %dma_wait3A_1415 = arith.constant 0 : i32
      %dma_wait3A_1416 = arith.constant 0 : i32
      %dma_wait3A_1417 = tpu.memref_slice %arg20[%dma_wait3A_1414, %dma_wait3A_1415, %dma_wait3A_1416] : memref<4x128x128xf32, #tpu.memory_space<vmem>> -> memref<1x128x128xf32, #tpu.memory_space<vmem>>
      %dma_wait3A_1418 = tpu.memref_squeeze %dma_wait3A_1417 : memref<1x128x128xf32, #tpu.memory_space<vmem>> -> memref<128x128xf32, #tpu.memory_space<vmem>>
      %dma_wait3A_1419 = arith.constant 0 : i32
      %dma_wait3A_1420 = tpu.memref_slice %arg19[%while3A_1350, %dma_wait3A_1419] : memref<34x128xi32, #tpu.memory_space<vmem>> -> memref<1x128xi32, #tpu.memory_space<vmem>>
      %dma_wait3A_1421 = tpu.memref_squeeze %dma_wait3A_1420 : memref<1x128xi32, #tpu.memory_space<vmem>> -> memref<128xi32, #tpu.memory_space<vmem>>
      %dma_wait3A_1422 = arith.constant 0 : i32
      %dma_wait3A_1423 = arith.constant 0 : i32
      %dma_wait3A_1424 = tpu.memref_slice %arg8[%dma_wait3A_1422, %dma_wait3A_1423] : memref<131072x128xf32, #tpu.memory_space<hbm>> -> memref<131072x128xf32, #tpu.memory_space<hbm>>
      tpu.wait_indirect_dma semaphore(%arg27 : memref<!tpu.dma_semaphore, #tpu.memory_space<semaphore_mem>>) src(%dma_wait3A_1418 : memref<128x128xf32, #tpu.memory_space<vmem>>) dst(%dma_wait3A_1424 : memref<131072x128xf32, #tpu.memory_space<hbm>>)
      %while3A_1425 = arith.constant 0 : i32
      scf.yield %while3A_1425 : i32
    }
    "tpu.trace_stop"() : () -> ()
    return
  }
}

</mosaic_0001>

<sc_bundles>
// kernel: _sc_scatter.3.cloned.1.call-start
scs
__scs_entry_jumppad:
0x0: {  	(pc) =	sbr.rel $0x88, $3  }
0x1: {  	(tag) =	ssettag $0x0;
	lr =	simm.s32 $0x1  }
0x2: {  	[smem:$0x3F9C] =	sst lr;
	_ =	strace $0xD0000000  }
0x3: {  	_ = 	snop  }
0x4: {  	_ = 	snop  }
0x5: {  	_ = 	snop  }
0x6: {  	_ = 	snop  }
0x7: {  	_ = 	snop  }
__scs_overlays_trampoline_lowered:
0x8: {  	[smem:$0x3FAB] =	sst s0  }
0x9: {  	[smem:$0x3FAC] =	sst s1  }
0xa: {  	[smem:$0x3FAD] =	sst s2  }
0xb: {  	[smem:$0x3FAE] =	sst s3  }
0xc: {  	[smem:$0x3FAF] =	sst s4  }
0xd: {  	[smem:$0x3FB0] =	sst s5  }
0xe: {  	[smem:$0x3FB1] =	sst s6  }
0xf: {  	[smem:$0x3FB2] =	sst s7  }
0x10: {  	[smem:$0x3FB3] =	sst s8  }
0x11: {  	[smem:$0x3FB4] =	sst s9;
	s0 =	simm.s32 @!p0 $0x0  }
0x12: {  	s1 =	sld [smem:$0x3F9A];
	s0 =	simm.s32 @p0 $0x1  }
0x13: {  	[smem:$0x3FB5] =	sst s0;
	s0 =	simm.s32 @!p1 $0x0  }
0x14: {  	s2 =	sld [smem:$0x3F99];
	s0 =	simm.s32 @p1 $0x1  }
0x15: {  	[smem:$0x3FB6] =	sst s0;
	s0 =	simm.s32 @!p2 $0x0  }
0x16: {  	s3 =	sld [smem:$0x3FDB];
	s0 =	simm.s32 @p2 $0x1  }
0x17: {  	s4 =	simm.s32 $0x1BF5;
	[smem:$0x3FB8] =	sst s0  }
0x18: {  	s0 =	sld [smem:$0x3F9B];
	_ =	swait.ge [sflag:s4], $0x0  }
0x19: {  	s7 =	sld [smem:$0x3F9C]  }
0x1a: {  	s8 =	sadd.s32 $0xFFFFE003, lr  }
0x1b: {  	s9 =	sadd.s32 $0xFFFFFEF7, lr;
	s5 =	simm.s32 $0xFFFFFFFF;
	p2 =	slt.u32 s8, $0xFFFFF086  }
0x1c: {  	p1 =	slt.u32 s9, $0xF7A;
	s5 =	simm.s32 @!p2 $0x0  }
0x1d: {  	s5 =	simm.s32 @p1 $0x1;
	p0 =	seq.s32 s7, s2  }
0x1e: {  	s7 =	smul.u32 @!p0 $0xF7A, s2;
	p2 =	seq.s32 @!p0 s5, $0x0  }
0x1f: {  	s9 =	smul.u32 $0xF7A, s1;
	s8 =	simm.s32 @!p0 $0x1BF5;
	p2 =	por !p2, p0  }
0x20: {  	[sflag:s8] =	ssyncset.s32 @!p0 $0xFFFFF086;
	s6 =	sadd.s32 @!p0 s3, s7;
	s7 =	simm.s32 @!p0 $0x108  }
0x21: {  	s3 =	sadd.s32 s3, s9;
	s6 =	sadd.s32 @!p0 $0x88, s6;
	s7 =	simm.s32 @p2 $0x1082  }
0x22: {  	[simem:s7], [sflag:s8] =	dma.local @!p0 [hbm:s6], $0xF7A  }
0x23: {  	s9 =	sor.u32 $0xD0000000, s2;
	s6 =	simm.s32 $0x108;
	_ =	swait.ge @!p0 [sflag:s8], $0x0  }
0x24: {  	s3 =	sadd.s32 $0x88, s3;
	s6 =	simm.s32 @!p1 $0x1082;
	[sflag:s4] =	ssyncset.s32 $0xFFFFF086  }
0x25: {  	[simem:s6], [sflag:s4] =	dma.local [hbm:s3], $0xF7A  }
0x26: {  	[smem:$0x3F9C] =	sst s1;
	(tag) =	ssettag s2;
	_ =	strace s9  }
0x27: {  	s1 =	sld [smem:$0x3FAC]  }
0x28: {  	s2 =	sld [smem:$0x3FAD]  }
0x29: {  	s4 =	sld [smem:$0x3FAF]  }
0x2a: {  	p0 =	seq.s32 s5, $0x0;
	s5 =	sld [smem:$0x3FB0]  }
0x2b: {  	s6 =	sld [smem:$0x3FB1]  }
0x2c: {  	s7 =	sld [smem:$0x3FB2]  }
0x2d: {  	s3 =	simm.s32 $0x108;
	s8 =	sld [smem:$0x3FB3]  }
0x2e: {  	s3 =	simm.s32 @!p0 $0x1082;
	s9 =	sld [smem:$0x3FB4]  }
0x2f: {  	lr =	sadd.s32 s0, s3;
	s0 =	sld [smem:$0x3FAB]  }
0x30: {  	s3 =	sld [smem:$0x3FAE]  }
0x31: {  	[smem:$0x3FB7] =	sst s10  }
0x32: {  	s10 =	sld [smem:$0x3FB5];
	_ =	sdelay $0x3  }
0x33: {  	p0 =	seq.s32 s10, $0x1;
	s10 =	sld [smem:$0x3FB7];
	_ =	sdelay $0x3  }
0x34: {  	[smem:$0x3FB7] =	sst s10  }
0x35: {  	s10 =	sld [smem:$0x3FB6];
	_ =	sdelay $0x3  }
0x36: {  	p1 =	seq.s32 s10, $0x1;
	s10 =	sld [smem:$0x3FB7];
	_ =	sdelay $0x3  }
0x37: {  	[smem:$0x3FB7] =	sst s10  }
0x38: {  	s10 =	sld [smem:$0x3FB8]  }
0x39: {  	_ = 	snop;
	(pc) =	sbr.ind lr, $3  }
0x3a: {  	_ = 	snop  }
0x3b: {  	_ = 	snop  }
0x3c: {  	p2 =	seq.s32 s10, $0x1;
	s10 =	sld [smem:$0x3FB7]  }
0x3d: {  	_ =	shalt  }
0x3e: {  	_ =	shalt  }
0x3f: {  	_ =	shalt  }
0x40: {  	_ =	shalt  }
0x41: {  	_ =	shalt  }
0x42: {  	_ =	shalt  }
0x43: {  	_ =	shalt  }
0x44: {  	_ =	shalt  }
0x45: {  	_ =	shalt  }
0x46: {  	_ =	shalt  }
0x47: {  	_ =	shalt  }
0x48: {  	_ =	shalt  }
0x49: {  	_ =	shalt  }
0x4a: {  	_ =	shalt  }
0x4b: {  	_ =	shalt  }
0x4c: {  	_ =	shalt  }
0x4d: {  	_ =	shalt  }
0x4e: {  	_ =	shalt  }
0x4f: {  	_ =	shalt  }
0x50: {  	_ =	shalt  }
0x51: {  	_ =	shalt  }
0x52: {  	_ =	shalt  }
0x53: {  	_ =	shalt  }
0x54: {  	_ =	shalt  }
0x55: {  	_ =	shalt  }
0x56: {  	_ =	shalt  }
0x57: {  	_ =	shalt  }
0x58: {  	_ =	shalt  }
0x59: {  	_ =	shalt  }
0x5a: {  	_ =	shalt  }
0x5b: {  	_ =	shalt  }
0x5c: {  	_ =	shalt  }
0x5d: {  	_ =	shalt  }
0x5e: {  	_ =	shalt  }
0x5f: {  	_ =	shalt  }
0x60: {  	_ =	shalt  }
0x61: {  	_ =	shalt  }
0x62: {  	_ =	shalt  }
0x63: {  	_ =	shalt  }
0x64: {  	_ =	shalt  }
0x65: {  	_ =	shalt  }
0x66: {  	_ =	shalt  }
0x67: {  	_ =	shalt  }
0x68: {  	_ =	shalt  }
0x69: {  	_ =	shalt  }
0x6a: {  	_ =	shalt  }
0x6b: {  	_ =	shalt  }
0x6c: {  	_ =	shalt  }
0x6d: {  	_ =	shalt  }
0x6e: {  	_ =	shalt  }
0x6f: {  	_ =	shalt  }
0x70: {  	_ =	shalt  }
0x71: {  	_ =	shalt  }
0x72: {  	_ =	shalt  }
0x73: {  	_ =	shalt  }
0x74: {  	_ =	shalt  }
0x75: {  	_ =	shalt  }
0x76: {  	_ =	shalt  }
0x77: {  	_ =	shalt  }
0x78: {  	_ =	shalt  }
0x79: {  	_ =	shalt  }
0x7a: {  	_ =	shalt  }
0x7b: {  	_ =	shalt  }
0x7c: {  	_ =	shalt  }
0x7d: {  	_ =	shalt  }
0x7e: {  	_ =	shalt  }
0x7f: {  	_ =	shalt  }
0x80: {  	_ =	shalt  }
0x81: {  	_ =	shalt  }
0x82: {  	_ =	shalt  }
0x83: {  	_ =	shalt  }
0x84: {  	_ =	shalt  }
0x85: {  	_ =	shalt  }
0x86: {  	_ =	shalt  }
0x87: {  	_ =	shalt  }
.Lfunc_end0:
.L_simem_size_0:
called_computation_lowered:
.L_overlay_start_0:
0x88: {  	s2 =	sld [smem:$0x3FD9]  }
0x89: {  	s3 =	sld [smem:$0x3FFE];
	_ =	sdelay $0x1  }
0x8a: {  	s1 =	srdreg.scid  }
0x8b: {  	s0 =	sand.u32 $0x1, s1  }
0x8c: {  	s17 =	sshll.u32 s0, $0xA;
	s2 =	sadd.s32 s3, s2  }
0x8d: {  	s2 =	sadd.s32 s2, s17  }
0x8e: {  	[smem:$0x3FC3] =	sst s2  }
0x8f: {  	_ = 	snop  }
0x90: {  	s2 =	sld [smem:$0x3FC9]  }
0x91: {  	s18 =	sld [smem:$0x3FC8]  }
0x92: {  	s4 =	sld [smem:$0x3FC7]  }
0x93: {  	s5 =	sld [smem:$0x3FC6]  }
0x94: {  	s6 =	sld [smem:$0x3FC5]  }
0x95: {  	s7 =	sld [smem:$0x3FD0];
	(tm) =	ssettm $0x1  }
0x96: {  	s8 =	sld [smem:$0x3FFB];
	_ =	sdelay $0x3  }
0x97: {  	_ =	strace s8  }
0x98: {  	s8 =	sld [smem:$0x3FFC];
	_ =	sdelay $0x3  }
0x99: {  	_ =	strace s8  }
0x9a: {  	s8 =	sld [smem:$0x3FFD];
	_ =	sdelay $0x3  }
0x9b: {  	_ =	strace s8  }
0x9c: {  	_ =	strace $0x8FFFFFFF  }
0x9d: {  	s19 =	sld [smem:$0x3FDB];
	_ =	sdelay $0x1  }
0x9e: {  	s9 =	simm.s32 $_scs_section_size  }
0x9f: {  	s10 =	simm.s32 $_size__tile_overlayer_lowered;
	s11 =	simm.s32 $_tile_overlayer_lowered  }
0xa0: {  	s22 =	simm.s32 $0x1BFF;
	s21 =	sshll.u32 s11, $0x1;
	s8 =	sadd.s32 s9, s19  }
0xa1: {  	s12 =	simm.s32 $0x0;
	s20 =	sshll.u32 s10, $0x1;
	s10 =	sadd.s32 s21, s8  }
0xa2: {  	[timem:s12], [sflag:s22] =	dma.local [hbm:s10], s20  }
0xa3: {  	_ =	swait.ge [sflag:s22], s20  }
0xa4: {  	s9 =	ssub.s32 $0x0, s20;
	[sflag:s22] =	ssyncset.done $0x0  }
0xa5: {  	[sflag:s22] =	ssyncadd.s32 s9;
	_ =	sdelay $0x1  }
0xa6: {  	s23 =	simm.s32 $0x1B8B  }
0xa7: {  	_ =	swait.ge [sflag:s23], $0x1  }
0xa8: {  	[sflag:s23] =	ssyncset.done $0x0  }
0xa9: {  	s25 =	simm.s32 $0x1B8E;
	s24 =	sld [smem:$0x3FFE];
	[sflag:s23] =	ssyncadd.s32 $0xFFFFFFFF  }
0xaa: {  	s26 =	simm.s32 $execute0_lowered;
	[smem:$0x3FD2] =	sst s25  }
0xab: {  	s10 =	sshll.u32 s26, $0x1;
	_ =	strace $0x80000046;
	[dreg:$0x1] =	wrdreg $0xFFFFFFFF  }
0xac: {  	s28 =	simm.s32 $_size_execute0_lowered;
	s8 =	sadd.s32 s8, s10;
	[dreg:$0x0] =	wrdreg $0x0  }
0xad: {  	s10 =	sshll.u32 s28, $0x1;
	[dreg:$0x2] =	wrdreg s8  }
0xae: {  	[dreg:$0x3] =	wrdreg s10  }
0xaf: {  	[dreg:$0x4] =	wrdreg $0xC0  }
0xb0: {  	_ =	task [dreg:s12], $0x5FFFF  }
0xb1: {  	[dreg:$0x1] =	wrdreg $0xFFFFFFFF  }
0xb2: {  	[dreg:$0x0] =	wrdreg $0x60  }
0xb3: {  	[dreg:$0x2] =	wrdreg s2  }
0xb4: {  	[dreg:$0x3] =	wrdreg s18  }
0xb5: {  	[dreg:$0x4] =	wrdreg s4  }
0xb6: {  	[dreg:$0x5] =	wrdreg s5  }
0xb7: {  	[dreg:$0x6] =	wrdreg s6  }
0xb8: {  	[dreg:$0x7] =	wrdreg s24  }
0xb9: {  	[dreg:$0x8] =	wrdreg s7  }
0xba: {  	[dreg:$0x9] =	wrdreg $0x9  }
0xbb: {  	_ =	task.clear_ibuf [dreg:s12], $0xAFFFF;
	_ =	strace $0x90000046  }
0xbc: {  	s29 =	simm.s32 $0x9;
	_ =	strace $0x8000004E  }
0xbd: {  	_ =	swait.ge [sflag:s29], $0x1  }
0xbe: {  	[sflag:s29] =	ssyncadd.s32 $0xFFFFFFFF  }
0xbf: {  	_ =	strace $0x9000004E  }
0xc0: {  	_ =	sfence  }
0xc1: {  	s30 =	sld [smem:$0x0];
	_ =	sdelay $0x2  }
0xc2: {  	s31 =	sshll.u32 s1, $0xD;
	s1 =	sshrl.u32 s1, $0x2  }
0xc3: {  	s3 =	sand.u32 $0x4000, s31;
	s1 =	sadd.s32 s1, s30  }
0xc4: {  	s0 =	sor.u32 s3, s0;
	s1 =	sshll.u32 s1, $0x11  }
0xc5: {  	s0 =	sor.u32 s1, s0  }
0xc6: {  	s0 =	sadd.s32 $0x8F2B, s0  }
0xc7: {  	[sflag:s0] =	ssyncadd.remote.s32 $0x1  }
0xc8: {  	_ =	sfence.sel $0xFFFF  }
0xc9: {  	[dreg:$0x0] =	wrdreg $0xFFFFFFFF;
	(pc) =	sbr.abs _section_cstart, $3  }
0xca: {  	[dreg:$0x1] =	wrdreg $0xFFFFFFFF  }
0xcb: {  	_ =	task.clear_ibuf [dreg:s12], $0x2FFFF;
	_ =	strace $0x9FFFFFFF  }
0xcc: {  	(tm) =	ssettm $0x7FFFFFFF  }
0xcd: {  	_ =	shalt  }
tec
execute0_lowered:
.L_overlay_start_1:
0x0: {  	(tag) =	ssettag $0x1  }
0x1: {  	s0 =	rddreg [dreg:$0x0]  }
0x2: {  	s8 =	rddreg [dreg:$0x1]  }
0x3: {  	s9 =	rddreg [dreg:$0x2]  }
0x4: {  	s11 =	rddreg [dreg:$0x3]  }
0x5: {  	s12 =	rddreg [dreg:$0x4]  }
0x6: {  	s2 =	srdreg.scid;
	s10 =	stileid.u32  }
0x7: {  	s1 =	rddreg [dreg:$0x5];
	s2 =	sand.u32 $0x1, s2;
	s3 =	sshll.u32 s10, $0x1  }
0x8: {  	s7 =	rddreg [dreg:$0x6];
	s4 =	simm.s32 $0x0;
	s5 =	sor.u32 s2, s3  }
0x9: {  	[smem:$0x7FF] =	sst s4;
	s1 =	sadd.s32 $0x400, s1;
	s17 =	sshll.u32 s5, $0x10  }
0xa: {  	_ =	strace $0x80000047;
	[dreg:$0x9] =	wrdreg s1;
	s4 =	sadd.s32 s7, s17  }
0xb: {  	s19 =	sadd.s32 $0x800, s4;
	[dreg:$0x8] =	wrdreg s4  }
0xc: {  	s20 =	sadd.s32 $0x1000, s4;
	[dreg:$0xa] =	wrdreg s19  }
0xd: {  	s21 =	sadd.s32 $0x1800, s4;
	[dreg:$0xb] =	wrdreg s20  }
0xe: {  	s22 =	sadd.s32 $0x2000, s4;
	[dreg:$0xc] =	wrdreg s21  }
0xf: {  	s23 =	sadd.s32 $0x2800, s4;
	[dreg:$0xd] =	wrdreg s22  }
0x10: {  	s24 =	sadd.s32 $0x3000, s4;
	[dreg:$0xe] =	wrdreg s23  }
0x11: {  	s16 =	ssub.s32 $0x2, s2;
	s25 =	sadd.s32 $0x3800, s4;
	[dreg:$0xf] =	wrdreg s24  }
0x12: {  	s2 =	sshll.u32 s2, $0xC;
	s26 =	sadd.s32 $0x4000, s4;
	[dreg:$0x10] =	wrdreg s25  }
0x13: {  	s6 =	sshrl.u32 s16, $0x1;
	s28 =	sadd.s32 $0x4800, s4;
	[dreg:$0x11] =	wrdreg s26  }
0x14: {  	s18 =	ssub.s32 s16, s6;
	s29 =	sadd.s32 $0x5000, s4;
	[dreg:$0x12] =	wrdreg s28  }
0x15: {  	s6 =	sshll.u32 s10, $0xD;
	s30 =	sadd.s32 $0x5800, s4;
	[dreg:$0x13] =	wrdreg s29  }
0x16: {  	s2 =	sor.u32 s2, s6;
	[dreg:$0x14] =	wrdreg s30  }
0x17: {  	s10 =	sadd.s32 $0x6000, s4;
	[dreg:$0x15] =	wrdreg s2  }
0x18: {  	s1 =	smax.u32 s18, $0x1;
	[dreg:$0x16] =	wrdreg s10  }
0x19: {  	s13 =	sadd.s32 $0x6800, s4;
	[dreg:$0x17] =	wrdreg s1  }
0x1a: {  	s14 =	sadd.s32 $0x7000, s4;
	[dreg:$0x18] =	wrdreg s13  }
0x1b: {  	s15 =	sadd.s32 $0x7800, s4;
	[dreg:$0x19] =	wrdreg s14  }
0x1c: {  	s16 =	sadd.s32 $0x8000, s4;
	[dreg:$0x1a] =	wrdreg s15  }
0x1d: {  	s17 =	sadd.s32 $0x8800, s4;
	[dreg:$0x1b] =	wrdreg s16  }
0x1e: {  	s18 =	sadd.s32 $0x9000, s4;
	[dreg:$0x1c] =	wrdreg s17  }
0x1f: {  	s3 =	sadd.s32 $0xF800, s4;
	[dreg:$0x1d] =	wrdreg s18  }
0x20: {  	s6 =	sadd.s32 $0x200, s9;
	[smem:$0x7E9] =	sst s3  }
0x21: {  	s19 =	sadd.s32 $0x9800, s4;
	[smem:$0x7EB] =	sst s6  }
0x22: {  	s20 =	sadd.s32 $0xA000, s4;
	[dreg:$0x1e] =	wrdreg s19  }
0x23: {  	s21 =	sadd.s32 $0xA800, s4;
	[dreg:$0x1f] =	wrdreg s20  }
0x24: {  	s22 =	sadd.s32 $0xB000, s4;
	[smem:$0x7DF] =	sst s21  }
0x25: {  	s23 =	sadd.s32 $0xB800, s4;
	[smem:$0x7E0] =	sst s22  }
0x26: {  	s24 =	sadd.s32 $0xC000, s4;
	[smem:$0x7E1] =	sst s23  }
0x27: {  	s25 =	sadd.s32 $0xC800, s4;
	[smem:$0x7E2] =	sst s24  }
0x28: {  	s26 =	sadd.s32 $0xD000, s4;
	[smem:$0x7E3] =	sst s25  }
0x29: {  	s28 =	sadd.s32 $0xD800, s4;
	[smem:$0x7E4] =	sst s26  }
0x2a: {  	s29 =	sadd.s32 $0xE000, s4;
	[smem:$0x7E5] =	sst s28  }
0x2b: {  	s30 =	sadd.s32 $0xE800, s4;
	[smem:$0x7E6] =	sst s29  }
0x2c: {  	s2 =	sadd.s32 $0xF000, s4;
	[smem:$0x7E7] =	sst s30  }
0x2d: {  	s4 =	sadd.s32 $0x200, s8;
	[smem:$0x7E8] =	sst s2  }
0x2e: {  	s10 =	sadd.s32 $0x400, s8;
	[smem:$0x7EA] =	sst s4  }
0x2f: {  	s13 =	sadd.s32 $0x400, s9;
	[smem:$0x7EC] =	sst s10  }
0x30: {  	s14 =	sadd.s32 $0x600, s8;
	[smem:$0x7ED] =	sst s13  }
0x31: {  	s31 =	simm.s32 $0x3;
	s15 =	sadd.s32 $0x600, s9;
	[smem:$0x7EE] =	sst s14  }
0x32: {  	v1 =	vmov s5;
	s5 =	simm.s32 $0x9;
	s16 =	sadd.s32 $0x200, s11;
	[smem:$0x7EF] =	sst s15  }
0x33: {  	s17 =	sadd.s32 $0x200, s12;
	s18 =	sadd.s32 $0x400, s11;
	[smem:$0x7F0] =	sst s16  }
0x34: {  	s6 =	simm.s32 $0x4;
	s3 =	simm.s32 $0x5;
	[smem:$0x7F1] =	sst s17  }
0x35: {  	s1 =	simm.s32 $0x6;
	[smem:$0x7F2] =	sst s18;
	s19 =	sadd.s32 $0x400, s12  }
0x36: {  	s9 =	simm.s32 $0x0;
	s20 =	sadd.s32 $0x600, s11;
	[smem:$0x7F3] =	sst s19  }
0x37: {  	s21 =	sadd.s32 $0x600, s12;
	s22 =	sadd.s32 $0x800, s11;
	[smem:$0x7F4] =	sst s20  }
0x38: {  	s23 =	sadd.s32 $0x800, s12;
	s24 =	sadd.s32 $0xA00, s11;
	[smem:$0x7F5] =	sst s21  }
0x39: {  	s25 =	sadd.s32 $0xA00, s12;
	s26 =	sadd.s32 $0xC00, s11;
	[smem:$0x7F6] =	sst s22  }
0x3a: {  	s28 =	sadd.s32 $0xC00, s12;
	s29 =	sadd.s32 $0xE00, s11;
	[smem:$0x7F7] =	sst s23  }
0x3b: {  	s30 =	sadd.s32 $0xE00, s12;
	s17 =	simm.s32 $0xC400;
	[smem:$0x7F8] =	sst s24  }
0x3c: {  	s11 =	simm.s32 $0x2000;
	s12 =	simm.s32 $0x1;
	[smem:$0x7F9] =	sst s25  }
0x3d: {  	s13 =	simm.s32 $0x1000;
	s14 =	simm.s32 $0x3000;
	[smem:$0x7FA] =	sst s26  }
.Ltmp0:
0x3e: {  	s15 =	simm.s32 $0x4000;
	[smem:$0x7FB] =	sst s28;
	(pc) =	sbr.rel .LBB2_1-.Ltmp0, $4  }
0x3f: {  	s18 =	simm.s32 $0x5000;
	s2 =	simm.s32 $0x7;
	[smem:$0x7FC] =	sst s29  }
0x40: {  	s4 =	simm.s32 $0x8;
	s10 =	simm.s32 $0xA;
	[smem:$0x7FD] =	sst s30  }
0x41: {  	v0 =	vlaneseq.u32;
	s19 =	simm.s32 $0x6000;
	s20 =	simm.s32 $0x7400;
	s21 =	simm.s32 $0x8800  }
0x42: {  	v2 =	vimm.s32 $0x0;
	v3 =	vor.u32 $0x80000000, v0;
	s23 =	simm.s32 $0x9C00;
	s24 =	simm.s32 $0xB000;
	s26 =	simm.s32 $0x80  }
.LBB2_55:
0x43: {  	s9 =	sld [smem:$0x7DE];
	_ =	sdelay $0x2  }
0x44: {  	s8 =	rddreg [dreg:$0x17];
	s9 =	sadd.s32 $0x1, s9  }
0x45: {  	p0 =	sne.s32 s9, s8  }
.Ltmp1:
0x46: {  	_ = 	snop;
	(pc) =	sbr.rel @!p0 .LBB2_56-.Ltmp1, $3  }
0x47: {  	_ =	sdelay $0x1  }
0x48: {  	_ =	strace $0x9000004D;
	s11 =	simm.s32 $0x2000;
	s12 =	simm.s32 $0x1  }
0x49: {  	s13 =	simm.s32 $0x1000;
	s14 =	simm.s32 $0x3000;
	s15 =	simm.s32 $0x4000  }
.LBB2_1:
0x4a: {  	[smem:$0x7DE] =	sst s9  }
0x4b: {  	s8 =	simm.s32 $0x0;
	s25 =	rddreg [dreg:$0x9];
	s28 =	simm.s32 $0xB  }
0x4c: {  	[tilespmem:s17], [sflag:$0xB] =	stream.linear.gather [hbm4b:s25+s8], $0x4000, $0x38;
	[tilespmem:$0x1C400] =	vst v63  }
0x4d: {  	_ =	swait.ge [sflag:s28], $0x4000  }
0x4e: {  	[sflag:s28] =	ssyncset.done $0x0;
	s29 =	rddreg [dreg:$0x8]  }
0x4f: {  	s30 =	rddreg [dreg:$0xa];
	[sflag:s28] =	ssyncadd.s32 $0xFFFFC000  }
0x50: {  	[hbm4b:s29+s8] =	stream.linear.scatter [tilespmem:s17], [sflag:$0x2], $0x4000, $0x38;
	[tilespmem:$0x1C400] =	vst v63  }
0x51: {  	s16 =	rddreg [dreg:$0xb]  }
0x52: {  	[hbm4b:s30+s8] =	stream.linear.scatter [tilespmem:s17], [sflag:$0x2], $0x4000, $0x38;
	[tilespmem:$0x1C400] =	vst v63  }
0x53: {  	s22 =	rddreg [dreg:$0xc]  }
0x54: {  	[hbm4b:s16+s8] =	stream.linear.scatter [tilespmem:s17], [sflag:$0x2], $0x4000, $0x38;
	[tilespmem:$0x1C400] =	vst v63  }
0x55: {  	s25 =	rddreg [dreg:$0xd]  }
0x56: {  	[hbm4b:s22+s8] =	stream.linear.scatter [tilespmem:s17], [sflag:$0x2], $0x4000, $0x38;
	[tilespmem:$0x1C400] =	vst v63  }
0x57: {  	s28 =	rddreg [dreg:$0xe]  }
0x58: {  	[hbm4b:s25+s8] =	stream.linear.scatter [tilespmem:s17], [sflag:$0x2], $0x4000, $0x38;
	[tilespmem:$0x1C400] =	vst v63  }
0x59: {  	s29 =	rddreg [dreg:$0xf]  }
0x5a: {  	[hbm4b:s28+s8] =	stream.linear.scatter [tilespmem:s17], [sflag:$0x2], $0x4000, $0x38;
	[tilespmem:$0x1C400] =	vst v63  }
0x5b: {  	s30 =	rddreg [dreg:$0x10]  }
0x5c: {  	[hbm4b:s29+s8] =	stream.linear.scatter [tilespmem:s17], [sflag:$0x2], $0x4000, $0x38;
	[tilespmem:$0x1C400] =	vst v63  }
0x5d: {  	s16 =	rddreg [dreg:$0x11]  }
0x5e: {  	[hbm4b:s30+s8] =	stream.linear.scatter [tilespmem:s17], [sflag:$0x2], $0x4000, $0x38;
	[tilespmem:$0x1C400] =	vst v63  }
0x5f: {  	s22 =	rddreg [dreg:$0x12]  }
0x60: {  	[hbm4b:s16+s8] =	stream.linear.scatter [tilespmem:s17], [sflag:$0x2], $0x4000, $0x38;
	[tilespmem:$0x1C400] =	vst v63  }
0x61: {  	s25 =	rddreg [dreg:$0x13]  }
0x62: {  	[hbm4b:s22+s8] =	stream.linear.scatter [tilespmem:s17], [sflag:$0x2], $0x4000, $0x38;
	[tilespmem:$0x1C400] =	vst v63  }
0x63: {  	s28 =	rddreg [dreg:$0x14]  }
0x64: {  	[hbm4b:s25+s8] =	stream.linear.scatter [tilespmem:s17], [sflag:$0x2], $0x4000, $0x38;
	[tilespmem:$0x1C400] =	vst v63  }
0x65: {  	s29 =	rddreg [dreg:$0x16]  }
0x66: {  	[hbm4b:s28+s8] =	stream.linear.scatter [tilespmem:s17], [sflag:$0x2], $0x4000, $0x38;
	[tilespmem:$0x1C400] =	vst v63  }
0x67: {  	s30 =	rddreg [dreg:$0x18]  }
0x68: {  	[hbm4b:s29+s8] =	stream.linear.scatter [tilespmem:s17], [sflag:$0x2], $0x4000, $0x38;
	[tilespmem:$0x1C400] =	vst v63  }
0x69: {  	s16 =	rddreg [dreg:$0x19]  }
0x6a: {  	[hbm4b:s30+s8] =	stream.linear.scatter [tilespmem:s17], [sflag:$0x2], $0x4000, $0x38;
	[tilespmem:$0x1C400] =	vst v63  }
0x6b: {  	s22 =	rddreg [dreg:$0x1a]  }
0x6c: {  	[hbm4b:s16+s8] =	stream.linear.scatter [tilespmem:s17], [sflag:$0x2], $0x4000, $0x38;
	[tilespmem:$0x1C400] =	vst v63  }
0x6d: {  	s25 =	rddreg [dreg:$0x1b]  }
0x6e: {  	[hbm4b:s22+s8] =	stream.linear.scatter [tilespmem:s17], [sflag:$0x2], $0x4000, $0x38;
	[tilespmem:$0x1C400] =	vst v63  }
0x6f: {  	s28 =	rddreg [dreg:$0x1c]  }
0x70: {  	[hbm4b:s25+s8] =	stream.linear.scatter [tilespmem:s17], [sflag:$0x2], $0x4000, $0x38;
	[tilespmem:$0x1C400] =	vst v63  }
0x71: {  	s29 =	rddreg [dreg:$0x1d]  }
0x72: {  	[hbm4b:s28+s8] =	stream.linear.scatter [tilespmem:s17], [sflag:$0x2], $0x4000, $0x38;
	[tilespmem:$0x1C400] =	vst v63  }
0x73: {  	s30 =	rddreg [dreg:$0x1e]  }
0x74: {  	[hbm4b:s29+s8] =	stream.linear.scatter [tilespmem:s17], [sflag:$0x2], $0x4000, $0x38;
	[tilespmem:$0x1C400] =	vst v63  }
0x75: {  	s16 =	rddreg [dreg:$0x1f]  }
0x76: {  	[hbm4b:s30+s8] =	stream.linear.scatter [tilespmem:s17], [sflag:$0x2], $0x4000, $0x38;
	[tilespmem:$0x1C400] =	vst v63  }
0x77: {  	s22 =	sld [smem:$0x7DF]  }
0x78: {  	[hbm4b:s16+s8] =	stream.linear.scatter [tilespmem:s17], [sflag:$0x2], $0x4000, $0x38;
	[tilespmem:$0x1C400] =	vst v63  }
0x79: {  	s25 =	sld [smem:$0x7E0]  }
0x7a: {  	[hbm4b:s22+s8] =	stream.linear.scatter [tilespmem:s17], [sflag:$0x2], $0x4000, $0x38;
	[tilespmem:$0x1C400] =	vst v63  }
0x7b: {  	s28 =	sld [smem:$0x7E1]  }
0x7c: {  	[hbm4b:s25+s8] =	stream.linear.scatter [tilespmem:s17], [sflag:$0x2], $0x4000, $0x38;
	[tilespmem:$0x1C400] =	vst v63  }
0x7d: {  	s29 =	sld [smem:$0x7E2]  }
0x7e: {  	[hbm4b:s28+s8] =	stream.linear.scatter [tilespmem:s17], [sflag:$0x2], $0x4000, $0x38;
	[tilespmem:$0x1C400] =	vst v63  }
0x7f: {  	s30 =	sld [smem:$0x7E3]  }
0x80: {  	[hbm4b:s29+s8] =	stream.linear.scatter [tilespmem:s17], [sflag:$0x2], $0x4000, $0x38;
	[tilespmem:$0x1C400] =	vst v63  }
0x81: {  	s16 =	sld [smem:$0x7E4]  }
0x82: {  	[hbm4b:s30+s8] =	stream.linear.scatter [tilespmem:s17], [sflag:$0x2], $0x4000, $0x38;
	[tilespmem:$0x1C400] =	vst v63  }
0x83: {  	s22 =	sld [smem:$0x7E5]  }
0x84: {  	[hbm4b:s16+s8] =	stream.linear.scatter [tilespmem:s17], [sflag:$0x2], $0x4000, $0x38;
	[tilespmem:$0x1C400] =	vst v63  }
0x85: {  	s25 =	sld [smem:$0x7E6]  }
0x86: {  	[hbm4b:s22+s8] =	stream.linear.scatter [tilespmem:s17], [sflag:$0x2], $0x4000, $0x38;
	[tilespmem:$0x1C400] =	vst v63  }
0x87: {  	s28 =	sld [smem:$0x7E7]  }
0x88: {  	[hbm4b:s25+s8] =	stream.linear.scatter [tilespmem:s17], [sflag:$0x2], $0x4000, $0x38;
	[tilespmem:$0x1C400] =	vst v63  }
0x89: {  	s29 =	sld [smem:$0x7E8]  }
0x8a: {  	[hbm4b:s28+s8] =	stream.linear.scatter [tilespmem:s17], [sflag:$0x2], $0x4000, $0x38;
	[tilespmem:$0x1C400] =	vst v63  }
0x8b: {  	s30 =	sld [smem:$0x7E9]  }
0x8c: {  	[hbm4b:s29+s8] =	stream.linear.scatter [tilespmem:s17], [sflag:$0x2], $0x4000, $0x38;
	[tilespmem:$0x1C400] =	vst v63  }
0x8d: {  	_ = 	snop  }
0x8e: {  	[hbm4b:s30+s8] =	stream.linear.scatter [tilespmem:s17], [sflag:$0x2], $0x4000, $0x38;
	[tilespmem:$0x1C400] =	vst v63  }
0x8f: {  	s9 =	simm.s32 $0x100;
	s8 =	simm.s32 $0x0  }
.LBB2_2:
0x90: {  	p0 =	sne.s32 s9, $0x3F00;
	[tilespmem:s8+$0x5030] =	vst v2  }
0x91: {  	[tilespmem:s8+$0x4000] =	vst v2  }
0x92: {  	[tilespmem:s8+$0x5000] =	vst v2  }
.Ltmp2:
0x93: {  	[tilespmem:s8+$0x4010] =	vst v2;
	(pc) =	sbr.rel @p0 .LBB2_2-.Ltmp2, $4  }
0x94: {  	[tilespmem:s8+$0x5010] =	vst v2  }
0x95: {  	[tilespmem:s8+$0x4020] =	vst v2  }
0x96: {  	[tilespmem:s8+$0x5020] =	vst v2  }
0x97: {  	[tilespmem:s8+$0x4030] =	vst v2;
	s8 =	sshra.s32 s9, $0x2;
	s9 =	sadd.s32 $0x100, s9  }
0x98: {  	[tilespmem:s8+$0x5030] =	vst v2  }
0x99: {  	[tilespmem:s8+$0x4000] =	vst v2  }
0x9a: {  	[tilespmem:s8+$0x5000] =	vst v2  }
0x9b: {  	[tilespmem:s8+$0x4010] =	vst v2  }
0x9c: {  	[tilespmem:s8+$0x5010] =	vst v2  }
0x9d: {  	[tilespmem:s8+$0x4020] =	vst v2  }
0x9e: {  	[tilespmem:s8+$0x5020] =	vst v2  }
0x9f: {  	[tilespmem:s8+$0x4030] =	vst v2  }
0xa0: {  	_ =	strace $0x80000048  }
0xa1: {  	s8 =	simm.s32 $0x0;
	s9 =	rddreg [dreg:$0x1]  }
0xa2: {  	[tilespmem:s8], [sflag:$0x1] =	stream.linear.gather [hbm4b:s9+s8], $0x1000, $0x200038;
	[tilespmem:$0x1C400] =	vst v63  }
0xa3: {  	s28 =	rddreg [dreg:$0x2]  }
0xa4: {  	[tilespmem:s11], [sflag:$0x1] =	stream.linear.gather [hbm4b:s28+s8], $0x1000, $0x200038;
	[tilespmem:$0x1C400] =	vst v63  }
0xa5: {  	_ =	swait.ge [sflag:s12], $0x1000  }
0xa6: {  	[sflag:s12] =	ssyncset.done $0x0  }
0xa7: {  	[sflag:s12] =	ssyncadd.s32 $0xFFFFF000  }
0xa8: {  	_ =	swait.ge [sflag:s12], $0x1000  }
0xa9: {  	s29 =	sld [smem:$0x7EA]  }
0xaa: {  	[sflag:s12] =	ssyncset.done $0x0  }
0xab: {  	s30 =	sld [smem:$0x7EB];
	[sflag:s12] =	ssyncadd.s32 $0xFFFFF000  }
0xac: {  	[tilespmem:s13], [sflag:$0x1] =	stream.linear.gather [hbm4b:s29+s8], $0x1000, $0x200038;
	[tilespmem:$0x1C400] =	vst v63  }
0xad: {  	_ = 	snop  }
0xae: {  	[tilespmem:s14], [sflag:$0x1] =	stream.linear.gather [hbm4b:s30+s8], $0x1000, $0x200038;
	[tilespmem:$0x1C400] =	vst v63  }
.LBB2_4:
0xaf: {  	s9 =	sshra.s32 s8, $0x2  }
0xb0: {  	v4 =	vld [tilespmem:s9+$0x0];
	_ =	sdelay $0x4  }
0xb1: {  	v5 =	vshrl.u32 v4, $0xC  }
0xb2: {  	v6 =	vld [tilespmem:s9+$0x2000];
	vm0 =	veq.s32 v5, v1  }
0xb3: {  	v4 =	vand.u32 $0xFFF, v4;
	_ =	sdelay $0x3  }
0xb4: {  	v5 =	vadd.s32 $0x1, v6  }
0xb5: {  	[tilespmem:v4+s15+$0x0] =	vst.idx.msk vm0, v5  }
0xb6: {  	v4 =	vld [tilespmem:s9+$0x10];
	_ =	sdelay $0x4  }
0xb7: {  	v5 =	vshrl.u32 v4, $0xC  }
0xb8: {  	v61 =	vld [tilespmem:s9+$0x2010];
	vm13 =	veq.s32 v5, v1  }
0xb9: {  	v4 =	vand.u32 $0xFFF, v4;
	_ =	sdelay $0x3  }
0xba: {  	v5 =	vadd.s32 $0x1, v61  }
0xbb: {  	[tilespmem:v4+s15+$0x0] =	vst.idx.msk vm13, v5  }
0xbc: {  	v4 =	vld [tilespmem:s9+$0x20];
	_ =	sdelay $0x4  }
0xbd: {  	v5 =	vshrl.u32 v4, $0xC  }
0xbe: {  	v62 =	vld [tilespmem:s9+$0x2020];
	vm14 =	veq.s32 v5, v1  }
0xbf: {  	v4 =	vand.u32 $0xFFF, v4;
	_ =	sdelay $0x3  }
0xc0: {  	v5 =	vadd.s32 $0x1, v62  }
0xc1: {  	[tilespmem:v4+s15+$0x0] =	vst.idx.msk vm14, v5  }
0xc2: {  	v4 =	vld [tilespmem:s9+$0x30];
	_ =	sdelay $0x4  }
0xc3: {  	v5 =	vshrl.u32 v4, $0xC  }
0xc4: {  	v63 =	vld [tilespmem:s9+$0x2030];
	vm15 =	veq.s32 v5, v1  }
0xc5: {  	p0 =	sne.s32 s8, $0x3F00;
	v4 =	vand.u32 $0xFFF, v4  }
.Ltmp3:
0xc6: {  	_ = 	snop;
	(pc) =	sbr.rel @p0 .LBB2_4-.Ltmp3, $3  }
0xc7: {  	_ =	sdelay $0x1  }
0xc8: {  	v5 =	vadd.s32 $0x1, v63  }
0xc9: {  	s8 =	sadd.s32 $0x100, s8;
	[tilespmem:v4+s15+$0x0] =	vst.idx.msk vm15, v5  }
0xca: {  	_ =	swait.ge [sflag:s12], $0x1000  }
0xcb: {  	[sflag:s12] =	ssyncset.done $0x0  }
0xcc: {  	[sflag:s12] =	ssyncadd.s32 $0xFFFFF000  }
0xcd: {  	_ =	swait.ge [sflag:s12], $0x1000  }
0xce: {  	s9 =	sld [smem:$0x7EC]  }
0xcf: {  	[sflag:s12] =	ssyncset.done $0x0  }
0xd0: {  	s8 =	simm.s32 $0x0;
	s30 =	sld [smem:$0x7ED];
	[sflag:s12] =	ssyncadd.s32 $0xFFFFF000  }
0xd1: {  	[tilespmem:s8], [sflag:$0x1] =	stream.linear.gather [hbm4b:s9+s8], $0x1000, $0x200038;
	[tilespmem:$0x1C400] =	vst v63  }
0xd2: {  	_ = 	snop  }
0xd3: {  	[tilespmem:s11], [sflag:$0x1] =	stream.linear.gather [hbm4b:s30+s8], $0x1000, $0x200038;
	[tilespmem:$0x1C400] =	vst v63  }
.LBB2_6:
0xd4: {  	s9 =	sshra.s32 s8, $0x2  }
0xd5: {  	v4 =	vld [tilespmem:s9+$0x1000];
	_ =	sdelay $0x4  }
0xd6: {  	v5 =	vshrl.u32 v4, $0xC  }
0xd7: {  	v6 =	vld [tilespmem:s9+$0x3000];
	vm0 =	veq.s32 v5, v1  }
0xd8: {  	v4 =	vand.u32 $0xFFF, v4;
	_ =	sdelay $0x3  }
0xd9: {  	v5 =	vadd.s32 $0x1, v6  }
0xda: {  	[tilespmem:v4+s15+$0x0] =	vst.idx.msk vm0, v5  }
0xdb: {  	v4 =	vld [tilespmem:s9+$0x1010];
	_ =	sdelay $0x4  }
0xdc: {  	v5 =	vshrl.u32 v4, $0xC  }
0xdd: {  	v61 =	vld [tilespmem:s9+$0x3010];
	vm13 =	veq.s32 v5, v1  }
0xde: {  	v4 =	vand.u32 $0xFFF, v4;
	_ =	sdelay $0x3  }
0xdf: {  	v5 =	vadd.s32 $0x1, v61  }
0xe0: {  	[tilespmem:v4+s15+$0x0] =	vst.idx.msk vm13, v5  }
0xe1: {  	v4 =	vld [tilespmem:s9+$0x1020];
	_ =	sdelay $0x4  }
0xe2: {  	v5 =	vshrl.u32 v4, $0xC  }
0xe3: {  	v62 =	vld [tilespmem:s9+$0x3020];
	vm14 =	veq.s32 v5, v1  }
0xe4: {  	v4 =	vand.u32 $0xFFF, v4;
	_ =	sdelay $0x3  }
0xe5: {  	v5 =	vadd.s32 $0x1, v62  }
0xe6: {  	[tilespmem:v4+s15+$0x0] =	vst.idx.msk vm14, v5  }
0xe7: {  	v4 =	vld [tilespmem:s9+$0x1030];
	_ =	sdelay $0x4  }
0xe8: {  	v5 =	vshrl.u32 v4, $0xC  }
0xe9: {  	v63 =	vld [tilespmem:s9+$0x3030];
	vm15 =	veq.s32 v5, v1  }
0xea: {  	p0 =	sne.s32 s8, $0x3F00;
	v4 =	vand.u32 $0xFFF, v4  }
.Ltmp4:
0xeb: {  	_ = 	snop;
	(pc) =	sbr.rel @p0 .LBB2_6-.Ltmp4, $3  }
0xec: {  	_ =	sdelay $0x1  }
0xed: {  	v5 =	vadd.s32 $0x1, v63  }
0xee: {  	s8 =	sadd.s32 $0x100, s8;
	[tilespmem:v4+s15+$0x0] =	vst.idx.msk vm15, v5  }
0xef: {  	_ =	swait.ge [sflag:s12], $0x1000  }
0xf0: {  	[sflag:s12] =	ssyncset.done $0x0  }
0xf1: {  	[sflag:s12] =	ssyncadd.s32 $0xFFFFF000  }
0xf2: {  	_ =	swait.ge [sflag:s12], $0x1000  }
0xf3: {  	s9 =	sld [smem:$0x7EE]  }
0xf4: {  	[sflag:s12] =	ssyncset.done $0x0  }
0xf5: {  	s8 =	simm.s32 $0x0;
	s30 =	sld [smem:$0x7EF];
	[sflag:s12] =	ssyncadd.s32 $0xFFFFF000  }
0xf6: {  	[tilespmem:s13], [sflag:$0x1] =	stream.linear.gather [hbm4b:s9+s8], $0x1000, $0x200038;
	[tilespmem:$0x1C400] =	vst v63  }
0xf7: {  	_ = 	snop  }
0xf8: {  	[tilespmem:s14], [sflag:$0x1] =	stream.linear.gather [hbm4b:s30+s8], $0x1000, $0x200038;
	[tilespmem:$0x1C400] =	vst v63  }
.LBB2_8:
0xf9: {  	s9 =	sshra.s32 s8, $0x2  }
0xfa: {  	v4 =	vld [tilespmem:s9+$0x0];
	_ =	sdelay $0x4  }
0xfb: {  	v5 =	vshrl.u32 v4, $0xC  }
0xfc: {  	v6 =	vld [tilespmem:s9+$0x2000];
	vm0 =	veq.s32 v5, v1  }
0xfd: {  	v4 =	vand.u32 $0xFFF, v4;
	_ =	sdelay $0x3  }
0xfe: {  	v5 =	vadd.s32 $0x1, v6  }
0xff: {  	[tilespmem:v4+s15+$0x0] =	vst.idx.msk vm0, v5  }
0x100: {  	v4 =	vld [tilespmem:s9+$0x10];
	_ =	sdelay $0x4  }
0x101: {  	v5 =	vshrl.u32 v4, $0xC  }
0x102: {  	v61 =	vld [tilespmem:s9+$0x2010];
	vm13 =	veq.s32 v5, v1  }
0x103: {  	v4 =	vand.u32 $0xFFF, v4;
	_ =	sdelay $0x3  }
0x104: {  	v5 =	vadd.s32 $0x1, v61  }
0x105: {  	[tilespmem:v4+s15+$0x0] =	vst.idx.msk vm13, v5  }
0x106: {  	v4 =	vld [tilespmem:s9+$0x20];
	_ =	sdelay $0x4  }
0x107: {  	v5 =	vshrl.u32 v4, $0xC  }
0x108: {  	v62 =	vld [tilespmem:s9+$0x2020];
	vm14 =	veq.s32 v5, v1  }
0x109: {  	v4 =	vand.u32 $0xFFF, v4;
	_ =	sdelay $0x3  }
0x10a: {  	v5 =	vadd.s32 $0x1, v62  }
0x10b: {  	[tilespmem:v4+s15+$0x0] =	vst.idx.msk vm14, v5  }
0x10c: {  	v4 =	vld [tilespmem:s9+$0x30];
	_ =	sdelay $0x4  }
0x10d: {  	v5 =	vshrl.u32 v4, $0xC  }
0x10e: {  	v63 =	vld [tilespmem:s9+$0x2030];
	vm15 =	veq.s32 v5, v1  }
0x10f: {  	p0 =	sne.s32 s8, $0x3F00;
	v4 =	vand.u32 $0xFFF, v4  }
.Ltmp5:
0x110: {  	_ = 	snop;
	(pc) =	sbr.rel @p0 .LBB2_8-.Ltmp5, $3  }
0x111: {  	_ =	sdelay $0x1  }
0x112: {  	v5 =	vadd.s32 $0x1, v63  }
0x113: {  	s8 =	sadd.s32 $0x100, s8;
	[tilespmem:v4+s15+$0x0] =	vst.idx.msk vm15, v5  }
0x114: {  	_ =	swait.ge [sflag:s12], $0x1000  }
0x115: {  	[sflag:s12] =	ssyncset.done $0x0  }
0x116: {  	[sflag:s12] =	ssyncadd.s32 $0xFFFFF000  }
0x117: {  	_ =	swait.ge [sflag:s12], $0x1000  }
0x118: {  	[sflag:s12] =	ssyncset.done $0x0  }
0x119: {  	s8 =	simm.s32 $0x0;
	[sflag:s12] =	ssyncadd.s32 $0xFFFFF000  }
.LBB2_10:
0x11a: {  	s9 =	sshra.s32 s8, $0x2  }
0x11b: {  	v4 =	vld [tilespmem:s9+$0x1000];
	_ =	sdelay $0x4  }
0x11c: {  	v5 =	vshrl.u32 v4, $0xC  }
0x11d: {  	v6 =	vld [tilespmem:s9+$0x3000];
	vm0 =	veq.s32 v5, v1  }
0x11e: {  	v4 =	vand.u32 $0xFFF, v4;
	_ =	sdelay $0x3  }
0x11f: {  	v5 =	vadd.s32 $0x1, v6  }
0x120: {  	[tilespmem:v4+s15+$0x0] =	vst.idx.msk vm0, v5  }
0x121: {  	v4 =	vld [tilespmem:s9+$0x1010];
	_ =	sdelay $0x4  }
0x122: {  	v5 =	vshrl.u32 v4, $0xC  }
0x123: {  	v61 =	vld [tilespmem:s9+$0x3010];
	vm13 =	veq.s32 v5, v1  }
0x124: {  	v4 =	vand.u32 $0xFFF, v4;
	_ =	sdelay $0x3  }
0x125: {  	v5 =	vadd.s32 $0x1, v61  }
0x126: {  	[tilespmem:v4+s15+$0x0] =	vst.idx.msk vm13, v5  }
0x127: {  	v4 =	vld [tilespmem:s9+$0x1020];
	_ =	sdelay $0x4  }
0x128: {  	v5 =	vshrl.u32 v4, $0xC  }
0x129: {  	v62 =	vld [tilespmem:s9+$0x3020];
	vm14 =	veq.s32 v5, v1  }
0x12a: {  	v4 =	vand.u32 $0xFFF, v4;
	_ =	sdelay $0x3  }
0x12b: {  	v5 =	vadd.s32 $0x1, v62  }
0x12c: {  	[tilespmem:v4+s15+$0x0] =	vst.idx.msk vm14, v5  }
0x12d: {  	v4 =	vld [tilespmem:s9+$0x1030];
	_ =	sdelay $0x4  }
0x12e: {  	v5 =	vshrl.u32 v4, $0xC  }
0x12f: {  	v63 =	vld [tilespmem:s9+$0x3030];
	vm15 =	veq.s32 v5, v1  }
0x130: {  	p0 =	sne.s32 s8, $0x3F00;
	v4 =	vand.u32 $0xFFF, v4  }
.Ltmp6:
0x131: {  	_ = 	snop;
	(pc) =	sbr.rel @p0 .LBB2_10-.Ltmp6, $3  }
0x132: {  	_ =	sdelay $0x1  }
0x133: {  	v5 =	vadd.s32 $0x1, v63  }
0x134: {  	s8 =	sadd.s32 $0x100, s8;
	[tilespmem:v4+s15+$0x0] =	vst.idx.msk vm15, v5  }
0x135: {  	_ =	strace $0x90000048  }
0x136: {  	_ =	strace $0x80000049  }
0x137: {  	s8 =	simm.s32 $0x0;
	s9 =	rddreg [dreg:$0x3]  }
0x138: {  	[tilespmem:s8], [sflag:$0x1] =	stream.linear.gather [hbm4b:s9+s8], $0x1000, $0x200038;
	[tilespmem:$0x1C400] =	vst v63  }
0x139: {  	s28 =	rddreg [dreg:$0x4]  }
0x13a: {  	[tilespmem:s11], [sflag:$0x1] =	stream.linear.gather [hbm4b:s28+s8], $0x1000, $0x200038;
	[tilespmem:$0x1C400] =	vst v63  }
0x13b: {  	_ =	swait.ge [sflag:s12], $0x1000  }
0x13c: {  	[sflag:s12] =	ssyncset.done $0x0  }
0x13d: {  	[sflag:s12] =	ssyncadd.s32 $0xFFFFF000  }
0x13e: {  	_ =	swait.ge [sflag:s12], $0x1000  }
0x13f: {  	s29 =	sld [smem:$0x7F0]  }
0x140: {  	[sflag:s12] =	ssyncset.done $0x0  }
0x141: {  	s30 =	sld [smem:$0x7F1];
	[sflag:s12] =	ssyncadd.s32 $0xFFFFF000  }
0x142: {  	[tilespmem:s13], [sflag:$0x1] =	stream.linear.gather [hbm4b:s29+s8], $0x1000, $0x200038;
	[tilespmem:$0x1C400] =	vst v63  }
0x143: {  	_ = 	snop  }
0x144: {  	[tilespmem:s14], [sflag:$0x1] =	stream.linear.gather [hbm4b:s30+s8], $0x1000, $0x200038;
	[tilespmem:$0x1C400] =	vst v63  }
.LBB2_12:
0x145: {  	s9 =	sshra.s32 s8, $0x2  }
0x146: {  	v4 =	vld [tilespmem:s9+$0x0];
	_ =	sdelay $0x4  }
0x147: {  	v5 =	vshrl.u32 v4, $0xC  }
0x148: {  	v6 =	vld [tilespmem:s9+$0x2000];
	vm0 =	veq.s32 v5, v1  }
0x149: {  	v4 =	vand.u32 $0xFFF, v4;
	_ =	sdelay $0x3  }
0x14a: {  	v5 =	vadd.s32 $0x1, v6  }
0x14b: {  	[tilespmem:v4+s18+$0x0] =	vst.idx.msk vm0, v5  }
0x14c: {  	v4 =	vld [tilespmem:s9+$0x10];
	_ =	sdelay $0x4  }
0x14d: {  	v5 =	vshrl.u32 v4, $0xC  }
0x14e: {  	v61 =	vld [tilespmem:s9+$0x2010];
	vm13 =	veq.s32 v5, v1  }
0x14f: {  	v4 =	vand.u32 $0xFFF, v4;
	_ =	sdelay $0x3  }
0x150: {  	v5 =	vadd.s32 $0x1, v61  }
0x151: {  	[tilespmem:v4+s18+$0x0] =	vst.idx.msk vm13, v5  }
0x152: {  	v4 =	vld [tilespmem:s9+$0x20];
	_ =	sdelay $0x4  }
0x153: {  	v5 =	vshrl.u32 v4, $0xC  }
0x154: {  	v62 =	vld [tilespmem:s9+$0x2020];
	vm14 =	veq.s32 v5, v1  }
0x155: {  	v4 =	vand.u32 $0xFFF, v4;
	_ =	sdelay $0x3  }
0x156: {  	v5 =	vadd.s32 $0x1, v62  }
0x157: {  	[tilespmem:v4+s18+$0x0] =	vst.idx.msk vm14, v5  }
0x158: {  	v4 =	vld [tilespmem:s9+$0x30];
	_ =	sdelay $0x4  }
0x159: {  	v5 =	vshrl.u32 v4, $0xC  }
0x15a: {  	v63 =	vld [tilespmem:s9+$0x2030];
	vm15 =	veq.s32 v5, v1  }
0x15b: {  	p0 =	sne.s32 s8, $0x3F00;
	v4 =	vand.u32 $0xFFF, v4  }
.Ltmp7:
0x15c: {  	_ = 	snop;
	(pc) =	sbr.rel @p0 .LBB2_12-.Ltmp7, $3  }
0x15d: {  	_ =	sdelay $0x1  }
0x15e: {  	v5 =	vadd.s32 $0x1, v63  }
0x15f: {  	s8 =	sadd.s32 $0x100, s8;
	[tilespmem:v4+s18+$0x0] =	vst.idx.msk vm15, v5  }
0x160: {  	_ =	swait.ge [sflag:s12], $0x1000  }
0x161: {  	[sflag:s12] =	ssyncset.done $0x0  }
0x162: {  	[sflag:s12] =	ssyncadd.s32 $0xFFFFF000  }
0x163: {  	_ =	swait.ge [sflag:s12], $0x1000  }
0x164: {  	s9 =	sld [smem:$0x7F2]  }
0x165: {  	[sflag:s12] =	ssyncset.done $0x0  }
0x166: {  	s8 =	simm.s32 $0x0;
	s30 =	sld [smem:$0x7F3];
	[sflag:s12] =	ssyncadd.s32 $0xFFFFF000  }
0x167: {  	[tilespmem:s8], [sflag:$0x1] =	stream.linear.gather [hbm4b:s9+s8], $0x1000, $0x200038;
	[tilespmem:$0x1C400] =	vst v63  }
0x168: {  	_ = 	snop  }
0x169: {  	[tilespmem:s11], [sflag:$0x1] =	stream.linear.gather [hbm4b:s30+s8], $0x1000, $0x200038;
	[tilespmem:$0x1C400] =	vst v63  }
.LBB2_14:
0x16a: {  	s9 =	sshra.s32 s8, $0x2  }
0x16b: {  	v4 =	vld [tilespmem:s9+$0x1000];
	_ =	sdelay $0x4  }
0x16c: {  	v5 =	vshrl.u32 v4, $0xC  }
0x16d: {  	v6 =	vld [tilespmem:s9+$0x3000];
	vm0 =	veq.s32 v5, v1  }
0x16e: {  	v4 =	vand.u32 $0xFFF, v4;
	_ =	sdelay $0x3  }
0x16f: {  	v5 =	vadd.s32 $0x1, v6  }
0x170: {  	[tilespmem:v4+s18+$0x0] =	vst.idx.msk vm0, v5  }
0x171: {  	v4 =	vld [tilespmem:s9+$0x1010];
	_ =	sdelay $0x4  }
0x172: {  	v5 =	vshrl.u32 v4, $0xC  }
0x173: {  	v61 =	vld [tilespmem:s9+$0x3010];
	vm13 =	veq.s32 v5, v1  }
0x174: {  	v4 =	vand.u32 $0xFFF, v4;
	_ =	sdelay $0x3  }
0x175: {  	v5 =	vadd.s32 $0x1, v61  }
0x176: {  	[tilespmem:v4+s18+$0x0] =	vst.idx.msk vm13, v5  }
0x177: {  	v4 =	vld [tilespmem:s9+$0x1020];
	_ =	sdelay $0x4  }
0x178: {  	v5 =	vshrl.u32 v4, $0xC  }
0x179: {  	v62 =	vld [tilespmem:s9+$0x3020];
	vm14 =	veq.s32 v5, v1  }
0x17a: {  	v4 =	vand.u32 $0xFFF, v4;
	_ =	sdelay $0x3  }
0x17b: {  	v5 =	vadd.s32 $0x1, v62  }
0x17c: {  	[tilespmem:v4+s18+$0x0] =	vst.idx.msk vm14, v5  }
0x17d: {  	v4 =	vld [tilespmem:s9+$0x1030];
	_ =	sdelay $0x4  }
0x17e: {  	v5 =	vshrl.u32 v4, $0xC  }
0x17f: {  	v63 =	vld [tilespmem:s9+$0x3030];
	vm15 =	veq.s32 v5, v1  }
0x180: {  	p0 =	sne.s32 s8, $0x3F00;
	v4 =	vand.u32 $0xFFF, v4  }
.Ltmp8:
0x181: {  	_ = 	snop;
	(pc) =	sbr.rel @p0 .LBB2_14-.Ltmp8, $3  }
0x182: {  	_ =	sdelay $0x1  }
0x183: {  	v5 =	vadd.s32 $0x1, v63  }
0x184: {  	s8 =	sadd.s32 $0x100, s8;
	[tilespmem:v4+s18+$0x0] =	vst.idx.msk vm15, v5  }
0x185: {  	_ =	swait.ge [sflag:s12], $0x1000  }
0x186: {  	[sflag:s12] =	ssyncset.done $0x0  }
0x187: {  	[sflag:s12] =	ssyncadd.s32 $0xFFFFF000  }
0x188: {  	_ =	swait.ge [sflag:s12], $0x1000  }
0x189: {  	s9 =	sld [smem:$0x7F4]  }
0x18a: {  	[sflag:s12] =	ssyncset.done $0x0  }
0x18b: {  	s8 =	simm.s32 $0x0;
	s30 =	sld [smem:$0x7F5];
	[sflag:s12] =	ssyncadd.s32 $0xFFFFF000  }
0x18c: {  	[tilespmem:s13], [sflag:$0x1] =	stream.linear.gather [hbm4b:s9+s8], $0x1000, $0x200038;
	[tilespmem:$0x1C400] =	vst v63  }
0x18d: {  	_ = 	snop  }
0x18e: {  	[tilespmem:s14], [sflag:$0x1] =	stream.linear.gather [hbm4b:s30+s8], $0x1000, $0x200038;
	[tilespmem:$0x1C400] =	vst v63  }
.LBB2_16:
0x18f: {  	s9 =	sshra.s32 s8, $0x2  }
0x190: {  	v4 =	vld [tilespmem:s9+$0x0];
	_ =	sdelay $0x4  }
0x191: {  	v5 =	vshrl.u32 v4, $0xC  }
0x192: {  	v6 =	vld [tilespmem:s9+$0x2000];
	vm0 =	veq.s32 v5, v1  }
0x193: {  	v4 =	vand.u32 $0xFFF, v4;
	_ =	sdelay $0x3  }
0x194: {  	v5 =	vadd.s32 $0x1, v6  }
0x195: {  	[tilespmem:v4+s18+$0x0] =	vst.idx.msk vm0, v5  }
0x196: {  	v4 =	vld [tilespmem:s9+$0x10];
	_ =	sdelay $0x4  }
0x197: {  	v5 =	vshrl.u32 v4, $0xC  }
0x198: {  	v61 =	vld [tilespmem:s9+$0x2010];
	vm13 =	veq.s32 v5, v1  }
0x199: {  	v4 =	vand.u32 $0xFFF, v4;
	_ =	sdelay $0x3  }
0x19a: {  	v5 =	vadd.s32 $0x1, v61  }
0x19b: {  	[tilespmem:v4+s18+$0x0] =	vst.idx.msk vm13, v5  }
0x19c: {  	v4 =	vld [tilespmem:s9+$0x20];
	_ =	sdelay $0x4  }
0x19d: {  	v5 =	vshrl.u32 v4, $0xC  }
0x19e: {  	v62 =	vld [tilespmem:s9+$0x2020];
	vm14 =	veq.s32 v5, v1  }
0x19f: {  	v4 =	vand.u32 $0xFFF, v4;
	_ =	sdelay $0x3  }
0x1a0: {  	v5 =	vadd.s32 $0x1, v62  }
0x1a1: {  	[tilespmem:v4+s18+$0x0] =	vst.idx.msk vm14, v5  }
0x1a2: {  	v4 =	vld [tilespmem:s9+$0x30];
	_ =	sdelay $0x4  }
0x1a3: {  	v5 =	vshrl.u32 v4, $0xC  }
0x1a4: {  	v63 =	vld [tilespmem:s9+$0x2030];
	vm15 =	veq.s32 v5, v1  }
0x1a5: {  	p0 =	sne.s32 s8, $0x3F00;
	v4 =	vand.u32 $0xFFF, v4  }
.Ltmp9:
0x1a6: {  	_ = 	snop;
	(pc) =	sbr.rel @p0 .LBB2_16-.Ltmp9, $3  }
0x1a7: {  	_ =	sdelay $0x1  }
0x1a8: {  	v5 =	vadd.s32 $0x1, v63  }
0x1a9: {  	s8 =	sadd.s32 $0x100, s8;
	[tilespmem:v4+s18+$0x0] =	vst.idx.msk vm15, v5  }
0x1aa: {  	_ =	swait.ge [sflag:s12], $0x1000  }
0x1ab: {  	[sflag:s12] =	ssyncset.done $0x0  }
0x1ac: {  	[sflag:s12] =	ssyncadd.s32 $0xFFFFF000  }
0x1ad: {  	_ =	swait.ge [sflag:s12], $0x1000  }
0x1ae: {  	s9 =	sld [smem:$0x7F6]  }
0x1af: {  	[sflag:s12] =	ssyncset.done $0x0  }
0x1b0: {  	s8 =	simm.s32 $0x0;
	s30 =	sld [smem:$0x7F7];
	[sflag:s12] =	ssyncadd.s32 $0xFFFFF000  }
0x1b1: {  	[tilespmem:s8], [sflag:$0x1] =	stream.linear.gather [hbm4b:s9+s8], $0x1000, $0x200038;
	[tilespmem:$0x1C400] =	vst v63  }
0x1b2: {  	_ = 	snop  }
0x1b3: {  	[tilespmem:s11], [sflag:$0x1] =	stream.linear.gather [hbm4b:s30+s8], $0x1000, $0x200038;
	[tilespmem:$0x1C400] =	vst v63  }
.LBB2_18:
0x1b4: {  	s9 =	sshra.s32 s8, $0x2  }
0x1b5: {  	v4 =	vld [tilespmem:s9+$0x1000];
	_ =	sdelay $0x4  }
0x1b6: {  	v5 =	vshrl.u32 v4, $0xC  }
0x1b7: {  	v6 =	vld [tilespmem:s9+$0x3000];
	vm0 =	veq.s32 v5, v1  }
0x1b8: {  	v4 =	vand.u32 $0xFFF, v4;
	_ =	sdelay $0x3  }
0x1b9: {  	v5 =	vadd.s32 $0x1, v6  }
0x1ba: {  	[tilespmem:v4+s18+$0x0] =	vst.idx.msk vm0, v5  }
0x1bb: {  	v4 =	vld [tilespmem:s9+$0x1010];
	_ =	sdelay $0x4  }
0x1bc: {  	v5 =	vshrl.u32 v4, $0xC  }
0x1bd: {  	v61 =	vld [tilespmem:s9+$0x3010];
	vm13 =	veq.s32 v5, v1  }
0x1be: {  	v4 =	vand.u32 $0xFFF, v4;
	_ =	sdelay $0x3  }
0x1bf: {  	v5 =	vadd.s32 $0x1, v61  }
0x1c0: {  	[tilespmem:v4+s18+$0x0] =	vst.idx.msk vm13, v5  }
0x1c1: {  	v4 =	vld [tilespmem:s9+$0x1020];
	_ =	sdelay $0x4  }
0x1c2: {  	v5 =	vshrl.u32 v4, $0xC  }
0x1c3: {  	v62 =	vld [tilespmem:s9+$0x3020];
	vm14 =	veq.s32 v5, v1  }
0x1c4: {  	v4 =	vand.u32 $0xFFF, v4;
	_ =	sdelay $0x3  }
0x1c5: {  	v5 =	vadd.s32 $0x1, v62  }
0x1c6: {  	[tilespmem:v4+s18+$0x0] =	vst.idx.msk vm14, v5  }
0x1c7: {  	v4 =	vld [tilespmem:s9+$0x1030];
	_ =	sdelay $0x4  }
0x1c8: {  	v5 =	vshrl.u32 v4, $0xC  }
0x1c9: {  	v63 =	vld [tilespmem:s9+$0x3030];
	vm15 =	veq.s32 v5, v1  }
0x1ca: {  	p0 =	sne.s32 s8, $0x3F00;
	v4 =	vand.u32 $0xFFF, v4  }
.Ltmp10:
0x1cb: {  	_ = 	snop;
	(pc) =	sbr.rel @p0 .LBB2_18-.Ltmp10, $3  }
0x1cc: {  	_ =	sdelay $0x1  }
0x1cd: {  	v5 =	vadd.s32 $0x1, v63  }
0x1ce: {  	s8 =	sadd.s32 $0x100, s8;
	[tilespmem:v4+s18+$0x0] =	vst.idx.msk vm15, v5  }
0x1cf: {  	_ =	swait.ge [sflag:s12], $0x1000  }
0x1d0: {  	[sflag:s12] =	ssyncset.done $0x0  }
0x1d1: {  	[sflag:s12] =	ssyncadd.s32 $0xFFFFF000  }
0x1d2: {  	_ =	swait.ge [sflag:s12], $0x1000  }
0x1d3: {  	s9 =	sld [smem:$0x7F8]  }
0x1d4: {  	[sflag:s12] =	ssyncset.done $0x0  }
0x1d5: {  	s8 =	simm.s32 $0x0;
	s30 =	sld [smem:$0x7F9];
	[sflag:s12] =	ssyncadd.s32 $0xFFFFF000  }
0x1d6: {  	[tilespmem:s13], [sflag:$0x1] =	stream.linear.gather [hbm4b:s9+s8], $0x1000, $0x200038;
	[tilespmem:$0x1C400] =	vst v63  }
0x1d7: {  	_ = 	snop  }
0x1d8: {  	[tilespmem:s14], [sflag:$0x1] =	stream.linear.gather [hbm4b:s30+s8], $0x1000, $0x200038;
	[tilespmem:$0x1C400] =	vst v63  }
.LBB2_20:
0x1d9: {  	s9 =	sshra.s32 s8, $0x2  }
0x1da: {  	v4 =	vld [tilespmem:s9+$0x0];
	_ =	sdelay $0x4  }
0x1db: {  	v5 =	vshrl.u32 v4, $0xC  }
0x1dc: {  	v6 =	vld [tilespmem:s9+$0x2000];
	vm0 =	veq.s32 v5, v1  }
0x1dd: {  	v4 =	vand.u32 $0xFFF, v4;
	_ =	sdelay $0x3  }
0x1de: {  	v5 =	vadd.s32 $0x1, v6  }
0x1df: {  	[tilespmem:v4+s18+$0x0] =	vst.idx.msk vm0, v5  }
0x1e0: {  	v4 =	vld [tilespmem:s9+$0x10];
	_ =	sdelay $0x4  }
0x1e1: {  	v5 =	vshrl.u32 v4, $0xC  }
0x1e2: {  	v61 =	vld [tilespmem:s9+$0x2010];
	vm13 =	veq.s32 v5, v1  }
0x1e3: {  	v4 =	vand.u32 $0xFFF, v4;
	_ =	sdelay $0x3  }
0x1e4: {  	v5 =	vadd.s32 $0x1, v61  }
0x1e5: {  	[tilespmem:v4+s18+$0x0] =	vst.idx.msk vm13, v5  }
0x1e6: {  	v4 =	vld [tilespmem:s9+$0x20];
	_ =	sdelay $0x4  }
0x1e7: {  	v5 =	vshrl.u32 v4, $0xC  }
0x1e8: {  	v62 =	vld [tilespmem:s9+$0x2020];
	vm14 =	veq.s32 v5, v1  }
0x1e9: {  	v4 =	vand.u32 $0xFFF, v4;
	_ =	sdelay $0x3  }
0x1ea: {  	v5 =	vadd.s32 $0x1, v62  }
0x1eb: {  	[tilespmem:v4+s18+$0x0] =	vst.idx.msk vm14, v5  }
0x1ec: {  	v4 =	vld [tilespmem:s9+$0x30];
	_ =	sdelay $0x4  }
0x1ed: {  	v5 =	vshrl.u32 v4, $0xC  }
0x1ee: {  	v63 =	vld [tilespmem:s9+$0x2030];
	vm15 =	veq.s32 v5, v1  }
0x1ef: {  	p0 =	sne.s32 s8, $0x3F00;
	v4 =	vand.u32 $0xFFF, v4  }
.Ltmp11:
0x1f0: {  	_ = 	snop;
	(pc) =	sbr.rel @p0 .LBB2_20-.Ltmp11, $3  }
0x1f1: {  	_ =	sdelay $0x1  }
0x1f2: {  	v5 =	vadd.s32 $0x1, v63  }
0x1f3: {  	s8 =	sadd.s32 $0x100, s8;
	[tilespmem:v4+s18+$0x0] =	vst.idx.msk vm15, v5  }
0x1f4: {  	_ =	swait.ge [sflag:s12], $0x1000  }
0x1f5: {  	[sflag:s12] =	ssyncset.done $0x0  }
0x1f6: {  	[sflag:s12] =	ssyncadd.s32 $0xFFFFF000  }
0x1f7: {  	_ =	swait.ge [sflag:s12], $0x1000  }
0x1f8: {  	s9 =	sld [smem:$0x7FA]  }
0x1f9: {  	[sflag:s12] =	ssyncset.done $0x0  }
0x1fa: {  	s8 =	simm.s32 $0x0;
	s30 =	sld [smem:$0x7FB];
	[sflag:s12] =	ssyncadd.s32 $0xFFFFF000  }
0x1fb: {  	[tilespmem:s8], [sflag:$0x1] =	stream.linear.gather [hbm4b:s9+s8], $0x1000, $0x200038;
	[tilespmem:$0x1C400] =	vst v63  }
0x1fc: {  	_ = 	snop  }
0x1fd: {  	[tilespmem:s11], [sflag:$0x1] =	stream.linear.gather [hbm4b:s30+s8], $0x1000, $0x200038;
	[tilespmem:$0x1C400] =	vst v63  }
.LBB2_22:
0x1fe: {  	s9 =	sshra.s32 s8, $0x2  }
0x1ff: {  	v4 =	vld [tilespmem:s9+$0x1000];
	_ =	sdelay $0x4  }
0x200: {  	v5 =	vshrl.u32 v4, $0xC  }
0x201: {  	v6 =	vld [tilespmem:s9+$0x3000];
	vm0 =	veq.s32 v5, v1  }
0x202: {  	v4 =	vand.u32 $0xFFF, v4;
	_ =	sdelay $0x3  }
0x203: {  	v5 =	vadd.s32 $0x1, v6  }
0x204: {  	[tilespmem:v4+s18+$0x0] =	vst.idx.msk vm0, v5  }
0x205: {  	v4 =	vld [tilespmem:s9+$0x1010];
	_ =	sdelay $0x4  }
0x206: {  	v5 =	vshrl.u32 v4, $0xC  }
0x207: {  	v61 =	vld [tilespmem:s9+$0x3010];
	vm13 =	veq.s32 v5, v1  }
0x208: {  	v4 =	vand.u32 $0xFFF, v4;
	_ =	sdelay $0x3  }
0x209: {  	v5 =	vadd.s32 $0x1, v61  }
0x20a: {  	[tilespmem:v4+s18+$0x0] =	vst.idx.msk vm13, v5  }
0x20b: {  	v4 =	vld [tilespmem:s9+$0x1020];
	_ =	sdelay $0x4  }
0x20c: {  	v5 =	vshrl.u32 v4, $0xC  }
0x20d: {  	v62 =	vld [tilespmem:s9+$0x3020];
	vm14 =	veq.s32 v5, v1  }
0x20e: {  	v4 =	vand.u32 $0xFFF, v4;
	_ =	sdelay $0x3  }
0x20f: {  	v5 =	vadd.s32 $0x1, v62  }
0x210: {  	[tilespmem:v4+s18+$0x0] =	vst.idx.msk vm14, v5  }
0x211: {  	v4 =	vld [tilespmem:s9+$0x1030];
	_ =	sdelay $0x4  }
0x212: {  	v5 =	vshrl.u32 v4, $0xC  }
0x213: {  	v63 =	vld [tilespmem:s9+$0x3030];
	vm15 =	veq.s32 v5, v1  }
0x214: {  	p0 =	sne.s32 s8, $0x3F00;
	v4 =	vand.u32 $0xFFF, v4  }
.Ltmp12:
0x215: {  	_ = 	snop;
	(pc) =	sbr.rel @p0 .LBB2_22-.Ltmp12, $3  }
0x216: {  	_ =	sdelay $0x1  }
0x217: {  	v5 =	vadd.s32 $0x1, v63  }
0x218: {  	s8 =	sadd.s32 $0x100, s8;
	[tilespmem:v4+s18+$0x0] =	vst.idx.msk vm15, v5  }
0x219: {  	_ =	swait.ge [sflag:s12], $0x1000  }
0x21a: {  	[sflag:s12] =	ssyncset.done $0x0  }
0x21b: {  	[sflag:s12] =	ssyncadd.s32 $0xFFFFF000  }
0x21c: {  	_ =	swait.ge [sflag:s12], $0x1000  }
0x21d: {  	s9 =	sld [smem:$0x7FC]  }
0x21e: {  	[sflag:s12] =	ssyncset.done $0x0  }
0x21f: {  	s8 =	simm.s32 $0x0;
	s30 =	sld [smem:$0x7FD];
	[sflag:s12] =	ssyncadd.s32 $0xFFFFF000  }
0x220: {  	[tilespmem:s13], [sflag:$0x1] =	stream.linear.gather [hbm4b:s9+s8], $0x1000, $0x200038;
	[tilespmem:$0x1C400] =	vst v63  }
0x221: {  	_ = 	snop  }
0x222: {  	[tilespmem:s14], [sflag:$0x1] =	stream.linear.gather [hbm4b:s30+s8], $0x1000, $0x200038;
	[tilespmem:$0x1C400] =	vst v63  }
.LBB2_24:
0x223: {  	s9 =	sshra.s32 s8, $0x2  }
0x224: {  	v4 =	vld [tilespmem:s9+$0x0];
	_ =	sdelay $0x4  }
0x225: {  	v5 =	vshrl.u32 v4, $0xC  }
0x226: {  	v6 =	vld [tilespmem:s9+$0x2000];
	vm0 =	veq.s32 v5, v1  }
0x227: {  	v4 =	vand.u32 $0xFFF, v4;
	_ =	sdelay $0x3  }
0x228: {  	v5 =	vadd.s32 $0x1, v6  }
0x229: {  	[tilespmem:v4+s18+$0x0] =	vst.idx.msk vm0, v5  }
0x22a: {  	v4 =	vld [tilespmem:s9+$0x10];
	_ =	sdelay $0x4  }
0x22b: {  	v5 =	vshrl.u32 v4, $0xC  }
0x22c: {  	v61 =	vld [tilespmem:s9+$0x2010];
	vm13 =	veq.s32 v5, v1  }
0x22d: {  	v4 =	vand.u32 $0xFFF, v4;
	_ =	sdelay $0x3  }
0x22e: {  	v5 =	vadd.s32 $0x1, v61  }
0x22f: {  	[tilespmem:v4+s18+$0x0] =	vst.idx.msk vm13, v5  }
0x230: {  	v4 =	vld [tilespmem:s9+$0x20];
	_ =	sdelay $0x4  }
0x231: {  	v5 =	vshrl.u32 v4, $0xC  }
0x232: {  	v62 =	vld [tilespmem:s9+$0x2020];
	vm14 =	veq.s32 v5, v1  }
0x233: {  	v4 =	vand.u32 $0xFFF, v4;
	_ =	sdelay $0x3  }
0x234: {  	v5 =	vadd.s32 $0x1, v62  }
0x235: {  	[tilespmem:v4+s18+$0x0] =	vst.idx.msk vm14, v5  }
0x236: {  	v4 =	vld [tilespmem:s9+$0x30];
	_ =	sdelay $0x4  }
0x237: {  	v5 =	vshrl.u32 v4, $0xC  }
0x238: {  	v63 =	vld [tilespmem:s9+$0x2030];
	vm15 =	veq.s32 v5, v1  }
0x239: {  	p0 =	sne.s32 s8, $0x3F00;
	v4 =	vand.u32 $0xFFF, v4  }
.Ltmp13:
0x23a: {  	_ = 	snop;
	(pc) =	sbr.rel @p0 .LBB2_24-.Ltmp13, $3  }
0x23b: {  	_ =	sdelay $0x1  }
0x23c: {  	v5 =	vadd.s32 $0x1, v63  }
0x23d: {  	s8 =	sadd.s32 $0x100, s8;
	[tilespmem:v4+s18+$0x0] =	vst.idx.msk vm15, v5  }
0x23e: {  	_ =	swait.ge [sflag:s12], $0x1000  }
0x23f: {  	[sflag:s12] =	ssyncset.done $0x0  }
0x240: {  	[sflag:s12] =	ssyncadd.s32 $0xFFFFF000  }
0x241: {  	_ =	swait.ge [sflag:s12], $0x1000  }
0x242: {  	[sflag:s12] =	ssyncset.done $0x0  }
0x243: {  	s8 =	simm.s32 $0x0;
	[sflag:s12] =	ssyncadd.s32 $0xFFFFF000  }
.LBB2_26:
0x244: {  	s9 =	sshra.s32 s8, $0x2  }
0x245: {  	v4 =	vld [tilespmem:s9+$0x1000];
	_ =	sdelay $0x4  }
0x246: {  	v5 =	vshrl.u32 v4, $0xC  }
0x247: {  	v6 =	vld [tilespmem:s9+$0x3000];
	vm0 =	veq.s32 v5, v1  }
0x248: {  	v4 =	vand.u32 $0xFFF, v4;
	_ =	sdelay $0x3  }
0x249: {  	v5 =	vadd.s32 $0x1, v6  }
0x24a: {  	[tilespmem:v4+s18+$0x0] =	vst.idx.msk vm0, v5  }
0x24b: {  	v4 =	vld [tilespmem:s9+$0x1010];
	_ =	sdelay $0x4  }
0x24c: {  	v5 =	vshrl.u32 v4, $0xC  }
0x24d: {  	v61 =	vld [tilespmem:s9+$0x3010];
	vm13 =	veq.s32 v5, v1  }
0x24e: {  	v4 =	vand.u32 $0xFFF, v4;
	_ =	sdelay $0x3  }
0x24f: {  	v5 =	vadd.s32 $0x1, v61  }
0x250: {  	[tilespmem:v4+s18+$0x0] =	vst.idx.msk vm13, v5  }
0x251: {  	v4 =	vld [tilespmem:s9+$0x1020];
	_ =	sdelay $0x4  }
0x252: {  	v5 =	vshrl.u32 v4, $0xC  }
0x253: {  	v62 =	vld [tilespmem:s9+$0x3020];
	vm14 =	veq.s32 v5, v1  }
0x254: {  	v4 =	vand.u32 $0xFFF, v4;
	_ =	sdelay $0x3  }
0x255: {  	v5 =	vadd.s32 $0x1, v62  }
0x256: {  	[tilespmem:v4+s18+$0x0] =	vst.idx.msk vm14, v5  }
0x257: {  	v4 =	vld [tilespmem:s9+$0x1030];
	_ =	sdelay $0x4  }
0x258: {  	v5 =	vshrl.u32 v4, $0xC  }
0x259: {  	v63 =	vld [tilespmem:s9+$0x3030];
	vm15 =	veq.s32 v5, v1  }
0x25a: {  	p0 =	sne.s32 s8, $0x3F00;
	v4 =	vand.u32 $0xFFF, v4  }
.Ltmp14:
0x25b: {  	_ = 	snop;
	(pc) =	sbr.rel @p0 .LBB2_26-.Ltmp14, $3  }
0x25c: {  	_ =	sdelay $0x1  }
0x25d: {  	v5 =	vadd.s32 $0x1, v63  }
0x25e: {  	s8 =	sadd.s32 $0x100, s8;
	[tilespmem:v4+s18+$0x0] =	vst.idx.msk vm15, v5  }
0x25f: {  	_ =	strace $0x90000049  }
0x260: {  	s8 =	simm.s32 $0x0;
	_ =	strace $0x8000004A  }
0x261: {  	v6 =	vld [tilespmem:s8+$0x4000]  }
0x262: {  	v7 =	vld [tilespmem:s8+$0x5000];
	_ =	sdelay $0x4  }
0x263: {  	s9 =	rddreg [dreg:$0x15];
	vm2 =	vgt.s32 v6, $0x0;
	vm0 =	vgt.s32 v7, $0x0  }
0x264: {  	v4 =	vor.u32 s9, v3;
	vm1 =	vmxor vm2, vm0  }
0x265: {  	v5 =	vnsel vm1, $0x7FFFFFFF, v4  }
0x266: {  	v8 =	vsel vm1, $0x1, v2;
	(xrf0) =	vmax.scan.msk.u32 $0xffff, v5  }
0x267: {  	vm3 =	vmand vm2, vm0;
	(xrf0) =	vadd.scan.msk.s32 $0xffff, v8  }
0x268: {  	v5 =	vsel vm3, $0x1, v2  }
0x269: {  	s15 =	simm.s32 $0x0;
	(xrf0) =	vadd.scan.msk.s32 $0xffff, v5  }
0x26a: {  	v5 =	vmov s15  }
0x26b: {  	v5 =	vadd.s32 $0xFFFFFFFF, v5  }
0x26c: {  	v5 =	vbroadcast v5, $0x0;
	v8, _, _ =	vpop (xrf0)  }
0x26d: {  	vm1 =	vmmov vm1;
	v9, _, _ =	vpop (xrf0)  }
0x26e: {  	v4 =	vnsel vm3, $0x7FFFFFFF, v4;
	v10 =	vadd.s32 v9, v5  }
0x26f: {  	(xrf0) =	vmax.scan.msk.u32 $0xffff, v4;
	v11, _, _ =	vpop (xrf0)  }
0x270: {  	v5 =	vadd.s32 v11, v5  }
0x271: {  	v12 =	vadd.s32 $0xFFFFFFFF, v6;
	v13 =	vadd.s32 $0x800, v7  }
0x272: {  	v12 =	vsel vm2, v12, v13  }
0x273: {  	v14 =	vor.u32 s9, v0;
	(v2sf) =	vpush v8, $0xF;
	[tilespmem:v10+s19+$0x0] =	vst.idx.msk vm1, v12  }
0x274: {  	v4 =	vadd.s32 $0x1001, v6;
	(v2sf) =	vpush v9, $0xF;
	[tilespmem:v10+s20+$0x0] =	vst.idx.msk vm1, v14  }
0x275: {  	(v2sf) =	vpush v11, $0xF;
	v8, _, _ =	vpop (xrf0);
	[tilespmem:v5+s21+$0x0] =	vst.idx.msk vm3, v4  }
0x276: {  	(v2sf) =	vpush v8, $0xF;
	[tilespmem:v5+s23+$0x0] =	vst.idx.msk vm3, v13  }
0x277: {  	s16 =	simm.s32 $0x10;
	[tilespmem:v5+s24+$0x0] =	vst.idx.msk vm3, v14  }
0x278: {  	v5 =	vld [tilespmem:s16+$0x4000]  }
0x279: {  	v4 =	vld [tilespmem:s16+$0x5000];
	_ =	sdelay $0x4  }
0x27a: {  	s14 =	sadd.s32 $0x10, s9;
	vm0 =	vmmov vm3;
	vm2 =	vgt.s32 v5, $0x0;
	vm3 =	vgt.s32 v4, $0x0  }
0x27b: {  	v8 =	vor.u32 s14, v3;
	vm4 =	vmxor vm2, vm3  }
0x27c: {  	v9 =	vnsel vm4, $0x7FFFFFFF, v8  }
0x27d: {  	(xrf0) =	vmax.scan.msk.u32 $0xffff, v9;
	v9 =	vsel vm4, $0x1, v2  }
0x27e: {  	s17 =	spop (v2sf);
	vm3 =	vmand vm2, vm3;
	(xrf0) =	vadd.scan.msk.s32 $0xffff, v9  }
0x27f: {  	s22 =	spop (v2sf);
	s13 =	sxor.u32 $0x80000000, s17;
	v9 =	vsel vm3, $0x1, v2  }
0x280: {  	v6 =	vadd.s32 $0x80001001, v6;
	s12 =	sadd.s32 $0x0, s22;
	s25 =	spop (v2sf);
	vm5 =	veq.s32 v14, s13;
	(xrf0) =	vadd.scan.msk.s32 $0xffff, v9  }
0x281: {  	v10 =	vmov s12;
	s8 =	sadd.s32 $0x0, s25;
	s28 =	spop (v2sf);
	v8 =	vnsel vm3, $0x7FFFFFFF, v8;
	vm5 =	vmand vm1, vm5  }
0x282: {  	vm1 =	vmmov vm4;
	v10 =	vadd.s32 $0xFFFFFFFF, v10;
	v11 =	vmov s8;
	s16 =	sxor.u32 $0x80000000, s28  }
0x283: {  	v10 =	vbroadcast v10, $0x0;
	v11 =	vadd.s32 $0xFFFFFFFF, v11;
	vm15 =	veq.s32 v14, s16;
	v9, _, _ =	vpop (xrf0)  }
0x284: {  	v11 =	vbroadcast v11, $0x0;
	(v2sf) =	vpush v9, $0xF;
	v9 =	vxor.u32 $0x80000000, v12;
	v62, _, _ =	vpop (xrf0)  }
0x285: {  	vm4 =	vmand vm0, vm15;
	(xrf0) =	vmax.scan.msk.u32 $0xffff, v8;
	v10 =	vadd.s32 v62, v10;
	v9 =	vnsel vm5, $0x7FFFFFFF, v9  }
0x286: {  	v7 =	vadd.s32 $0x80000800, v7;
	v6 =	vnsel vm4, $0x7FFFFFFF, v6;
	v8, _, _ =	vpop (xrf0);
	(xrf0) =	vmax.scan.msk.u32 $0xffff, v9  }
0x287: {  	v7 =	vnsel vm4, $0x7FFFFFFF, v7;
	v11 =	vadd.s32 v8, v11;
	(xrf0) =	vmax.scan.msk.u32 $0xffff, v6  }
0x288: {  	v63 =	vadd.s32 $0x800, v4;
	v6 =	vadd.s32 $0xFFFFFFFF, v5;
	(xrf0) =	vmax.scan.msk.u32 $0xffff, v7  }
0x289: {  	v9 =	vsel vm2, v6, v63;
	v7 =	vadd.s32 $0x1001, v5  }
0x28a: {  	(v2sf) =	vpush v62, $0xF;
	v6 =	vor.u32 s14, v0;
	[tilespmem:v10+s19+$0x0] =	vst.idx.msk vm1, v9  }
0x28b: {  	(v2sf) =	vpush v8, $0xF;
	[tilespmem:v10+s20+$0x0] =	vst.idx.msk vm1, v6;
	v10, _, _ =	vpop (xrf0)  }
0x28c: {  	[tilespmem:v11+s21+$0x0] =	vst.idx.msk vm3, v7;
	(v2sf) =	vpush v10, $0xF;
	v7, _, _ =	vpop (xrf0)  }
0x28d: {  	(v2sf) =	vpush v7, $0xF;
	v7, _, _ =	vpop (xrf0)  }
0x28e: {  	(v2sf) =	vpush v7, $0xF;
	v7, _, _ =	vpop (xrf0)  }
0x28f: {  	(v2sf) =	vpush v7, $0xF;
	_ =	sdelay $0x2  }
0x290: {  	[tilespmem:v11+s23+$0x0] =	vst.idx.msk vm3, v63  }
0x291: {  	s30 =	simm.s32 $0x20;
	s9 =	simm.s32 $0xFFFFFFFF;
	[tilespmem:v11+s24+$0x0] =	vst.idx.msk vm3, v6  }
0x292: {  	s15 =	simm.s32 $0xFFFFFFFF;
	p0 =	sgt.s32 s13, $0xFFFFFFFF;
	s22 =	simm.s32 $0xFFFFFFFF;
	v8 =	vld [tilespmem:s30+$0x4000]  }
0x293: {  	s25 =	simm.s32 $0xC0;
	s15 =	smov.u32 @p0 s13;
	p1 =	sgt.s32 s16, $0xFFFFFFFF;
	v7 =	vld [tilespmem:s30+$0x5000]  }
0x294: {  	p0 =	por p0, p0;
	s13 =	simm.s32 $0xFFFFFFFF;
	s22 =	smov.u32 @p1 s16  }
0x295: {  	vm0 =	vmmov vm3;
	p1 =	por p1, p1;
	s16 =	simm.s32 $0xFFFFFFFF;
	s29 =	spop (v2sf)  }
.LBB2_28:
0x296: {  	s14 =	sadd.s32 $0x10, s14  }
0x297: {  	vm2 =	vgt.s32 v8, $0x0;
	v10 =	vadd.s32 $0x80001001, v5;
	s28 =	spop (v2sf);
	v5 =	vmov v8;
	s17 =	smov.u32 s25;
	s30 =	sadd.s32 $0x40, s25  }
0x298: {  	p2 =	sne.s32 s25, $0x3FC0;
	s25 =	sxor.u32 $0x80000000, s29;
	v9 =	vxor.u32 $0x80000000, v9;
	vm4 =	vgt.s32 v7, $0x0;
	v8 =	vor.u32 s14, v3;
	s29 =	spop (v2sf)  }
0x299: {  	vm5 =	veq.s32 v6, s25;
	p3 =	sgt.s32 s25, s15;
	s12 =	sadd.s32 s12, s28;
	vm3 =	vmxor vm2, vm4;
	vm4 =	vmand vm2, vm4;
	s28 =	spop (v2sf)  }
0x29a: {  	vm1 =	vmand vm1, vm5;
	s15 =	smov.u32 @p3 s25;
	s8 =	sadd.s32 s8, s29;
	v11 =	vnsel vm3, $0x7FFFFFFF, v8;
	v8 =	vnsel vm4, $0x7FFFFFFF, v8;
	s25 =	spop (v2sf)  }
0x29b: {  	v13 =	vmov s12;
	v12 =	vsel vm3, $0x1, v2;
	v9 =	vnsel vm1, $0x7FFFFFFF, v9;
	s28 =	sxor.u32 $0x80000000, s28;
	(xrf0) =	vmax.scan.msk.u32 $0xffff, v11;
	s25 =	sxor.u32 $0x80000000, s25;
	s29 =	spop (v2sf)  }
0x29c: {  	v11 =	vadd.s32 $0xFFFFFFFF, v13;
	v13 =	vsel vm4, $0x1, v2;
	vm1 =	veq.s32 v6, s28;
	p4 =	sgt.s32 s28, s22;
	(xrf0) =	vadd.scan.msk.s32 $0xffff, v12;
	s29 =	sxor.u32 $0x80000000, s29;
	s11 =	spop (v2sf)  }
0x29d: {  	v6 =	vmov s8;
	vm0 =	vmand vm0, vm1;
	v12 =	vadd.s32 $0x80000800, v4;
	s22 =	smov.u32 @p4 s28;
	v4 =	vmovc v7;
	(xrf0) =	vadd.scan.msk.s32 $0xffff, v13;
	s11 =	sxor.u32 $0x80000000, s11;
	s9 =	smov.u32 @p1 s29  }
0x29e: {  	v6 =	vadd.s32 $0xFFFFFFFF, v6;
	s16 =	smov.u32 @p0 s25;
	p0 =	por p3, p3;
	v7 =	vnsel vm0, $0x7FFFFFFF, v10;
	(xrf0) =	vmax.scan.msk.u32 $0xffff, v8;
	v8 =	vnsel vm0, $0x7FFFFFFF, v12;
	s13 =	smov.u32 @p1 s11  }
0x29f: {  	vm1 =	vmmov vm3;
	vm0 =	vmmov vm4;
	p1 =	por p4, p4;
	(xrf0) =	vmax.scan.msk.u32 $0xffff, v9  }
0x2a0: {  	(xrf0) =	vmax.scan.msk.u32 $0xffff, v7  }
0x2a1: {  	v7 =	vbroadcast v11, $0x0;
	v9, _, _ =	vpop (xrf0);
	(xrf0) =	vmax.scan.msk.u32 $0xffff, v8  }
0x2a2: {  	v8, _, _ =	vpop (xrf0);
	(v2sf) =	vpush v9, $0xF  }
0x2a3: {  	v10 =	vbroadcast v6, $0x0;
	v7 =	vadd.s32 v8, v7;
	(v2sf) =	vpush v8, $0xF;
	v8, _, _ =	vpop (xrf0)  }
0x2a4: {  	v9, _, _ =	vpop (xrf0);
	(v2sf) =	vpush v8, $0xF  }
0x2a5: {  	v8 =	vadd.s32 v8, v10;
	(v2sf) =	vpush v9, $0xF;
	v6, _, _ =	vpop (xrf0)  }
0x2a6: {  	v10 =	vadd.s32 $0x800, v4;
	v9 =	vadd.s32 $0xFFFFFFFF, v5;
	(v2sf) =	vpush v6, $0xF;
	v6, _, _ =	vpop (xrf0)  }
0x2a7: {  	v9 =	vsel vm2, v9, v10;
	(v2sf) =	vpush v6, $0xF;
	v11, _, _ =	vpop (xrf0)  }
0x2a8: {  	v6 =	vor.u32 s14, v0;
	[tilespmem:v7+s19+$0x0] =	vst.idx.msk vm3, v9;
	(v2sf) =	vpush v11, $0xF  }
0x2a9: {  	[tilespmem:v7+s20+$0x0] =	vst.idx.msk vm3, v6;
	v7 =	vadd.s32 $0x1001, v5  }
0x2aa: {  	[tilespmem:v8+s21+$0x0] =	vst.idx.msk vm4, v7  }
0x2ab: {  	[tilespmem:v8+s23+$0x0] =	vst.idx.msk vm4, v10  }
0x2ac: {  	s11 =	sshra.s32 s17, $0x2;
	[tilespmem:v8+s24+$0x0] =	vst.idx.msk vm4, v6  }
.Ltmp15:
0x2ad: {  	v8 =	vld [tilespmem:s11+$0x4000];
	(pc) =	sbr.rel @p2 .LBB2_28-.Ltmp15, $2  }
0x2ae: {  	v7 =	vld [tilespmem:s11+$0x5000];
	_ =	sdelay $0x2  }
0x2af: {  	s25 =	smov.u32 s30;
	s29 =	spop (v2sf)  }
0x2b0: {  	_ = 	snop  }
0x2b1: {  	vm2 =	vgt.s32 v8, $0x0;
	s11 =	sadd.s32 $0x10, s14;
	vm3 =	vgt.s32 v7, $0x0  }
0x2b2: {  	v10 =	vor.u32 s11, v3;
	vm4 =	vmxor vm2, vm3  }
0x2b3: {  	v11 =	vnsel vm4, $0x7FFFFFFF, v10  }
0x2b4: {  	vm3 =	vmand vm2, vm3;
	v12 =	vsel vm4, $0x1, v2;
	(xrf0) =	vmax.scan.msk.u32 $0xffff, v11  }
0x2b5: {  	v54 =	vsel vm3, $0x1, v2;
	(xrf0) =	vadd.scan.msk.s32 $0xffff, v12  }
0x2b6: {  	v10 =	vnsel vm3, $0x7FFFFFFF, v10;
	(xrf0) =	vadd.scan.msk.s32 $0xffff, v54  }
0x2b7: {  	(xrf0) =	vmax.scan.msk.u32 $0xffff, v10;
	_ =	sdelay $0x2  }
0x2b8: {  	v55, _, _ =	vpop (xrf0)  }
0x2b9: {  	v56, _, _ =	vpop (xrf0);
	(v2sf) =	vpush v55, $0xF  }
0x2ba: {  	(v2sf) =	vpush v56, $0xF;
	v57, _, _ =	vpop (xrf0)  }
0x2bb: {  	v58, _, _ =	vpop (xrf0);
	(v2sf) =	vpush v57, $0xF  }
0x2bc: {  	(v2sf) =	vpush v58, $0xF;
	_ =	sdelay $0x5  }
0x2bd: {  	s17 =	spop (v2sf)  }
0x2be: {  	s25 =	spop (v2sf)  }
0x2bf: {  	s30 =	spop (v2sf)  }
0x2c0: {  	s28 =	spop (v2sf)  }
0x2c1: {  	[smem:$0x7D5] =	sst s28;
	s28 =	spop (v2sf)  }
0x2c2: {  	s29 =	sxor.u32 $0x80000000, s29;
	v5 =	vadd.s32 $0x80001001, v5;
	v9 =	vxor.u32 $0x80000000, v9;
	s14 =	spop (v2sf)  }
0x2c3: {  	v4 =	vadd.s32 $0x80000800, v4;
	v60 =	vadd.s32 $0xFFFFFFFF, v8;
	vm5 =	veq.s32 v6, s29;
	[smem:$0x7D6] =	sst s14;
	s14 =	spop (v2sf)  }
0x2c4: {  	v61 =	vadd.s32 $0x800, v7;
	v13 =	vor.u32 s11, v0;
	vm1 =	vmand vm1, vm5;
	s30 =	sxor.u32 $0x80000000, s30;
	[smem:$0x7D4] =	sst s28;
	s28 =	spop (v2sf)  }
0x2c5: {  	v62 =	vsel vm2, v60, v61;
	v59 =	vnsel vm1, $0x7FFFFFFF, v9;
	vm10 =	veq.s32 v6, s30;
	[smem:$0x7D7] =	sst s28;
	s28 =	spop (v2sf)  }
0x2c6: {  	vm11 =	vmmov vm4;
	vm12 =	vmmov vm3;
	vm0 =	vmand vm0, vm10;
	s14 =	sxor.u32 $0x80000000, s14;
	s11 =	spop (v2sf)  }
0x2c7: {  	v5 =	vnsel vm0, $0x7FFFFFFF, v5;
	v4 =	vnsel vm0, $0x7FFFFFFF, v4;
	(xrf0) =	vmax.scan.msk.u32 $0xffff, v59;
	vm13 =	veq.s32 v13, s14;
	s11 =	sxor.u32 $0x80000000, s11  }
0x2c8: {  	(xrf0) =	vmax.scan.msk.u32 $0xffff, v5;
	v5 =	vxor.u32 $0x80000000, v62;
	vm2 =	vmand vm11, vm13;
	vm14 =	veq.s32 v13, s11  }
0x2c9: {  	(xrf0) =	vmax.scan.msk.u32 $0xffff, v4;
	v4 =	vadd.s32 $0x80001001, v8;
	v5 =	vnsel vm2, $0x7FFFFFFF, v5;
	vm15 =	vmand vm12, vm14  }
0x2ca: {  	v63 =	vadd.s32 $0x80000800, v7;
	(xrf0) =	vmax.scan.msk.u32 $0xffff, v5;
	v4 =	vnsel vm15, $0x7FFFFFFF, v4  }
0x2cb: {  	v5 =	vnsel vm15, $0x7FFFFFFF, v63;
	(xrf0) =	vmax.scan.msk.u32 $0xffff, v4  }
0x2cc: {  	(xrf0) =	vmax.scan.msk.u32 $0xffff, v5  }
0x2cd: {  	v4, _, _ =	vpop (xrf0)  }
0x2ce: {  	(v2sf) =	vpush v4, $0xF;
	v4, _, _ =	vpop (xrf0)  }
0x2cf: {  	(v2sf) =	vpush v4, $0xF;
	v4, _, _ =	vpop (xrf0)  }
0x2d0: {  	(v2sf) =	vpush v4, $0xF;
	v4, _, _ =	vpop (xrf0)  }
0x2d1: {  	(v2sf) =	vpush v4, $0xF;
	v4, _, _ =	vpop (xrf0)  }
0x2d2: {  	(v2sf) =	vpush v4, $0xF;
	v4, _, _ =	vpop (xrf0)  }
0x2d3: {  	(v2sf) =	vpush v4, $0xF;
	_ =	sdelay $0x1  }
0x2d4: {  	s12 =	sadd.s32 s12, s17  }
0x2d5: {  	v4 =	vmov s12  }
0x2d6: {  	s8 =	sadd.s32 s8, s25;
	v4 =	vadd.s32 $0xFFFFFFFF, v4  }
0x2d7: {  	v5 =	vmov s8;
	v4 =	vbroadcast v4, $0x0  }
0x2d8: {  	v5 =	vadd.s32 $0xFFFFFFFF, v5  }
0x2d9: {  	v5 =	vbroadcast v5, $0x0;
	v4 =	vadd.s32 v56, v4;
	_ =	sdelay $0x1  }
0x2da: {  	v5 =	vadd.s32 v57, v5  }
0x2db: {  	s25 =	spop (v2sf)  }
0x2dc: {  	[smem:$0x7DA] =	sst s25;
	s25 =	spop (v2sf)  }
0x2dd: {  	[smem:$0x7D8] =	sst s28;
	[tilespmem:v4+s19+$0x0] =	vst.idx.msk vm11, v62;
	s17 =	spop (v2sf)  }
0x2de: {  	[tilespmem:v4+s20+$0x0] =	vst.idx.msk vm11, v13;
	v4 =	vadd.s32 $0x1001, v8;
	[smem:$0x7DB] =	sst s17;
	s17 =	spop (v2sf)  }
0x2df: {  	[smem:$0x7D9] =	sst s11;
	[tilespmem:v5+s21+$0x0] =	vst.idx.msk vm12, v4;
	s11 =	spop (v2sf)  }
0x2e0: {  	[tilespmem:v5+s23+$0x0] =	vst.idx.msk vm12, v61;
	[smem:$0x7DC] =	sst s11;
	s11 =	spop (v2sf)  }
0x2e1: {  	[tilespmem:v5+s24+$0x0] =	vst.idx.msk vm12, v13;
	[smem:$0x7DD] =	sst s11  }
0x2e2: {  	_ =	strace $0x9000004A  }
0x2e3: {  	s28 =	simm.s32 $0x2;
	_ =	strace $0x8000004B  }
0x2e4: {  	_ =	swait.ge [sflag:s28], $0x4000  }
0x2e5: {  	[sflag:s28] =	ssyncset.done $0x0  }
0x2e6: {  	[sflag:s28] =	ssyncadd.s32 $0xFFFFC000  }
0x2e7: {  	_ =	swait.ge [sflag:s28], $0x4000  }
0x2e8: {  	[sflag:s28] =	ssyncset.done $0x0  }
0x2e9: {  	[sflag:s28] =	ssyncadd.s32 $0xFFFFC000  }
0x2ea: {  	_ =	swait.ge [sflag:s28], $0x4000  }
0x2eb: {  	[sflag:s28] =	ssyncset.done $0x0  }
0x2ec: {  	[sflag:s28] =	ssyncadd.s32 $0xFFFFC000  }
0x2ed: {  	_ =	swait.ge [sflag:s28], $0x4000  }
0x2ee: {  	[sflag:s28] =	ssyncset.done $0x0  }
0x2ef: {  	[sflag:s28] =	ssyncadd.s32 $0xFFFFC000  }
0x2f0: {  	_ =	swait.ge [sflag:s28], $0x4000  }
0x2f1: {  	[sflag:s28] =	ssyncset.done $0x0  }
0x2f2: {  	[sflag:s28] =	ssyncadd.s32 $0xFFFFC000  }
0x2f3: {  	_ =	swait.ge [sflag:s28], $0x4000  }
0x2f4: {  	[sflag:s28] =	ssyncset.done $0x0  }
0x2f5: {  	[sflag:s28] =	ssyncadd.s32 $0xFFFFC000  }
0x2f6: {  	_ =	swait.ge [sflag:s28], $0x4000  }
0x2f7: {  	[sflag:s28] =	ssyncset.done $0x0  }
0x2f8: {  	[sflag:s28] =	ssyncadd.s32 $0xFFFFC000  }
0x2f9: {  	_ =	swait.ge [sflag:s28], $0x4000  }
0x2fa: {  	[sflag:s28] =	ssyncset.done $0x0  }
0x2fb: {  	[sflag:s28] =	ssyncadd.s32 $0xFFFFC000  }
0x2fc: {  	_ =	swait.ge [sflag:s28], $0x4000  }
0x2fd: {  	[sflag:s28] =	ssyncset.done $0x0  }
0x2fe: {  	[sflag:s28] =	ssyncadd.s32 $0xFFFFC000  }
0x2ff: {  	_ =	swait.ge [sflag:s28], $0x4000  }
0x300: {  	[sflag:s28] =	ssyncset.done $0x0  }
0x301: {  	[sflag:s28] =	ssyncadd.s32 $0xFFFFC000  }
0x302: {  	_ =	swait.ge [sflag:s28], $0x4000  }
0x303: {  	[sflag:s28] =	ssyncset.done $0x0  }
0x304: {  	[sflag:s28] =	ssyncadd.s32 $0xFFFFC000  }
0x305: {  	_ =	swait.ge [sflag:s28], $0x4000  }
0x306: {  	[sflag:s28] =	ssyncset.done $0x0  }
0x307: {  	[sflag:s28] =	ssyncadd.s32 $0xFFFFC000  }
0x308: {  	_ =	swait.ge [sflag:s28], $0x4000  }
0x309: {  	[sflag:s28] =	ssyncset.done $0x0  }
0x30a: {  	[sflag:s28] =	ssyncadd.s32 $0xFFFFC000  }
0x30b: {  	_ =	swait.ge [sflag:s28], $0x4000  }
0x30c: {  	[sflag:s28] =	ssyncset.done $0x0  }
0x30d: {  	[sflag:s28] =	ssyncadd.s32 $0xFFFFC000  }
0x30e: {  	_ =	swait.ge [sflag:s28], $0x4000  }
0x30f: {  	[sflag:s28] =	ssyncset.done $0x0  }
0x310: {  	[sflag:s28] =	ssyncadd.s32 $0xFFFFC000  }
0x311: {  	_ =	swait.ge [sflag:s28], $0x4000  }
0x312: {  	[sflag:s28] =	ssyncset.done $0x0  }
0x313: {  	[sflag:s28] =	ssyncadd.s32 $0xFFFFC000  }
0x314: {  	_ =	swait.ge [sflag:s28], $0x4000  }
0x315: {  	[sflag:s28] =	ssyncset.done $0x0  }
0x316: {  	[sflag:s28] =	ssyncadd.s32 $0xFFFFC000  }
0x317: {  	_ =	swait.ge [sflag:s28], $0x4000  }
0x318: {  	[sflag:s28] =	ssyncset.done $0x0  }
0x319: {  	[sflag:s28] =	ssyncadd.s32 $0xFFFFC000  }
0x31a: {  	_ =	swait.ge [sflag:s28], $0x4000  }
0x31b: {  	[sflag:s28] =	ssyncset.done $0x0  }
0x31c: {  	[sflag:s28] =	ssyncadd.s32 $0xFFFFC000  }
0x31d: {  	_ =	swait.ge [sflag:s28], $0x4000  }
0x31e: {  	[sflag:s28] =	ssyncset.done $0x0  }
0x31f: {  	[sflag:s28] =	ssyncadd.s32 $0xFFFFC000  }
0x320: {  	_ =	swait.ge [sflag:s28], $0x4000  }
0x321: {  	[sflag:s28] =	ssyncset.done $0x0  }
0x322: {  	[sflag:s28] =	ssyncadd.s32 $0xFFFFC000  }
0x323: {  	_ =	swait.ge [sflag:s28], $0x4000  }
0x324: {  	[sflag:s28] =	ssyncset.done $0x0  }
0x325: {  	[sflag:s28] =	ssyncadd.s32 $0xFFFFC000  }
0x326: {  	_ =	swait.ge [sflag:s28], $0x4000  }
0x327: {  	[sflag:s28] =	ssyncset.done $0x0  }
0x328: {  	[sflag:s28] =	ssyncadd.s32 $0xFFFFC000  }
0x329: {  	_ =	swait.ge [sflag:s28], $0x4000  }
0x32a: {  	[sflag:s28] =	ssyncset.done $0x0  }
0x32b: {  	[sflag:s28] =	ssyncadd.s32 $0xFFFFC000  }
0x32c: {  	_ =	swait.ge [sflag:s28], $0x4000  }
0x32d: {  	[sflag:s28] =	ssyncset.done $0x0  }
0x32e: {  	[sflag:s28] =	ssyncadd.s32 $0xFFFFC000  }
0x32f: {  	p3 =	sgt.s32 s30, s22;
	_ =	swait.ge [sflag:s28], $0x4000  }
0x330: {  	s22 =	smov.u32 @p3 s30;
	[sflag:s28] =	ssyncset.done $0x0;
	s30 =	sld [smem:$0x7D4]  }
0x331: {  	[sflag:s28] =	ssyncadd.s32 $0xFFFFC000  }
0x332: {  	_ =	swait.ge [sflag:s28], $0x4000  }
0x333: {  	s11 =	sxor.u32 $0x80000000, s30;
	s30 =	sld [smem:$0x7D5];
	_ =	sdelay $0x1  }
0x334: {  	[sflag:s28] =	ssyncset.done $0x0  }
0x335: {  	s9 =	smov.u32 @p1 s11;
	s11 =	sxor.u32 $0x80000000, s30;
	s30 =	sld [smem:$0x7D6]  }
0x336: {  	p2 =	sgt.s32 s29, s15;
	[sflag:s28] =	ssyncadd.s32 $0xFFFFC000  }
0x337: {  	s15 =	smov.u32 @p2 s29;
	_ =	swait.ge [sflag:s28], $0x4000  }
0x338: {  	s16 =	smov.u32 @p0 s11;
	s11 =	sxor.u32 $0x80000000, s30;
	s30 =	sld [smem:$0x7D7]  }
0x339: {  	[sflag:s28] =	ssyncset.done $0x0;
	s13 =	smov.u32 @p1 s11;
	s11 =	sld [smem:$0x7D9]  }
0x33a: {  	p0 =	sgt.s32 s14, s15;
	[sflag:s28] =	ssyncadd.s32 $0xFFFFC000  }
0x33b: {  	s12 =	sadd.s32 s12, s30;
	s30 =	sld [smem:$0x7D8];
	_ =	swait.ge [sflag:s28], $0x4000  }
0x33c: {  	s15 =	smov.u32 @p0 s14;
	p1 =	sgt.s32 s11, s22;
	[sflag:s28] =	ssyncset.done $0x0  }
0x33d: {  	s22 =	smov.u32 @p1 s11;
	s11 =	sld [smem:$0x7DA];
	[sflag:s28] =	ssyncadd.s32 $0xFFFFC000  }
0x33e: {  	s14 =	sadd.s32 s8, s30;
	s8 =	sxor.u32 $0x80000000, s25;
	s25 =	sld [smem:$0x7DB]  }
0x33f: {  	p3 =	por p3, p3;
	_ =	swait.ge [sflag:s28], $0x4000  }
0x340: {  	p2 =	por p2, p2;
	s9 =	smov.u32 @p3 s8;
	[sflag:s28] =	ssyncset.done $0x0  }
0x341: {  	s8 =	sxor.u32 $0x80000000, s11;
	[sflag:s28] =	ssyncadd.s32 $0xFFFFC000;
	s11 =	sxor.u32 $0x80000000, s25  }
0x342: {  	s16 =	smov.u32 @p2 s8;
	s8 =	sadd.s32 $0x1FF, s12;
	_ =	swait.ge [sflag:s28], $0x4000  }
0x343: {  	s13 =	smov.u32 @p3 s11;
	s11 =	sxor.u32 $0x80000000, s17;
	s30 =	sand.u32 $0x1FF, s8  }
0x344: {  	s25 =	sshra.s32 s8, $0x1F;
	p6 =	slt.s32 s8, $0x1;
	p5 =	sne.s32 s30, $0x0  }
0x345: {  	s17 =	sshrl.u32 s25, $0x17;
	s30 =	sld [smem:$0x7DC];
	p2 =	por !p6, !p5  }
0x346: {  	s8 =	sadd.s32 s17, s8;
	s17 =	simm.s32 $0x1;
	p2 =	por !p2, !p2  }
0x347: {  	[sflag:s28] =	ssyncset.done $0x0;
	s8 =	sshrl.u32 s8, $0x9;
	s17 =	simm.s32 @!p2 $0x0  }
0x348: {  	p1 =	por p1, p1;
	[sflag:s28] =	ssyncadd.s32 $0xFFFFC000;
	s8 =	ssub.s32 s8, s17  }
0x349: {  	_ =	swait.ge [sflag:s28], $0x4000;
	s25 =	sxor.u32 $0x80000000, s30;
	s8 =	sshll.u32 s8, $0x9  }
0x34a: {  	s9 =	smov.u32 @p1 s25;
	s17 =	sshrl.u32 s12, $0x4;
	s25 =	sshrl.u32 s8, $0x4  }
0x34b: {  	[sflag:s28] =	ssyncset.done $0x0;
	p2 =	sge.u32 s17, s25  }
.Ltmp16:
0x34c: {  	[sflag:s28] =	ssyncadd.s32 $0xFFFFC000;
	s28 =	sld [smem:$0x7DD];
	(pc) =	sbr.rel @p2 .LBB2_37-.Ltmp16, $4  }
0x34d: {  	_ = 	snop  }
0x34e: {  	s29 =	simm.s32 $0x18400;
	p0 =	por p0, p0  }
0x34f: {  	s16 =	smov.u32 @p0 s11;
	_ =	strace $0x9000004B;
	s28 =	sxor.u32 $0x80000000, s28  }
0x350: {  	_ =	strace $0x8000004C;
	s13 =	smov.u32 @p1 s28;
	s28 =	simm.s32 $0x14400  }
0x351: {  	s11 =	ssub.s32 s17, s25  }
0x352: {  	s25 =	sadd.s32 $0x1, s11  }
0x353: {  	p1 =	seq.s32 s25, $0x0  }
.Ltmp17:
0x354: {  	s17 =	sshll.u32 s17, $0x4;
	(pc) =	sbr.rel @p1 .LBB2_31-.Ltmp17, $4  }
0x355: {  	v4 =	vor.u32 s17, v0  }
0x356: {  	v7 =	vmov s12;
	v8 =	vmov s8  }
0x357: {  	vm0 =	vge.s32 v4, v7;
	vm1 =	vlt.s32 v4, v8  }
0x358: {  	v5 =	vmov s16;
	v6 =	vmov s15;
	p0 =	por $0x0, $0x0;
	vm2 =	vmand vm0, vm1  }
0x359: {  	s15 =	sadd.s32 $0x1, s25  }
0x35a: {  	p1 =	seq.s32 s15, $0x0  }
.Ltmp18:
0x35b: {  	vm0 =	vmmov vm2;
	(pc) =	sbr.rel @p1 .LBB2_33-.Ltmp18, $4  }
0x35c: {  	s12 =	sadd.s32 $0x10, s17  }
0x35d: {  	v9 =	vor.u32 s12, v0  }
0x35e: {  	vm1 =	vge.s32 v9, v7;
	vm3 =	vlt.s32 v9, v8  }
0x35f: {  	[tilespmem:v4+s19+$0x0] =	vst.idx.msk vm2, v5;
	p0 =	por $0x1, $0x1;
	vm1 =	vmand vm1, vm3  }
.LBB2_34:
0x360: {  	s15 =	sadd.s32 $0x1, s15  }
0x361: {  	[tilespmem:v4+s20+$0x0] =	vst.idx.msk vm0, v6;
	v4 =	vmov v9;
	vm0 =	vmmov vm1;
	p1 =	seq.s32 s15, $0x0  }
.Ltmp19:
0x362: {  	(pc) =	sbr.rel @!p1 .LBB2_34-.Ltmp19, $4  }
0x363: {  	s12 =	sadd.s32 $0x10, s12  }
0x364: {  	v9 =	vor.u32 s12, v0  }
0x365: {  	vm2 =	vge.s32 v9, v7;
	vm3 =	vlt.s32 v9, v8  }
0x366: {  	[tilespmem:v4+s19+$0x0] =	vst.idx.msk vm1, v5;
	vm1 =	vmand vm2, vm3  }
0x367: {  	v7 =	vmov v4;
	v4 =	vmov v9;
	vm2 =	vmmov vm1  }
.LBB2_36:
0x368: {  	_ =	sdelay $0x4  }
0x369: {  	[tilespmem:v7+s20+$0x0] =	vst.idx.msk @p0 vm0, v6  }
0x36a: {  	[tilespmem:v4+s19+$0x0] =	vst.idx.msk vm2, v5  }
0x36b: {  	vm1 =	vmmov vm2;
	[tilespmem:v4+s20+$0x0] =	vst.idx.msk vm2, v6  }
.LBB2_37:
0x36c: {  	s12 =	sshra.s32 s8, $0x9  }
0x36d: {  	p0 =	slt.s32 s12, $0x1  }
.Ltmp20:
0x36e: {  	_ = 	snop;
	(pc) =	sbr.rel @p0 .LBB2_43-.Ltmp20, $2  }
0x36f: {  	_ =	sdelay $0x2  }
0x370: {  	s17 =	simm.s32 $0xC400;
	s25 =	simm.s32 $0x10400  }
0x371: {  	[tilespmem:s17], [sflag:$0x3] =	stream.indirect.gather [hbm4b:s0+s26], $0x80, s19, s26, $0x2000b8;
	[tilespmem:$0x1C400] =	vst v63  }
0x372: {  	s11 =	simm.s32 $0x6080  }
0x373: {  	[tilespmem:s25], [sflag:$0x4] =	stream.indirect.gather [hbm4b:s0+s26], $0x80, s11, s26, $0x2000b8;
	[tilespmem:$0x1C400] =	vst v63  }
0x374: {  	s16 =	simm.s32 $0x6100  }
0x375: {  	[tilespmem:s28], [sflag:$0x5] =	stream.indirect.gather [hbm4b:s0+s26], $0x80, s16, s26, $0x2000b8;
	[tilespmem:$0x1C400] =	vst v63  }
0x376: {  	s30 =	simm.s32 $0x6180  }
0x377: {  	[tilespmem:s29], [sflag:$0x6] =	stream.indirect.gather [hbm4b:s0+s26], $0x80, s30, s26, $0x2000b8;
	[tilespmem:$0x1C400] =	vst v63  }
0x378: {  	_ =	swait.ge [sflag:s31], $0x4000  }
0x379: {  	[sflag:s31] =	ssyncset.done $0x0  }
0x37a: {  	[sflag:s31] =	ssyncadd.s32 $0xFFFFC000  }
0x37b: {  	[hbm4b:s7+s26] =	stream.indirect.scatter [tilespmem:s17], [sflag:$0x7], $0x80, s20, s26, $0x2000b8;
	[tilespmem:$0x1C400] =	vst v63  }
0x37c: {  	_ =	swait.ge [sflag:s6], $0x4000  }
0x37d: {  	[sflag:s6] =	ssyncset.done $0x0  }
0x37e: {  	s15 =	simm.s32 $0x7480;
	[sflag:s6] =	ssyncadd.s32 $0xFFFFC000  }
0x37f: {  	[hbm4b:s7+s26] =	stream.indirect.scatter [tilespmem:s25], [sflag:$0x8], $0x80, s15, s26, $0x2000b8;
	[tilespmem:$0x1C400] =	vst v63  }
0x380: {  	_ =	swait.ge [sflag:s3], $0x4000  }
0x381: {  	[sflag:s3] =	ssyncset.done $0x0  }
0x382: {  	p0 =	seq.s32 s8, $0x200;
	s16 =	simm.s32 $0x7500;
	[sflag:s3] =	ssyncadd.s32 $0xFFFFC000  }
0x383: {  	[hbm4b:s7+s26] =	stream.indirect.scatter [tilespmem:s28], [sflag:$0x9], $0x80, s16, s26, $0x2000b8;
	[tilespmem:$0x1C400] =	vst v63  }
.Ltmp21:
0x384: {  	_ = 	snop;
	(pc) =	sbr.rel @p0 .LBB2_42-.Ltmp21, $4  }
0x385: {  	_ =	swait.ge [sflag:s1], $0x4000  }
0x386: {  	[sflag:s1] =	ssyncset.done $0x0  }
0x387: {  	s30 =	simm.s32 $0x7580;
	[sflag:s1] =	ssyncadd.s32 $0xFFFFC000  }
0x388: {  	[hbm4b:s7+s26] =	stream.indirect.scatter [tilespmem:s29], [sflag:$0xA], $0x80, s30, s26, $0x2000b8;
	[tilespmem:$0x1C400] =	vst v63  }
0x389: {  	_ =	swait.ge [sflag:s2], $0x4000  }
0x38a: {  	[sflag:s2] =	ssyncset.done $0x0  }
0x38b: {  	s8 =	simm.s32 $0x6200;
	[sflag:s2] =	ssyncadd.s32 $0xFFFFC000  }
0x38c: {  	[tilespmem:s17], [sflag:$0x3] =	stream.indirect.gather [hbm4b:s0+s26], $0x80, s8, s26, $0x2000b8;
	[tilespmem:$0x1C400] =	vst v63  }
0x38d: {  	_ =	swait.ge [sflag:s4], $0x4000  }
0x38e: {  	[sflag:s4] =	ssyncset.done $0x0  }
0x38f: {  	s15 =	simm.s32 $0x6280;
	[sflag:s4] =	ssyncadd.s32 $0xFFFFC000  }
0x390: {  	[tilespmem:s25], [sflag:$0x4] =	stream.indirect.gather [hbm4b:s0+s26], $0x80, s15, s26, $0x2000b8;
	[tilespmem:$0x1C400] =	vst v63  }
0x391: {  	_ =	swait.ge [sflag:s5], $0x4000  }
0x392: {  	[sflag:s5] =	ssyncset.done $0x0  }
0x393: {  	s16 =	simm.s32 $0x6300;
	[sflag:s5] =	ssyncadd.s32 $0xFFFFC000  }
0x394: {  	[tilespmem:s28], [sflag:$0x5] =	stream.indirect.gather [hbm4b:s0+s26], $0x80, s16, s26, $0x2000b8;
	[tilespmem:$0x1C400] =	vst v63  }
0x395: {  	_ =	swait.ge [sflag:s10], $0x4000  }
0x396: {  	[sflag:s10] =	ssyncset.done $0x0  }
0x397: {  	s30 =	simm.s32 $0x6380;
	[sflag:s10] =	ssyncadd.s32 $0xFFFFC000  }
0x398: {  	[tilespmem:s29], [sflag:$0x6] =	stream.indirect.gather [hbm4b:s0+s26], $0x80, s30, s26, $0x2000b8;
	[tilespmem:$0x1C400] =	vst v63  }
0x399: {  	_ =	swait.ge [sflag:s31], $0x4000  }
0x39a: {  	[sflag:s31] =	ssyncset.done $0x0  }
0x39b: {  	s11 =	simm.s32 $0x7600;
	[sflag:s31] =	ssyncadd.s32 $0xFFFFC000  }
0x39c: {  	[hbm4b:s7+s26] =	stream.indirect.scatter [tilespmem:s17], [sflag:$0x7], $0x80, s11, s26, $0x2000b8;
	[tilespmem:$0x1C400] =	vst v63  }
0x39d: {  	_ =	swait.ge [sflag:s6], $0x4000  }
0x39e: {  	[sflag:s6] =	ssyncset.done $0x0  }
0x39f: {  	s15 =	simm.s32 $0x7680;
	[sflag:s6] =	ssyncadd.s32 $0xFFFFC000  }
0x3a0: {  	[hbm4b:s7+s26] =	stream.indirect.scatter [tilespmem:s25], [sflag:$0x8], $0x80, s15, s26, $0x2000b8;
	[tilespmem:$0x1C400] =	vst v63  }
0x3a1: {  	s30 =	sadd.s32 $0xFFFFFFFF, s12;
	_ =	swait.ge [sflag:s3], $0x4000  }
0x3a2: {  	p0 =	sne.s32 s30, $0x1;
	[sflag:s3] =	ssyncset.done $0x0  }
.Ltmp22:
0x3a3: {  	s16 =	simm.s32 $0x7700;
	[sflag:s3] =	ssyncadd.s32 $0xFFFFC000;
	(pc) =	sbr.rel @!p0 .LBB2_41-.Ltmp22, $4  }
0x3a4: {  	[hbm4b:s7+s26] =	stream.indirect.scatter [tilespmem:s28], [sflag:$0x9], $0x80, s16, s26, $0x2000b8;
	[tilespmem:$0x1C400] =	vst v63  }
0x3a5: {  	_ =	swait.ge [sflag:s1], $0x4000  }
0x3a6: {  	s12 =	simm.s32 $0x800;
	[sflag:s1] =	ssyncset.done $0x0  }
0x3a7: {  	s8 =	sadd.s32 $0xFFFFFFFF, s30;
	s15 =	simm.s32 $0x7780;
	[sflag:s1] =	ssyncadd.s32 $0xFFFFC000  }
.LBB2_40:
0x3a8: {  	[hbm4b:s7+s26] =	stream.indirect.scatter [tilespmem:s29], [sflag:$0xA], $0x80, s15, s26, $0x2000b8;
	[tilespmem:$0x1C400] =	vst v63  }
0x3a9: {  	p0 =	sne.s32 s8, $0x1;
	s8 =	sadd.s32 $0xFFFFFFFF, s8;
	_ =	swait.ge [sflag:s2], $0x4000  }
0x3aa: {  	s15 =	sshra.s32 s12, $0x2;
	[sflag:s2] =	ssyncset.done $0x0  }
0x3ab: {  	s11 =	sadd.s32 $0x6200, s15;
	[sflag:s2] =	ssyncadd.s32 $0xFFFFC000  }
0x3ac: {  	[tilespmem:s17], [sflag:$0x3] =	stream.indirect.gather [hbm4b:s0+s26], $0x80, s11, s26, $0x2000b8;
	[tilespmem:$0x1C400] =	vst v63  }
0x3ad: {  	_ =	swait.ge [sflag:s4], $0x4000  }
0x3ae: {  	[sflag:s4] =	ssyncset.done $0x0  }
0x3af: {  	s11 =	sadd.s32 $0x6280, s15;
	[sflag:s4] =	ssyncadd.s32 $0xFFFFC000  }
0x3b0: {  	[tilespmem:s25], [sflag:$0x4] =	stream.indirect.gather [hbm4b:s0+s26], $0x80, s11, s26, $0x2000b8;
	[tilespmem:$0x1C400] =	vst v63  }
0x3b1: {  	_ =	swait.ge [sflag:s5], $0x4000  }
0x3b2: {  	[sflag:s5] =	ssyncset.done $0x0  }
0x3b3: {  	s11 =	sadd.s32 $0x6300, s15;
	[sflag:s5] =	ssyncadd.s32 $0xFFFFC000  }
0x3b4: {  	[tilespmem:s28], [sflag:$0x5] =	stream.indirect.gather [hbm4b:s0+s26], $0x80, s11, s26, $0x2000b8;
	[tilespmem:$0x1C400] =	vst v63  }
0x3b5: {  	_ =	swait.ge [sflag:s10], $0x4000  }
0x3b6: {  	[sflag:s10] =	ssyncset.done $0x0  }
0x3b7: {  	s11 =	sadd.s32 $0x6380, s15;
	[sflag:s10] =	ssyncadd.s32 $0xFFFFC000  }
0x3b8: {  	[tilespmem:s29], [sflag:$0x6] =	stream.indirect.gather [hbm4b:s0+s26], $0x80, s11, s26, $0x2000b8;
	[tilespmem:$0x1C400] =	vst v63  }
0x3b9: {  	_ =	swait.ge [sflag:s31], $0x4000  }
0x3ba: {  	[sflag:s31] =	ssyncset.done $0x0  }
0x3bb: {  	s11 =	sadd.s32 $0x7600, s15;
	[sflag:s31] =	ssyncadd.s32 $0xFFFFC000  }
0x3bc: {  	[hbm4b:s7+s26] =	stream.indirect.scatter [tilespmem:s17], [sflag:$0x7], $0x80, s11, s26, $0x2000b8;
	[tilespmem:$0x1C400] =	vst v63  }
0x3bd: {  	_ =	swait.ge [sflag:s6], $0x4000  }
0x3be: {  	[sflag:s6] =	ssyncset.done $0x0  }
0x3bf: {  	s11 =	sadd.s32 $0x7680, s15;
	[sflag:s6] =	ssyncadd.s32 $0xFFFFC000  }
0x3c0: {  	[hbm4b:s7+s26] =	stream.indirect.scatter [tilespmem:s25], [sflag:$0x8], $0x80, s11, s26, $0x2000b8;
	[tilespmem:$0x1C400] =	vst v63  }
0x3c1: {  	_ =	swait.ge [sflag:s3], $0x4000  }
0x3c2: {  	[sflag:s3] =	ssyncset.done $0x0  }
.Ltmp23:
0x3c3: {  	s11 =	sadd.s32 $0x7700, s15;
	[sflag:s3] =	ssyncadd.s32 $0xFFFFC000;
	(pc) =	sbr.rel @p0 .LBB2_40-.Ltmp23, $4  }
0x3c4: {  	[hbm4b:s7+s26] =	stream.indirect.scatter [tilespmem:s28], [sflag:$0x9], $0x80, s11, s26, $0x2000b8;
	[tilespmem:$0x1C400] =	vst v63  }
0x3c5: {  	_ =	swait.ge [sflag:s1], $0x4000  }
0x3c6: {  	[sflag:s1] =	ssyncset.done $0x0  }
0x3c7: {  	s12 =	sadd.s32 $0x800, s12;
	s15 =	sadd.s32 $0x7780, s15;
	[sflag:s1] =	ssyncadd.s32 $0xFFFFC000  }
.LBB2_41:
0x3c8: {  	[hbm4b:s7+s26] =	stream.indirect.scatter [tilespmem:s29], [sflag:$0xA], $0x80, s15, s26, $0x2000b8;
	[tilespmem:$0x1C400] =	vst v63  }
.LBB2_42:
0x3c9: {  	_ =	swait.ge [sflag:s2], $0x4000  }
0x3ca: {  	[sflag:s2] =	ssyncset.done $0x0  }
0x3cb: {  	[sflag:s2] =	ssyncadd.s32 $0xFFFFC000  }
0x3cc: {  	_ =	swait.ge [sflag:s4], $0x4000  }
0x3cd: {  	[sflag:s4] =	ssyncset.done $0x0  }
0x3ce: {  	[sflag:s4] =	ssyncadd.s32 $0xFFFFC000  }
0x3cf: {  	_ =	swait.ge [sflag:s5], $0x4000  }
0x3d0: {  	[sflag:s5] =	ssyncset.done $0x0  }
0x3d1: {  	[sflag:s5] =	ssyncadd.s32 $0xFFFFC000  }
0x3d2: {  	_ =	swait.ge [sflag:s10], $0x4000  }
0x3d3: {  	[sflag:s10] =	ssyncset.done $0x0  }
0x3d4: {  	[sflag:s10] =	ssyncadd.s32 $0xFFFFC000  }
.LBB2_43:
0x3d5: {  	s8 =	sadd.s32 $0x7F, s14  }
0x3d6: {  	s11 =	sand.u32 $0x7F, s8  }
0x3d7: {  	s12 =	sshra.s32 s8, $0x1F;
	p0 =	slt.s32 s8, $0x1;
	p1 =	sne.s32 s11, $0x0  }
0x3d8: {  	s30 =	sshrl.u32 s12, $0x19;
	p0 =	por !p0, !p1  }
0x3d9: {  	s11 =	simm.s32 $0x1;
	s8 =	sadd.s32 s30, s8;
	p0 =	por !p0, !p0  }
0x3da: {  	s8 =	sshrl.u32 s8, $0x7;
	s11 =	simm.s32 @!p0 $0x0  }
0x3db: {  	s8 =	ssub.s32 s8, s11  }
0x3dc: {  	s8 =	sshll.u32 s8, $0x7  }
0x3dd: {  	s15 =	sshrl.u32 s14, $0x4;
	s16 =	sshrl.u32 s8, $0x4  }
0x3de: {  	p0 =	sge.u32 s15, s16  }
.Ltmp24:
0x3df: {  	_ = 	snop;
	(pc) =	sbr.rel @p0 .LBB2_51-.Ltmp24, $3  }
0x3e0: {  	_ =	sdelay $0x1  }
0x3e1: {  	_ =	strace $0x9000004C  }
0x3e2: {  	_ =	strace $0x8000004D  }
0x3e3: {  	s12 =	sshll.u32 s15, $0x4  }
0x3e4: {  	v8 =	vmov s14;
	v9 =	vmov s8;
	s11 =	ssub.s32 s15, s16;
	v4 =	vor.u32 s12, v0  }
0x3e5: {  	s14 =	sadd.s32 $0x1, s11;
	vm0 =	vge.s32 v4, v8;
	vm1 =	vlt.s32 v4, v9  }
0x3e6: {  	p1 =	seq.s32 s14, $0x0;
	vm3 =	vmand vm0, vm1  }
.Ltmp25:
0x3e7: {  	vm0 =	vmmov vm3;
	(pc) =	sbr.rel @p1 .LBB2_45-.Ltmp25, $2  }
0x3e8: {  	_ =	sdelay $0x2  }
0x3e9: {  	v5 =	vmov s9;
	v6 =	vmov s13;
	v7 =	vmov s22;
	p0 =	por $0x0, $0x0  }
0x3ea: {  	s9 =	sadd.s32 $0x10, s12;
	s12 =	sadd.s32 $0x1, s14  }
0x3eb: {  	p1 =	seq.s32 s12, $0x0  }
.Ltmp26:
0x3ec: {  	_ = 	snop;
	(pc) =	sbr.rel @p1 .LBB2_47-.Ltmp26, $4  }
0x3ed: {  	v10 =	vor.u32 s9, v0  }
0x3ee: {  	vm1 =	vge.s32 v10, v8;
	vm2 =	vlt.s32 v10, v9  }
0x3ef: {  	[tilespmem:v4+s21+$0x0] =	vst.idx.msk vm3, v5;
	vm2 =	vmand vm1, vm2  }
0x3f0: {  	p0 =	por $0x1, $0x1;
	[tilespmem:v4+s23+$0x0] =	vst.idx.msk vm0, v6;
	v11 =	vmov v10;
	vm1 =	vmmov vm2  }
.LBB2_48:
0x3f1: {  	s12 =	sadd.s32 $0x1, s12  }
0x3f2: {  	[tilespmem:v4+s24+$0x0] =	vst.idx.msk vm0, v7;
	v4 =	vmov v10;
	vm0 =	vmmov vm2;
	p1 =	seq.s32 s12, $0x0  }
.Ltmp27:
0x3f3: {  	s9 =	sadd.s32 $0x10, s9;
	(pc) =	sbr.rel @!p1 .LBB2_48-.Ltmp27, $4  }
0x3f4: {  	v10 =	vor.u32 s9, v0  }
0x3f5: {  	vm3 =	vge.s32 v10, v8;
	vm4 =	vlt.s32 v10, v9  }
0x3f6: {  	[tilespmem:v11+s21+$0x0] =	vst.idx.msk vm2, v5;
	vm2 =	vmand vm3, vm4;
	v11 =	vmov v10  }
0x3f7: {  	[tilespmem:v4+s23+$0x0] =	vst.idx.msk vm1, v6;
	vm1 =	vmmov vm2  }
0x3f8: {  	vm4 =	vmmov vm0;
	v8 =	vmovc v4;
	v4 =	vmovc v10;
	vm3 =	vmmov vm2;
	vm0 =	vmmov vm1  }
.LBB2_50:
0x3f9: {  	_ =	sdelay $0x4  }
0x3fa: {  	[tilespmem:v8+s24+$0x0] =	vst.idx.msk @p0 vm4, v7  }
0x3fb: {  	[tilespmem:v11+s21+$0x0] =	vst.idx.msk vm3, v5  }
0x3fc: {  	[tilespmem:v4+s23+$0x0] =	vst.idx.msk vm0, v6  }
0x3fd: {  	vm1 =	vmmov vm3;
	[tilespmem:v4+s24+$0x0] =	vst.idx.msk vm3, v7  }
.LBB2_51:
0x3fe: {  	s8 =	sshra.s32 s8, $0x7  }
0x3ff: {  	p0 =	slt.s32 s8, $0x1  }
.Ltmp28:
0x400: {  	_ = 	snop;
	(pc) =	sbr.rel @p0 .LBB2_55-.Ltmp28, $2  }
0x401: {  	_ =	sdelay $0x2  }
0x402: {  	s9 =	simm.s32 $0x0;
	s12 =	simm.s32 $0x0  }
.LBB2_52:
0x403: {  	s13 =	sshll.u32 s12, $0x7  }
0x404: {  	s11 =	sadd.s32 $0x8800, s13  }
0x405: {  	[tilespmem:s17], [sflag:$0x3] =	stream.indirect.gather [hbm4b:s0+s26], $0x80, s11, s26, $0x2000b8;
	[tilespmem:$0x1C400] =	vst v63  }
0x406: {  	s30 =	sadd.s32 $0x9C00, s13  }
0x407: {  	[tilespmem:s25], [sflag:$0x4] =	stream.indirect.gather [hbm4b:s0+s26], $0x80, s30, s26, $0x2000b8;
	[tilespmem:$0x1C400] =	vst v63  }
0x408: {  	_ =	swait.ge [sflag:s31], $0x4000  }
0x409: {  	[sflag:s31] =	ssyncset.done $0x0  }
0x40a: {  	[sflag:s31] =	ssyncadd.s32 $0xFFFFC000  }
0x40b: {  	_ =	swait.ge [sflag:s6], $0x4000  }
0x40c: {  	[sflag:s6] =	ssyncset.done $0x0  }
0x40d: {  	s14 =	sand.u32 $0x3FF0, s9;
	[sflag:s6] =	ssyncadd.s32 $0xFFFFC000  }
0x40e: {  	s15 =	simm.s32 $0x10;
	v4 =	vld [tilespmem:s14+$0x10400]  }
.LBB2_53:
0x40f: {  	p0 =	sne.s32 s15, $0x3FF0;
	v5 =	vld [tilespmem:s14+$0xC400];
	_ =	sdelay $0x2  }
.Ltmp29:
0x410: {  	(pc) =	sbr.rel @p0 .LBB2_53-.Ltmp29, $4  }
0x411: {  	_ = 	snop  }
0x412: {  	v5 =	vadd.f32 v4, v5  }
0x413: {  	s11 =	sand.u32 $0x3FF0, s15  }
0x414: {  	s15 =	sadd.s32 $0x10, s15;
	v4 =	vld [tilespmem:s11+$0x10400];
	[tilespmem:s14+$0xC400] =	vst v5;
	s14 =	smov.u32 s11  }
0x415: {  	v5 =	vld [tilespmem:s14+$0xC400];
	_ =	sdelay $0x4  }
0x416: {  	v4 =	vadd.f32 v4, v5  }
0x417: {  	s12 =	sadd.s32 $0x1, s12  }
0x418: {  	s11 =	sadd.s32 $0xB000, s13;
	p0 =	sne.s32 s12, s8;
	[tilespmem:s14+$0xC400] =	vst v4  }
0x419: {  	[hbm4b:s7+s26] =	stream.indirect.scatter [tilespmem:s17], [sflag:$0x7], $0x80, s11, s26, $0x2000b8;
	[tilespmem:$0x1C400] =	vst v63  }
.Ltmp30:
0x41a: {  	_ = 	snop;
	(pc) =	sbr.rel @p0 .LBB2_52-.Ltmp30, $4  }
.Ltmp31:
0x41b: {  	_ = 	snop;
	(pc) =	sbr.rel @!p0 .LBB2_55-.Ltmp31, $4  }
0x41c: {  	_ =	swait.ge [sflag:s2], $0x4000  }
0x41d: {  	[sflag:s2] =	ssyncset.done $0x0  }
0x41e: {  	[sflag:s2] =	ssyncadd.s32 $0xFFFFC000  }
0x41f: {  	_ = 	snop  }
.LBB2_31:
.Ltmp32:
0x420: {  	(pc) =	sbr.rel .LBB2_36-.Ltmp32, $2  }
0x421: {  	_ =	sdelay $0x2  }
0x422: {  	_ = 	snop  }
.LBB2_45:
.Ltmp33:
0x423: {  	(pc) =	sbr.rel .LBB2_50-.Ltmp33, $2  }
0x424: {  	_ =	sdelay $0x2  }
0x425: {  	v11 =	vmov v4  }
.LBB2_33:
.Ltmp34:
0x426: {  	(pc) =	sbr.rel .LBB2_36-.Ltmp34, $2  }
0x427: {  	_ =	sdelay $0x2  }
0x428: {  	v7 =	vmov v4;
	v4 =	vmov v9;
	vm2 =	vmmov vm1  }
.LBB2_47:
.Ltmp35:
0x429: {  	(pc) =	sbr.rel .LBB2_50-.Ltmp35, $3  }
0x42a: {  	_ =	sdelay $0x1  }
0x42b: {  	vm4 =	vmmov vm0  }
0x42c: {  	v8 =	vmovc v4;
	v4 =	vmovc v10;
	vm3 =	vmmov vm2;
	v11 =	vmov v10;
	vm0 =	vmmov vm1  }
.LBB2_56:
0x42d: {  	_ =	sfence.sel $0x180000  }
0x42e: {  	[bflag:$0x0] =	sbarrier.arrive $0xFFFF  }
0x42f: {  	_ =	strace $0x90000047  }
0x430: {  	s0 =	stileid.u32;
	[bflag:$0x2] =	sbarrier.arrive $0xFFFF  }
0x431: {  	p0 =	sne.s32 s0, $0x0;
	s0 =	rddreg [dreg:$0x7]  }
0x432: {  	s0 =	sadd.s32 @!p0 $0x100000, s0  }
0x433: {  	[sflag:s0] =	ssyncadd.tile.s32 @!p0 $0x1;
	_ =	shalt  }
.Lfunc_end2:
_tile_overlayer_lowered:
.L_overlay_start_2:
0x434: {  	(tag) =	ssettag $0x2  }
0x435: {  	s0 =	rddreg [dreg:$0x0];
	s2 =	stileid.u32  }
0x436: {  	s1 =	rddreg [dreg:$0x1];
	p0 =	sne.s32 s2, $0x0  }
0x437: {  	s3 =	rddreg [dreg:$0x2];
	[bflag:$0x3] =	sbarrier.arrive $0xFFFF;
	s2 =	simm.s32 @!p0 $0x1C0B  }
0x438: {  	[timem:s3], [sflag:s2] =	dma.local @!p0 [hbm:s0], s1  }
0x439: {  	s0 =	simm.s32 @!p0 $0xB  }
0x43a: {  	_ =	swait.ge @!p0 [sflag:s0], s1  }
0x43b: {  	s1 =	ssub.s32 @!p0 $0x0, s1;
	[sflag:s0] =	ssyncset.done @!p0 $0x0  }
0x43c: {  	[sflag:s0] =	ssyncadd.s32 @!p0 s1  }
0x43d: {  	[bflag:$0x3] =	sbarrier.arrive $0xFFFF  }
0x43e: {  	_ =	shalt  }

</sc_bundles>
